<compile_context>
chip_gen: v7x
topology: tpu7x:2x2x1
jax: 0.10.2.dev20260603
libtpu: 0.0.44.dev20260713+nightly
codegen_flags: <defaults>
</compile_context>

<pallas_src>
import functools

import jax
import jax.numpy as jnp
from jax import lax
from jax.experimental import pallas as pl
from jax.experimental.pallas import tpu as pltpu
from jax.experimental.pallas import tpu_sc as plsc

KCB = 8192
D = 256
NTOK = 16384
BETA = 0.25

TM = 1024
NT = NTOK // TM
KC = 1024
NKC = KCB // KC

NC, NS, L = 2, 16, 16
NW = NC * NS
BPW = NTOK // NW
CH = 128
NCHUNK = BPW // CH


def _dist_argmin_body(e_ref, c_ref, idx_ref, cn_ref):
    i = pl.program_id(0)

    @pl.when(i == 0)
    def _():
        for j in range(NKC):
            c = c_ref[pl.ds(j * KC, KC), :]
            cn_ref[0, pl.ds(j * KC, KC)] = jnp.sum(c * c, axis=1)

    e = e_ref[...]
    a = jnp.sum(e * e, axis=1, keepdims=True)
    run_val = jnp.full((TM, 128), jnp.inf, dtype=jnp.float32)
    run_slab = jnp.zeros((TM, 128), dtype=jnp.float32)
    for j in range(NKC):
        c = c_ref[pl.ds(j * KC, KC), :]
        cn = cn_ref[0, pl.ds(j * KC, KC)].reshape(1, KC)
        m = lax.dot_general(e, c, (((1,), (1,)), ((), ())),
                            preferred_element_type=jnp.float32)
        d = []
        for s in range(KC // 128):
            ms = m[:, s * 128:(s + 1) * 128]
            cns = cn[:, s * 128:(s + 1) * 128]
            d.append((a - 2.0 * ms) + cns)
        ids = [jnp.float32(s) for s in range(KC // 128)]
        while len(d) > 1:
            nv, ni = [], []
            for p in range(0, len(d), 2):
                lt = d[p + 1] < d[p]
                nv.append(jnp.where(lt, d[p + 1], d[p]))
                ni.append(jnp.where(lt, ids[p + 1], ids[p]))
            d, ids = nv, ni
        upd = d[0] < run_val
        run_val = jnp.where(upd, d[0], run_val)
        run_slab = jnp.where(upd, ids[0] + float(j * (KC // 128)), run_slab)
    lane = lax.broadcasted_iota(jnp.int32, (TM, 128), 1).astype(jnp.float32)
    run_idx = run_slab * 128.0 + lane
    gmin = jnp.min(run_val, axis=1)
    bidx = jnp.min(jnp.where(run_val == gmin[:, None], run_idx, float(KCB)),
                   axis=1)
    idx_ref[0, 0, :] = bidx.astype(jnp.int32)


def _dist_argmin(encoding, codebook):
    return pl.pallas_call(
        _dist_argmin_body,
        grid=(NT,),
        in_specs=[
            pl.BlockSpec((TM, D), lambda i: (i, 0)),
            pl.BlockSpec((KCB, D), lambda i: (0, 0)),
        ],
        out_specs=pl.BlockSpec((1, 1, TM), lambda i: (i, 0, 0)),
        out_shape=jax.ShapeDtypeStruct((NT, 1, TM), jnp.int32),
        scratch_shapes=[pltpu.VMEM((1, KCB), jnp.float32)],
        compiler_params=pltpu.CompilerParams(
            dimension_semantics=("arbitrary",)),
    )(encoding, codebook)


def _sc_quantize(codebook, idx, encoding):
    idx3 = idx.reshape(NW, NCHUNK, CH)
    mesh = plsc.VectorSubcoreMesh(core_axis_name="c", subcore_axis_name="s")

    @functools.partial(
        pl.kernel,
        out_type=[
            jax.ShapeDtypeStruct((NTOK, D), jnp.float32),
            jax.ShapeDtypeStruct((NW, L), jnp.float32),
        ],
        mesh=mesh,
        scratch_types=[
            pltpu.VMEM((NCHUNK, CH), jnp.int32),
            pltpu.VMEM((CH, D), jnp.float32),
            pltpu.VMEM((CH, D), jnp.float32),
            pltpu.VMEM((CH, D), jnp.float32),
            pltpu.VMEM((L,), jnp.float32),
            pltpu.SemaphoreType.DMA,
            pltpu.SemaphoreType.DMA,
        ],
    )
    def k(cb_hbm, idx_hbm, e_hbm, out_hbm, part_hbm,
          idx_v, q0, q1, e_v, acc_v, sem0, sem1):
        wid = lax.axis_index("s") * NC + lax.axis_index("c")
        base = wid * BPW
        pltpu.sync_copy(idx_hbm.at[wid], idx_v)
        qb = (q0, q1)
        sems = (sem0, sem1)
        cp = pltpu.async_copy(cb_hbm.at[idx_v.at[0]], qb[0], sems[0])
        acc = jnp.zeros((L,), jnp.float32)
        for ci in range(NCHUNK):
            nxt = None
            if ci + 1 < NCHUNK:
                nxt = pltpu.async_copy(
                    cb_hbm.at[idx_v.at[ci + 1]], qb[(ci + 1) % 2],
                    sems[(ci + 1) % 2])
            row0 = base + ci * CH
            pltpu.sync_copy(e_hbm.at[pl.ds(row0, CH)], e_v)
            cp.wait()
            q = qb[ci % 2]

            def body(r, acc, q=q):
                for t in range(D // L):
                    sl = pl.ds(t * L, L)
                    qv = q[r, sl]
                    ev = e_v[r, sl]
                    dv = qv - ev
                    acc = acc + dv * dv
                    q[r, sl] = ev + dv
                return acc

            acc = lax.fori_loop(0, CH, body, acc)
            pltpu.sync_copy(q, out_hbm.at[pl.ds(row0, CH)])
            cp = nxt
        acc_v[...] = acc
        pltpu.sync_copy(acc_v, part_hbm.at[wid])

    return k(codebook, idx3, encoding)


def kernel(encoding, codebook):
    idx = _dist_argmin(encoding, codebook).reshape(NTOK)
    qst, parts = _sc_quantize(codebook, idx, encoding)
    mse = jnp.sum(parts) / (NTOK * D)
    commitment_loss = mse
    embedding_loss = mse
    vq_loss = commitment_loss * BETA + embedding_loss
    return (idx.reshape(NTOK, 1), qst, vq_loss, embedding_loss, commitment_loss)

# --- scband reference (transcript-rebuilt; emitter-appended) ---
"""Pipeline reference for scband-vector-quantizer-2851858284842 (READ-ONLY COPY).

The authoritative reference and input builder live on the scoring server;
editing this copy changes nothing except your own understanding.
"""

import jax, jax.numpy as jnp
import numpy as np

K = 8192
D = 256
BETA = 0.25
N_TOK = 16384


def setup_inputs(seed: int = 0) -> dict:
    key = jax.random.key(seed)
    k1, k2 = jax.random.split(key)
    encoding = jax.random.normal(k1, (N_TOK, D), dtype=jnp.float32)
    # nn.Embedding weight initialized uniform(-1/K, 1/K)
    codebook = jax.random.uniform(k2, (K, D), minval=-1.0 / K, maxval=1.0 / K, dtype=jnp.float32)
    return {"encoding": encoding, "codebook": codebook}


def reference(encoding, codebook):
    # torch.cdist(encoding, codebook, p=2).sort()[1][:, 0] == argmin of (squared) L2 distance
    d2 = (
        jnp.sum(encoding ** 2, axis=1, keepdims=True)
        - 2.0 * encoding @ codebook.T
        + jnp.sum(codebook ** 2, axis=1)[None, :]
    )
    idx = jnp.argmin(d2, axis=1)
    quantized_index = idx[:, None]
    # one-hot scatter + matmul, as in the original module
    encoding_one_hot = jax.nn.one_hot(idx, codebook.shape[0], dtype=encoding.dtype)
    quantized_embedding = encoding_one_hot @ codebook
    commitment_loss = jnp.mean((jax.lax.stop_gradient(quantized_embedding) - encoding) ** 2)
    embedding_loss = jnp.mean((quantized_embedding - jax.lax.stop_gradient(encoding)) ** 2)
    vq_loss = commitment_loss * BETA + embedding_loss
    # straight-through estimator
    quantized_embedding_st = encoding + jax.lax.stop_gradient(quantized_embedding - encoding)
    return (quantized_index, quantized_embedding_st, vq_loss, embedding_loss, commitment_loss)

if __name__ == "__main__":
    import jax
    _d = setup_inputs()
    print(jax.jit(kernel)(*tuple(_d.values())))

</pallas_src>

<mosaic_0001>
#map = affine_map<(d0, d1) -> (0, 0)>
#map1 = affine_map<(d0, d1) -> (0, 0, 0)>
module attributes {stable_mosaic.version = 14 : i64} {
  func.func @k(%arg0: i32, %arg1: i32, %arg2: memref<8192x256xf32, #tpu.memory_space<hbm>>, %arg3: memref<32x4x128xi32, #tpu.memory_space<hbm>>, %arg4: memref<16384x256xf32, #tpu.memory_space<hbm>>, %arg5: memref<16384x256xf32, #tpu.memory_space<hbm>>, %arg6: memref<32x16xf32, #tpu.memory_space<hbm>>, %arg7: memref<4x128xi32, #tpu.memory_space<vmem>>, %arg8: memref<128x256xf32, #tpu.memory_space<vmem>>, %arg9: memref<128x256xf32, #tpu.memory_space<vmem>>, %arg10: memref<128x256xf32, #tpu.memory_space<vmem>>, %arg11: memref<16xf32, #tpu.memory_space<vmem>>, %arg12: memref<!tpu.dma_semaphore, #tpu.memory_space<semaphore_mem>>, %arg13: memref<!tpu.dma_semaphore, #tpu.memory_space<semaphore_mem>>) attributes {dimension_semantics = [#tpu.dimension_semantics<core_parallel>, #tpu.dimension_semantics<subcore_parallel>], iteration_bounds = array<i64: 2, 16>, scalar_prefetch = 0 : i64, scratch_operands = 7 : i64, tpu.core_type = #tpu.core_type<sc_vector_subcore>, window_params = [{transform_indices = #map}, {transform_indices = #map1}, {transform_indices = #map}, {transform_indices = #map}, {transform_indices = #map}]} {
    %mul3A = arith.constant 2 : i32
    %mul3A_0 = arith.muli %arg1, %mul3A : i32
    %add3A = arith.addi %mul3A_0, %arg0 : i32
    %mul3A_1 = arith.constant 512 : i32
    %mul3A_2 = arith.muli %add3A, %mul3A_1 : i32
    "tpu.region"() ({
      %run_scoped3A = tpu.sem_alloc : memref<!tpu.dma_semaphore, #tpu.memory_space<semaphore_mem>>
      %dma_start3A_92 = arith.constant 0 : i32
      %dma_start3A_93 = arith.constant 0 : i32
      %dma_start3A_94 = tpu.memref_slice %arg3[%add3A, %dma_start3A_92, %dma_start3A_93] : memref<32x4x128xi32, #tpu.memory_space<hbm>> -> memref<1x4x128xi32, #tpu.memory_space<hbm>>
      %dma_start3A_95 = tpu.memref_squeeze %dma_start3A_94 : memref<1x4x128xi32, #tpu.memory_space<hbm>> -> memref<4x128xi32, #tpu.memory_space<hbm>>
      %dma_start3A_96 = arith.constant 0 : i32
      %dma_start3A_97 = arith.constant 0 : i32
      %dma_start3A_98 = tpu.memref_slice %arg3[%add3A, %dma_start3A_96, %dma_start3A_97] : memref<32x4x128xi32, #tpu.memory_space<hbm>> -> memref<1x4x128xi32, #tpu.memory_space<hbm>>
      %dma_start3A_99 = tpu.memref_squeeze %dma_start3A_98 : memref<1x4x128xi32, #tpu.memory_space<hbm>> -> memref<4x128xi32, #tpu.memory_space<hbm>>
      tpu.enqueue_dma source(%dma_start3A_99 : memref<4x128xi32, #tpu.memory_space<hbm>>) target(%arg7 : memref<4x128xi32, #tpu.memory_space<vmem>>) target_semaphore(%run_scoped3A : memref<!tpu.dma_semaphore, #tpu.memory_space<semaphore_mem>>)
      %dma_wait3A_100 = arith.constant 0 : i32
      %dma_wait3A_101 = arith.constant 0 : i32
      %dma_wait3A_102 = tpu.memref_slice %arg3[%add3A, %dma_wait3A_100, %dma_wait3A_101] : memref<32x4x128xi32, #tpu.memory_space<hbm>> -> memref<1x4x128xi32, #tpu.memory_space<hbm>>
      %dma_wait3A_103 = tpu.memref_squeeze %dma_wait3A_102 : memref<1x4x128xi32, #tpu.memory_space<hbm>> -> memref<4x128xi32, #tpu.memory_space<hbm>>
      %dma_wait3A_104 = arith.constant 0 : i32
      %dma_wait3A_105 = arith.constant 0 : i32
      %dma_wait3A_106 = tpu.memref_slice %arg3[%add3A, %dma_wait3A_104, %dma_wait3A_105] : memref<32x4x128xi32, #tpu.memory_space<hbm>> -> memref<1x4x128xi32, #tpu.memory_space<hbm>>
      %dma_wait3A_107 = tpu.memref_squeeze %dma_wait3A_106 : memref<1x4x128xi32, #tpu.memory_space<hbm>> -> memref<4x128xi32, #tpu.memory_space<hbm>>
      tpu.wait_dma2 semaphore(%run_scoped3A : memref<!tpu.dma_semaphore, #tpu.memory_space<semaphore_mem>>) src(%dma_wait3A_107 : memref<4x128xi32, #tpu.memory_space<hbm>>) dst(%arg7 : memref<4x128xi32, #tpu.memory_space<vmem>>)
      tpu.yield
    }) : () -> ()
    %dma_start3A = arith.constant 0 : i32
    %dma_start3A_3 = arith.constant 0 : i32
    %dma_start3A_4 = tpu.memref_slice %arg7[%dma_start3A, %dma_start3A_3] : memref<4x128xi32, #tpu.memory_space<vmem>> -> memref<1x128xi32, #tpu.memory_space<vmem>>
    %dma_start3A_5 = tpu.memref_squeeze %dma_start3A_4 : memref<1x128xi32, #tpu.memory_space<vmem>> -> memref<128xi32, #tpu.memory_space<vmem>>
    %dma_start3A_6 = arith.constant 0 : i32
    %dma_start3A_7 = arith.constant 0 : i32
    %dma_start3A_8 = tpu.memref_slice %arg2[%dma_start3A_6, %dma_start3A_7] : memref<8192x256xf32, #tpu.memory_space<hbm>> -> memref<8192x256xf32, #tpu.memory_space<hbm>>
    tpu.enqueue_indirect_dma source(%dma_start3A_8 : memref<8192x256xf32, #tpu.memory_space<hbm>>) target(%arg8 : memref<128x256xf32, #tpu.memory_space<vmem>>) offsets(%dma_start3A_5 : memref<128xi32, #tpu.memory_space<vmem>>) semaphore(%arg12 : memref<!tpu.dma_semaphore, #tpu.memory_space<semaphore_mem>>)
    %broadcast_in_dim3A = arith.constant 0.000000e+00 : f32
    %broadcast_in_dim3A_9 = vector.broadcast %broadcast_in_dim3A : f32 to vector<16xf32>
    %dma_start3A_10 = arith.constant 1 : i32
    %dma_start3A_11 = arith.constant 0 : i32
    %dma_start3A_12 = tpu.memref_slice %arg7[%dma_start3A_10, %dma_start3A_11] : memref<4x128xi32, #tpu.memory_space<vmem>> -> memref<1x128xi32, #tpu.memory_space<vmem>>
    %dma_start3A_13 = tpu.memref_squeeze %dma_start3A_12 : memref<1x128xi32, #tpu.memory_space<vmem>> -> memref<128xi32, #tpu.memory_space<vmem>>
    %dma_start3A_14 = arith.constant 0 : i32
    %dma_start3A_15 = arith.constant 0 : i32
    %dma_start3A_16 = tpu.memref_slice %arg2[%dma_start3A_14, %dma_start3A_15] : memref<8192x256xf32, #tpu.memory_space<hbm>> -> memref<8192x256xf32, #tpu.memory_space<hbm>>
    tpu.enqueue_indirect_dma source(%dma_start3A_16 : memref<8192x256xf32, #tpu.memory_space<hbm>>) target(%arg9 : memref<128x256xf32, #tpu.memory_space<vmem>>) offsets(%dma_start3A_13 : memref<128xi32, #tpu.memory_space<vmem>>) semaphore(%arg13 : memref<!tpu.dma_semaphore, #tpu.memory_space<semaphore_mem>>)
    %add3A_17 = arith.constant 0 : i32
    %add3A_18 = arith.addi %mul3A_2, %add3A_17 : i32
    "tpu.region"() ({
      %run_scoped3A = tpu.sem_alloc : memref<!tpu.dma_semaphore, #tpu.memory_space<semaphore_mem>>
      %dma_start3A_92 = arith.constant 0 : i32
      %dma_start3A_93 = tpu.memref_slice %arg4[%add3A_18, %dma_start3A_92] : memref<16384x256xf32, #tpu.memory_space<hbm>> -> memref<128x256xf32, #tpu.memory_space<hbm>>
      %dma_start3A_94 = arith.constant 0 : i32
      %dma_start3A_95 = tpu.memref_slice %arg4[%add3A_18, %dma_start3A_94] : memref<16384x256xf32, #tpu.memory_space<hbm>> -> memref<128x256xf32, #tpu.memory_space<hbm>>
      tpu.enqueue_dma source(%dma_start3A_95 : memref<128x256xf32, #tpu.memory_space<hbm>>) target(%arg10 : memref<128x256xf32, #tpu.memory_space<vmem>>) target_semaphore(%run_scoped3A : memref<!tpu.dma_semaphore, #tpu.memory_space<semaphore_mem>>)
      %dma_wait3A_96 = arith.constant 0 : i32
      %dma_wait3A_97 = tpu.memref_slice %arg4[%add3A_18, %dma_wait3A_96] : memref<16384x256xf32, #tpu.memory_space<hbm>> -> memref<128x256xf32, #tpu.memory_space<hbm>>
      %dma_wait3A_98 = arith.constant 0 : i32
      %dma_wait3A_99 = tpu.memref_slice %arg4[%add3A_18, %dma_wait3A_98] : memref<16384x256xf32, #tpu.memory_space<hbm>> -> memref<128x256xf32, #tpu.memory_space<hbm>>
      tpu.wait_dma2 semaphore(%run_scoped3A : memref<!tpu.dma_semaphore, #tpu.memory_space<semaphore_mem>>) src(%dma_wait3A_99 : memref<128x256xf32, #tpu.memory_space<hbm>>) dst(%arg10 : memref<128x256xf32, #tpu.memory_space<vmem>>)
      tpu.yield
    }) : () -> ()
    %dma_wait3A = arith.constant 0 : i32
    %dma_wait3A_19 = arith.constant 0 : i32
    %dma_wait3A_20 = tpu.memref_slice %arg7[%dma_wait3A, %dma_wait3A_19] : memref<4x128xi32, #tpu.memory_space<vmem>> -> memref<1x128xi32, #tpu.memory_space<vmem>>
    %dma_wait3A_21 = tpu.memref_squeeze %dma_wait3A_20 : memref<1x128xi32, #tpu.memory_space<vmem>> -> memref<128xi32, #tpu.memory_space<vmem>>
    %dma_wait3A_22 = arith.constant 0 : i32
    %dma_wait3A_23 = arith.constant 0 : i32
    %dma_wait3A_24 = tpu.memref_slice %arg2[%dma_wait3A_22, %dma_wait3A_23] : memref<8192x256xf32, #tpu.memory_space<hbm>> -> memref<8192x256xf32, #tpu.memory_space<hbm>>
    tpu.wait_indirect_dma semaphore(%arg12 : memref<!tpu.dma_semaphore, #tpu.memory_space<semaphore_mem>>) src(%dma_wait3A_24 : memref<8192x256xf32, #tpu.memory_space<hbm>>) dst(%arg8 : memref<128x256xf32, #tpu.memory_space<vmem>>)
    %scan3A = arith.constant 0 : i32
    %scan3A_25 = arith.constant 128 : i32
    %scan3A_26 = arith.addi %scan3A, %scan3A_25 : i32
    %scan3A_27 = arith.constant 1 : i32
    %scan3A_28 = scf.for %scan3A_92 = %scan3A to %scan3A_26 step %scan3A_27 iter_args(%scan3A_93 = %broadcast_in_dim3A_9) -> (vector<16xf32>)  : i32 {
      %get3A = arith.index_cast %scan3A_92 : i32 to index
      %get3A_94 = arith.constant 0 : index
      %get3A_95 = tpu.vector_load %arg8[%get3A, %get3A_94] {strides = array<i32>} : memref<128x256xf32, #tpu.memory_space<vmem>>, vector<1x16xf32>,
      %get3A_96 = vector.shape_cast %get3A_95 : vector<1x16xf32> to vector<16xf32>
      %get3A_97 = arith.index_cast %scan3A_92 : i32 to index
      %get3A_98 = arith.constant 0 : index
      %get3A_99 = tpu.vector_load %arg10[%get3A_97, %get3A_98] {strides = array<i32>} : memref<128x256xf32, #tpu.memory_space<vmem>>, vector<1x16xf32>,
      %get3A_100 = vector.shape_cast %get3A_99 : vector<1x16xf32> to vector<16xf32>
      %sub3A = arith.subf %get3A_96, %get3A_100 : vector<16xf32>
      %mul3A_101 = arith.mulf %sub3A, %sub3A : vector<16xf32>
      %add3A_102 = arith.addf %scan3A_93, %mul3A_101 : vector<16xf32>
      %add3A_103 = arith.addf %get3A_100, %sub3A : vector<16xf32>
      %swap3A_104 = arith.index_cast %scan3A_92 : i32 to index
      %swap3A_105 = arith.constant 0 : index
      %swap3A_106 = tpu.vector_load %arg8[%swap3A_104, %swap3A_105] {strides = array<i32>} : memref<128x256xf32, #tpu.memory_space<vmem>>, vector<1x16xf32>,
      %swap3A_107 = vector.shape_cast %swap3A_106 : vector<1x16xf32> to vector<16xf32>
      %swap3A_108 = vector.shape_cast %add3A_103 : vector<16xf32> to vector<1x16xf32>
      tpu.vector_store %arg8[%swap3A_104, %swap3A_105], %swap3A_108 {strides = array<i32>} : memref<128x256xf32, #tpu.memory_space<vmem>>, vector<1x16xf32>,
      %get3A_109 = arith.index_cast %scan3A_92 : i32 to index
      %get3A_110 = arith.constant 16 : index
      %get3A_111 = tpu.vector_load %arg8[%get3A_109, %get3A_110] {strides = array<i32>} : memref<128x256xf32, #tpu.memory_space<vmem>>, vector<1x16xf32>,
      %get3A_112 = vector.shape_cast %get3A_111 : vector<1x16xf32> to vector<16xf32>
      %get3A_113 = arith.index_cast %scan3A_92 : i32 to index
      %get3A_114 = arith.constant 16 : index
      %get3A_115 = tpu.vector_load %arg10[%get3A_113, %get3A_114] {strides = array<i32>} : memref<128x256xf32, #tpu.memory_space<vmem>>, vector<1x16xf32>,
      %get3A_116 = vector.shape_cast %get3A_115 : vector<1x16xf32> to vector<16xf32>
      %sub3A_117 = arith.subf %get3A_112, %get3A_116 : vector<16xf32>
      %mul3A_118 = arith.mulf %sub3A_117, %sub3A_117 : vector<16xf32>
      %add3A_119 = arith.addf %add3A_102, %mul3A_118 : vector<16xf32>
      %add3A_120 = arith.addf %get3A_116, %sub3A_117 : vector<16xf32>
      %swap3A_121 = arith.index_cast %scan3A_92 : i32 to index
      %swap3A_122 = arith.constant 16 : index
      %swap3A_123 = tpu.vector_load %arg8[%swap3A_121, %swap3A_122] {strides = array<i32>} : memref<128x256xf32, #tpu.memory_space<vmem>>, vector<1x16xf32>,
      %swap3A_124 = vector.shape_cast %swap3A_123 : vector<1x16xf32> to vector<16xf32>
      %swap3A_125 = vector.shape_cast %add3A_120 : vector<16xf32> to vector<1x16xf32>
      tpu.vector_store %arg8[%swap3A_121, %swap3A_122], %swap3A_125 {strides = array<i32>} : memref<128x256xf32, #tpu.memory_space<vmem>>, vector<1x16xf32>,
      %get3A_126 = arith.index_cast %scan3A_92 : i32 to index
      %get3A_127 = arith.constant 32 : index
      %get3A_128 = tpu.vector_load %arg8[%get3A_126, %get3A_127] {strides = array<i32>} : memref<128x256xf32, #tpu.memory_space<vmem>>, vector<1x16xf32>,
      %get3A_129 = vector.shape_cast %get3A_128 : vector<1x16xf32> to vector<16xf32>
      %get3A_130 = arith.index_cast %scan3A_92 : i32 to index
      %get3A_131 = arith.constant 32 : index
      %get3A_132 = tpu.vector_load %arg10[%get3A_130, %get3A_131] {strides = array<i32>} : memref<128x256xf32, #tpu.memory_space<vmem>>, vector<1x16xf32>,
      %get3A_133 = vector.shape_cast %get3A_132 : vector<1x16xf32> to vector<16xf32>
      %sub3A_134 = arith.subf %get3A_129, %get3A_133 : vector<16xf32>
      %mul3A_135 = arith.mulf %sub3A_134, %sub3A_134 : vector<16xf32>
      %add3A_136 = arith.addf %add3A_119, %mul3A_135 : vector<16xf32>
      %add3A_137 = arith.addf %get3A_133, %sub3A_134 : vector<16xf32>
      %swap3A_138 = arith.index_cast %scan3A_92 : i32 to index
      %swap3A_139 = arith.constant 32 : index
      %swap3A_140 = tpu.vector_load %arg8[%swap3A_138, %swap3A_139] {strides = array<i32>} : memref<128x256xf32, #tpu.memory_space<vmem>>, vector<1x16xf32>,
      %swap3A_141 = vector.shape_cast %swap3A_140 : vector<1x16xf32> to vector<16xf32>
      %swap3A_142 = vector.shape_cast %add3A_137 : vector<16xf32> to vector<1x16xf32>
      tpu.vector_store %arg8[%swap3A_138, %swap3A_139], %swap3A_142 {strides = array<i32>} : memref<128x256xf32, #tpu.memory_space<vmem>>, vector<1x16xf32>,
      %get3A_143 = arith.index_cast %scan3A_92 : i32 to index
      %get3A_144 = arith.constant 48 : index
      %get3A_145 = tpu.vector_load %arg8[%get3A_143, %get3A_144] {strides = array<i32>} : memref<128x256xf32, #tpu.memory_space<vmem>>, vector<1x16xf32>,
      %get3A_146 = vector.shape_cast %get3A_145 : vector<1x16xf32> to vector<16xf32>
      %get3A_147 = arith.index_cast %scan3A_92 : i32 to index
      %get3A_148 = arith.constant 48 : index
      %get3A_149 = tpu.vector_load %arg10[%get3A_147, %get3A_148] {strides = array<i32>} : memref<128x256xf32, #tpu.memory_space<vmem>>, vector<1x16xf32>,
      %get3A_150 = vector.shape_cast %get3A_149 : vector<1x16xf32> to vector<16xf32>
      %sub3A_151 = arith.subf %get3A_146, %get3A_150 : vector<16xf32>
      %mul3A_152 = arith.mulf %sub3A_151, %sub3A_151 : vector<16xf32>
      %add3A_153 = arith.addf %add3A_136, %mul3A_152 : vector<16xf32>
      %add3A_154 = arith.addf %get3A_150, %sub3A_151 : vector<16xf32>
      %swap3A_155 = arith.index_cast %scan3A_92 : i32 to index
      %swap3A_156 = arith.constant 48 : index
      %swap3A_157 = tpu.vector_load %arg8[%swap3A_155, %swap3A_156] {strides = array<i32>} : memref<128x256xf32, #tpu.memory_space<vmem>>, vector<1x16xf32>,
      %swap3A_158 = vector.shape_cast %swap3A_157 : vector<1x16xf32> to vector<16xf32>
      %swap3A_159 = vector.shape_cast %add3A_154 : vector<16xf32> to vector<1x16xf32>
      tpu.vector_store %arg8[%swap3A_155, %swap3A_156], %swap3A_159 {strides = array<i32>} : memref<128x256xf32, #tpu.memory_space<vmem>>, vector<1x16xf32>,
      %get3A_160 = arith.index_cast %scan3A_92 : i32 to index
      %get3A_161 = arith.constant 64 : index
      %get3A_162 = tpu.vector_load %arg8[%get3A_160, %get3A_161] {strides = array<i32>} : memref<128x256xf32, #tpu.memory_space<vmem>>, vector<1x16xf32>,
      %get3A_163 = vector.shape_cast %get3A_162 : vector<1x16xf32> to vector<16xf32>
      %get3A_164 = arith.index_cast %scan3A_92 : i32 to index
      %get3A_165 = arith.constant 64 : index
      %get3A_166 = tpu.vector_load %arg10[%get3A_164, %get3A_165] {strides = array<i32>} : memref<128x256xf32, #tpu.memory_space<vmem>>, vector<1x16xf32>,
      %get3A_167 = vector.shape_cast %get3A_166 : vector<1x16xf32> to vector<16xf32>
      %sub3A_168 = arith.subf %get3A_163, %get3A_167 : vector<16xf32>
      %mul3A_169 = arith.mulf %sub3A_168, %sub3A_168 : vector<16xf32>
      %add3A_170 = arith.addf %add3A_153, %mul3A_169 : vector<16xf32>
      %add3A_171 = arith.addf %get3A_167, %sub3A_168 : vector<16xf32>
      %swap3A_172 = arith.index_cast %scan3A_92 : i32 to index
      %swap3A_173 = arith.constant 64 : index
      %swap3A_174 = tpu.vector_load %arg8[%swap3A_172, %swap3A_173] {strides = array<i32>} : memref<128x256xf32, #tpu.memory_space<vmem>>, vector<1x16xf32>,
      %swap3A_175 = vector.shape_cast %swap3A_174 : vector<1x16xf32> to vector<16xf32>
      %swap3A_176 = vector.shape_cast %add3A_171 : vector<16xf32> to vector<1x16xf32>
      tpu.vector_store %arg8[%swap3A_172, %swap3A_173], %swap3A_176 {strides = array<i32>} : memref<128x256xf32, #tpu.memory_space<vmem>>, vector<1x16xf32>,
      %get3A_177 = arith.index_cast %scan3A_92 : i32 to index
      %get3A_178 = arith.constant 80 : index
      %get3A_179 = tpu.vector_load %arg8[%get3A_177, %get3A_178] {strides = array<i32>} : memref<128x256xf32, #tpu.memory_space<vmem>>, vector<1x16xf32>,
      %get3A_180 = vector.shape_cast %get3A_179 : vector<1x16xf32> to vector<16xf32>
      %get3A_181 = arith.index_cast %scan3A_92 : i32 to index
      %get3A_182 = arith.constant 80 : index
      %get3A_183 = tpu.vector_load %arg10[%get3A_181, %get3A_182] {strides = array<i32>} : memref<128x256xf32, #tpu.memory_space<vmem>>, vector<1x16xf32>,
      %get3A_184 = vector.shape_cast %get3A_183 : vector<1x16xf32> to vector<16xf32>
      %sub3A_185 = arith.subf %get3A_180, %get3A_184 : vector<16xf32>
      %mul3A_186 = arith.mulf %sub3A_185, %sub3A_185 : vector<16xf32>
      %add3A_187 = arith.addf %add3A_170, %mul3A_186 : vector<16xf32>
      %add3A_188 = arith.addf %get3A_184, %sub3A_185 : vector<16xf32>
      %swap3A_189 = arith.index_cast %scan3A_92 : i32 to index
      %swap3A_190 = arith.constant 80 : index
      %swap3A_191 = tpu.vector_load %arg8[%swap3A_189, %swap3A_190] {strides = array<i32>} : memref<128x256xf32, #tpu.memory_space<vmem>>, vector<1x16xf32>,
      %swap3A_192 = vector.shape_cast %swap3A_191 : vector<1x16xf32> to vector<16xf32>
      %swap3A_193 = vector.shape_cast %add3A_188 : vector<16xf32> to vector<1x16xf32>
      tpu.vector_store %arg8[%swap3A_189, %swap3A_190], %swap3A_193 {strides = array<i32>} : memref<128x256xf32, #tpu.memory_space<vmem>>, vector<1x16xf32>,
      %get3A_194 = arith.index_cast %scan3A_92 : i32 to index
      %get3A_195 = arith.constant 96 : index
      %get3A_196 = tpu.vector_load %arg8[%get3A_194, %get3A_195] {strides = array<i32>} : memref<128x256xf32, #tpu.memory_space<vmem>>, vector<1x16xf32>,
      %get3A_197 = vector.shape_cast %get3A_196 : vector<1x16xf32> to vector<16xf32>
      %get3A_198 = arith.index_cast %scan3A_92 : i32 to index
      %get3A_199 = arith.constant 96 : index
      %get3A_200 = tpu.vector_load %arg10[%get3A_198, %get3A_199] {strides = array<i32>} : memref<128x256xf32, #tpu.memory_space<vmem>>, vector<1x16xf32>,
      %get3A_201 = vector.shape_cast %get3A_200 : vector<1x16xf32> to vector<16xf32>
      %sub3A_202 = arith.subf %get3A_197, %get3A_201 : vector<16xf32>
      %mul3A_203 = arith.mulf %sub3A_202, %sub3A_202 : vector<16xf32>
      %add3A_204 = arith.addf %add3A_187, %mul3A_203 : vector<16xf32>
      %add3A_205 = arith.addf %get3A_201, %sub3A_202 : vector<16xf32>
      %swap3A_206 = arith.index_cast %scan3A_92 : i32 to index
      %swap3A_207 = arith.constant 96 : index
      %swap3A_208 = tpu.vector_load %arg8[%swap3A_206, %swap3A_207] {strides = array<i32>} : memref<128x256xf32, #tpu.memory_space<vmem>>, vector<1x16xf32>,
      %swap3A_209 = vector.shape_cast %swap3A_208 : vector<1x16xf32> to vector<16xf32>
      %swap3A_210 = vector.shape_cast %add3A_205 : vector<16xf32> to vector<1x16xf32>
      tpu.vector_store %arg8[%swap3A_206, %swap3A_207], %swap3A_210 {strides = array<i32>} : memref<128x256xf32, #tpu.memory_space<vmem>>, vector<1x16xf32>,
      %get3A_211 = arith.index_cast %scan3A_92 : i32 to index
      %get3A_212 = arith.constant 112 : index
      %get3A_213 = tpu.vector_load %arg8[%get3A_211, %get3A_212] {strides = array<i32>} : memref<128x256xf32, #tpu.memory_space<vmem>>, vector<1x16xf32>,
      %get3A_214 = vector.shape_cast %get3A_213 : vector<1x16xf32> to vector<16xf32>
      %get3A_215 = arith.index_cast %scan3A_92 : i32 to index
      %get3A_216 = arith.constant 112 : index
      %get3A_217 = tpu.vector_load %arg10[%get3A_215, %get3A_216] {strides = array<i32>} : memref<128x256xf32, #tpu.memory_space<vmem>>, vector<1x16xf32>,
      %get3A_218 = vector.shape_cast %get3A_217 : vector<1x16xf32> to vector<16xf32>
      %sub3A_219 = arith.subf %get3A_214, %get3A_218 : vector<16xf32>
      %mul3A_220 = arith.mulf %sub3A_219, %sub3A_219 : vector<16xf32>
      %add3A_221 = arith.addf %add3A_204, %mul3A_220 : vector<16xf32>
      %add3A_222 = arith.addf %get3A_218, %sub3A_219 : vector<16xf32>
      %swap3A_223 = arith.index_cast %scan3A_92 : i32 to index
      %swap3A_224 = arith.constant 112 : index
      %swap3A_225 = tpu.vector_load %arg8[%swap3A_223, %swap3A_224] {strides = array<i32>} : memref<128x256xf32, #tpu.memory_space<vmem>>, vector<1x16xf32>,
      %swap3A_226 = vector.shape_cast %swap3A_225 : vector<1x16xf32> to vector<16xf32>
      %swap3A_227 = vector.shape_cast %add3A_222 : vector<16xf32> to vector<1x16xf32>
      tpu.vector_store %arg8[%swap3A_223, %swap3A_224], %swap3A_227 {strides = array<i32>} : memref<128x256xf32, #tpu.memory_space<vmem>>, vector<1x16xf32>,
      %get3A_228 = arith.index_cast %scan3A_92 : i32 to index
      %get3A_229 = arith.constant 128 : index
      %get3A_230 = tpu.vector_load %arg8[%get3A_228, %get3A_229] {strides = array<i32>} : memref<128x256xf32, #tpu.memory_space<vmem>>, vector<1x16xf32>,
      %get3A_231 = vector.shape_cast %get3A_230 : vector<1x16xf32> to vector<16xf32>
      %get3A_232 = arith.index_cast %scan3A_92 : i32 to index
      %get3A_233 = arith.constant 128 : index
      %get3A_234 = tpu.vector_load %arg10[%get3A_232, %get3A_233] {strides = array<i32>} : memref<128x256xf32, #tpu.memory_space<vmem>>, vector<1x16xf32>,
      %get3A_235 = vector.shape_cast %get3A_234 : vector<1x16xf32> to vector<16xf32>
      %sub3A_236 = arith.subf %get3A_231, %get3A_235 : vector<16xf32>
      %mul3A_237 = arith.mulf %sub3A_236, %sub3A_236 : vector<16xf32>
      %add3A_238 = arith.addf %add3A_221, %mul3A_237 : vector<16xf32>
      %add3A_239 = arith.addf %get3A_235, %sub3A_236 : vector<16xf32>
      %swap3A_240 = arith.index_cast %scan3A_92 : i32 to index
      %swap3A_241 = arith.constant 128 : index
      %swap3A_242 = tpu.vector_load %arg8[%swap3A_240, %swap3A_241] {strides = array<i32>} : memref<128x256xf32, #tpu.memory_space<vmem>>, vector<1x16xf32>,
      %swap3A_243 = vector.shape_cast %swap3A_242 : vector<1x16xf32> to vector<16xf32>
      %swap3A_244 = vector.shape_cast %add3A_239 : vector<16xf32> to vector<1x16xf32>
      tpu.vector_store %arg8[%swap3A_240, %swap3A_241], %swap3A_244 {strides = array<i32>} : memref<128x256xf32, #tpu.memory_space<vmem>>, vector<1x16xf32>,
      %get3A_245 = arith.index_cast %scan3A_92 : i32 to index
      %get3A_246 = arith.constant 144 : index
      %get3A_247 = tpu.vector_load %arg8[%get3A_245, %get3A_246] {strides = array<i32>} : memref<128x256xf32, #tpu.memory_space<vmem>>, vector<1x16xf32>,
      %get3A_248 = vector.shape_cast %get3A_247 : vector<1x16xf32> to vector<16xf32>
      %get3A_249 = arith.index_cast %scan3A_92 : i32 to index
      %get3A_250 = arith.constant 144 : index
      %get3A_251 = tpu.vector_load %arg10[%get3A_249, %get3A_250] {strides = array<i32>} : memref<128x256xf32, #tpu.memory_space<vmem>>, vector<1x16xf32>,
      %get3A_252 = vector.shape_cast %get3A_251 : vector<1x16xf32> to vector<16xf32>
      %sub3A_253 = arith.subf %get3A_248, %get3A_252 : vector<16xf32>
      %mul3A_254 = arith.mulf %sub3A_253, %sub3A_253 : vector<16xf32>
      %add3A_255 = arith.addf %add3A_238, %mul3A_254 : vector<16xf32>
      %add3A_256 = arith.addf %get3A_252, %sub3A_253 : vector<16xf32>
      %swap3A_257 = arith.index_cast %scan3A_92 : i32 to index
      %swap3A_258 = arith.constant 144 : index
      %swap3A_259 = tpu.vector_load %arg8[%swap3A_257, %swap3A_258] {strides = array<i32>} : memref<128x256xf32, #tpu.memory_space<vmem>>, vector<1x16xf32>,
      %swap3A_260 = vector.shape_cast %swap3A_259 : vector<1x16xf32> to vector<16xf32>
      %swap3A_261 = vector.shape_cast %add3A_256 : vector<16xf32> to vector<1x16xf32>
      tpu.vector_store %arg8[%swap3A_257, %swap3A_258], %swap3A_261 {strides = array<i32>} : memref<128x256xf32, #tpu.memory_space<vmem>>, vector<1x16xf32>,
      %get3A_262 = arith.index_cast %scan3A_92 : i32 to index
      %get3A_263 = arith.constant 160 : index
      %get3A_264 = tpu.vector_load %arg8[%get3A_262, %get3A_263] {strides = array<i32>} : memref<128x256xf32, #tpu.memory_space<vmem>>, vector<1x16xf32>,
      %get3A_265 = vector.shape_cast %get3A_264 : vector<1x16xf32> to vector<16xf32>
      %get3A_266 = arith.index_cast %scan3A_92 : i32 to index
      %get3A_267 = arith.constant 160 : index
      %get3A_268 = tpu.vector_load %arg10[%get3A_266, %get3A_267] {strides = array<i32>} : memref<128x256xf32, #tpu.memory_space<vmem>>, vector<1x16xf32>,
      %get3A_269 = vector.shape_cast %get3A_268 : vector<1x16xf32> to vector<16xf32>
      %sub3A_270 = arith.subf %get3A_265, %get3A_269 : vector<16xf32>
      %mul3A_271 = arith.mulf %sub3A_270, %sub3A_270 : vector<16xf32>
      %add3A_272 = arith.addf %add3A_255, %mul3A_271 : vector<16xf32>
      %add3A_273 = arith.addf %get3A_269, %sub3A_270 : vector<16xf32>
      %swap3A_274 = arith.index_cast %scan3A_92 : i32 to index
      %swap3A_275 = arith.constant 160 : index
      %swap3A_276 = tpu.vector_load %arg8[%swap3A_274, %swap3A_275] {strides = array<i32>} : memref<128x256xf32, #tpu.memory_space<vmem>>, vector<1x16xf32>,
      %swap3A_277 = vector.shape_cast %swap3A_276 : vector<1x16xf32> to vector<16xf32>
      %swap3A_278 = vector.shape_cast %add3A_273 : vector<16xf32> to vector<1x16xf32>
      tpu.vector_store %arg8[%swap3A_274, %swap3A_275], %swap3A_278 {strides = array<i32>} : memref<128x256xf32, #tpu.memory_space<vmem>>, vector<1x16xf32>,
      %get3A_279 = arith.index_cast %scan3A_92 : i32 to index
      %get3A_280 = arith.constant 176 : index
      %get3A_281 = tpu.vector_load %arg8[%get3A_279, %get3A_280] {strides = array<i32>} : memref<128x256xf32, #tpu.memory_space<vmem>>, vector<1x16xf32>,
      %get3A_282 = vector.shape_cast %get3A_281 : vector<1x16xf32> to vector<16xf32>
      %get3A_283 = arith.index_cast %scan3A_92 : i32 to index
      %get3A_284 = arith.constant 176 : index
      %get3A_285 = tpu.vector_load %arg10[%get3A_283, %get3A_284] {strides = array<i32>} : memref<128x256xf32, #tpu.memory_space<vmem>>, vector<1x16xf32>,
      %get3A_286 = vector.shape_cast %get3A_285 : vector<1x16xf32> to vector<16xf32>
      %sub3A_287 = arith.subf %get3A_282, %get3A_286 : vector<16xf32>
      %mul3A_288 = arith.mulf %sub3A_287, %sub3A_287 : vector<16xf32>
      %add3A_289 = arith.addf %add3A_272, %mul3A_288 : vector<16xf32>
      %add3A_290 = arith.addf %get3A_286, %sub3A_287 : vector<16xf32>
      %swap3A_291 = arith.index_cast %scan3A_92 : i32 to index
      %swap3A_292 = arith.constant 176 : index
      %swap3A_293 = tpu.vector_load %arg8[%swap3A_291, %swap3A_292] {strides = array<i32>} : memref<128x256xf32, #tpu.memory_space<vmem>>, vector<1x16xf32>,
      %swap3A_294 = vector.shape_cast %swap3A_293 : vector<1x16xf32> to vector<16xf32>
      %swap3A_295 = vector.shape_cast %add3A_290 : vector<16xf32> to vector<1x16xf32>
      tpu.vector_store %arg8[%swap3A_291, %swap3A_292], %swap3A_295 {strides = array<i32>} : memref<128x256xf32, #tpu.memory_space<vmem>>, vector<1x16xf32>,
      %get3A_296 = arith.index_cast %scan3A_92 : i32 to index
      %get3A_297 = arith.constant 192 : index
      %get3A_298 = tpu.vector_load %arg8[%get3A_296, %get3A_297] {strides = array<i32>} : memref<128x256xf32, #tpu.memory_space<vmem>>, vector<1x16xf32>,
      %get3A_299 = vector.shape_cast %get3A_298 : vector<1x16xf32> to vector<16xf32>
      %get3A_300 = arith.index_cast %scan3A_92 : i32 to index
      %get3A_301 = arith.constant 192 : index
      %get3A_302 = tpu.vector_load %arg10[%get3A_300, %get3A_301] {strides = array<i32>} : memref<128x256xf32, #tpu.memory_space<vmem>>, vector<1x16xf32>,
      %get3A_303 = vector.shape_cast %get3A_302 : vector<1x16xf32> to vector<16xf32>
      %sub3A_304 = arith.subf %get3A_299, %get3A_303 : vector<16xf32>
      %mul3A_305 = arith.mulf %sub3A_304, %sub3A_304 : vector<16xf32>
      %add3A_306 = arith.addf %add3A_289, %mul3A_305 : vector<16xf32>
      %add3A_307 = arith.addf %get3A_303, %sub3A_304 : vector<16xf32>
      %swap3A_308 = arith.index_cast %scan3A_92 : i32 to index
      %swap3A_309 = arith.constant 192 : index
      %swap3A_310 = tpu.vector_load %arg8[%swap3A_308, %swap3A_309] {strides = array<i32>} : memref<128x256xf32, #tpu.memory_space<vmem>>, vector<1x16xf32>,
      %swap3A_311 = vector.shape_cast %swap3A_310 : vector<1x16xf32> to vector<16xf32>
      %swap3A_312 = vector.shape_cast %add3A_307 : vector<16xf32> to vector<1x16xf32>
      tpu.vector_store %arg8[%swap3A_308, %swap3A_309], %swap3A_312 {strides = array<i32>} : memref<128x256xf32, #tpu.memory_space<vmem>>, vector<1x16xf32>,
      %get3A_313 = arith.index_cast %scan3A_92 : i32 to index
      %get3A_314 = arith.constant 208 : index
      %get3A_315 = tpu.vector_load %arg8[%get3A_313, %get3A_314] {strides = array<i32>} : memref<128x256xf32, #tpu.memory_space<vmem>>, vector<1x16xf32>,
      %get3A_316 = vector.shape_cast %get3A_315 : vector<1x16xf32> to vector<16xf32>
      %get3A_317 = arith.index_cast %scan3A_92 : i32 to index
      %get3A_318 = arith.constant 208 : index
      %get3A_319 = tpu.vector_load %arg10[%get3A_317, %get3A_318] {strides = array<i32>} : memref<128x256xf32, #tpu.memory_space<vmem>>, vector<1x16xf32>,
      %get3A_320 = vector.shape_cast %get3A_319 : vector<1x16xf32> to vector<16xf32>
      %sub3A_321 = arith.subf %get3A_316, %get3A_320 : vector<16xf32>
      %mul3A_322 = arith.mulf %sub3A_321, %sub3A_321 : vector<16xf32>
      %add3A_323 = arith.addf %add3A_306, %mul3A_322 : vector<16xf32>
      %add3A_324 = arith.addf %get3A_320, %sub3A_321 : vector<16xf32>
      %swap3A_325 = arith.index_cast %scan3A_92 : i32 to index
      %swap3A_326 = arith.constant 208 : index
      %swap3A_327 = tpu.vector_load %arg8[%swap3A_325, %swap3A_326] {strides = array<i32>} : memref<128x256xf32, #tpu.memory_space<vmem>>, vector<1x16xf32>,
      %swap3A_328 = vector.shape_cast %swap3A_327 : vector<1x16xf32> to vector<16xf32>
      %swap3A_329 = vector.shape_cast %add3A_324 : vector<16xf32> to vector<1x16xf32>
      tpu.vector_store %arg8[%swap3A_325, %swap3A_326], %swap3A_329 {strides = array<i32>} : memref<128x256xf32, #tpu.memory_space<vmem>>, vector<1x16xf32>,
      %get3A_330 = arith.index_cast %scan3A_92 : i32 to index
      %get3A_331 = arith.constant 224 : index
      %get3A_332 = tpu.vector_load %arg8[%get3A_330, %get3A_331] {strides = array<i32>} : memref<128x256xf32, #tpu.memory_space<vmem>>, vector<1x16xf32>,
      %get3A_333 = vector.shape_cast %get3A_332 : vector<1x16xf32> to vector<16xf32>
      %get3A_334 = arith.index_cast %scan3A_92 : i32 to index
      %get3A_335 = arith.constant 224 : index
      %get3A_336 = tpu.vector_load %arg10[%get3A_334, %get3A_335] {strides = array<i32>} : memref<128x256xf32, #tpu.memory_space<vmem>>, vector<1x16xf32>,
      %get3A_337 = vector.shape_cast %get3A_336 : vector<1x16xf32> to vector<16xf32>
      %sub3A_338 = arith.subf %get3A_333, %get3A_337 : vector<16xf32>
      %mul3A_339 = arith.mulf %sub3A_338, %sub3A_338 : vector<16xf32>
      %add3A_340 = arith.addf %add3A_323, %mul3A_339 : vector<16xf32>
      %add3A_341 = arith.addf %get3A_337, %sub3A_338 : vector<16xf32>
      %swap3A_342 = arith.index_cast %scan3A_92 : i32 to index
      %swap3A_343 = arith.constant 224 : index
      %swap3A_344 = tpu.vector_load %arg8[%swap3A_342, %swap3A_343] {strides = array<i32>} : memref<128x256xf32, #tpu.memory_space<vmem>>, vector<1x16xf32>,
      %swap3A_345 = vector.shape_cast %swap3A_344 : vector<1x16xf32> to vector<16xf32>
      %swap3A_346 = vector.shape_cast %add3A_341 : vector<16xf32> to vector<1x16xf32>
      tpu.vector_store %arg8[%swap3A_342, %swap3A_343], %swap3A_346 {strides = array<i32>} : memref<128x256xf32, #tpu.memory_space<vmem>>, vector<1x16xf32>,
      %get3A_347 = arith.index_cast %scan3A_92 : i32 to index
      %get3A_348 = arith.constant 240 : index
      %get3A_349 = tpu.vector_load %arg8[%get3A_347, %get3A_348] {strides = array<i32>} : memref<128x256xf32, #tpu.memory_space<vmem>>, vector<1x16xf32>,
      %get3A_350 = vector.shape_cast %get3A_349 : vector<1x16xf32> to vector<16xf32>
      %get3A_351 = arith.index_cast %scan3A_92 : i32 to index
      %get3A_352 = arith.constant 240 : index
      %get3A_353 = tpu.vector_load %arg10[%get3A_351, %get3A_352] {strides = array<i32>} : memref<128x256xf32, #tpu.memory_space<vmem>>, vector<1x16xf32>,
      %get3A_354 = vector.shape_cast %get3A_353 : vector<1x16xf32> to vector<16xf32>
      %sub3A_355 = arith.subf %get3A_350, %get3A_354 : vector<16xf32>
      %mul3A_356 = arith.mulf %sub3A_355, %sub3A_355 : vector<16xf32>
      %add3A_357 = arith.addf %add3A_340, %mul3A_356 : vector<16xf32>
      %add3A_358 = arith.addf %get3A_354, %sub3A_355 : vector<16xf32>
      %swap3A_359 = arith.index_cast %scan3A_92 : i32 to index
      %swap3A_360 = arith.constant 240 : index
      %swap3A_361 = tpu.vector_load %arg8[%swap3A_359, %swap3A_360] {strides = array<i32>} : memref<128x256xf32, #tpu.memory_space<vmem>>, vector<1x16xf32>,
      %swap3A_362 = vector.shape_cast %swap3A_361 : vector<1x16xf32> to vector<16xf32>
      %swap3A_363 = vector.shape_cast %add3A_358 : vector<16xf32> to vector<1x16xf32>
      tpu.vector_store %arg8[%swap3A_359, %swap3A_360], %swap3A_363 {strides = array<i32>} : memref<128x256xf32, #tpu.memory_space<vmem>>, vector<1x16xf32>,
      scf.yield %add3A_357 : vector<16xf32>
    }
    %scan3A_29 = arith.constant 128 : i32
    "tpu.region"() ({
      %run_scoped3A = tpu.sem_alloc : memref<!tpu.dma_semaphore, #tpu.memory_space<semaphore_mem>>
      %dma_start3A_92 = arith.constant 0 : i32
      %dma_start3A_93 = tpu.memref_slice %arg5[%add3A_18, %dma_start3A_92] : memref<16384x256xf32, #tpu.memory_space<hbm>> -> memref<128x256xf32, #tpu.memory_space<hbm>>
      %dma_start3A_94 = arith.constant 0 : i32
      %dma_start3A_95 = tpu.memref_slice %arg5[%add3A_18, %dma_start3A_94] : memref<16384x256xf32, #tpu.memory_space<hbm>> -> memref<128x256xf32, #tpu.memory_space<hbm>>
      tpu.enqueue_dma source(%arg8 : memref<128x256xf32, #tpu.memory_space<vmem>>) target(%dma_start3A_95 : memref<128x256xf32, #tpu.memory_space<hbm>>) target_semaphore(%run_scoped3A : memref<!tpu.dma_semaphore, #tpu.memory_space<semaphore_mem>>)
      %dma_wait3A_96 = arith.constant 0 : i32
      %dma_wait3A_97 = tpu.memref_slice %arg5[%add3A_18, %dma_wait3A_96] : memref<16384x256xf32, #tpu.memory_space<hbm>> -> memref<128x256xf32, #tpu.memory_space<hbm>>
      %dma_wait3A_98 = arith.constant 0 : i32
      %dma_wait3A_99 = tpu.memref_slice %arg5[%add3A_18, %dma_wait3A_98] : memref<16384x256xf32, #tpu.memory_space<hbm>> -> memref<128x256xf32, #tpu.memory_space<hbm>>
      tpu.wait_dma2 semaphore(%run_scoped3A : memref<!tpu.dma_semaphore, #tpu.memory_space<semaphore_mem>>) src(%arg8 : memref<128x256xf32, #tpu.memory_space<vmem>>) dst(%dma_wait3A_99 : memref<128x256xf32, #tpu.memory_space<hbm>>)
      tpu.yield
    }) : () -> ()
    %dma_start3A_30 = arith.constant 2 : i32
    %dma_start3A_31 = arith.constant 0 : i32
    %dma_start3A_32 = tpu.memref_slice %arg7[%dma_start3A_30, %dma_start3A_31] : memref<4x128xi32, #tpu.memory_space<vmem>> -> memref<1x128xi32, #tpu.memory_space<vmem>>
    %dma_start3A_33 = tpu.memref_squeeze %dma_start3A_32 : memref<1x128xi32, #tpu.memory_space<vmem>> -> memref<128xi32, #tpu.memory_space<vmem>>
    %dma_start3A_34 = arith.constant 0 : i32
    %dma_start3A_35 = arith.constant 0 : i32
    %dma_start3A_36 = tpu.memref_slice %arg2[%dma_start3A_34, %dma_start3A_35] : memref<8192x256xf32, #tpu.memory_space<hbm>> -> memref<8192x256xf32, #tpu.memory_space<hbm>>
    tpu.enqueue_indirect_dma source(%dma_start3A_36 : memref<8192x256xf32, #tpu.memory_space<hbm>>) target(%arg8 : memref<128x256xf32, #tpu.memory_space<vmem>>) offsets(%dma_start3A_33 : memref<128xi32, #tpu.memory_space<vmem>>) semaphore(%arg12 : memref<!tpu.dma_semaphore, #tpu.memory_space<semaphore_mem>>)
    %add3A_37 = arith.constant 128 : i32
    %add3A_38 = arith.addi %mul3A_2, %add3A_37 : i32
    "tpu.region"() ({
      %run_scoped3A = tpu.sem_alloc : memref<!tpu.dma_semaphore, #tpu.memory_space<semaphore_mem>>
      %dma_start3A_92 = arith.constant 0 : i32
      %dma_start3A_93 = tpu.memref_slice %arg4[%add3A_38, %dma_start3A_92] : memref<16384x256xf32, #tpu.memory_space<hbm>> -> memref<128x256xf32, #tpu.memory_space<hbm>>
      %dma_start3A_94 = arith.constant 0 : i32
      %dma_start3A_95 = tpu.memref_slice %arg4[%add3A_38, %dma_start3A_94] : memref<16384x256xf32, #tpu.memory_space<hbm>> -> memref<128x256xf32, #tpu.memory_space<hbm>>
      tpu.enqueue_dma source(%dma_start3A_95 : memref<128x256xf32, #tpu.memory_space<hbm>>) target(%arg10 : memref<128x256xf32, #tpu.memory_space<vmem>>) target_semaphore(%run_scoped3A : memref<!tpu.dma_semaphore, #tpu.memory_space<semaphore_mem>>)
      %dma_wait3A_96 = arith.constant 0 : i32
      %dma_wait3A_97 = tpu.memref_slice %arg4[%add3A_38, %dma_wait3A_96] : memref<16384x256xf32, #tpu.memory_space<hbm>> -> memref<128x256xf32, #tpu.memory_space<hbm>>
      %dma_wait3A_98 = arith.constant 0 : i32
      %dma_wait3A_99 = tpu.memref_slice %arg4[%add3A_38, %dma_wait3A_98] : memref<16384x256xf32, #tpu.memory_space<hbm>> -> memref<128x256xf32, #tpu.memory_space<hbm>>
      tpu.wait_dma2 semaphore(%run_scoped3A : memref<!tpu.dma_semaphore, #tpu.memory_space<semaphore_mem>>) src(%dma_wait3A_99 : memref<128x256xf32, #tpu.memory_space<hbm>>) dst(%arg10 : memref<128x256xf32, #tpu.memory_space<vmem>>)
      tpu.yield
    }) : () -> ()
    %dma_wait3A_39 = arith.constant 1 : i32
    %dma_wait3A_40 = arith.constant 0 : i32
    %dma_wait3A_41 = tpu.memref_slice %arg7[%dma_wait3A_39, %dma_wait3A_40] : memref<4x128xi32, #tpu.memory_space<vmem>> -> memref<1x128xi32, #tpu.memory_space<vmem>>
    %dma_wait3A_42 = tpu.memref_squeeze %dma_wait3A_41 : memref<1x128xi32, #tpu.memory_space<vmem>> -> memref<128xi32, #tpu.memory_space<vmem>>
    %dma_wait3A_43 = arith.constant 0 : i32
    %dma_wait3A_44 = arith.constant 0 : i32
    %dma_wait3A_45 = tpu.memref_slice %arg2[%dma_wait3A_43, %dma_wait3A_44] : memref<8192x256xf32, #tpu.memory_space<hbm>> -> memref<8192x256xf32, #tpu.memory_space<hbm>>
    tpu.wait_indirect_dma semaphore(%arg13 : memref<!tpu.dma_semaphore, #tpu.memory_space<semaphore_mem>>) src(%dma_wait3A_45 : memref<8192x256xf32, #tpu.memory_space<hbm>>) dst(%arg9 : memref<128x256xf32, #tpu.memory_space<vmem>>)
    %scan3A_46 = arith.constant 0 : i32
    %scan3A_47 = arith.constant 128 : i32
    %scan3A_48 = arith.addi %scan3A_46, %scan3A_47 : i32
    %scan3A_49 = arith.constant 1 : i32
    %scan3A_50 = scf.for %scan3A_92 = %scan3A_46 to %scan3A_48 step %scan3A_49 iter_args(%scan3A_93 = %scan3A_28) -> (vector<16xf32>)  : i32 {
      %get3A = arith.index_cast %scan3A_92 : i32 to index
      %get3A_94 = arith.constant 0 : index
      %get3A_95 = tpu.vector_load %arg9[%get3A, %get3A_94] {strides = array<i32>} : memref<128x256xf32, #tpu.memory_space<vmem>>, vector<1x16xf32>,
      %get3A_96 = vector.shape_cast %get3A_95 : vector<1x16xf32> to vector<16xf32>
      %get3A_97 = arith.index_cast %scan3A_92 : i32 to index
      %get3A_98 = arith.constant 0 : index
      %get3A_99 = tpu.vector_load %arg10[%get3A_97, %get3A_98] {strides = array<i32>} : memref<128x256xf32, #tpu.memory_space<vmem>>, vector<1x16xf32>,
      %get3A_100 = vector.shape_cast %get3A_99 : vector<1x16xf32> to vector<16xf32>
      %sub3A = arith.subf %get3A_96, %get3A_100 : vector<16xf32>
      %mul3A_101 = arith.mulf %sub3A, %sub3A : vector<16xf32>
      %add3A_102 = arith.addf %scan3A_93, %mul3A_101 : vector<16xf32>
      %add3A_103 = arith.addf %get3A_100, %sub3A : vector<16xf32>
      %swap3A_104 = arith.index_cast %scan3A_92 : i32 to index
      %swap3A_105 = arith.constant 0 : index
      %swap3A_106 = tpu.vector_load %arg9[%swap3A_104, %swap3A_105] {strides = array<i32>} : memref<128x256xf32, #tpu.memory_space<vmem>>, vector<1x16xf32>,
      %swap3A_107 = vector.shape_cast %swap3A_106 : vector<1x16xf32> to vector<16xf32>
      %swap3A_108 = vector.shape_cast %add3A_103 : vector<16xf32> to vector<1x16xf32>
      tpu.vector_store %arg9[%swap3A_104, %swap3A_105], %swap3A_108 {strides = array<i32>} : memref<128x256xf32, #tpu.memory_space<vmem>>, vector<1x16xf32>,
      %get3A_109 = arith.index_cast %scan3A_92 : i32 to index
      %get3A_110 = arith.constant 16 : index
      %get3A_111 = tpu.vector_load %arg9[%get3A_109, %get3A_110] {strides = array<i32>} : memref<128x256xf32, #tpu.memory_space<vmem>>, vector<1x16xf32>,
      %get3A_112 = vector.shape_cast %get3A_111 : vector<1x16xf32> to vector<16xf32>
      %get3A_113 = arith.index_cast %scan3A_92 : i32 to index
      %get3A_114 = arith.constant 16 : index
      %get3A_115 = tpu.vector_load %arg10[%get3A_113, %get3A_114] {strides = array<i32>} : memref<128x256xf32, #tpu.memory_space<vmem>>, vector<1x16xf32>,
      %get3A_116 = vector.shape_cast %get3A_115 : vector<1x16xf32> to vector<16xf32>
      %sub3A_117 = arith.subf %get3A_112, %get3A_116 : vector<16xf32>
      %mul3A_118 = arith.mulf %sub3A_117, %sub3A_117 : vector<16xf32>
      %add3A_119 = arith.addf %add3A_102, %mul3A_118 : vector<16xf32>
      %add3A_120 = arith.addf %get3A_116, %sub3A_117 : vector<16xf32>
      %swap3A_121 = arith.index_cast %scan3A_92 : i32 to index
      %swap3A_122 = arith.constant 16 : index
      %swap3A_123 = tpu.vector_load %arg9[%swap3A_121, %swap3A_122] {strides = array<i32>} : memref<128x256xf32, #tpu.memory_space<vmem>>, vector<1x16xf32>,
      %swap3A_124 = vector.shape_cast %swap3A_123 : vector<1x16xf32> to vector<16xf32>
      %swap3A_125 = vector.shape_cast %add3A_120 : vector<16xf32> to vector<1x16xf32>
      tpu.vector_store %arg9[%swap3A_121, %swap3A_122], %swap3A_125 {strides = array<i32>} : memref<128x256xf32, #tpu.memory_space<vmem>>, vector<1x16xf32>,
      %get3A_126 = arith.index_cast %scan3A_92 : i32 to index
      %get3A_127 = arith.constant 32 : index
      %get3A_128 = tpu.vector_load %arg9[%get3A_126, %get3A_127] {strides = array<i32>} : memref<128x256xf32, #tpu.memory_space<vmem>>, vector<1x16xf32>,
      %get3A_129 = vector.shape_cast %get3A_128 : vector<1x16xf32> to vector<16xf32>
      %get3A_130 = arith.index_cast %scan3A_92 : i32 to index
      %get3A_131 = arith.constant 32 : index
      %get3A_132 = tpu.vector_load %arg10[%get3A_130, %get3A_131] {strides = array<i32>} : memref<128x256xf32, #tpu.memory_space<vmem>>, vector<1x16xf32>,
      %get3A_133 = vector.shape_cast %get3A_132 : vector<1x16xf32> to vector<16xf32>
      %sub3A_134 = arith.subf %get3A_129, %get3A_133 : vector<16xf32>
      %mul3A_135 = arith.mulf %sub3A_134, %sub3A_134 : vector<16xf32>
      %add3A_136 = arith.addf %add3A_119, %mul3A_135 : vector<16xf32>
      %add3A_137 = arith.addf %get3A_133, %sub3A_134 : vector<16xf32>
      %swap3A_138 = arith.index_cast %scan3A_92 : i32 to index
      %swap3A_139 = arith.constant 32 : index
      %swap3A_140 = tpu.vector_load %arg9[%swap3A_138, %swap3A_139] {strides = array<i32>} : memref<128x256xf32, #tpu.memory_space<vmem>>, vector<1x16xf32>,
      %swap3A_141 = vector.shape_cast %swap3A_140 : vector<1x16xf32> to vector<16xf32>
      %swap3A_142 = vector.shape_cast %add3A_137 : vector<16xf32> to vector<1x16xf32>
      tpu.vector_store %arg9[%swap3A_138, %swap3A_139], %swap3A_142 {strides = array<i32>} : memref<128x256xf32, #tpu.memory_space<vmem>>, vector<1x16xf32>,
      %get3A_143 = arith.index_cast %scan3A_92 : i32 to index
      %get3A_144 = arith.constant 48 : index
      %get3A_145 = tpu.vector_load %arg9[%get3A_143, %get3A_144] {strides = array<i32>} : memref<128x256xf32, #tpu.memory_space<vmem>>, vector<1x16xf32>,
      %get3A_146 = vector.shape_cast %get3A_145 : vector<1x16xf32> to vector<16xf32>
      %get3A_147 = arith.index_cast %scan3A_92 : i32 to index
      %get3A_148 = arith.constant 48 : index
      %get3A_149 = tpu.vector_load %arg10[%get3A_147, %get3A_148] {strides = array<i32>} : memref<128x256xf32, #tpu.memory_space<vmem>>, vector<1x16xf32>,
      %get3A_150 = vector.shape_cast %get3A_149 : vector<1x16xf32> to vector<16xf32>
      %sub3A_151 = arith.subf %get3A_146, %get3A_150 : vector<16xf32>
      %mul3A_152 = arith.mulf %sub3A_151, %sub3A_151 : vector<16xf32>
      %add3A_153 = arith.addf %add3A_136, %mul3A_152 : vector<16xf32>
      %add3A_154 = arith.addf %get3A_150, %sub3A_151 : vector<16xf32>
      %swap3A_155 = arith.index_cast %scan3A_92 : i32 to index
      %swap3A_156 = arith.constant 48 : index
      %swap3A_157 = tpu.vector_load %arg9[%swap3A_155, %swap3A_156] {strides = array<i32>} : memref<128x256xf32, #tpu.memory_space<vmem>>, vector<1x16xf32>,
      %swap3A_158 = vector.shape_cast %swap3A_157 : vector<1x16xf32> to vector<16xf32>
      %swap3A_159 = vector.shape_cast %add3A_154 : vector<16xf32> to vector<1x16xf32>
      tpu.vector_store %arg9[%swap3A_155, %swap3A_156], %swap3A_159 {strides = array<i32>} : memref<128x256xf32, #tpu.memory_space<vmem>>, vector<1x16xf32>,
      %get3A_160 = arith.index_cast %scan3A_92 : i32 to index
      %get3A_161 = arith.constant 64 : index
      %get3A_162 = tpu.vector_load %arg9[%get3A_160, %get3A_161] {strides = array<i32>} : memref<128x256xf32, #tpu.memory_space<vmem>>, vector<1x16xf32>,
      %get3A_163 = vector.shape_cast %get3A_162 : vector<1x16xf32> to vector<16xf32>
      %get3A_164 = arith.index_cast %scan3A_92 : i32 to index
      %get3A_165 = arith.constant 64 : index
      %get3A_166 = tpu.vector_load %arg10[%get3A_164, %get3A_165] {strides = array<i32>} : memref<128x256xf32, #tpu.memory_space<vmem>>, vector<1x16xf32>,
      %get3A_167 = vector.shape_cast %get3A_166 : vector<1x16xf32> to vector<16xf32>
      %sub3A_168 = arith.subf %get3A_163, %get3A_167 : vector<16xf32>
      %mul3A_169 = arith.mulf %sub3A_168, %sub3A_168 : vector<16xf32>
      %add3A_170 = arith.addf %add3A_153, %mul3A_169 : vector<16xf32>
      %add3A_171 = arith.addf %get3A_167, %sub3A_168 : vector<16xf32>
      %swap3A_172 = arith.index_cast %scan3A_92 : i32 to index
      %swap3A_173 = arith.constant 64 : index
      %swap3A_174 = tpu.vector_load %arg9[%swap3A_172, %swap3A_173] {strides = array<i32>} : memref<128x256xf32, #tpu.memory_space<vmem>>, vector<1x16xf32>,
      %swap3A_175 = vector.shape_cast %swap3A_174 : vector<1x16xf32> to vector<16xf32>
      %swap3A_176 = vector.shape_cast %add3A_171 : vector<16xf32> to vector<1x16xf32>
      tpu.vector_store %arg9[%swap3A_172, %swap3A_173], %swap3A_176 {strides = array<i32>} : memref<128x256xf32, #tpu.memory_space<vmem>>, vector<1x16xf32>,
      %get3A_177 = arith.index_cast %scan3A_92 : i32 to index
      %get3A_178 = arith.constant 80 : index
      %get3A_179 = tpu.vector_load %arg9[%get3A_177, %get3A_178] {strides = array<i32>} : memref<128x256xf32, #tpu.memory_space<vmem>>, vector<1x16xf32>,
      %get3A_180 = vector.shape_cast %get3A_179 : vector<1x16xf32> to vector<16xf32>
      %get3A_181 = arith.index_cast %scan3A_92 : i32 to index
      %get3A_182 = arith.constant 80 : index
      %get3A_183 = tpu.vector_load %arg10[%get3A_181, %get3A_182] {strides = array<i32>} : memref<128x256xf32, #tpu.memory_space<vmem>>, vector<1x16xf32>,
      %get3A_184 = vector.shape_cast %get3A_183 : vector<1x16xf32> to vector<16xf32>
      %sub3A_185 = arith.subf %get3A_180, %get3A_184 : vector<16xf32>
      %mul3A_186 = arith.mulf %sub3A_185, %sub3A_185 : vector<16xf32>
      %add3A_187 = arith.addf %add3A_170, %mul3A_186 : vector<16xf32>
      %add3A_188 = arith.addf %get3A_184, %sub3A_185 : vector<16xf32>
      %swap3A_189 = arith.index_cast %scan3A_92 : i32 to index
      %swap3A_190 = arith.constant 80 : index
      %swap3A_191 = tpu.vector_load %arg9[%swap3A_189, %swap3A_190] {strides = array<i32>} : memref<128x256xf32, #tpu.memory_space<vmem>>, vector<1x16xf32>,
      %swap3A_192 = vector.shape_cast %swap3A_191 : vector<1x16xf32> to vector<16xf32>
      %swap3A_193 = vector.shape_cast %add3A_188 : vector<16xf32> to vector<1x16xf32>
      tpu.vector_store %arg9[%swap3A_189, %swap3A_190], %swap3A_193 {strides = array<i32>} : memref<128x256xf32, #tpu.memory_space<vmem>>, vector<1x16xf32>,
      %get3A_194 = arith.index_cast %scan3A_92 : i32 to index
      %get3A_195 = arith.constant 96 : index
      %get3A_196 = tpu.vector_load %arg9[%get3A_194, %get3A_195] {strides = array<i32>} : memref<128x256xf32, #tpu.memory_space<vmem>>, vector<1x16xf32>,
      %get3A_197 = vector.shape_cast %get3A_196 : vector<1x16xf32> to vector<16xf32>
      %get3A_198 = arith.index_cast %scan3A_92 : i32 to index
      %get3A_199 = arith.constant 96 : index
      %get3A_200 = tpu.vector_load %arg10[%get3A_198, %get3A_199] {strides = array<i32>} : memref<128x256xf32, #tpu.memory_space<vmem>>, vector<1x16xf32>,
      %get3A_201 = vector.shape_cast %get3A_200 : vector<1x16xf32> to vector<16xf32>
      %sub3A_202 = arith.subf %get3A_197, %get3A_201 : vector<16xf32>
      %mul3A_203 = arith.mulf %sub3A_202, %sub3A_202 : vector<16xf32>
      %add3A_204 = arith.addf %add3A_187, %mul3A_203 : vector<16xf32>
      %add3A_205 = arith.addf %get3A_201, %sub3A_202 : vector<16xf32>
      %swap3A_206 = arith.index_cast %scan3A_92 : i32 to index
      %swap3A_207 = arith.constant 96 : index
      %swap3A_208 = tpu.vector_load %arg9[%swap3A_206, %swap3A_207] {strides = array<i32>} : memref<128x256xf32, #tpu.memory_space<vmem>>, vector<1x16xf32>,
      %swap3A_209 = vector.shape_cast %swap3A_208 : vector<1x16xf32> to vector<16xf32>
      %swap3A_210 = vector.shape_cast %add3A_205 : vector<16xf32> to vector<1x16xf32>
      tpu.vector_store %arg9[%swap3A_206, %swap3A_207], %swap3A_210 {strides = array<i32>} : memref<128x256xf32, #tpu.memory_space<vmem>>, vector<1x16xf32>,
      %get3A_211 = arith.index_cast %scan3A_92 : i32 to index
      %get3A_212 = arith.constant 112 : index
      %get3A_213 = tpu.vector_load %arg9[%get3A_211, %get3A_212] {strides = array<i32>} : memref<128x256xf32, #tpu.memory_space<vmem>>, vector<1x16xf32>,
      %get3A_214 = vector.shape_cast %get3A_213 : vector<1x16xf32> to vector<16xf32>
      %get3A_215 = arith.index_cast %scan3A_92 : i32 to index
      %get3A_216 = arith.constant 112 : index
      %get3A_217 = tpu.vector_load %arg10[%get3A_215, %get3A_216] {strides = array<i32>} : memref<128x256xf32, #tpu.memory_space<vmem>>, vector<1x16xf32>,
      %get3A_218 = vector.shape_cast %get3A_217 : vector<1x16xf32> to vector<16xf32>
      %sub3A_219 = arith.subf %get3A_214, %get3A_218 : vector<16xf32>
      %mul3A_220 = arith.mulf %sub3A_219, %sub3A_219 : vector<16xf32>
      %add3A_221 = arith.addf %add3A_204, %mul3A_220 : vector<16xf32>
      %add3A_222 = arith.addf %get3A_218, %sub3A_219 : vector<16xf32>
      %swap3A_223 = arith.index_cast %scan3A_92 : i32 to index
      %swap3A_224 = arith.constant 112 : index
      %swap3A_225 = tpu.vector_load %arg9[%swap3A_223, %swap3A_224] {strides = array<i32>} : memref<128x256xf32, #tpu.memory_space<vmem>>, vector<1x16xf32>,
      %swap3A_226 = vector.shape_cast %swap3A_225 : vector<1x16xf32> to vector<16xf32>
      %swap3A_227 = vector.shape_cast %add3A_222 : vector<16xf32> to vector<1x16xf32>
      tpu.vector_store %arg9[%swap3A_223, %swap3A_224], %swap3A_227 {strides = array<i32>} : memref<128x256xf32, #tpu.memory_space<vmem>>, vector<1x16xf32>,
      %get3A_228 = arith.index_cast %scan3A_92 : i32 to index
      %get3A_229 = arith.constant 128 : index
      %get3A_230 = tpu.vector_load %arg9[%get3A_228, %get3A_229] {strides = array<i32>} : memref<128x256xf32, #tpu.memory_space<vmem>>, vector<1x16xf32>,
      %get3A_231 = vector.shape_cast %get3A_230 : vector<1x16xf32> to vector<16xf32>
      %get3A_232 = arith.index_cast %scan3A_92 : i32 to index
      %get3A_233 = arith.constant 128 : index
      %get3A_234 = tpu.vector_load %arg10[%get3A_232, %get3A_233] {strides = array<i32>} : memref<128x256xf32, #tpu.memory_space<vmem>>, vector<1x16xf32>,
      %get3A_235 = vector.shape_cast %get3A_234 : vector<1x16xf32> to vector<16xf32>
      %sub3A_236 = arith.subf %get3A_231, %get3A_235 : vector<16xf32>
      %mul3A_237 = arith.mulf %sub3A_236, %sub3A_236 : vector<16xf32>
      %add3A_238 = arith.addf %add3A_221, %mul3A_237 : vector<16xf32>
      %add3A_239 = arith.addf %get3A_235, %sub3A_236 : vector<16xf32>
      %swap3A_240 = arith.index_cast %scan3A_92 : i32 to index
      %swap3A_241 = arith.constant 128 : index
      %swap3A_242 = tpu.vector_load %arg9[%swap3A_240, %swap3A_241] {strides = array<i32>} : memref<128x256xf32, #tpu.memory_space<vmem>>, vector<1x16xf32>,
      %swap3A_243 = vector.shape_cast %swap3A_242 : vector<1x16xf32> to vector<16xf32>
      %swap3A_244 = vector.shape_cast %add3A_239 : vector<16xf32> to vector<1x16xf32>
      tpu.vector_store %arg9[%swap3A_240, %swap3A_241], %swap3A_244 {strides = array<i32>} : memref<128x256xf32, #tpu.memory_space<vmem>>, vector<1x16xf32>,
      %get3A_245 = arith.index_cast %scan3A_92 : i32 to index
      %get3A_246 = arith.constant 144 : index
      %get3A_247 = tpu.vector_load %arg9[%get3A_245, %get3A_246] {strides = array<i32>} : memref<128x256xf32, #tpu.memory_space<vmem>>, vector<1x16xf32>,
      %get3A_248 = vector.shape_cast %get3A_247 : vector<1x16xf32> to vector<16xf32>
      %get3A_249 = arith.index_cast %scan3A_92 : i32 to index
      %get3A_250 = arith.constant 144 : index
      %get3A_251 = tpu.vector_load %arg10[%get3A_249, %get3A_250] {strides = array<i32>} : memref<128x256xf32, #tpu.memory_space<vmem>>, vector<1x16xf32>,
      %get3A_252 = vector.shape_cast %get3A_251 : vector<1x16xf32> to vector<16xf32>
      %sub3A_253 = arith.subf %get3A_248, %get3A_252 : vector<16xf32>
      %mul3A_254 = arith.mulf %sub3A_253, %sub3A_253 : vector<16xf32>
      %add3A_255 = arith.addf %add3A_238, %mul3A_254 : vector<16xf32>
      %add3A_256 = arith.addf %get3A_252, %sub3A_253 : vector<16xf32>
      %swap3A_257 = arith.index_cast %scan3A_92 : i32 to index
      %swap3A_258 = arith.constant 144 : index
      %swap3A_259 = tpu.vector_load %arg9[%swap3A_257, %swap3A_258] {strides = array<i32>} : memref<128x256xf32, #tpu.memory_space<vmem>>, vector<1x16xf32>,
      %swap3A_260 = vector.shape_cast %swap3A_259 : vector<1x16xf32> to vector<16xf32>
      %swap3A_261 = vector.shape_cast %add3A_256 : vector<16xf32> to vector<1x16xf32>
      tpu.vector_store %arg9[%swap3A_257, %swap3A_258], %swap3A_261 {strides = array<i32>} : memref<128x256xf32, #tpu.memory_space<vmem>>, vector<1x16xf32>,
      %get3A_262 = arith.index_cast %scan3A_92 : i32 to index
      %get3A_263 = arith.constant 160 : index
      %get3A_264 = tpu.vector_load %arg9[%get3A_262, %get3A_263] {strides = array<i32>} : memref<128x256xf32, #tpu.memory_space<vmem>>, vector<1x16xf32>,
      %get3A_265 = vector.shape_cast %get3A_264 : vector<1x16xf32> to vector<16xf32>
      %get3A_266 = arith.index_cast %scan3A_92 : i32 to index
      %get3A_267 = arith.constant 160 : index
      %get3A_268 = tpu.vector_load %arg10[%get3A_266, %get3A_267] {strides = array<i32>} : memref<128x256xf32, #tpu.memory_space<vmem>>, vector<1x16xf32>,
      %get3A_269 = vector.shape_cast %get3A_268 : vector<1x16xf32> to vector<16xf32>
      %sub3A_270 = arith.subf %get3A_265, %get3A_269 : vector<16xf32>
      %mul3A_271 = arith.mulf %sub3A_270, %sub3A_270 : vector<16xf32>
      %add3A_272 = arith.addf %add3A_255, %mul3A_271 : vector<16xf32>
      %add3A_273 = arith.addf %get3A_269, %sub3A_270 : vector<16xf32>
      %swap3A_274 = arith.index_cast %scan3A_92 : i32 to index
      %swap3A_275 = arith.constant 160 : index
      %swap3A_276 = tpu.vector_load %arg9[%swap3A_274, %swap3A_275] {strides = array<i32>} : memref<128x256xf32, #tpu.memory_space<vmem>>, vector<1x16xf32>,
      %swap3A_277 = vector.shape_cast %swap3A_276 : vector<1x16xf32> to vector<16xf32>
      %swap3A_278 = vector.shape_cast %add3A_273 : vector<16xf32> to vector<1x16xf32>
      tpu.vector_store %arg9[%swap3A_274, %swap3A_275], %swap3A_278 {strides = array<i32>} : memref<128x256xf32, #tpu.memory_space<vmem>>, vector<1x16xf32>,
      %get3A_279 = arith.index_cast %scan3A_92 : i32 to index
      %get3A_280 = arith.constant 176 : index
      %get3A_281 = tpu.vector_load %arg9[%get3A_279, %get3A_280] {strides = array<i32>} : memref<128x256xf32, #tpu.memory_space<vmem>>, vector<1x16xf32>,
      %get3A_282 = vector.shape_cast %get3A_281 : vector<1x16xf32> to vector<16xf32>
      %get3A_283 = arith.index_cast %scan3A_92 : i32 to index
      %get3A_284 = arith.constant 176 : index
      %get3A_285 = tpu.vector_load %arg10[%get3A_283, %get3A_284] {strides = array<i32>} : memref<128x256xf32, #tpu.memory_space<vmem>>, vector<1x16xf32>,
      %get3A_286 = vector.shape_cast %get3A_285 : vector<1x16xf32> to vector<16xf32>
      %sub3A_287 = arith.subf %get3A_282, %get3A_286 : vector<16xf32>
      %mul3A_288 = arith.mulf %sub3A_287, %sub3A_287 : vector<16xf32>
      %add3A_289 = arith.addf %add3A_272, %mul3A_288 : vector<16xf32>
      %add3A_290 = arith.addf %get3A_286, %sub3A_287 : vector<16xf32>
      %swap3A_291 = arith.index_cast %scan3A_92 : i32 to index
      %swap3A_292 = arith.constant 176 : index
      %swap3A_293 = tpu.vector_load %arg9[%swap3A_291, %swap3A_292] {strides = array<i32>} : memref<128x256xf32, #tpu.memory_space<vmem>>, vector<1x16xf32>,
      %swap3A_294 = vector.shape_cast %swap3A_293 : vector<1x16xf32> to vector<16xf32>
      %swap3A_295 = vector.shape_cast %add3A_290 : vector<16xf32> to vector<1x16xf32>
      tpu.vector_store %arg9[%swap3A_291, %swap3A_292], %swap3A_295 {strides = array<i32>} : memref<128x256xf32, #tpu.memory_space<vmem>>, vector<1x16xf32>,
      %get3A_296 = arith.index_cast %scan3A_92 : i32 to index
      %get3A_297 = arith.constant 192 : index
      %get3A_298 = tpu.vector_load %arg9[%get3A_296, %get3A_297] {strides = array<i32>} : memref<128x256xf32, #tpu.memory_space<vmem>>, vector<1x16xf32>,
      %get3A_299 = vector.shape_cast %get3A_298 : vector<1x16xf32> to vector<16xf32>
      %get3A_300 = arith.index_cast %scan3A_92 : i32 to index
      %get3A_301 = arith.constant 192 : index
      %get3A_302 = tpu.vector_load %arg10[%get3A_300, %get3A_301] {strides = array<i32>} : memref<128x256xf32, #tpu.memory_space<vmem>>, vector<1x16xf32>,
      %get3A_303 = vector.shape_cast %get3A_302 : vector<1x16xf32> to vector<16xf32>
      %sub3A_304 = arith.subf %get3A_299, %get3A_303 : vector<16xf32>
      %mul3A_305 = arith.mulf %sub3A_304, %sub3A_304 : vector<16xf32>
      %add3A_306 = arith.addf %add3A_289, %mul3A_305 : vector<16xf32>
      %add3A_307 = arith.addf %get3A_303, %sub3A_304 : vector<16xf32>
      %swap3A_308 = arith.index_cast %scan3A_92 : i32 to index
      %swap3A_309 = arith.constant 192 : index
      %swap3A_310 = tpu.vector_load %arg9[%swap3A_308, %swap3A_309] {strides = array<i32>} : memref<128x256xf32, #tpu.memory_space<vmem>>, vector<1x16xf32>,
      %swap3A_311 = vector.shape_cast %swap3A_310 : vector<1x16xf32> to vector<16xf32>
      %swap3A_312 = vector.shape_cast %add3A_307 : vector<16xf32> to vector<1x16xf32>
      tpu.vector_store %arg9[%swap3A_308, %swap3A_309], %swap3A_312 {strides = array<i32>} : memref<128x256xf32, #tpu.memory_space<vmem>>, vector<1x16xf32>,
      %get3A_313 = arith.index_cast %scan3A_92 : i32 to index
      %get3A_314 = arith.constant 208 : index
      %get3A_315 = tpu.vector_load %arg9[%get3A_313, %get3A_314] {strides = array<i32>} : memref<128x256xf32, #tpu.memory_space<vmem>>, vector<1x16xf32>,
      %get3A_316 = vector.shape_cast %get3A_315 : vector<1x16xf32> to vector<16xf32>
      %get3A_317 = arith.index_cast %scan3A_92 : i32 to index
      %get3A_318 = arith.constant 208 : index
      %get3A_319 = tpu.vector_load %arg10[%get3A_317, %get3A_318] {strides = array<i32>} : memref<128x256xf32, #tpu.memory_space<vmem>>, vector<1x16xf32>,
      %get3A_320 = vector.shape_cast %get3A_319 : vector<1x16xf32> to vector<16xf32>
      %sub3A_321 = arith.subf %get3A_316, %get3A_320 : vector<16xf32>
      %mul3A_322 = arith.mulf %sub3A_321, %sub3A_321 : vector<16xf32>
      %add3A_323 = arith.addf %add3A_306, %mul3A_322 : vector<16xf32>
      %add3A_324 = arith.addf %get3A_320, %sub3A_321 : vector<16xf32>
      %swap3A_325 = arith.index_cast %scan3A_92 : i32 to index
      %swap3A_326 = arith.constant 208 : index
      %swap3A_327 = tpu.vector_load %arg9[%swap3A_325, %swap3A_326] {strides = array<i32>} : memref<128x256xf32, #tpu.memory_space<vmem>>, vector<1x16xf32>,
      %swap3A_328 = vector.shape_cast %swap3A_327 : vector<1x16xf32> to vector<16xf32>
      %swap3A_329 = vector.shape_cast %add3A_324 : vector<16xf32> to vector<1x16xf32>
      tpu.vector_store %arg9[%swap3A_325, %swap3A_326], %swap3A_329 {strides = array<i32>} : memref<128x256xf32, #tpu.memory_space<vmem>>, vector<1x16xf32>,
      %get3A_330 = arith.index_cast %scan3A_92 : i32 to index
      %get3A_331 = arith.constant 224 : index
      %get3A_332 = tpu.vector_load %arg9[%get3A_330, %get3A_331] {strides = array<i32>} : memref<128x256xf32, #tpu.memory_space<vmem>>, vector<1x16xf32>,
      %get3A_333 = vector.shape_cast %get3A_332 : vector<1x16xf32> to vector<16xf32>
      %get3A_334 = arith.index_cast %scan3A_92 : i32 to index
      %get3A_335 = arith.constant 224 : index
      %get3A_336 = tpu.vector_load %arg10[%get3A_334, %get3A_335] {strides = array<i32>} : memref<128x256xf32, #tpu.memory_space<vmem>>, vector<1x16xf32>,
      %get3A_337 = vector.shape_cast %get3A_336 : vector<1x16xf32> to vector<16xf32>
      %sub3A_338 = arith.subf %get3A_333, %get3A_337 : vector<16xf32>
      %mul3A_339 = arith.mulf %sub3A_338, %sub3A_338 : vector<16xf32>
      %add3A_340 = arith.addf %add3A_323, %mul3A_339 : vector<16xf32>
      %add3A_341 = arith.addf %get3A_337, %sub3A_338 : vector<16xf32>
      %swap3A_342 = arith.index_cast %scan3A_92 : i32 to index
      %swap3A_343 = arith.constant 224 : index
      %swap3A_344 = tpu.vector_load %arg9[%swap3A_342, %swap3A_343] {strides = array<i32>} : memref<128x256xf32, #tpu.memory_space<vmem>>, vector<1x16xf32>,
      %swap3A_345 = vector.shape_cast %swap3A_344 : vector<1x16xf32> to vector<16xf32>
      %swap3A_346 = vector.shape_cast %add3A_341 : vector<16xf32> to vector<1x16xf32>
      tpu.vector_store %arg9[%swap3A_342, %swap3A_343], %swap3A_346 {strides = array<i32>} : memref<128x256xf32, #tpu.memory_space<vmem>>, vector<1x16xf32>,
      %get3A_347 = arith.index_cast %scan3A_92 : i32 to index
      %get3A_348 = arith.constant 240 : index
      %get3A_349 = tpu.vector_load %arg9[%get3A_347, %get3A_348] {strides = array<i32>} : memref<128x256xf32, #tpu.memory_space<vmem>>, vector<1x16xf32>,
      %get3A_350 = vector.shape_cast %get3A_349 : vector<1x16xf32> to vector<16xf32>
      %get3A_351 = arith.index_cast %scan3A_92 : i32 to index
      %get3A_352 = arith.constant 240 : index
      %get3A_353 = tpu.vector_load %arg10[%get3A_351, %get3A_352] {strides = array<i32>} : memref<128x256xf32, #tpu.memory_space<vmem>>, vector<1x16xf32>,
      %get3A_354 = vector.shape_cast %get3A_353 : vector<1x16xf32> to vector<16xf32>
      %sub3A_355 = arith.subf %get3A_350, %get3A_354 : vector<16xf32>
      %mul3A_356 = arith.mulf %sub3A_355, %sub3A_355 : vector<16xf32>
      %add3A_357 = arith.addf %add3A_340, %mul3A_356 : vector<16xf32>
      %add3A_358 = arith.addf %get3A_354, %sub3A_355 : vector<16xf32>
      %swap3A_359 = arith.index_cast %scan3A_92 : i32 to index
      %swap3A_360 = arith.constant 240 : index
      %swap3A_361 = tpu.vector_load %arg9[%swap3A_359, %swap3A_360] {strides = array<i32>} : memref<128x256xf32, #tpu.memory_space<vmem>>, vector<1x16xf32>,
      %swap3A_362 = vector.shape_cast %swap3A_361 : vector<1x16xf32> to vector<16xf32>
      %swap3A_363 = vector.shape_cast %add3A_358 : vector<16xf32> to vector<1x16xf32>
      tpu.vector_store %arg9[%swap3A_359, %swap3A_360], %swap3A_363 {strides = array<i32>} : memref<128x256xf32, #tpu.memory_space<vmem>>, vector<1x16xf32>,
      scf.yield %add3A_357 : vector<16xf32>
    }
    %scan3A_51 = arith.constant 128 : i32
    "tpu.region"() ({
      %run_scoped3A = tpu.sem_alloc : memref<!tpu.dma_semaphore, #tpu.memory_space<semaphore_mem>>
      %dma_start3A_92 = arith.constant 0 : i32
      %dma_start3A_93 = tpu.memref_slice %arg5[%add3A_38, %dma_start3A_92] : memref<16384x256xf32, #tpu.memory_space<hbm>> -> memref<128x256xf32, #tpu.memory_space<hbm>>
      %dma_start3A_94 = arith.constant 0 : i32
      %dma_start3A_95 = tpu.memref_slice %arg5[%add3A_38, %dma_start3A_94] : memref<16384x256xf32, #tpu.memory_space<hbm>> -> memref<128x256xf32, #tpu.memory_space<hbm>>
      tpu.enqueue_dma source(%arg9 : memref<128x256xf32, #tpu.memory_space<vmem>>) target(%dma_start3A_95 : memref<128x256xf32, #tpu.memory_space<hbm>>) target_semaphore(%run_scoped3A : memref<!tpu.dma_semaphore, #tpu.memory_space<semaphore_mem>>)
      %dma_wait3A_96 = arith.constant 0 : i32
      %dma_wait3A_97 = tpu.memref_slice %arg5[%add3A_38, %dma_wait3A_96] : memref<16384x256xf32, #tpu.memory_space<hbm>> -> memref<128x256xf32, #tpu.memory_space<hbm>>
      %dma_wait3A_98 = arith.constant 0 : i32
      %dma_wait3A_99 = tpu.memref_slice %arg5[%add3A_38, %dma_wait3A_98] : memref<16384x256xf32, #tpu.memory_space<hbm>> -> memref<128x256xf32, #tpu.memory_space<hbm>>
      tpu.wait_dma2 semaphore(%run_scoped3A : memref<!tpu.dma_semaphore, #tpu.memory_space<semaphore_mem>>) src(%arg9 : memref<128x256xf32, #tpu.memory_space<vmem>>) dst(%dma_wait3A_99 : memref<128x256xf32, #tpu.memory_space<hbm>>)
      tpu.yield
    }) : () -> ()
    %dma_start3A_52 = arith.constant 3 : i32
    %dma_start3A_53 = arith.constant 0 : i32
    %dma_start3A_54 = tpu.memref_slice %arg7[%dma_start3A_52, %dma_start3A_53] : memref<4x128xi32, #tpu.memory_space<vmem>> -> memref<1x128xi32, #tpu.memory_space<vmem>>
    %dma_start3A_55 = tpu.memref_squeeze %dma_start3A_54 : memref<1x128xi32, #tpu.memory_space<vmem>> -> memref<128xi32, #tpu.memory_space<vmem>>
    %dma_start3A_56 = arith.constant 0 : i32
    %dma_start3A_57 = arith.constant 0 : i32
    %dma_start3A_58 = tpu.memref_slice %arg2[%dma_start3A_56, %dma_start3A_57] : memref<8192x256xf32, #tpu.memory_space<hbm>> -> memref<8192x256xf32, #tpu.memory_space<hbm>>
    tpu.enqueue_indirect_dma source(%dma_start3A_58 : memref<8192x256xf32, #tpu.memory_space<hbm>>) target(%arg9 : memref<128x256xf32, #tpu.memory_space<vmem>>) offsets(%dma_start3A_55 : memref<128xi32, #tpu.memory_space<vmem>>) semaphore(%arg13 : memref<!tpu.dma_semaphore, #tpu.memory_space<semaphore_mem>>)
    %add3A_59 = arith.constant 256 : i32
    %add3A_60 = arith.addi %mul3A_2, %add3A_59 : i32
    "tpu.region"() ({
      %run_scoped3A = tpu.sem_alloc : memref<!tpu.dma_semaphore, #tpu.memory_space<semaphore_mem>>
      %dma_start3A_92 = arith.constant 0 : i32
      %dma_start3A_93 = tpu.memref_slice %arg4[%add3A_60, %dma_start3A_92] : memref<16384x256xf32, #tpu.memory_space<hbm>> -> memref<128x256xf32, #tpu.memory_space<hbm>>
      %dma_start3A_94 = arith.constant 0 : i32
      %dma_start3A_95 = tpu.memref_slice %arg4[%add3A_60, %dma_start3A_94] : memref<16384x256xf32, #tpu.memory_space<hbm>> -> memref<128x256xf32, #tpu.memory_space<hbm>>
      tpu.enqueue_dma source(%dma_start3A_95 : memref<128x256xf32, #tpu.memory_space<hbm>>) target(%arg10 : memref<128x256xf32, #tpu.memory_space<vmem>>) target_semaphore(%run_scoped3A : memref<!tpu.dma_semaphore, #tpu.memory_space<semaphore_mem>>)
      %dma_wait3A_96 = arith.constant 0 : i32
      %dma_wait3A_97 = tpu.memref_slice %arg4[%add3A_60, %dma_wait3A_96] : memref<16384x256xf32, #tpu.memory_space<hbm>> -> memref<128x256xf32, #tpu.memory_space<hbm>>
      %dma_wait3A_98 = arith.constant 0 : i32
      %dma_wait3A_99 = tpu.memref_slice %arg4[%add3A_60, %dma_wait3A_98] : memref<16384x256xf32, #tpu.memory_space<hbm>> -> memref<128x256xf32, #tpu.memory_space<hbm>>
      tpu.wait_dma2 semaphore(%run_scoped3A : memref<!tpu.dma_semaphore, #tpu.memory_space<semaphore_mem>>) src(%dma_wait3A_99 : memref<128x256xf32, #tpu.memory_space<hbm>>) dst(%arg10 : memref<128x256xf32, #tpu.memory_space<vmem>>)
      tpu.yield
    }) : () -> ()
    %dma_wait3A_61 = arith.constant 2 : i32
    %dma_wait3A_62 = arith.constant 0 : i32
    %dma_wait3A_63 = tpu.memref_slice %arg7[%dma_wait3A_61, %dma_wait3A_62] : memref<4x128xi32, #tpu.memory_space<vmem>> -> memref<1x128xi32, #tpu.memory_space<vmem>>
    %dma_wait3A_64 = tpu.memref_squeeze %dma_wait3A_63 : memref<1x128xi32, #tpu.memory_space<vmem>> -> memref<128xi32, #tpu.memory_space<vmem>>
    %dma_wait3A_65 = arith.constant 0 : i32
    %dma_wait3A_66 = arith.constant 0 : i32
    %dma_wait3A_67 = tpu.memref_slice %arg2[%dma_wait3A_65, %dma_wait3A_66] : memref<8192x256xf32, #tpu.memory_space<hbm>> -> memref<8192x256xf32, #tpu.memory_space<hbm>>
    tpu.wait_indirect_dma semaphore(%arg12 : memref<!tpu.dma_semaphore, #tpu.memory_space<semaphore_mem>>) src(%dma_wait3A_67 : memref<8192x256xf32, #tpu.memory_space<hbm>>) dst(%arg8 : memref<128x256xf32, #tpu.memory_space<vmem>>)
    %scan3A_68 = arith.constant 0 : i32
    %scan3A_69 = arith.constant 128 : i32
    %scan3A_70 = arith.addi %scan3A_68, %scan3A_69 : i32
    %scan3A_71 = arith.constant 1 : i32
    %scan3A_72 = scf.for %scan3A_92 = %scan3A_68 to %scan3A_70 step %scan3A_71 iter_args(%scan3A_93 = %scan3A_50) -> (vector<16xf32>)  : i32 {
      %get3A = arith.index_cast %scan3A_92 : i32 to index
      %get3A_94 = arith.constant 0 : index
      %get3A_95 = tpu.vector_load %arg8[%get3A, %get3A_94] {strides = array<i32>} : memref<128x256xf32, #tpu.memory_space<vmem>>, vector<1x16xf32>,
      %get3A_96 = vector.shape_cast %get3A_95 : vector<1x16xf32> to vector<16xf32>
      %get3A_97 = arith.index_cast %scan3A_92 : i32 to index
      %get3A_98 = arith.constant 0 : index
      %get3A_99 = tpu.vector_load %arg10[%get3A_97, %get3A_98] {strides = array<i32>} : memref<128x256xf32, #tpu.memory_space<vmem>>, vector<1x16xf32>,
      %get3A_100 = vector.shape_cast %get3A_99 : vector<1x16xf32> to vector<16xf32>
      %sub3A = arith.subf %get3A_96, %get3A_100 : vector<16xf32>
      %mul3A_101 = arith.mulf %sub3A, %sub3A : vector<16xf32>
      %add3A_102 = arith.addf %scan3A_93, %mul3A_101 : vector<16xf32>
      %add3A_103 = arith.addf %get3A_100, %sub3A : vector<16xf32>
      %swap3A_104 = arith.index_cast %scan3A_92 : i32 to index
      %swap3A_105 = arith.constant 0 : index
      %swap3A_106 = tpu.vector_load %arg8[%swap3A_104, %swap3A_105] {strides = array<i32>} : memref<128x256xf32, #tpu.memory_space<vmem>>, vector<1x16xf32>,
      %swap3A_107 = vector.shape_cast %swap3A_106 : vector<1x16xf32> to vector<16xf32>
      %swap3A_108 = vector.shape_cast %add3A_103 : vector<16xf32> to vector<1x16xf32>
      tpu.vector_store %arg8[%swap3A_104, %swap3A_105], %swap3A_108 {strides = array<i32>} : memref<128x256xf32, #tpu.memory_space<vmem>>, vector<1x16xf32>,
      %get3A_109 = arith.index_cast %scan3A_92 : i32 to index
      %get3A_110 = arith.constant 16 : index
      %get3A_111 = tpu.vector_load %arg8[%get3A_109, %get3A_110] {strides = array<i32>} : memref<128x256xf32, #tpu.memory_space<vmem>>, vector<1x16xf32>,
      %get3A_112 = vector.shape_cast %get3A_111 : vector<1x16xf32> to vector<16xf32>
      %get3A_113 = arith.index_cast %scan3A_92 : i32 to index
      %get3A_114 = arith.constant 16 : index
      %get3A_115 = tpu.vector_load %arg10[%get3A_113, %get3A_114] {strides = array<i32>} : memref<128x256xf32, #tpu.memory_space<vmem>>, vector<1x16xf32>,
      %get3A_116 = vector.shape_cast %get3A_115 : vector<1x16xf32> to vector<16xf32>
      %sub3A_117 = arith.subf %get3A_112, %get3A_116 : vector<16xf32>
      %mul3A_118 = arith.mulf %sub3A_117, %sub3A_117 : vector<16xf32>
      %add3A_119 = arith.addf %add3A_102, %mul3A_118 : vector<16xf32>
      %add3A_120 = arith.addf %get3A_116, %sub3A_117 : vector<16xf32>
      %swap3A_121 = arith.index_cast %scan3A_92 : i32 to index
      %swap3A_122 = arith.constant 16 : index
      %swap3A_123 = tpu.vector_load %arg8[%swap3A_121, %swap3A_122] {strides = array<i32>} : memref<128x256xf32, #tpu.memory_space<vmem>>, vector<1x16xf32>,
      %swap3A_124 = vector.shape_cast %swap3A_123 : vector<1x16xf32> to vector<16xf32>
      %swap3A_125 = vector.shape_cast %add3A_120 : vector<16xf32> to vector<1x16xf32>
      tpu.vector_store %arg8[%swap3A_121, %swap3A_122], %swap3A_125 {strides = array<i32>} : memref<128x256xf32, #tpu.memory_space<vmem>>, vector<1x16xf32>,
      %get3A_126 = arith.index_cast %scan3A_92 : i32 to index
      %get3A_127 = arith.constant 32 : index
      %get3A_128 = tpu.vector_load %arg8[%get3A_126, %get3A_127] {strides = array<i32>} : memref<128x256xf32, #tpu.memory_space<vmem>>, vector<1x16xf32>,
      %get3A_129 = vector.shape_cast %get3A_128 : vector<1x16xf32> to vector<16xf32>
      %get3A_130 = arith.index_cast %scan3A_92 : i32 to index
      %get3A_131 = arith.constant 32 : index
      %get3A_132 = tpu.vector_load %arg10[%get3A_130, %get3A_131] {strides = array<i32>} : memref<128x256xf32, #tpu.memory_space<vmem>>, vector<1x16xf32>,
      %get3A_133 = vector.shape_cast %get3A_132 : vector<1x16xf32> to vector<16xf32>
      %sub3A_134 = arith.subf %get3A_129, %get3A_133 : vector<16xf32>
      %mul3A_135 = arith.mulf %sub3A_134, %sub3A_134 : vector<16xf32>
      %add3A_136 = arith.addf %add3A_119, %mul3A_135 : vector<16xf32>
      %add3A_137 = arith.addf %get3A_133, %sub3A_134 : vector<16xf32>
      %swap3A_138 = arith.index_cast %scan3A_92 : i32 to index
      %swap3A_139 = arith.constant 32 : index
      %swap3A_140 = tpu.vector_load %arg8[%swap3A_138, %swap3A_139] {strides = array<i32>} : memref<128x256xf32, #tpu.memory_space<vmem>>, vector<1x16xf32>,
      %swap3A_141 = vector.shape_cast %swap3A_140 : vector<1x16xf32> to vector<16xf32>
      %swap3A_142 = vector.shape_cast %add3A_137 : vector<16xf32> to vector<1x16xf32>
      tpu.vector_store %arg8[%swap3A_138, %swap3A_139], %swap3A_142 {strides = array<i32>} : memref<128x256xf32, #tpu.memory_space<vmem>>, vector<1x16xf32>,
      %get3A_143 = arith.index_cast %scan3A_92 : i32 to index
      %get3A_144 = arith.constant 48 : index
      %get3A_145 = tpu.vector_load %arg8[%get3A_143, %get3A_144] {strides = array<i32>} : memref<128x256xf32, #tpu.memory_space<vmem>>, vector<1x16xf32>,
      %get3A_146 = vector.shape_cast %get3A_145 : vector<1x16xf32> to vector<16xf32>
      %get3A_147 = arith.index_cast %scan3A_92 : i32 to index
      %get3A_148 = arith.constant 48 : index
      %get3A_149 = tpu.vector_load %arg10[%get3A_147, %get3A_148] {strides = array<i32>} : memref<128x256xf32, #tpu.memory_space<vmem>>, vector<1x16xf32>,
      %get3A_150 = vector.shape_cast %get3A_149 : vector<1x16xf32> to vector<16xf32>
      %sub3A_151 = arith.subf %get3A_146, %get3A_150 : vector<16xf32>
      %mul3A_152 = arith.mulf %sub3A_151, %sub3A_151 : vector<16xf32>
      %add3A_153 = arith.addf %add3A_136, %mul3A_152 : vector<16xf32>
      %add3A_154 = arith.addf %get3A_150, %sub3A_151 : vector<16xf32>
      %swap3A_155 = arith.index_cast %scan3A_92 : i32 to index
      %swap3A_156 = arith.constant 48 : index
      %swap3A_157 = tpu.vector_load %arg8[%swap3A_155, %swap3A_156] {strides = array<i32>} : memref<128x256xf32, #tpu.memory_space<vmem>>, vector<1x16xf32>,
      %swap3A_158 = vector.shape_cast %swap3A_157 : vector<1x16xf32> to vector<16xf32>
      %swap3A_159 = vector.shape_cast %add3A_154 : vector<16xf32> to vector<1x16xf32>
      tpu.vector_store %arg8[%swap3A_155, %swap3A_156], %swap3A_159 {strides = array<i32>} : memref<128x256xf32, #tpu.memory_space<vmem>>, vector<1x16xf32>,
      %get3A_160 = arith.index_cast %scan3A_92 : i32 to index
      %get3A_161 = arith.constant 64 : index
      %get3A_162 = tpu.vector_load %arg8[%get3A_160, %get3A_161] {strides = array<i32>} : memref<128x256xf32, #tpu.memory_space<vmem>>, vector<1x16xf32>,
      %get3A_163 = vector.shape_cast %get3A_162 : vector<1x16xf32> to vector<16xf32>
      %get3A_164 = arith.index_cast %scan3A_92 : i32 to index
      %get3A_165 = arith.constant 64 : index
      %get3A_166 = tpu.vector_load %arg10[%get3A_164, %get3A_165] {strides = array<i32>} : memref<128x256xf32, #tpu.memory_space<vmem>>, vector<1x16xf32>,
      %get3A_167 = vector.shape_cast %get3A_166 : vector<1x16xf32> to vector<16xf32>
      %sub3A_168 = arith.subf %get3A_163, %get3A_167 : vector<16xf32>
      %mul3A_169 = arith.mulf %sub3A_168, %sub3A_168 : vector<16xf32>
      %add3A_170 = arith.addf %add3A_153, %mul3A_169 : vector<16xf32>
      %add3A_171 = arith.addf %get3A_167, %sub3A_168 : vector<16xf32>
      %swap3A_172 = arith.index_cast %scan3A_92 : i32 to index
      %swap3A_173 = arith.constant 64 : index
      %swap3A_174 = tpu.vector_load %arg8[%swap3A_172, %swap3A_173] {strides = array<i32>} : memref<128x256xf32, #tpu.memory_space<vmem>>, vector<1x16xf32>,
      %swap3A_175 = vector.shape_cast %swap3A_174 : vector<1x16xf32> to vector<16xf32>
      %swap3A_176 = vector.shape_cast %add3A_171 : vector<16xf32> to vector<1x16xf32>
      tpu.vector_store %arg8[%swap3A_172, %swap3A_173], %swap3A_176 {strides = array<i32>} : memref<128x256xf32, #tpu.memory_space<vmem>>, vector<1x16xf32>,
      %get3A_177 = arith.index_cast %scan3A_92 : i32 to index
      %get3A_178 = arith.constant 80 : index
      %get3A_179 = tpu.vector_load %arg8[%get3A_177, %get3A_178] {strides = array<i32>} : memref<128x256xf32, #tpu.memory_space<vmem>>, vector<1x16xf32>,
      %get3A_180 = vector.shape_cast %get3A_179 : vector<1x16xf32> to vector<16xf32>
      %get3A_181 = arith.index_cast %scan3A_92 : i32 to index
      %get3A_182 = arith.constant 80 : index
      %get3A_183 = tpu.vector_load %arg10[%get3A_181, %get3A_182] {strides = array<i32>} : memref<128x256xf32, #tpu.memory_space<vmem>>, vector<1x16xf32>,
      %get3A_184 = vector.shape_cast %get3A_183 : vector<1x16xf32> to vector<16xf32>
      %sub3A_185 = arith.subf %get3A_180, %get3A_184 : vector<16xf32>
      %mul3A_186 = arith.mulf %sub3A_185, %sub3A_185 : vector<16xf32>
      %add3A_187 = arith.addf %add3A_170, %mul3A_186 : vector<16xf32>
      %add3A_188 = arith.addf %get3A_184, %sub3A_185 : vector<16xf32>
      %swap3A_189 = arith.index_cast %scan3A_92 : i32 to index
      %swap3A_190 = arith.constant 80 : index
      %swap3A_191 = tpu.vector_load %arg8[%swap3A_189, %swap3A_190] {strides = array<i32>} : memref<128x256xf32, #tpu.memory_space<vmem>>, vector<1x16xf32>,
      %swap3A_192 = vector.shape_cast %swap3A_191 : vector<1x16xf32> to vector<16xf32>
      %swap3A_193 = vector.shape_cast %add3A_188 : vector<16xf32> to vector<1x16xf32>
      tpu.vector_store %arg8[%swap3A_189, %swap3A_190], %swap3A_193 {strides = array<i32>} : memref<128x256xf32, #tpu.memory_space<vmem>>, vector<1x16xf32>,
      %get3A_194 = arith.index_cast %scan3A_92 : i32 to index
      %get3A_195 = arith.constant 96 : index
      %get3A_196 = tpu.vector_load %arg8[%get3A_194, %get3A_195] {strides = array<i32>} : memref<128x256xf32, #tpu.memory_space<vmem>>, vector<1x16xf32>,
      %get3A_197 = vector.shape_cast %get3A_196 : vector<1x16xf32> to vector<16xf32>
      %get3A_198 = arith.index_cast %scan3A_92 : i32 to index
      %get3A_199 = arith.constant 96 : index
      %get3A_200 = tpu.vector_load %arg10[%get3A_198, %get3A_199] {strides = array<i32>} : memref<128x256xf32, #tpu.memory_space<vmem>>, vector<1x16xf32>,
      %get3A_201 = vector.shape_cast %get3A_200 : vector<1x16xf32> to vector<16xf32>
      %sub3A_202 = arith.subf %get3A_197, %get3A_201 : vector<16xf32>
      %mul3A_203 = arith.mulf %sub3A_202, %sub3A_202 : vector<16xf32>
      %add3A_204 = arith.addf %add3A_187, %mul3A_203 : vector<16xf32>
      %add3A_205 = arith.addf %get3A_201, %sub3A_202 : vector<16xf32>
      %swap3A_206 = arith.index_cast %scan3A_92 : i32 to index
      %swap3A_207 = arith.constant 96 : index
      %swap3A_208 = tpu.vector_load %arg8[%swap3A_206, %swap3A_207] {strides = array<i32>} : memref<128x256xf32, #tpu.memory_space<vmem>>, vector<1x16xf32>,
      %swap3A_209 = vector.shape_cast %swap3A_208 : vector<1x16xf32> to vector<16xf32>
      %swap3A_210 = vector.shape_cast %add3A_205 : vector<16xf32> to vector<1x16xf32>
      tpu.vector_store %arg8[%swap3A_206, %swap3A_207], %swap3A_210 {strides = array<i32>} : memref<128x256xf32, #tpu.memory_space<vmem>>, vector<1x16xf32>,
      %get3A_211 = arith.index_cast %scan3A_92 : i32 to index
      %get3A_212 = arith.constant 112 : index
      %get3A_213 = tpu.vector_load %arg8[%get3A_211, %get3A_212] {strides = array<i32>} : memref<128x256xf32, #tpu.memory_space<vmem>>, vector<1x16xf32>,
      %get3A_214 = vector.shape_cast %get3A_213 : vector<1x16xf32> to vector<16xf32>
      %get3A_215 = arith.index_cast %scan3A_92 : i32 to index
      %get3A_216 = arith.constant 112 : index
      %get3A_217 = tpu.vector_load %arg10[%get3A_215, %get3A_216] {strides = array<i32>} : memref<128x256xf32, #tpu.memory_space<vmem>>, vector<1x16xf32>,
      %get3A_218 = vector.shape_cast %get3A_217 : vector<1x16xf32> to vector<16xf32>
      %sub3A_219 = arith.subf %get3A_214, %get3A_218 : vector<16xf32>
      %mul3A_220 = arith.mulf %sub3A_219, %sub3A_219 : vector<16xf32>
      %add3A_221 = arith.addf %add3A_204, %mul3A_220 : vector<16xf32>
      %add3A_222 = arith.addf %get3A_218, %sub3A_219 : vector<16xf32>
      %swap3A_223 = arith.index_cast %scan3A_92 : i32 to index
      %swap3A_224 = arith.constant 112 : index
      %swap3A_225 = tpu.vector_load %arg8[%swap3A_223, %swap3A_224] {strides = array<i32>} : memref<128x256xf32, #tpu.memory_space<vmem>>, vector<1x16xf32>,
      %swap3A_226 = vector.shape_cast %swap3A_225 : vector<1x16xf32> to vector<16xf32>
      %swap3A_227 = vector.shape_cast %add3A_222 : vector<16xf32> to vector<1x16xf32>
      tpu.vector_store %arg8[%swap3A_223, %swap3A_224], %swap3A_227 {strides = array<i32>} : memref<128x256xf32, #tpu.memory_space<vmem>>, vector<1x16xf32>,
      %get3A_228 = arith.index_cast %scan3A_92 : i32 to index
      %get3A_229 = arith.constant 128 : index
      %get3A_230 = tpu.vector_load %arg8[%get3A_228, %get3A_229] {strides = array<i32>} : memref<128x256xf32, #tpu.memory_space<vmem>>, vector<1x16xf32>,
      %get3A_231 = vector.shape_cast %get3A_230 : vector<1x16xf32> to vector<16xf32>
      %get3A_232 = arith.index_cast %scan3A_92 : i32 to index
      %get3A_233 = arith.constant 128 : index
      %get3A_234 = tpu.vector_load %arg10[%get3A_232, %get3A_233] {strides = array<i32>} : memref<128x256xf32, #tpu.memory_space<vmem>>, vector<1x16xf32>,
      %get3A_235 = vector.shape_cast %get3A_234 : vector<1x16xf32> to vector<16xf32>
      %sub3A_236 = arith.subf %get3A_231, %get3A_235 : vector<16xf32>
      %mul3A_237 = arith.mulf %sub3A_236, %sub3A_236 : vector<16xf32>
      %add3A_238 = arith.addf %add3A_221, %mul3A_237 : vector<16xf32>
      %add3A_239 = arith.addf %get3A_235, %sub3A_236 : vector<16xf32>
      %swap3A_240 = arith.index_cast %scan3A_92 : i32 to index
      %swap3A_241 = arith.constant 128 : index
      %swap3A_242 = tpu.vector_load %arg8[%swap3A_240, %swap3A_241] {strides = array<i32>} : memref<128x256xf32, #tpu.memory_space<vmem>>, vector<1x16xf32>,
      %swap3A_243 = vector.shape_cast %swap3A_242 : vector<1x16xf32> to vector<16xf32>
      %swap3A_244 = vector.shape_cast %add3A_239 : vector<16xf32> to vector<1x16xf32>
      tpu.vector_store %arg8[%swap3A_240, %swap3A_241], %swap3A_244 {strides = array<i32>} : memref<128x256xf32, #tpu.memory_space<vmem>>, vector<1x16xf32>,
      %get3A_245 = arith.index_cast %scan3A_92 : i32 to index
      %get3A_246 = arith.constant 144 : index
      %get3A_247 = tpu.vector_load %arg8[%get3A_245, %get3A_246] {strides = array<i32>} : memref<128x256xf32, #tpu.memory_space<vmem>>, vector<1x16xf32>,
      %get3A_248 = vector.shape_cast %get3A_247 : vector<1x16xf32> to vector<16xf32>
      %get3A_249 = arith.index_cast %scan3A_92 : i32 to index
      %get3A_250 = arith.constant 144 : index
      %get3A_251 = tpu.vector_load %arg10[%get3A_249, %get3A_250] {strides = array<i32>} : memref<128x256xf32, #tpu.memory_space<vmem>>, vector<1x16xf32>,
      %get3A_252 = vector.shape_cast %get3A_251 : vector<1x16xf32> to vector<16xf32>
      %sub3A_253 = arith.subf %get3A_248, %get3A_252 : vector<16xf32>
      %mul3A_254 = arith.mulf %sub3A_253, %sub3A_253 : vector<16xf32>
      %add3A_255 = arith.addf %add3A_238, %mul3A_254 : vector<16xf32>
      %add3A_256 = arith.addf %get3A_252, %sub3A_253 : vector<16xf32>
      %swap3A_257 = arith.index_cast %scan3A_92 : i32 to index
      %swap3A_258 = arith.constant 144 : index
      %swap3A_259 = tpu.vector_load %arg8[%swap3A_257, %swap3A_258] {strides = array<i32>} : memref<128x256xf32, #tpu.memory_space<vmem>>, vector<1x16xf32>,
      %swap3A_260 = vector.shape_cast %swap3A_259 : vector<1x16xf32> to vector<16xf32>
      %swap3A_261 = vector.shape_cast %add3A_256 : vector<16xf32> to vector<1x16xf32>
      tpu.vector_store %arg8[%swap3A_257, %swap3A_258], %swap3A_261 {strides = array<i32>} : memref<128x256xf32, #tpu.memory_space<vmem>>, vector<1x16xf32>,
      %get3A_262 = arith.index_cast %scan3A_92 : i32 to index
      %get3A_263 = arith.constant 160 : index
      %get3A_264 = tpu.vector_load %arg8[%get3A_262, %get3A_263] {strides = array<i32>} : memref<128x256xf32, #tpu.memory_space<vmem>>, vector<1x16xf32>,
      %get3A_265 = vector.shape_cast %get3A_264 : vector<1x16xf32> to vector<16xf32>
      %get3A_266 = arith.index_cast %scan3A_92 : i32 to index
      %get3A_267 = arith.constant 160 : index
      %get3A_268 = tpu.vector_load %arg10[%get3A_266, %get3A_267] {strides = array<i32>} : memref<128x256xf32, #tpu.memory_space<vmem>>, vector<1x16xf32>,
      %get3A_269 = vector.shape_cast %get3A_268 : vector<1x16xf32> to vector<16xf32>
      %sub3A_270 = arith.subf %get3A_265, %get3A_269 : vector<16xf32>
      %mul3A_271 = arith.mulf %sub3A_270, %sub3A_270 : vector<16xf32>
      %add3A_272 = arith.addf %add3A_255, %mul3A_271 : vector<16xf32>
      %add3A_273 = arith.addf %get3A_269, %sub3A_270 : vector<16xf32>
      %swap3A_274 = arith.index_cast %scan3A_92 : i32 to index
      %swap3A_275 = arith.constant 160 : index
      %swap3A_276 = tpu.vector_load %arg8[%swap3A_274, %swap3A_275] {strides = array<i32>} : memref<128x256xf32, #tpu.memory_space<vmem>>, vector<1x16xf32>,
      %swap3A_277 = vector.shape_cast %swap3A_276 : vector<1x16xf32> to vector<16xf32>
      %swap3A_278 = vector.shape_cast %add3A_273 : vector<16xf32> to vector<1x16xf32>
      tpu.vector_store %arg8[%swap3A_274, %swap3A_275], %swap3A_278 {strides = array<i32>} : memref<128x256xf32, #tpu.memory_space<vmem>>, vector<1x16xf32>,
      %get3A_279 = arith.index_cast %scan3A_92 : i32 to index
      %get3A_280 = arith.constant 176 : index
      %get3A_281 = tpu.vector_load %arg8[%get3A_279, %get3A_280] {strides = array<i32>} : memref<128x256xf32, #tpu.memory_space<vmem>>, vector<1x16xf32>,
      %get3A_282 = vector.shape_cast %get3A_281 : vector<1x16xf32> to vector<16xf32>
      %get3A_283 = arith.index_cast %scan3A_92 : i32 to index
      %get3A_284 = arith.constant 176 : index
      %get3A_285 = tpu.vector_load %arg10[%get3A_283, %get3A_284] {strides = array<i32>} : memref<128x256xf32, #tpu.memory_space<vmem>>, vector<1x16xf32>,
      %get3A_286 = vector.shape_cast %get3A_285 : vector<1x16xf32> to vector<16xf32>
      %sub3A_287 = arith.subf %get3A_282, %get3A_286 : vector<16xf32>
      %mul3A_288 = arith.mulf %sub3A_287, %sub3A_287 : vector<16xf32>
      %add3A_289 = arith.addf %add3A_272, %mul3A_288 : vector<16xf32>
      %add3A_290 = arith.addf %get3A_286, %sub3A_287 : vector<16xf32>
      %swap3A_291 = arith.index_cast %scan3A_92 : i32 to index
      %swap3A_292 = arith.constant 176 : index
      %swap3A_293 = tpu.vector_load %arg8[%swap3A_291, %swap3A_292] {strides = array<i32>} : memref<128x256xf32, #tpu.memory_space<vmem>>, vector<1x16xf32>,
      %swap3A_294 = vector.shape_cast %swap3A_293 : vector<1x16xf32> to vector<16xf32>
      %swap3A_295 = vector.shape_cast %add3A_290 : vector<16xf32> to vector<1x16xf32>
      tpu.vector_store %arg8[%swap3A_291, %swap3A_292], %swap3A_295 {strides = array<i32>} : memref<128x256xf32, #tpu.memory_space<vmem>>, vector<1x16xf32>,
      %get3A_296 = arith.index_cast %scan3A_92 : i32 to index
      %get3A_297 = arith.constant 192 : index
      %get3A_298 = tpu.vector_load %arg8[%get3A_296, %get3A_297] {strides = array<i32>} : memref<128x256xf32, #tpu.memory_space<vmem>>, vector<1x16xf32>,
      %get3A_299 = vector.shape_cast %get3A_298 : vector<1x16xf32> to vector<16xf32>
      %get3A_300 = arith.index_cast %scan3A_92 : i32 to index
      %get3A_301 = arith.constant 192 : index
      %get3A_302 = tpu.vector_load %arg10[%get3A_300, %get3A_301] {strides = array<i32>} : memref<128x256xf32, #tpu.memory_space<vmem>>, vector<1x16xf32>,
      %get3A_303 = vector.shape_cast %get3A_302 : vector<1x16xf32> to vector<16xf32>
      %sub3A_304 = arith.subf %get3A_299, %get3A_303 : vector<16xf32>
      %mul3A_305 = arith.mulf %sub3A_304, %sub3A_304 : vector<16xf32>
      %add3A_306 = arith.addf %add3A_289, %mul3A_305 : vector<16xf32>
      %add3A_307 = arith.addf %get3A_303, %sub3A_304 : vector<16xf32>
      %swap3A_308 = arith.index_cast %scan3A_92 : i32 to index
      %swap3A_309 = arith.constant 192 : index
      %swap3A_310 = tpu.vector_load %arg8[%swap3A_308, %swap3A_309] {strides = array<i32>} : memref<128x256xf32, #tpu.memory_space<vmem>>, vector<1x16xf32>,
      %swap3A_311 = vector.shape_cast %swap3A_310 : vector<1x16xf32> to vector<16xf32>
      %swap3A_312 = vector.shape_cast %add3A_307 : vector<16xf32> to vector<1x16xf32>
      tpu.vector_store %arg8[%swap3A_308, %swap3A_309], %swap3A_312 {strides = array<i32>} : memref<128x256xf32, #tpu.memory_space<vmem>>, vector<1x16xf32>,
      %get3A_313 = arith.index_cast %scan3A_92 : i32 to index
      %get3A_314 = arith.constant 208 : index
      %get3A_315 = tpu.vector_load %arg8[%get3A_313, %get3A_314] {strides = array<i32>} : memref<128x256xf32, #tpu.memory_space<vmem>>, vector<1x16xf32>,
      %get3A_316 = vector.shape_cast %get3A_315 : vector<1x16xf32> to vector<16xf32>
      %get3A_317 = arith.index_cast %scan3A_92 : i32 to index
      %get3A_318 = arith.constant 208 : index
      %get3A_319 = tpu.vector_load %arg10[%get3A_317, %get3A_318] {strides = array<i32>} : memref<128x256xf32, #tpu.memory_space<vmem>>, vector<1x16xf32>,
      %get3A_320 = vector.shape_cast %get3A_319 : vector<1x16xf32> to vector<16xf32>
      %sub3A_321 = arith.subf %get3A_316, %get3A_320 : vector<16xf32>
      %mul3A_322 = arith.mulf %sub3A_321, %sub3A_321 : vector<16xf32>
      %add3A_323 = arith.addf %add3A_306, %mul3A_322 : vector<16xf32>
      %add3A_324 = arith.addf %get3A_320, %sub3A_321 : vector<16xf32>
      %swap3A_325 = arith.index_cast %scan3A_92 : i32 to index
      %swap3A_326 = arith.constant 208 : index
      %swap3A_327 = tpu.vector_load %arg8[%swap3A_325, %swap3A_326] {strides = array<i32>} : memref<128x256xf32, #tpu.memory_space<vmem>>, vector<1x16xf32>,
      %swap3A_328 = vector.shape_cast %swap3A_327 : vector<1x16xf32> to vector<16xf32>
      %swap3A_329 = vector.shape_cast %add3A_324 : vector<16xf32> to vector<1x16xf32>
      tpu.vector_store %arg8[%swap3A_325, %swap3A_326], %swap3A_329 {strides = array<i32>} : memref<128x256xf32, #tpu.memory_space<vmem>>, vector<1x16xf32>,
      %get3A_330 = arith.index_cast %scan3A_92 : i32 to index
      %get3A_331 = arith.constant 224 : index
      %get3A_332 = tpu.vector_load %arg8[%get3A_330, %get3A_331] {strides = array<i32>} : memref<128x256xf32, #tpu.memory_space<vmem>>, vector<1x16xf32>,
      %get3A_333 = vector.shape_cast %get3A_332 : vector<1x16xf32> to vector<16xf32>
      %get3A_334 = arith.index_cast %scan3A_92 : i32 to index
      %get3A_335 = arith.constant 224 : index
      %get3A_336 = tpu.vector_load %arg10[%get3A_334, %get3A_335] {strides = array<i32>} : memref<128x256xf32, #tpu.memory_space<vmem>>, vector<1x16xf32>,
      %get3A_337 = vector.shape_cast %get3A_336 : vector<1x16xf32> to vector<16xf32>
      %sub3A_338 = arith.subf %get3A_333, %get3A_337 : vector<16xf32>
      %mul3A_339 = arith.mulf %sub3A_338, %sub3A_338 : vector<16xf32>
      %add3A_340 = arith.addf %add3A_323, %mul3A_339 : vector<16xf32>
      %add3A_341 = arith.addf %get3A_337, %sub3A_338 : vector<16xf32>
      %swap3A_342 = arith.index_cast %scan3A_92 : i32 to index
      %swap3A_343 = arith.constant 224 : index
      %swap3A_344 = tpu.vector_load %arg8[%swap3A_342, %swap3A_343] {strides = array<i32>} : memref<128x256xf32, #tpu.memory_space<vmem>>, vector<1x16xf32>,
      %swap3A_345 = vector.shape_cast %swap3A_344 : vector<1x16xf32> to vector<16xf32>
      %swap3A_346 = vector.shape_cast %add3A_341 : vector<16xf32> to vector<1x16xf32>
      tpu.vector_store %arg8[%swap3A_342, %swap3A_343], %swap3A_346 {strides = array<i32>} : memref<128x256xf32, #tpu.memory_space<vmem>>, vector<1x16xf32>,
      %get3A_347 = arith.index_cast %scan3A_92 : i32 to index
      %get3A_348 = arith.constant 240 : index
      %get3A_349 = tpu.vector_load %arg8[%get3A_347, %get3A_348] {strides = array<i32>} : memref<128x256xf32, #tpu.memory_space<vmem>>, vector<1x16xf32>,
      %get3A_350 = vector.shape_cast %get3A_349 : vector<1x16xf32> to vector<16xf32>
      %get3A_351 = arith.index_cast %scan3A_92 : i32 to index
      %get3A_352 = arith.constant 240 : index
      %get3A_353 = tpu.vector_load %arg10[%get3A_351, %get3A_352] {strides = array<i32>} : memref<128x256xf32, #tpu.memory_space<vmem>>, vector<1x16xf32>,
      %get3A_354 = vector.shape_cast %get3A_353 : vector<1x16xf32> to vector<16xf32>
      %sub3A_355 = arith.subf %get3A_350, %get3A_354 : vector<16xf32>
      %mul3A_356 = arith.mulf %sub3A_355, %sub3A_355 : vector<16xf32>
      %add3A_357 = arith.addf %add3A_340, %mul3A_356 : vector<16xf32>
      %add3A_358 = arith.addf %get3A_354, %sub3A_355 : vector<16xf32>
      %swap3A_359 = arith.index_cast %scan3A_92 : i32 to index
      %swap3A_360 = arith.constant 240 : index
      %swap3A_361 = tpu.vector_load %arg8[%swap3A_359, %swap3A_360] {strides = array<i32>} : memref<128x256xf32, #tpu.memory_space<vmem>>, vector<1x16xf32>,
      %swap3A_362 = vector.shape_cast %swap3A_361 : vector<1x16xf32> to vector<16xf32>
      %swap3A_363 = vector.shape_cast %add3A_358 : vector<16xf32> to vector<1x16xf32>
      tpu.vector_store %arg8[%swap3A_359, %swap3A_360], %swap3A_363 {strides = array<i32>} : memref<128x256xf32, #tpu.memory_space<vmem>>, vector<1x16xf32>,
      scf.yield %add3A_357 : vector<16xf32>
    }
    %scan3A_73 = arith.constant 128 : i32
    "tpu.region"() ({
      %run_scoped3A = tpu.sem_alloc : memref<!tpu.dma_semaphore, #tpu.memory_space<semaphore_mem>>
      %dma_start3A_92 = arith.constant 0 : i32
      %dma_start3A_93 = tpu.memref_slice %arg5[%add3A_60, %dma_start3A_92] : memref<16384x256xf32, #tpu.memory_space<hbm>> -> memref<128x256xf32, #tpu.memory_space<hbm>>
      %dma_start3A_94 = arith.constant 0 : i32
      %dma_start3A_95 = tpu.memref_slice %arg5[%add3A_60, %dma_start3A_94] : memref<16384x256xf32, #tpu.memory_space<hbm>> -> memref<128x256xf32, #tpu.memory_space<hbm>>
      tpu.enqueue_dma source(%arg8 : memref<128x256xf32, #tpu.memory_space<vmem>>) target(%dma_start3A_95 : memref<128x256xf32, #tpu.memory_space<hbm>>) target_semaphore(%run_scoped3A : memref<!tpu.dma_semaphore, #tpu.memory_space<semaphore_mem>>)
      %dma_wait3A_96 = arith.constant 0 : i32
      %dma_wait3A_97 = tpu.memref_slice %arg5[%add3A_60, %dma_wait3A_96] : memref<16384x256xf32, #tpu.memory_space<hbm>> -> memref<128x256xf32, #tpu.memory_space<hbm>>
      %dma_wait3A_98 = arith.constant 0 : i32
      %dma_wait3A_99 = tpu.memref_slice %arg5[%add3A_60, %dma_wait3A_98] : memref<16384x256xf32, #tpu.memory_space<hbm>> -> memref<128x256xf32, #tpu.memory_space<hbm>>
      tpu.wait_dma2 semaphore(%run_scoped3A : memref<!tpu.dma_semaphore, #tpu.memory_space<semaphore_mem>>) src(%arg8 : memref<128x256xf32, #tpu.memory_space<vmem>>) dst(%dma_wait3A_99 : memref<128x256xf32, #tpu.memory_space<hbm>>)
      tpu.yield
    }) : () -> ()
    %add3A_74 = arith.constant 384 : i32
    %add3A_75 = arith.addi %mul3A_2, %add3A_74 : i32
    "tpu.region"() ({
      %run_scoped3A = tpu.sem_alloc : memref<!tpu.dma_semaphore, #tpu.memory_space<semaphore_mem>>
      %dma_start3A_92 = arith.constant 0 : i32
      %dma_start3A_93 = tpu.memref_slice %arg4[%add3A_75, %dma_start3A_92] : memref<16384x256xf32, #tpu.memory_space<hbm>> -> memref<128x256xf32, #tpu.memory_space<hbm>>
      %dma_start3A_94 = arith.constant 0 : i32
      %dma_start3A_95 = tpu.memref_slice %arg4[%add3A_75, %dma_start3A_94] : memref<16384x256xf32, #tpu.memory_space<hbm>> -> memref<128x256xf32, #tpu.memory_space<hbm>>
      tpu.enqueue_dma source(%dma_start3A_95 : memref<128x256xf32, #tpu.memory_space<hbm>>) target(%arg10 : memref<128x256xf32, #tpu.memory_space<vmem>>) target_semaphore(%run_scoped3A : memref<!tpu.dma_semaphore, #tpu.memory_space<semaphore_mem>>)
      %dma_wait3A_96 = arith.constant 0 : i32
      %dma_wait3A_97 = tpu.memref_slice %arg4[%add3A_75, %dma_wait3A_96] : memref<16384x256xf32, #tpu.memory_space<hbm>> -> memref<128x256xf32, #tpu.memory_space<hbm>>
      %dma_wait3A_98 = arith.constant 0 : i32
      %dma_wait3A_99 = tpu.memref_slice %arg4[%add3A_75, %dma_wait3A_98] : memref<16384x256xf32, #tpu.memory_space<hbm>> -> memref<128x256xf32, #tpu.memory_space<hbm>>
      tpu.wait_dma2 semaphore(%run_scoped3A : memref<!tpu.dma_semaphore, #tpu.memory_space<semaphore_mem>>) src(%dma_wait3A_99 : memref<128x256xf32, #tpu.memory_space<hbm>>) dst(%arg10 : memref<128x256xf32, #tpu.memory_space<vmem>>)
      tpu.yield
    }) : () -> ()
    %dma_wait3A_76 = arith.constant 3 : i32
    %dma_wait3A_77 = arith.constant 0 : i32
    %dma_wait3A_78 = tpu.memref_slice %arg7[%dma_wait3A_76, %dma_wait3A_77] : memref<4x128xi32, #tpu.memory_space<vmem>> -> memref<1x128xi32, #tpu.memory_space<vmem>>
    %dma_wait3A_79 = tpu.memref_squeeze %dma_wait3A_78 : memref<1x128xi32, #tpu.memory_space<vmem>> -> memref<128xi32, #tpu.memory_space<vmem>>
    %dma_wait3A_80 = arith.constant 0 : i32
    %dma_wait3A_81 = arith.constant 0 : i32
    %dma_wait3A_82 = tpu.memref_slice %arg2[%dma_wait3A_80, %dma_wait3A_81] : memref<8192x256xf32, #tpu.memory_space<hbm>> -> memref<8192x256xf32, #tpu.memory_space<hbm>>
    tpu.wait_indirect_dma semaphore(%arg13 : memref<!tpu.dma_semaphore, #tpu.memory_space<semaphore_mem>>) src(%dma_wait3A_82 : memref<8192x256xf32, #tpu.memory_space<hbm>>) dst(%arg9 : memref<128x256xf32, #tpu.memory_space<vmem>>)
    %scan3A_83 = arith.constant 0 : i32
    %scan3A_84 = arith.constant 128 : i32
    %scan3A_85 = arith.addi %scan3A_83, %scan3A_84 : i32
    %scan3A_86 = arith.constant 1 : i32
    %scan3A_87 = scf.for %scan3A_92 = %scan3A_83 to %scan3A_85 step %scan3A_86 iter_args(%scan3A_93 = %scan3A_72) -> (vector<16xf32>)  : i32 {
      %get3A = arith.index_cast %scan3A_92 : i32 to index
      %get3A_94 = arith.constant 0 : index
      %get3A_95 = tpu.vector_load %arg9[%get3A, %get3A_94] {strides = array<i32>} : memref<128x256xf32, #tpu.memory_space<vmem>>, vector<1x16xf32>,
      %get3A_96 = vector.shape_cast %get3A_95 : vector<1x16xf32> to vector<16xf32>
      %get3A_97 = arith.index_cast %scan3A_92 : i32 to index
      %get3A_98 = arith.constant 0 : index
      %get3A_99 = tpu.vector_load %arg10[%get3A_97, %get3A_98] {strides = array<i32>} : memref<128x256xf32, #tpu.memory_space<vmem>>, vector<1x16xf32>,
      %get3A_100 = vector.shape_cast %get3A_99 : vector<1x16xf32> to vector<16xf32>
      %sub3A = arith.subf %get3A_96, %get3A_100 : vector<16xf32>
      %mul3A_101 = arith.mulf %sub3A, %sub3A : vector<16xf32>
      %add3A_102 = arith.addf %scan3A_93, %mul3A_101 : vector<16xf32>
      %add3A_103 = arith.addf %get3A_100, %sub3A : vector<16xf32>
      %swap3A_104 = arith.index_cast %scan3A_92 : i32 to index
      %swap3A_105 = arith.constant 0 : index
      %swap3A_106 = tpu.vector_load %arg9[%swap3A_104, %swap3A_105] {strides = array<i32>} : memref<128x256xf32, #tpu.memory_space<vmem>>, vector<1x16xf32>,
      %swap3A_107 = vector.shape_cast %swap3A_106 : vector<1x16xf32> to vector<16xf32>
      %swap3A_108 = vector.shape_cast %add3A_103 : vector<16xf32> to vector<1x16xf32>
      tpu.vector_store %arg9[%swap3A_104, %swap3A_105], %swap3A_108 {strides = array<i32>} : memref<128x256xf32, #tpu.memory_space<vmem>>, vector<1x16xf32>,
      %get3A_109 = arith.index_cast %scan3A_92 : i32 to index
      %get3A_110 = arith.constant 16 : index
      %get3A_111 = tpu.vector_load %arg9[%get3A_109, %get3A_110] {strides = array<i32>} : memref<128x256xf32, #tpu.memory_space<vmem>>, vector<1x16xf32>,
      %get3A_112 = vector.shape_cast %get3A_111 : vector<1x16xf32> to vector<16xf32>
      %get3A_113 = arith.index_cast %scan3A_92 : i32 to index
      %get3A_114 = arith.constant 16 : index
      %get3A_115 = tpu.vector_load %arg10[%get3A_113, %get3A_114] {strides = array<i32>} : memref<128x256xf32, #tpu.memory_space<vmem>>, vector<1x16xf32>,
      %get3A_116 = vector.shape_cast %get3A_115 : vector<1x16xf32> to vector<16xf32>
      %sub3A_117 = arith.subf %get3A_112, %get3A_116 : vector<16xf32>
      %mul3A_118 = arith.mulf %sub3A_117, %sub3A_117 : vector<16xf32>
      %add3A_119 = arith.addf %add3A_102, %mul3A_118 : vector<16xf32>
      %add3A_120 = arith.addf %get3A_116, %sub3A_117 : vector<16xf32>
      %swap3A_121 = arith.index_cast %scan3A_92 : i32 to index
      %swap3A_122 = arith.constant 16 : index
      %swap3A_123 = tpu.vector_load %arg9[%swap3A_121, %swap3A_122] {strides = array<i32>} : memref<128x256xf32, #tpu.memory_space<vmem>>, vector<1x16xf32>,
      %swap3A_124 = vector.shape_cast %swap3A_123 : vector<1x16xf32> to vector<16xf32>
      %swap3A_125 = vector.shape_cast %add3A_120 : vector<16xf32> to vector<1x16xf32>
      tpu.vector_store %arg9[%swap3A_121, %swap3A_122], %swap3A_125 {strides = array<i32>} : memref<128x256xf32, #tpu.memory_space<vmem>>, vector<1x16xf32>,
      %get3A_126 = arith.index_cast %scan3A_92 : i32 to index
      %get3A_127 = arith.constant 32 : index
      %get3A_128 = tpu.vector_load %arg9[%get3A_126, %get3A_127] {strides = array<i32>} : memref<128x256xf32, #tpu.memory_space<vmem>>, vector<1x16xf32>,
      %get3A_129 = vector.shape_cast %get3A_128 : vector<1x16xf32> to vector<16xf32>
      %get3A_130 = arith.index_cast %scan3A_92 : i32 to index
      %get3A_131 = arith.constant 32 : index
      %get3A_132 = tpu.vector_load %arg10[%get3A_130, %get3A_131] {strides = array<i32>} : memref<128x256xf32, #tpu.memory_space<vmem>>, vector<1x16xf32>,
      %get3A_133 = vector.shape_cast %get3A_132 : vector<1x16xf32> to vector<16xf32>
      %sub3A_134 = arith.subf %get3A_129, %get3A_133 : vector<16xf32>
      %mul3A_135 = arith.mulf %sub3A_134, %sub3A_134 : vector<16xf32>
      %add3A_136 = arith.addf %add3A_119, %mul3A_135 : vector<16xf32>
      %add3A_137 = arith.addf %get3A_133, %sub3A_134 : vector<16xf32>
      %swap3A_138 = arith.index_cast %scan3A_92 : i32 to index
      %swap3A_139 = arith.constant 32 : index
      %swap3A_140 = tpu.vector_load %arg9[%swap3A_138, %swap3A_139] {strides = array<i32>} : memref<128x256xf32, #tpu.memory_space<vmem>>, vector<1x16xf32>,
      %swap3A_141 = vector.shape_cast %swap3A_140 : vector<1x16xf32> to vector<16xf32>
      %swap3A_142 = vector.shape_cast %add3A_137 : vector<16xf32> to vector<1x16xf32>
      tpu.vector_store %arg9[%swap3A_138, %swap3A_139], %swap3A_142 {strides = array<i32>} : memref<128x256xf32, #tpu.memory_space<vmem>>, vector<1x16xf32>,
      %get3A_143 = arith.index_cast %scan3A_92 : i32 to index
      %get3A_144 = arith.constant 48 : index
      %get3A_145 = tpu.vector_load %arg9[%get3A_143, %get3A_144] {strides = array<i32>} : memref<128x256xf32, #tpu.memory_space<vmem>>, vector<1x16xf32>,
      %get3A_146 = vector.shape_cast %get3A_145 : vector<1x16xf32> to vector<16xf32>
      %get3A_147 = arith.index_cast %scan3A_92 : i32 to index
      %get3A_148 = arith.constant 48 : index
      %get3A_149 = tpu.vector_load %arg10[%get3A_147, %get3A_148] {strides = array<i32>} : memref<128x256xf32, #tpu.memory_space<vmem>>, vector<1x16xf32>,
      %get3A_150 = vector.shape_cast %get3A_149 : vector<1x16xf32> to vector<16xf32>
      %sub3A_151 = arith.subf %get3A_146, %get3A_150 : vector<16xf32>
      %mul3A_152 = arith.mulf %sub3A_151, %sub3A_151 : vector<16xf32>
      %add3A_153 = arith.addf %add3A_136, %mul3A_152 : vector<16xf32>
      %add3A_154 = arith.addf %get3A_150, %sub3A_151 : vector<16xf32>
      %swap3A_155 = arith.index_cast %scan3A_92 : i32 to index
      %swap3A_156 = arith.constant 48 : index
      %swap3A_157 = tpu.vector_load %arg9[%swap3A_155, %swap3A_156] {strides = array<i32>} : memref<128x256xf32, #tpu.memory_space<vmem>>, vector<1x16xf32>,
      %swap3A_158 = vector.shape_cast %swap3A_157 : vector<1x16xf32> to vector<16xf32>
      %swap3A_159 = vector.shape_cast %add3A_154 : vector<16xf32> to vector<1x16xf32>
      tpu.vector_store %arg9[%swap3A_155, %swap3A_156], %swap3A_159 {strides = array<i32>} : memref<128x256xf32, #tpu.memory_space<vmem>>, vector<1x16xf32>,
      %get3A_160 = arith.index_cast %scan3A_92 : i32 to index
      %get3A_161 = arith.constant 64 : index
      %get3A_162 = tpu.vector_load %arg9[%get3A_160, %get3A_161] {strides = array<i32>} : memref<128x256xf32, #tpu.memory_space<vmem>>, vector<1x16xf32>,
      %get3A_163 = vector.shape_cast %get3A_162 : vector<1x16xf32> to vector<16xf32>
      %get3A_164 = arith.index_cast %scan3A_92 : i32 to index
      %get3A_165 = arith.constant 64 : index
      %get3A_166 = tpu.vector_load %arg10[%get3A_164, %get3A_165] {strides = array<i32>} : memref<128x256xf32, #tpu.memory_space<vmem>>, vector<1x16xf32>,
      %get3A_167 = vector.shape_cast %get3A_166 : vector<1x16xf32> to vector<16xf32>
      %sub3A_168 = arith.subf %get3A_163, %get3A_167 : vector<16xf32>
      %mul3A_169 = arith.mulf %sub3A_168, %sub3A_168 : vector<16xf32>
      %add3A_170 = arith.addf %add3A_153, %mul3A_169 : vector<16xf32>
      %add3A_171 = arith.addf %get3A_167, %sub3A_168 : vector<16xf32>
      %swap3A_172 = arith.index_cast %scan3A_92 : i32 to index
      %swap3A_173 = arith.constant 64 : index
      %swap3A_174 = tpu.vector_load %arg9[%swap3A_172, %swap3A_173] {strides = array<i32>} : memref<128x256xf32, #tpu.memory_space<vmem>>, vector<1x16xf32>,
      %swap3A_175 = vector.shape_cast %swap3A_174 : vector<1x16xf32> to vector<16xf32>
      %swap3A_176 = vector.shape_cast %add3A_171 : vector<16xf32> to vector<1x16xf32>
      tpu.vector_store %arg9[%swap3A_172, %swap3A_173], %swap3A_176 {strides = array<i32>} : memref<128x256xf32, #tpu.memory_space<vmem>>, vector<1x16xf32>,
      %get3A_177 = arith.index_cast %scan3A_92 : i32 to index
      %get3A_178 = arith.constant 80 : index
      %get3A_179 = tpu.vector_load %arg9[%get3A_177, %get3A_178] {strides = array<i32>} : memref<128x256xf32, #tpu.memory_space<vmem>>, vector<1x16xf32>,
      %get3A_180 = vector.shape_cast %get3A_179 : vector<1x16xf32> to vector<16xf32>
      %get3A_181 = arith.index_cast %scan3A_92 : i32 to index
      %get3A_182 = arith.constant 80 : index
      %get3A_183 = tpu.vector_load %arg10[%get3A_181, %get3A_182] {strides = array<i32>} : memref<128x256xf32, #tpu.memory_space<vmem>>, vector<1x16xf32>,
      %get3A_184 = vector.shape_cast %get3A_183 : vector<1x16xf32> to vector<16xf32>
      %sub3A_185 = arith.subf %get3A_180, %get3A_184 : vector<16xf32>
      %mul3A_186 = arith.mulf %sub3A_185, %sub3A_185 : vector<16xf32>
      %add3A_187 = arith.addf %add3A_170, %mul3A_186 : vector<16xf32>
      %add3A_188 = arith.addf %get3A_184, %sub3A_185 : vector<16xf32>
      %swap3A_189 = arith.index_cast %scan3A_92 : i32 to index
      %swap3A_190 = arith.constant 80 : index
      %swap3A_191 = tpu.vector_load %arg9[%swap3A_189, %swap3A_190] {strides = array<i32>} : memref<128x256xf32, #tpu.memory_space<vmem>>, vector<1x16xf32>,
      %swap3A_192 = vector.shape_cast %swap3A_191 : vector<1x16xf32> to vector<16xf32>
      %swap3A_193 = vector.shape_cast %add3A_188 : vector<16xf32> to vector<1x16xf32>
      tpu.vector_store %arg9[%swap3A_189, %swap3A_190], %swap3A_193 {strides = array<i32>} : memref<128x256xf32, #tpu.memory_space<vmem>>, vector<1x16xf32>,
      %get3A_194 = arith.index_cast %scan3A_92 : i32 to index
      %get3A_195 = arith.constant 96 : index
      %get3A_196 = tpu.vector_load %arg9[%get3A_194, %get3A_195] {strides = array<i32>} : memref<128x256xf32, #tpu.memory_space<vmem>>, vector<1x16xf32>,
      %get3A_197 = vector.shape_cast %get3A_196 : vector<1x16xf32> to vector<16xf32>
      %get3A_198 = arith.index_cast %scan3A_92 : i32 to index
      %get3A_199 = arith.constant 96 : index
      %get3A_200 = tpu.vector_load %arg10[%get3A_198, %get3A_199] {strides = array<i32>} : memref<128x256xf32, #tpu.memory_space<vmem>>, vector<1x16xf32>,
      %get3A_201 = vector.shape_cast %get3A_200 : vector<1x16xf32> to vector<16xf32>
      %sub3A_202 = arith.subf %get3A_197, %get3A_201 : vector<16xf32>
      %mul3A_203 = arith.mulf %sub3A_202, %sub3A_202 : vector<16xf32>
      %add3A_204 = arith.addf %add3A_187, %mul3A_203 : vector<16xf32>
      %add3A_205 = arith.addf %get3A_201, %sub3A_202 : vector<16xf32>
      %swap3A_206 = arith.index_cast %scan3A_92 : i32 to index
      %swap3A_207 = arith.constant 96 : index
      %swap3A_208 = tpu.vector_load %arg9[%swap3A_206, %swap3A_207] {strides = array<i32>} : memref<128x256xf32, #tpu.memory_space<vmem>>, vector<1x16xf32>,
      %swap3A_209 = vector.shape_cast %swap3A_208 : vector<1x16xf32> to vector<16xf32>
      %swap3A_210 = vector.shape_cast %add3A_205 : vector<16xf32> to vector<1x16xf32>
      tpu.vector_store %arg9[%swap3A_206, %swap3A_207], %swap3A_210 {strides = array<i32>} : memref<128x256xf32, #tpu.memory_space<vmem>>, vector<1x16xf32>,
      %get3A_211 = arith.index_cast %scan3A_92 : i32 to index
      %get3A_212 = arith.constant 112 : index
      %get3A_213 = tpu.vector_load %arg9[%get3A_211, %get3A_212] {strides = array<i32>} : memref<128x256xf32, #tpu.memory_space<vmem>>, vector<1x16xf32>,
      %get3A_214 = vector.shape_cast %get3A_213 : vector<1x16xf32> to vector<16xf32>
      %get3A_215 = arith.index_cast %scan3A_92 : i32 to index
      %get3A_216 = arith.constant 112 : index
      %get3A_217 = tpu.vector_load %arg10[%get3A_215, %get3A_216] {strides = array<i32>} : memref<128x256xf32, #tpu.memory_space<vmem>>, vector<1x16xf32>,
      %get3A_218 = vector.shape_cast %get3A_217 : vector<1x16xf32> to vector<16xf32>
      %sub3A_219 = arith.subf %get3A_214, %get3A_218 : vector<16xf32>
      %mul3A_220 = arith.mulf %sub3A_219, %sub3A_219 : vector<16xf32>
      %add3A_221 = arith.addf %add3A_204, %mul3A_220 : vector<16xf32>
      %add3A_222 = arith.addf %get3A_218, %sub3A_219 : vector<16xf32>
      %swap3A_223 = arith.index_cast %scan3A_92 : i32 to index
      %swap3A_224 = arith.constant 112 : index
      %swap3A_225 = tpu.vector_load %arg9[%swap3A_223, %swap3A_224] {strides = array<i32>} : memref<128x256xf32, #tpu.memory_space<vmem>>, vector<1x16xf32>,
      %swap3A_226 = vector.shape_cast %swap3A_225 : vector<1x16xf32> to vector<16xf32>
      %swap3A_227 = vector.shape_cast %add3A_222 : vector<16xf32> to vector<1x16xf32>
      tpu.vector_store %arg9[%swap3A_223, %swap3A_224], %swap3A_227 {strides = array<i32>} : memref<128x256xf32, #tpu.memory_space<vmem>>, vector<1x16xf32>,
      %get3A_228 = arith.index_cast %scan3A_92 : i32 to index
      %get3A_229 = arith.constant 128 : index
      %get3A_230 = tpu.vector_load %arg9[%get3A_228, %get3A_229] {strides = array<i32>} : memref<128x256xf32, #tpu.memory_space<vmem>>, vector<1x16xf32>,
      %get3A_231 = vector.shape_cast %get3A_230 : vector<1x16xf32> to vector<16xf32>
      %get3A_232 = arith.index_cast %scan3A_92 : i32 to index
      %get3A_233 = arith.constant 128 : index
      %get3A_234 = tpu.vector_load %arg10[%get3A_232, %get3A_233] {strides = array<i32>} : memref<128x256xf32, #tpu.memory_space<vmem>>, vector<1x16xf32>,
      %get3A_235 = vector.shape_cast %get3A_234 : vector<1x16xf32> to vector<16xf32>
      %sub3A_236 = arith.subf %get3A_231, %get3A_235 : vector<16xf32>
      %mul3A_237 = arith.mulf %sub3A_236, %sub3A_236 : vector<16xf32>
      %add3A_238 = arith.addf %add3A_221, %mul3A_237 : vector<16xf32>
      %add3A_239 = arith.addf %get3A_235, %sub3A_236 : vector<16xf32>
      %swap3A_240 = arith.index_cast %scan3A_92 : i32 to index
      %swap3A_241 = arith.constant 128 : index
      %swap3A_242 = tpu.vector_load %arg9[%swap3A_240, %swap3A_241] {strides = array<i32>} : memref<128x256xf32, #tpu.memory_space<vmem>>, vector<1x16xf32>,
      %swap3A_243 = vector.shape_cast %swap3A_242 : vector<1x16xf32> to vector<16xf32>
      %swap3A_244 = vector.shape_cast %add3A_239 : vector<16xf32> to vector<1x16xf32>
      tpu.vector_store %arg9[%swap3A_240, %swap3A_241], %swap3A_244 {strides = array<i32>} : memref<128x256xf32, #tpu.memory_space<vmem>>, vector<1x16xf32>,
      %get3A_245 = arith.index_cast %scan3A_92 : i32 to index
      %get3A_246 = arith.constant 144 : index
      %get3A_247 = tpu.vector_load %arg9[%get3A_245, %get3A_246] {strides = array<i32>} : memref<128x256xf32, #tpu.memory_space<vmem>>, vector<1x16xf32>,
      %get3A_248 = vector.shape_cast %get3A_247 : vector<1x16xf32> to vector<16xf32>
      %get3A_249 = arith.index_cast %scan3A_92 : i32 to index
      %get3A_250 = arith.constant 144 : index
      %get3A_251 = tpu.vector_load %arg10[%get3A_249, %get3A_250] {strides = array<i32>} : memref<128x256xf32, #tpu.memory_space<vmem>>, vector<1x16xf32>,
      %get3A_252 = vector.shape_cast %get3A_251 : vector<1x16xf32> to vector<16xf32>
      %sub3A_253 = arith.subf %get3A_248, %get3A_252 : vector<16xf32>
      %mul3A_254 = arith.mulf %sub3A_253, %sub3A_253 : vector<16xf32>
      %add3A_255 = arith.addf %add3A_238, %mul3A_254 : vector<16xf32>
      %add3A_256 = arith.addf %get3A_252, %sub3A_253 : vector<16xf32>
      %swap3A_257 = arith.index_cast %scan3A_92 : i32 to index
      %swap3A_258 = arith.constant 144 : index
      %swap3A_259 = tpu.vector_load %arg9[%swap3A_257, %swap3A_258] {strides = array<i32>} : memref<128x256xf32, #tpu.memory_space<vmem>>, vector<1x16xf32>,
      %swap3A_260 = vector.shape_cast %swap3A_259 : vector<1x16xf32> to vector<16xf32>
      %swap3A_261 = vector.shape_cast %add3A_256 : vector<16xf32> to vector<1x16xf32>
      tpu.vector_store %arg9[%swap3A_257, %swap3A_258], %swap3A_261 {strides = array<i32>} : memref<128x256xf32, #tpu.memory_space<vmem>>, vector<1x16xf32>,
      %get3A_262 = arith.index_cast %scan3A_92 : i32 to index
      %get3A_263 = arith.constant 160 : index
      %get3A_264 = tpu.vector_load %arg9[%get3A_262, %get3A_263] {strides = array<i32>} : memref<128x256xf32, #tpu.memory_space<vmem>>, vector<1x16xf32>,
      %get3A_265 = vector.shape_cast %get3A_264 : vector<1x16xf32> to vector<16xf32>
      %get3A_266 = arith.index_cast %scan3A_92 : i32 to index
      %get3A_267 = arith.constant 160 : index
      %get3A_268 = tpu.vector_load %arg10[%get3A_266, %get3A_267] {strides = array<i32>} : memref<128x256xf32, #tpu.memory_space<vmem>>, vector<1x16xf32>,
      %get3A_269 = vector.shape_cast %get3A_268 : vector<1x16xf32> to vector<16xf32>
      %sub3A_270 = arith.subf %get3A_265, %get3A_269 : vector<16xf32>
      %mul3A_271 = arith.mulf %sub3A_270, %sub3A_270 : vector<16xf32>
      %add3A_272 = arith.addf %add3A_255, %mul3A_271 : vector<16xf32>
      %add3A_273 = arith.addf %get3A_269, %sub3A_270 : vector<16xf32>
      %swap3A_274 = arith.index_cast %scan3A_92 : i32 to index
      %swap3A_275 = arith.constant 160 : index
      %swap3A_276 = tpu.vector_load %arg9[%swap3A_274, %swap3A_275] {strides = array<i32>} : memref<128x256xf32, #tpu.memory_space<vmem>>, vector<1x16xf32>,
      %swap3A_277 = vector.shape_cast %swap3A_276 : vector<1x16xf32> to vector<16xf32>
      %swap3A_278 = vector.shape_cast %add3A_273 : vector<16xf32> to vector<1x16xf32>
      tpu.vector_store %arg9[%swap3A_274, %swap3A_275], %swap3A_278 {strides = array<i32>} : memref<128x256xf32, #tpu.memory_space<vmem>>, vector<1x16xf32>,
      %get3A_279 = arith.index_cast %scan3A_92 : i32 to index
      %get3A_280 = arith.constant 176 : index
      %get3A_281 = tpu.vector_load %arg9[%get3A_279, %get3A_280] {strides = array<i32>} : memref<128x256xf32, #tpu.memory_space<vmem>>, vector<1x16xf32>,
      %get3A_282 = vector.shape_cast %get3A_281 : vector<1x16xf32> to vector<16xf32>
      %get3A_283 = arith.index_cast %scan3A_92 : i32 to index
      %get3A_284 = arith.constant 176 : index
      %get3A_285 = tpu.vector_load %arg10[%get3A_283, %get3A_284] {strides = array<i32>} : memref<128x256xf32, #tpu.memory_space<vmem>>, vector<1x16xf32>,
      %get3A_286 = vector.shape_cast %get3A_285 : vector<1x16xf32> to vector<16xf32>
      %sub3A_287 = arith.subf %get3A_282, %get3A_286 : vector<16xf32>
      %mul3A_288 = arith.mulf %sub3A_287, %sub3A_287 : vector<16xf32>
      %add3A_289 = arith.addf %add3A_272, %mul3A_288 : vector<16xf32>
      %add3A_290 = arith.addf %get3A_286, %sub3A_287 : vector<16xf32>
      %swap3A_291 = arith.index_cast %scan3A_92 : i32 to index
      %swap3A_292 = arith.constant 176 : index
      %swap3A_293 = tpu.vector_load %arg9[%swap3A_291, %swap3A_292] {strides = array<i32>} : memref<128x256xf32, #tpu.memory_space<vmem>>, vector<1x16xf32>,
      %swap3A_294 = vector.shape_cast %swap3A_293 : vector<1x16xf32> to vector<16xf32>
      %swap3A_295 = vector.shape_cast %add3A_290 : vector<16xf32> to vector<1x16xf32>
      tpu.vector_store %arg9[%swap3A_291, %swap3A_292], %swap3A_295 {strides = array<i32>} : memref<128x256xf32, #tpu.memory_space<vmem>>, vector<1x16xf32>,
      %get3A_296 = arith.index_cast %scan3A_92 : i32 to index
      %get3A_297 = arith.constant 192 : index
      %get3A_298 = tpu.vector_load %arg9[%get3A_296, %get3A_297] {strides = array<i32>} : memref<128x256xf32, #tpu.memory_space<vmem>>, vector<1x16xf32>,
      %get3A_299 = vector.shape_cast %get3A_298 : vector<1x16xf32> to vector<16xf32>
      %get3A_300 = arith.index_cast %scan3A_92 : i32 to index
      %get3A_301 = arith.constant 192 : index
      %get3A_302 = tpu.vector_load %arg10[%get3A_300, %get3A_301] {strides = array<i32>} : memref<128x256xf32, #tpu.memory_space<vmem>>, vector<1x16xf32>,
      %get3A_303 = vector.shape_cast %get3A_302 : vector<1x16xf32> to vector<16xf32>
      %sub3A_304 = arith.subf %get3A_299, %get3A_303 : vector<16xf32>
      %mul3A_305 = arith.mulf %sub3A_304, %sub3A_304 : vector<16xf32>
      %add3A_306 = arith.addf %add3A_289, %mul3A_305 : vector<16xf32>
      %add3A_307 = arith.addf %get3A_303, %sub3A_304 : vector<16xf32>
      %swap3A_308 = arith.index_cast %scan3A_92 : i32 to index
      %swap3A_309 = arith.constant 192 : index
      %swap3A_310 = tpu.vector_load %arg9[%swap3A_308, %swap3A_309] {strides = array<i32>} : memref<128x256xf32, #tpu.memory_space<vmem>>, vector<1x16xf32>,
      %swap3A_311 = vector.shape_cast %swap3A_310 : vector<1x16xf32> to vector<16xf32>
      %swap3A_312 = vector.shape_cast %add3A_307 : vector<16xf32> to vector<1x16xf32>
      tpu.vector_store %arg9[%swap3A_308, %swap3A_309], %swap3A_312 {strides = array<i32>} : memref<128x256xf32, #tpu.memory_space<vmem>>, vector<1x16xf32>,
      %get3A_313 = arith.index_cast %scan3A_92 : i32 to index
      %get3A_314 = arith.constant 208 : index
      %get3A_315 = tpu.vector_load %arg9[%get3A_313, %get3A_314] {strides = array<i32>} : memref<128x256xf32, #tpu.memory_space<vmem>>, vector<1x16xf32>,
      %get3A_316 = vector.shape_cast %get3A_315 : vector<1x16xf32> to vector<16xf32>
      %get3A_317 = arith.index_cast %scan3A_92 : i32 to index
      %get3A_318 = arith.constant 208 : index
      %get3A_319 = tpu.vector_load %arg10[%get3A_317, %get3A_318] {strides = array<i32>} : memref<128x256xf32, #tpu.memory_space<vmem>>, vector<1x16xf32>,
      %get3A_320 = vector.shape_cast %get3A_319 : vector<1x16xf32> to vector<16xf32>
      %sub3A_321 = arith.subf %get3A_316, %get3A_320 : vector<16xf32>
      %mul3A_322 = arith.mulf %sub3A_321, %sub3A_321 : vector<16xf32>
      %add3A_323 = arith.addf %add3A_306, %mul3A_322 : vector<16xf32>
      %add3A_324 = arith.addf %get3A_320, %sub3A_321 : vector<16xf32>
      %swap3A_325 = arith.index_cast %scan3A_92 : i32 to index
      %swap3A_326 = arith.constant 208 : index
      %swap3A_327 = tpu.vector_load %arg9[%swap3A_325, %swap3A_326] {strides = array<i32>} : memref<128x256xf32, #tpu.memory_space<vmem>>, vector<1x16xf32>,
      %swap3A_328 = vector.shape_cast %swap3A_327 : vector<1x16xf32> to vector<16xf32>
      %swap3A_329 = vector.shape_cast %add3A_324 : vector<16xf32> to vector<1x16xf32>
      tpu.vector_store %arg9[%swap3A_325, %swap3A_326], %swap3A_329 {strides = array<i32>} : memref<128x256xf32, #tpu.memory_space<vmem>>, vector<1x16xf32>,
      %get3A_330 = arith.index_cast %scan3A_92 : i32 to index
      %get3A_331 = arith.constant 224 : index
      %get3A_332 = tpu.vector_load %arg9[%get3A_330, %get3A_331] {strides = array<i32>} : memref<128x256xf32, #tpu.memory_space<vmem>>, vector<1x16xf32>,
      %get3A_333 = vector.shape_cast %get3A_332 : vector<1x16xf32> to vector<16xf32>
      %get3A_334 = arith.index_cast %scan3A_92 : i32 to index
      %get3A_335 = arith.constant 224 : index
      %get3A_336 = tpu.vector_load %arg10[%get3A_334, %get3A_335] {strides = array<i32>} : memref<128x256xf32, #tpu.memory_space<vmem>>, vector<1x16xf32>,
      %get3A_337 = vector.shape_cast %get3A_336 : vector<1x16xf32> to vector<16xf32>
      %sub3A_338 = arith.subf %get3A_333, %get3A_337 : vector<16xf32>
      %mul3A_339 = arith.mulf %sub3A_338, %sub3A_338 : vector<16xf32>
      %add3A_340 = arith.addf %add3A_323, %mul3A_339 : vector<16xf32>
      %add3A_341 = arith.addf %get3A_337, %sub3A_338 : vector<16xf32>
      %swap3A_342 = arith.index_cast %scan3A_92 : i32 to index
      %swap3A_343 = arith.constant 224 : index
      %swap3A_344 = tpu.vector_load %arg9[%swap3A_342, %swap3A_343] {strides = array<i32>} : memref<128x256xf32, #tpu.memory_space<vmem>>, vector<1x16xf32>,
      %swap3A_345 = vector.shape_cast %swap3A_344 : vector<1x16xf32> to vector<16xf32>
      %swap3A_346 = vector.shape_cast %add3A_341 : vector<16xf32> to vector<1x16xf32>
      tpu.vector_store %arg9[%swap3A_342, %swap3A_343], %swap3A_346 {strides = array<i32>} : memref<128x256xf32, #tpu.memory_space<vmem>>, vector<1x16xf32>,
      %get3A_347 = arith.index_cast %scan3A_92 : i32 to index
      %get3A_348 = arith.constant 240 : index
      %get3A_349 = tpu.vector_load %arg9[%get3A_347, %get3A_348] {strides = array<i32>} : memref<128x256xf32, #tpu.memory_space<vmem>>, vector<1x16xf32>,
      %get3A_350 = vector.shape_cast %get3A_349 : vector<1x16xf32> to vector<16xf32>
      %get3A_351 = arith.index_cast %scan3A_92 : i32 to index
      %get3A_352 = arith.constant 240 : index
      %get3A_353 = tpu.vector_load %arg10[%get3A_351, %get3A_352] {strides = array<i32>} : memref<128x256xf32, #tpu.memory_space<vmem>>, vector<1x16xf32>,
      %get3A_354 = vector.shape_cast %get3A_353 : vector<1x16xf32> to vector<16xf32>
      %sub3A_355 = arith.subf %get3A_350, %get3A_354 : vector<16xf32>
      %mul3A_356 = arith.mulf %sub3A_355, %sub3A_355 : vector<16xf32>
      %add3A_357 = arith.addf %add3A_340, %mul3A_356 : vector<16xf32>
      %add3A_358 = arith.addf %get3A_354, %sub3A_355 : vector<16xf32>
      %swap3A_359 = arith.index_cast %scan3A_92 : i32 to index
      %swap3A_360 = arith.constant 240 : index
      %swap3A_361 = tpu.vector_load %arg9[%swap3A_359, %swap3A_360] {strides = array<i32>} : memref<128x256xf32, #tpu.memory_space<vmem>>, vector<1x16xf32>,
      %swap3A_362 = vector.shape_cast %swap3A_361 : vector<1x16xf32> to vector<16xf32>
      %swap3A_363 = vector.shape_cast %add3A_358 : vector<16xf32> to vector<1x16xf32>
      tpu.vector_store %arg9[%swap3A_359, %swap3A_360], %swap3A_363 {strides = array<i32>} : memref<128x256xf32, #tpu.memory_space<vmem>>, vector<1x16xf32>,
      scf.yield %add3A_357 : vector<16xf32>
    }
    %scan3A_88 = arith.constant 128 : i32
    "tpu.region"() ({
      %run_scoped3A = tpu.sem_alloc : memref<!tpu.dma_semaphore, #tpu.memory_space<semaphore_mem>>
      %dma_start3A_92 = arith.constant 0 : i32
      %dma_start3A_93 = tpu.memref_slice %arg5[%add3A_75, %dma_start3A_92] : memref<16384x256xf32, #tpu.memory_space<hbm>> -> memref<128x256xf32, #tpu.memory_space<hbm>>
      %dma_start3A_94 = arith.constant 0 : i32
      %dma_start3A_95 = tpu.memref_slice %arg5[%add3A_75, %dma_start3A_94] : memref<16384x256xf32, #tpu.memory_space<hbm>> -> memref<128x256xf32, #tpu.memory_space<hbm>>
      tpu.enqueue_dma source(%arg9 : memref<128x256xf32, #tpu.memory_space<vmem>>) target(%dma_start3A_95 : memref<128x256xf32, #tpu.memory_space<hbm>>) target_semaphore(%run_scoped3A : memref<!tpu.dma_semaphore, #tpu.memory_space<semaphore_mem>>)
      %dma_wait3A_96 = arith.constant 0 : i32
      %dma_wait3A_97 = tpu.memref_slice %arg5[%add3A_75, %dma_wait3A_96] : memref<16384x256xf32, #tpu.memory_space<hbm>> -> memref<128x256xf32, #tpu.memory_space<hbm>>
      %dma_wait3A_98 = arith.constant 0 : i32
      %dma_wait3A_99 = tpu.memref_slice %arg5[%add3A_75, %dma_wait3A_98] : memref<16384x256xf32, #tpu.memory_space<hbm>> -> memref<128x256xf32, #tpu.memory_space<hbm>>
      tpu.wait_dma2 semaphore(%run_scoped3A : memref<!tpu.dma_semaphore, #tpu.memory_space<semaphore_mem>>) src(%arg9 : memref<128x256xf32, #tpu.memory_space<vmem>>) dst(%dma_wait3A_99 : memref<128x256xf32, #tpu.memory_space<hbm>>)
      tpu.yield
    }) : () -> ()
    %swap3A = arith.constant 0 : index
    %swap3A_89 = tpu.vector_load %arg11[%swap3A] {strides = array<i32>} : memref<16xf32, #tpu.memory_space<vmem>>, vector<16xf32>,
    %swap3A_90 = vector.shape_cast %swap3A_89 : vector<16xf32> to vector<16xf32>
    %swap3A_91 = vector.shape_cast %scan3A_87 : vector<16xf32> to vector<16xf32>
    tpu.vector_store %arg11[%swap3A], %swap3A_91 {strides = array<i32>} : memref<16xf32, #tpu.memory_space<vmem>>, vector<16xf32>,
    "tpu.region"() ({
      %run_scoped3A = tpu.sem_alloc : memref<!tpu.dma_semaphore, #tpu.memory_space<semaphore_mem>>
      %dma_start3A_92 = arith.constant 0 : i32
      %dma_start3A_93 = tpu.memref_slice %arg6[%add3A, %dma_start3A_92] : memref<32x16xf32, #tpu.memory_space<hbm>> -> memref<1x16xf32, #tpu.memory_space<hbm>>
      %dma_start3A_94 = tpu.memref_squeeze %dma_start3A_93 : memref<1x16xf32, #tpu.memory_space<hbm>> -> memref<16xf32, #tpu.memory_space<hbm>>
      %dma_start3A_95 = arith.constant 0 : i32
      %dma_start3A_96 = tpu.memref_slice %arg6[%add3A, %dma_start3A_95] : memref<32x16xf32, #tpu.memory_space<hbm>> -> memref<1x16xf32, #tpu.memory_space<hbm>>
      %dma_start3A_97 = tpu.memref_squeeze %dma_start3A_96 : memref<1x16xf32, #tpu.memory_space<hbm>> -> memref<16xf32, #tpu.memory_space<hbm>>
      tpu.enqueue_dma source(%arg11 : memref<16xf32, #tpu.memory_space<vmem>>) target(%dma_start3A_97 : memref<16xf32, #tpu.memory_space<hbm>>) target_semaphore(%run_scoped3A : memref<!tpu.dma_semaphore, #tpu.memory_space<semaphore_mem>>)
      %dma_wait3A_98 = arith.constant 0 : i32
      %dma_wait3A_99 = tpu.memref_slice %arg6[%add3A, %dma_wait3A_98] : memref<32x16xf32, #tpu.memory_space<hbm>> -> memref<1x16xf32, #tpu.memory_space<hbm>>
      %dma_wait3A_100 = tpu.memref_squeeze %dma_wait3A_99 : memref<1x16xf32, #tpu.memory_space<hbm>> -> memref<16xf32, #tpu.memory_space<hbm>>
      %dma_wait3A_101 = arith.constant 0 : i32
      %dma_wait3A_102 = tpu.memref_slice %arg6[%add3A, %dma_wait3A_101] : memref<32x16xf32, #tpu.memory_space<hbm>> -> memref<1x16xf32, #tpu.memory_space<hbm>>
      %dma_wait3A_103 = tpu.memref_squeeze %dma_wait3A_102 : memref<1x16xf32, #tpu.memory_space<hbm>> -> memref<16xf32, #tpu.memory_space<hbm>>
      tpu.wait_dma2 semaphore(%run_scoped3A : memref<!tpu.dma_semaphore, #tpu.memory_space<semaphore_mem>>) src(%arg11 : memref<16xf32, #tpu.memory_space<vmem>>) dst(%dma_wait3A_103 : memref<16xf32, #tpu.memory_space<hbm>>)
      tpu.yield
    }) : () -> ()
    return
  }
}

module attributes {stable_mosaic.version = 14 : i64} {
  func.func @_dist_argmin_body(%arg0: i32, %arg1: memref<1024x256xf32, #tpu.memory_space<vmem>>, %arg2: memref<8192x256xf32, #tpu.memory_space<vmem>>, %arg3: memref<1x1x1024xi32, #tpu.memory_space<vmem>>, %arg4: memref<1x8192xf32, #tpu.memory_space<vmem>>) attributes {dimension_semantics = [#tpu.dimension_semantics<arbitrary>], iteration_bounds = array<i64: 16>, scalar_prefetch = 0 : i64, scratch_operands = 1 : i64, tpu.core_type = #tpu.core_type<tc>, window_params = [{transform_indices = @transform_0, window_bounds = array<i64: 1024, 256>}, {pipeline_mode = #tpu.pipeline_mode<synchronous>, transform_indices = @transform_1, window_bounds = array<i64: 8192, 256>}, {transform_indices = @transform_2, window_bounds = array<i64: 1, 1, 1024>}]} {
    %eq3A = arith.constant 0 : i32
    %eq3A_0 = arith.cmpi eq, %arg0, %eq3A : i32
    %convert_element_type3A = arith.extui %eq3A_0 : i1 to i32
    %cond3A = arith.constant 0 : i32
    %cond3A_1 = arith.cmpi ne, %convert_element_type3A, %cond3A : i32
    scf.if %cond3A_1 {
      %get3A_1021 = arith.constant 0 : index
      %get3A_1022 = arith.constant 0 : index
      %get3A_1023 = vector.load %arg2[%get3A_1021, %get3A_1022] : memref<8192x256xf32, #tpu.memory_space<vmem>>, vector<1024x256xf32>
      %mul3A_1024 = arith.mulf %get3A_1023, %get3A_1023 : vector<1024x256xf32>
      %reduce_sum3A_1025 = arith.constant dense<0.000000e+00> : vector<1024xf32>
      %reduce_sum3A_1026 = vector.multi_reduction <add>, %mul3A_1024, %reduce_sum3A_1025 [1] : vector<1024x256xf32> to vector<1024xf32>
      %swap3A_1027 = arith.constant 0 : index
      %swap3A_1028 = arith.constant 0 : index
      %swap3A_1029 = vector.load %arg4[%swap3A_1027, %swap3A_1028] : memref<1x8192xf32, #tpu.memory_space<vmem>>, vector<1x1024xf32>
      %swap3A_1030 = vector.shape_cast %swap3A_1029 : vector<1x1024xf32> to vector<1024xf32>
      %swap3A_1031 = vector.shape_cast %reduce_sum3A_1026 : vector<1024xf32> to vector<1x1024xf32>
      tpu.vector_store %arg4[%swap3A_1027, %swap3A_1028], %swap3A_1031 {strides = array<i32>} : memref<1x8192xf32, #tpu.memory_space<vmem>>, vector<1x1024xf32>,
      %get3A_1032 = arith.constant 1024 : index
      %get3A_1033 = arith.constant 0 : index
      %get3A_1034 = vector.load %arg2[%get3A_1032, %get3A_1033] : memref<8192x256xf32, #tpu.memory_space<vmem>>, vector<1024x256xf32>
      %mul3A_1035 = arith.mulf %get3A_1034, %get3A_1034 : vector<1024x256xf32>
      %reduce_sum3A_1036 = arith.constant dense<0.000000e+00> : vector<1024xf32>
      %reduce_sum3A_1037 = vector.multi_reduction <add>, %mul3A_1035, %reduce_sum3A_1036 [1] : vector<1024x256xf32> to vector<1024xf32>
      %swap3A_1038 = arith.constant 0 : index
      %swap3A_1039 = arith.constant 1024 : index
      %swap3A_1040 = vector.load %arg4[%swap3A_1038, %swap3A_1039] : memref<1x8192xf32, #tpu.memory_space<vmem>>, vector<1x1024xf32>
      %swap3A_1041 = vector.shape_cast %swap3A_1040 : vector<1x1024xf32> to vector<1024xf32>
      %swap3A_1042 = vector.shape_cast %reduce_sum3A_1037 : vector<1024xf32> to vector<1x1024xf32>
      tpu.vector_store %arg4[%swap3A_1038, %swap3A_1039], %swap3A_1042 {strides = array<i32>} : memref<1x8192xf32, #tpu.memory_space<vmem>>, vector<1x1024xf32>,
      %get3A_1043 = arith.constant 2048 : index
      %get3A_1044 = arith.constant 0 : index
      %get3A_1045 = vector.load %arg2[%get3A_1043, %get3A_1044] : memref<8192x256xf32, #tpu.memory_space<vmem>>, vector<1024x256xf32>
      %mul3A_1046 = arith.mulf %get3A_1045, %get3A_1045 : vector<1024x256xf32>
      %reduce_sum3A_1047 = arith.constant dense<0.000000e+00> : vector<1024xf32>
      %reduce_sum3A_1048 = vector.multi_reduction <add>, %mul3A_1046, %reduce_sum3A_1047 [1] : vector<1024x256xf32> to vector<1024xf32>
      %swap3A_1049 = arith.constant 0 : index
      %swap3A_1050 = arith.constant 2048 : index
      %swap3A_1051 = vector.load %arg4[%swap3A_1049, %swap3A_1050] : memref<1x8192xf32, #tpu.memory_space<vmem>>, vector<1x1024xf32>
      %swap3A_1052 = vector.shape_cast %swap3A_1051 : vector<1x1024xf32> to vector<1024xf32>
      %swap3A_1053 = vector.shape_cast %reduce_sum3A_1048 : vector<1024xf32> to vector<1x1024xf32>
      tpu.vector_store %arg4[%swap3A_1049, %swap3A_1050], %swap3A_1053 {strides = array<i32>} : memref<1x8192xf32, #tpu.memory_space<vmem>>, vector<1x1024xf32>,
      %get3A_1054 = arith.constant 3072 : index
      %get3A_1055 = arith.constant 0 : index
      %get3A_1056 = vector.load %arg2[%get3A_1054, %get3A_1055] : memref<8192x256xf32, #tpu.memory_space<vmem>>, vector<1024x256xf32>
      %mul3A_1057 = arith.mulf %get3A_1056, %get3A_1056 : vector<1024x256xf32>
      %reduce_sum3A_1058 = arith.constant dense<0.000000e+00> : vector<1024xf32>
      %reduce_sum3A_1059 = vector.multi_reduction <add>, %mul3A_1057, %reduce_sum3A_1058 [1] : vector<1024x256xf32> to vector<1024xf32>
      %swap3A_1060 = arith.constant 0 : index
      %swap3A_1061 = arith.constant 3072 : index
      %swap3A_1062 = vector.load %arg4[%swap3A_1060, %swap3A_1061] : memref<1x8192xf32, #tpu.memory_space<vmem>>, vector<1x1024xf32>
      %swap3A_1063 = vector.shape_cast %swap3A_1062 : vector<1x1024xf32> to vector<1024xf32>
      %swap3A_1064 = vector.shape_cast %reduce_sum3A_1059 : vector<1024xf32> to vector<1x1024xf32>
      tpu.vector_store %arg4[%swap3A_1060, %swap3A_1061], %swap3A_1064 {strides = array<i32>} : memref<1x8192xf32, #tpu.memory_space<vmem>>, vector<1x1024xf32>,
      %get3A_1065 = arith.constant 4096 : index
      %get3A_1066 = arith.constant 0 : index
      %get3A_1067 = vector.load %arg2[%get3A_1065, %get3A_1066] : memref<8192x256xf32, #tpu.memory_space<vmem>>, vector<1024x256xf32>
      %mul3A_1068 = arith.mulf %get3A_1067, %get3A_1067 : vector<1024x256xf32>
      %reduce_sum3A_1069 = arith.constant dense<0.000000e+00> : vector<1024xf32>
      %reduce_sum3A_1070 = vector.multi_reduction <add>, %mul3A_1068, %reduce_sum3A_1069 [1] : vector<1024x256xf32> to vector<1024xf32>
      %swap3A_1071 = arith.constant 0 : index
      %swap3A_1072 = arith.constant 4096 : index
      %swap3A_1073 = vector.load %arg4[%swap3A_1071, %swap3A_1072] : memref<1x8192xf32, #tpu.memory_space<vmem>>, vector<1x1024xf32>
      %swap3A_1074 = vector.shape_cast %swap3A_1073 : vector<1x1024xf32> to vector<1024xf32>
      %swap3A_1075 = vector.shape_cast %reduce_sum3A_1070 : vector<1024xf32> to vector<1x1024xf32>
      tpu.vector_store %arg4[%swap3A_1071, %swap3A_1072], %swap3A_1075 {strides = array<i32>} : memref<1x8192xf32, #tpu.memory_space<vmem>>, vector<1x1024xf32>,
      %get3A_1076 = arith.constant 5120 : index
      %get3A_1077 = arith.constant 0 : index
      %get3A_1078 = vector.load %arg2[%get3A_1076, %get3A_1077] : memref<8192x256xf32, #tpu.memory_space<vmem>>, vector<1024x256xf32>
      %mul3A_1079 = arith.mulf %get3A_1078, %get3A_1078 : vector<1024x256xf32>
      %reduce_sum3A_1080 = arith.constant dense<0.000000e+00> : vector<1024xf32>
      %reduce_sum3A_1081 = vector.multi_reduction <add>, %mul3A_1079, %reduce_sum3A_1080 [1] : vector<1024x256xf32> to vector<1024xf32>
      %swap3A_1082 = arith.constant 0 : index
      %swap3A_1083 = arith.constant 5120 : index
      %swap3A_1084 = vector.load %arg4[%swap3A_1082, %swap3A_1083] : memref<1x8192xf32, #tpu.memory_space<vmem>>, vector<1x1024xf32>
      %swap3A_1085 = vector.shape_cast %swap3A_1084 : vector<1x1024xf32> to vector<1024xf32>
      %swap3A_1086 = vector.shape_cast %reduce_sum3A_1081 : vector<1024xf32> to vector<1x1024xf32>
      tpu.vector_store %arg4[%swap3A_1082, %swap3A_1083], %swap3A_1086 {strides = array<i32>} : memref<1x8192xf32, #tpu.memory_space<vmem>>, vector<1x1024xf32>,
      %get3A_1087 = arith.constant 6144 : index
      %get3A_1088 = arith.constant 0 : index
      %get3A_1089 = vector.load %arg2[%get3A_1087, %get3A_1088] : memref<8192x256xf32, #tpu.memory_space<vmem>>, vector<1024x256xf32>
      %mul3A_1090 = arith.mulf %get3A_1089, %get3A_1089 : vector<1024x256xf32>
      %reduce_sum3A_1091 = arith.constant dense<0.000000e+00> : vector<1024xf32>
      %reduce_sum3A_1092 = vector.multi_reduction <add>, %mul3A_1090, %reduce_sum3A_1091 [1] : vector<1024x256xf32> to vector<1024xf32>
      %swap3A_1093 = arith.constant 0 : index
      %swap3A_1094 = arith.constant 6144 : index
      %swap3A_1095 = vector.load %arg4[%swap3A_1093, %swap3A_1094] : memref<1x8192xf32, #tpu.memory_space<vmem>>, vector<1x1024xf32>
      %swap3A_1096 = vector.shape_cast %swap3A_1095 : vector<1x1024xf32> to vector<1024xf32>
      %swap3A_1097 = vector.shape_cast %reduce_sum3A_1092 : vector<1024xf32> to vector<1x1024xf32>
      tpu.vector_store %arg4[%swap3A_1093, %swap3A_1094], %swap3A_1097 {strides = array<i32>} : memref<1x8192xf32, #tpu.memory_space<vmem>>, vector<1x1024xf32>,
      %get3A_1098 = arith.constant 7168 : index
      %get3A_1099 = arith.constant 0 : index
      %get3A_1100 = vector.load %arg2[%get3A_1098, %get3A_1099] : memref<8192x256xf32, #tpu.memory_space<vmem>>, vector<1024x256xf32>
      %mul3A_1101 = arith.mulf %get3A_1100, %get3A_1100 : vector<1024x256xf32>
      %reduce_sum3A_1102 = arith.constant dense<0.000000e+00> : vector<1024xf32>
      %reduce_sum3A_1103 = vector.multi_reduction <add>, %mul3A_1101, %reduce_sum3A_1102 [1] : vector<1024x256xf32> to vector<1024xf32>
      %swap3A_1104 = arith.constant 0 : index
      %swap3A_1105 = arith.constant 7168 : index
      %swap3A_1106 = vector.load %arg4[%swap3A_1104, %swap3A_1105] : memref<1x8192xf32, #tpu.memory_space<vmem>>, vector<1x1024xf32>
      %swap3A_1107 = vector.shape_cast %swap3A_1106 : vector<1x1024xf32> to vector<1024xf32>
      %swap3A_1108 = vector.shape_cast %reduce_sum3A_1103 : vector<1024xf32> to vector<1x1024xf32>
      tpu.vector_store %arg4[%swap3A_1104, %swap3A_1105], %swap3A_1108 {strides = array<i32>} : memref<1x8192xf32, #tpu.memory_space<vmem>>, vector<1x1024xf32>,
    } else {
    }
    %get3A = arith.constant 0 : index
    %get3A_2 = arith.constant 0 : index
    %get3A_3 = vector.load %arg1[%get3A, %get3A_2] : memref<1024x256xf32, #tpu.memory_space<vmem>>, vector<1024x256xf32>
    %mul3A = arith.mulf %get3A_3, %get3A_3 : vector<1024x256xf32>
    %reduce_sum3A = arith.constant dense<0.000000e+00> : vector<1024xf32>
    %reduce_sum3A_4 = vector.multi_reduction <add>, %mul3A, %reduce_sum3A [1] : vector<1024x256xf32> to vector<1024xf32>
    %broadcast_in_dim3A = vector.shape_cast %reduce_sum3A_4 : vector<1024xf32> to vector<1024x1xf32>
    %broadcast_in_dim3A_5 = arith.constant 0x7F800000 : f32
    %broadcast_in_dim3A_6 = vector.broadcast %broadcast_in_dim3A_5 : f32 to vector<1024x128xf32>
    %broadcast_in_dim3A_7 = arith.constant 0.000000e+00 : f32
    %broadcast_in_dim3A_8 = vector.broadcast %broadcast_in_dim3A_7 : f32 to vector<1024x128xf32>
    %get3A_9 = arith.constant 0 : index
    %get3A_10 = arith.constant 0 : index
    %get3A_11 = vector.load %arg2[%get3A_9, %get3A_10] : memref<8192x256xf32, #tpu.memory_space<vmem>>, vector<1024x256xf32>
    %get3A_12 = arith.constant 0 : index
    %get3A_13 = arith.constant 0 : index
    %get3A_14 = vector.load %arg4[%get3A_12, %get3A_13] : memref<1x8192xf32, #tpu.memory_space<vmem>>, vector<1x1024xf32>
    %get3A_15 = vector.shape_cast %get3A_14 : vector<1x1024xf32> to vector<1024xf32>
    %reshape3A = vector.shape_cast %get3A_15 : vector<1024xf32> to vector<1x1024xf32>
    %dot_general3A = arith.constant dense<0.000000e+00> : vector<1024x1024xf32>
    %dot_general3A_16 = tpu.matmul %get3A_3, %get3A_11, %dot_general3A {dimension_numbers = #tpu.dot_dimension_numbers<[1], [1], [0], [0], [0, 0, 1, 0], [], []>, transpose_lhs_hint = false} : vector<1024x256xf32>, vector<1024x256xf32>, vector<1024x1024xf32> -> vector<1024x1024xf32>
    %slice3A = vector.extract_strided_slice %dot_general3A_16 {offsets = [0, 0], sizes = [1024, 128], strides = [1, 1]} : vector<1024x1024xf32> to vector<1024x128xf32>
    %slice3A_17 = vector.extract_strided_slice %reshape3A {offsets = [0, 0], sizes = [1, 128], strides = [1, 1]} : vector<1x1024xf32> to vector<1x128xf32>
    %mul3A_18 = arith.constant 2.000000e+00 : f32
    %mul3A_19 = vector.broadcast %mul3A_18 : f32 to vector<1024x128xf32>
    %mul3A_20 = arith.mulf %mul3A_19, %slice3A : vector<1024x128xf32>
    %sub3A = vector.broadcast %broadcast_in_dim3A : vector<1024x1xf32> to vector<1024x128xf32>
    %sub3A_21 = arith.subf %sub3A, %mul3A_20 : vector<1024x128xf32>
    %add3A = vector.broadcast %slice3A_17 : vector<1x128xf32> to vector<1024x128xf32>
    %add3A_22 = arith.addf %sub3A_21, %add3A : vector<1024x128xf32>
    %slice3A_23 = vector.extract_strided_slice %dot_general3A_16 {offsets = [0, 128], sizes = [1024, 128], strides = [1, 1]} : vector<1024x1024xf32> to vector<1024x128xf32>
    %slice3A_24 = vector.extract_strided_slice %reshape3A {offsets = [0, 128], sizes = [1, 128], strides = [1, 1]} : vector<1x1024xf32> to vector<1x128xf32>
    %mul3A_25 = arith.constant 2.000000e+00 : f32
    %mul3A_26 = vector.broadcast %mul3A_25 : f32 to vector<1024x128xf32>
    %mul3A_27 = arith.mulf %mul3A_26, %slice3A_23 : vector<1024x128xf32>
    %sub3A_28 = vector.broadcast %broadcast_in_dim3A : vector<1024x1xf32> to vector<1024x128xf32>
    %sub3A_29 = arith.subf %sub3A_28, %mul3A_27 : vector<1024x128xf32>
    %add3A_30 = vector.broadcast %slice3A_24 : vector<1x128xf32> to vector<1024x128xf32>
    %add3A_31 = arith.addf %sub3A_29, %add3A_30 : vector<1024x128xf32>
    %slice3A_32 = vector.extract_strided_slice %dot_general3A_16 {offsets = [0, 256], sizes = [1024, 128], strides = [1, 1]} : vector<1024x1024xf32> to vector<1024x128xf32>
    %slice3A_33 = vector.extract_strided_slice %reshape3A {offsets = [0, 256], sizes = [1, 128], strides = [1, 1]} : vector<1x1024xf32> to vector<1x128xf32>
    %mul3A_34 = arith.constant 2.000000e+00 : f32
    %mul3A_35 = vector.broadcast %mul3A_34 : f32 to vector<1024x128xf32>
    %mul3A_36 = arith.mulf %mul3A_35, %slice3A_32 : vector<1024x128xf32>
    %sub3A_37 = vector.broadcast %broadcast_in_dim3A : vector<1024x1xf32> to vector<1024x128xf32>
    %sub3A_38 = arith.subf %sub3A_37, %mul3A_36 : vector<1024x128xf32>
    %add3A_39 = vector.broadcast %slice3A_33 : vector<1x128xf32> to vector<1024x128xf32>
    %add3A_40 = arith.addf %sub3A_38, %add3A_39 : vector<1024x128xf32>
    %slice3A_41 = vector.extract_strided_slice %dot_general3A_16 {offsets = [0, 384], sizes = [1024, 128], strides = [1, 1]} : vector<1024x1024xf32> to vector<1024x128xf32>
    %slice3A_42 = vector.extract_strided_slice %reshape3A {offsets = [0, 384], sizes = [1, 128], strides = [1, 1]} : vector<1x1024xf32> to vector<1x128xf32>
    %mul3A_43 = arith.constant 2.000000e+00 : f32
    %mul3A_44 = vector.broadcast %mul3A_43 : f32 to vector<1024x128xf32>
    %mul3A_45 = arith.mulf %mul3A_44, %slice3A_41 : vector<1024x128xf32>
    %sub3A_46 = vector.broadcast %broadcast_in_dim3A : vector<1024x1xf32> to vector<1024x128xf32>
    %sub3A_47 = arith.subf %sub3A_46, %mul3A_45 : vector<1024x128xf32>
    %add3A_48 = vector.broadcast %slice3A_42 : vector<1x128xf32> to vector<1024x128xf32>
    %add3A_49 = arith.addf %sub3A_47, %add3A_48 : vector<1024x128xf32>
    %slice3A_50 = vector.extract_strided_slice %dot_general3A_16 {offsets = [0, 512], sizes = [1024, 128], strides = [1, 1]} : vector<1024x1024xf32> to vector<1024x128xf32>
    %slice3A_51 = vector.extract_strided_slice %reshape3A {offsets = [0, 512], sizes = [1, 128], strides = [1, 1]} : vector<1x1024xf32> to vector<1x128xf32>
    %mul3A_52 = arith.constant 2.000000e+00 : f32
    %mul3A_53 = vector.broadcast %mul3A_52 : f32 to vector<1024x128xf32>
    %mul3A_54 = arith.mulf %mul3A_53, %slice3A_50 : vector<1024x128xf32>
    %sub3A_55 = vector.broadcast %broadcast_in_dim3A : vector<1024x1xf32> to vector<1024x128xf32>
    %sub3A_56 = arith.subf %sub3A_55, %mul3A_54 : vector<1024x128xf32>
    %add3A_57 = vector.broadcast %slice3A_51 : vector<1x128xf32> to vector<1024x128xf32>
    %add3A_58 = arith.addf %sub3A_56, %add3A_57 : vector<1024x128xf32>
    %slice3A_59 = vector.extract_strided_slice %dot_general3A_16 {offsets = [0, 640], sizes = [1024, 128], strides = [1, 1]} : vector<1024x1024xf32> to vector<1024x128xf32>
    %slice3A_60 = vector.extract_strided_slice %reshape3A {offsets = [0, 640], sizes = [1, 128], strides = [1, 1]} : vector<1x1024xf32> to vector<1x128xf32>
    %mul3A_61 = arith.constant 2.000000e+00 : f32
    %mul3A_62 = vector.broadcast %mul3A_61 : f32 to vector<1024x128xf32>
    %mul3A_63 = arith.mulf %mul3A_62, %slice3A_59 : vector<1024x128xf32>
    %sub3A_64 = vector.broadcast %broadcast_in_dim3A : vector<1024x1xf32> to vector<1024x128xf32>
    %sub3A_65 = arith.subf %sub3A_64, %mul3A_63 : vector<1024x128xf32>
    %add3A_66 = vector.broadcast %slice3A_60 : vector<1x128xf32> to vector<1024x128xf32>
    %add3A_67 = arith.addf %sub3A_65, %add3A_66 : vector<1024x128xf32>
    %slice3A_68 = vector.extract_strided_slice %dot_general3A_16 {offsets = [0, 768], sizes = [1024, 128], strides = [1, 1]} : vector<1024x1024xf32> to vector<1024x128xf32>
    %slice3A_69 = vector.extract_strided_slice %reshape3A {offsets = [0, 768], sizes = [1, 128], strides = [1, 1]} : vector<1x1024xf32> to vector<1x128xf32>
    %mul3A_70 = arith.constant 2.000000e+00 : f32
    %mul3A_71 = vector.broadcast %mul3A_70 : f32 to vector<1024x128xf32>
    %mul3A_72 = arith.mulf %mul3A_71, %slice3A_68 : vector<1024x128xf32>
    %sub3A_73 = vector.broadcast %broadcast_in_dim3A : vector<1024x1xf32> to vector<1024x128xf32>
    %sub3A_74 = arith.subf %sub3A_73, %mul3A_72 : vector<1024x128xf32>
    %add3A_75 = vector.broadcast %slice3A_69 : vector<1x128xf32> to vector<1024x128xf32>
    %add3A_76 = arith.addf %sub3A_74, %add3A_75 : vector<1024x128xf32>
    %slice3A_77 = vector.extract_strided_slice %dot_general3A_16 {offsets = [0, 896], sizes = [1024, 128], strides = [1, 1]} : vector<1024x1024xf32> to vector<1024x128xf32>
    %slice3A_78 = vector.extract_strided_slice %reshape3A {offsets = [0, 896], sizes = [1, 128], strides = [1, 1]} : vector<1x1024xf32> to vector<1x128xf32>
    %mul3A_79 = arith.constant 2.000000e+00 : f32
    %mul3A_80 = vector.broadcast %mul3A_79 : f32 to vector<1024x128xf32>
    %mul3A_81 = arith.mulf %mul3A_80, %slice3A_77 : vector<1024x128xf32>
    %sub3A_82 = vector.broadcast %broadcast_in_dim3A : vector<1024x1xf32> to vector<1024x128xf32>
    %sub3A_83 = arith.subf %sub3A_82, %mul3A_81 : vector<1024x128xf32>
    %add3A_84 = vector.broadcast %slice3A_78 : vector<1x128xf32> to vector<1024x128xf32>
    %add3A_85 = arith.addf %sub3A_83, %add3A_84 : vector<1024x128xf32>
    %lt3A = arith.cmpf olt, %add3A_31, %add3A_22 : vector<1024x128xf32>
    %select_n3A = arith.select %lt3A, %add3A_31, %add3A_22 : vector<1024x128xi1>, vector<1024x128xf32>
    %jit3A = arith.constant 1.000000e+00 : f32
    %jit3A_86 = arith.constant 0.000000e+00 : f32
    %broadcast_in_dim3A_87 = vector.broadcast %jit3A : f32 to vector<1024x128xf32>
    %broadcast_in_dim3A_88 = vector.broadcast %jit3A_86 : f32 to vector<1024x128xf32>
    %select_n3A_89 = arith.select %lt3A, %broadcast_in_dim3A_87, %broadcast_in_dim3A_88 : vector<1024x128xi1>, vector<1024x128xf32>
    %lt3A_90 = arith.cmpf olt, %add3A_49, %add3A_40 : vector<1024x128xf32>
    %select_n3A_91 = arith.select %lt3A_90, %add3A_49, %add3A_40 : vector<1024x128xi1>, vector<1024x128xf32>
    %jit3A_92 = arith.constant 3.000000e+00 : f32
    %jit3A_93 = arith.constant 2.000000e+00 : f32
    %broadcast_in_dim3A_94 = vector.broadcast %jit3A_92 : f32 to vector<1024x128xf32>
    %broadcast_in_dim3A_95 = vector.broadcast %jit3A_93 : f32 to vector<1024x128xf32>
    %select_n3A_96 = arith.select %lt3A_90, %broadcast_in_dim3A_94, %broadcast_in_dim3A_95 : vector<1024x128xi1>, vector<1024x128xf32>
    %lt3A_97 = arith.cmpf olt, %add3A_67, %add3A_58 : vector<1024x128xf32>
    %select_n3A_98 = arith.select %lt3A_97, %add3A_67, %add3A_58 : vector<1024x128xi1>, vector<1024x128xf32>
    %jit3A_99 = arith.constant 5.000000e+00 : f32
    %jit3A_100 = arith.constant 4.000000e+00 : f32
    %broadcast_in_dim3A_101 = vector.broadcast %jit3A_99 : f32 to vector<1024x128xf32>
    %broadcast_in_dim3A_102 = vector.broadcast %jit3A_100 : f32 to vector<1024x128xf32>
    %select_n3A_103 = arith.select %lt3A_97, %broadcast_in_dim3A_101, %broadcast_in_dim3A_102 : vector<1024x128xi1>, vector<1024x128xf32>
    %lt3A_104 = arith.cmpf olt, %add3A_85, %add3A_76 : vector<1024x128xf32>
    %select_n3A_105 = arith.select %lt3A_104, %add3A_85, %add3A_76 : vector<1024x128xi1>, vector<1024x128xf32>
    %jit3A_106 = arith.constant 7.000000e+00 : f32
    %jit3A_107 = arith.constant 6.000000e+00 : f32
    %broadcast_in_dim3A_108 = vector.broadcast %jit3A_106 : f32 to vector<1024x128xf32>
    %broadcast_in_dim3A_109 = vector.broadcast %jit3A_107 : f32 to vector<1024x128xf32>
    %select_n3A_110 = arith.select %lt3A_104, %broadcast_in_dim3A_108, %broadcast_in_dim3A_109 : vector<1024x128xi1>, vector<1024x128xf32>
    %lt3A_111 = arith.cmpf olt, %select_n3A_91, %select_n3A : vector<1024x128xf32>
    %select_n3A_112 = arith.select %lt3A_111, %select_n3A_91, %select_n3A : vector<1024x128xi1>, vector<1024x128xf32>
    %select_n3A_113 = arith.select %lt3A_111, %select_n3A_96, %select_n3A_89 : vector<1024x128xi1>, vector<1024x128xf32>
    %lt3A_114 = arith.cmpf olt, %select_n3A_105, %select_n3A_98 : vector<1024x128xf32>
    %select_n3A_115 = arith.select %lt3A_114, %select_n3A_105, %select_n3A_98 : vector<1024x128xi1>, vector<1024x128xf32>
    %select_n3A_116 = arith.select %lt3A_114, %select_n3A_110, %select_n3A_103 : vector<1024x128xi1>, vector<1024x128xf32>
    %lt3A_117 = arith.cmpf olt, %select_n3A_115, %select_n3A_112 : vector<1024x128xf32>
    %select_n3A_118 = arith.select %lt3A_117, %select_n3A_115, %select_n3A_112 : vector<1024x128xi1>, vector<1024x128xf32>
    %select_n3A_119 = arith.select %lt3A_117, %select_n3A_116, %select_n3A_113 : vector<1024x128xi1>, vector<1024x128xf32>
    %lt3A_120 = arith.cmpf olt, %select_n3A_118, %broadcast_in_dim3A_6 : vector<1024x128xf32>
    %select_n3A_121 = arith.select %lt3A_120, %select_n3A_118, %broadcast_in_dim3A_6 : vector<1024x128xi1>, vector<1024x128xf32>
    %add3A_122 = arith.constant 0.000000e+00 : f32
    %add3A_123 = vector.broadcast %add3A_122 : f32 to vector<1024x128xf32>
    %add3A_124 = arith.addf %select_n3A_119, %add3A_123 : vector<1024x128xf32>
    %select_n3A_125 = arith.select %lt3A_120, %add3A_124, %broadcast_in_dim3A_8 : vector<1024x128xi1>, vector<1024x128xf32>
    %get3A_126 = arith.constant 1024 : index
    %get3A_127 = arith.constant 0 : index
    %get3A_128 = vector.load %arg2[%get3A_126, %get3A_127] : memref<8192x256xf32, #tpu.memory_space<vmem>>, vector<1024x256xf32>
    %get3A_129 = arith.constant 0 : index
    %get3A_130 = arith.constant 1024 : index
    %get3A_131 = vector.load %arg4[%get3A_129, %get3A_130] : memref<1x8192xf32, #tpu.memory_space<vmem>>, vector<1x1024xf32>
    %get3A_132 = vector.shape_cast %get3A_131 : vector<1x1024xf32> to vector<1024xf32>
    %reshape3A_133 = vector.shape_cast %get3A_132 : vector<1024xf32> to vector<1x1024xf32>
    %dot_general3A_134 = arith.constant dense<0.000000e+00> : vector<1024x1024xf32>
    %dot_general3A_135 = tpu.matmul %get3A_3, %get3A_128, %dot_general3A_134 {dimension_numbers = #tpu.dot_dimension_numbers<[1], [1], [0], [0], [0, 0, 1, 0], [], []>, transpose_lhs_hint = false} : vector<1024x256xf32>, vector<1024x256xf32>, vector<1024x1024xf32> -> vector<1024x1024xf32>
    %slice3A_136 = vector.extract_strided_slice %dot_general3A_135 {offsets = [0, 0], sizes = [1024, 128], strides = [1, 1]} : vector<1024x1024xf32> to vector<1024x128xf32>
    %slice3A_137 = vector.extract_strided_slice %reshape3A_133 {offsets = [0, 0], sizes = [1, 128], strides = [1, 1]} : vector<1x1024xf32> to vector<1x128xf32>
    %mul3A_138 = arith.constant 2.000000e+00 : f32
    %mul3A_139 = vector.broadcast %mul3A_138 : f32 to vector<1024x128xf32>
    %mul3A_140 = arith.mulf %mul3A_139, %slice3A_136 : vector<1024x128xf32>
    %sub3A_141 = vector.broadcast %broadcast_in_dim3A : vector<1024x1xf32> to vector<1024x128xf32>
    %sub3A_142 = arith.subf %sub3A_141, %mul3A_140 : vector<1024x128xf32>
    %add3A_143 = vector.broadcast %slice3A_137 : vector<1x128xf32> to vector<1024x128xf32>
    %add3A_144 = arith.addf %sub3A_142, %add3A_143 : vector<1024x128xf32>
    %slice3A_145 = vector.extract_strided_slice %dot_general3A_135 {offsets = [0, 128], sizes = [1024, 128], strides = [1, 1]} : vector<1024x1024xf32> to vector<1024x128xf32>
    %slice3A_146 = vector.extract_strided_slice %reshape3A_133 {offsets = [0, 128], sizes = [1, 128], strides = [1, 1]} : vector<1x1024xf32> to vector<1x128xf32>
    %mul3A_147 = arith.constant 2.000000e+00 : f32
    %mul3A_148 = vector.broadcast %mul3A_147 : f32 to vector<1024x128xf32>
    %mul3A_149 = arith.mulf %mul3A_148, %slice3A_145 : vector<1024x128xf32>
    %sub3A_150 = vector.broadcast %broadcast_in_dim3A : vector<1024x1xf32> to vector<1024x128xf32>
    %sub3A_151 = arith.subf %sub3A_150, %mul3A_149 : vector<1024x128xf32>
    %add3A_152 = vector.broadcast %slice3A_146 : vector<1x128xf32> to vector<1024x128xf32>
    %add3A_153 = arith.addf %sub3A_151, %add3A_152 : vector<1024x128xf32>
    %slice3A_154 = vector.extract_strided_slice %dot_general3A_135 {offsets = [0, 256], sizes = [1024, 128], strides = [1, 1]} : vector<1024x1024xf32> to vector<1024x128xf32>
    %slice3A_155 = vector.extract_strided_slice %reshape3A_133 {offsets = [0, 256], sizes = [1, 128], strides = [1, 1]} : vector<1x1024xf32> to vector<1x128xf32>
    %mul3A_156 = arith.constant 2.000000e+00 : f32
    %mul3A_157 = vector.broadcast %mul3A_156 : f32 to vector<1024x128xf32>
    %mul3A_158 = arith.mulf %mul3A_157, %slice3A_154 : vector<1024x128xf32>
    %sub3A_159 = vector.broadcast %broadcast_in_dim3A : vector<1024x1xf32> to vector<1024x128xf32>
    %sub3A_160 = arith.subf %sub3A_159, %mul3A_158 : vector<1024x128xf32>
    %add3A_161 = vector.broadcast %slice3A_155 : vector<1x128xf32> to vector<1024x128xf32>
    %add3A_162 = arith.addf %sub3A_160, %add3A_161 : vector<1024x128xf32>
    %slice3A_163 = vector.extract_strided_slice %dot_general3A_135 {offsets = [0, 384], sizes = [1024, 128], strides = [1, 1]} : vector<1024x1024xf32> to vector<1024x128xf32>
    %slice3A_164 = vector.extract_strided_slice %reshape3A_133 {offsets = [0, 384], sizes = [1, 128], strides = [1, 1]} : vector<1x1024xf32> to vector<1x128xf32>
    %mul3A_165 = arith.constant 2.000000e+00 : f32
    %mul3A_166 = vector.broadcast %mul3A_165 : f32 to vector<1024x128xf32>
    %mul3A_167 = arith.mulf %mul3A_166, %slice3A_163 : vector<1024x128xf32>
    %sub3A_168 = vector.broadcast %broadcast_in_dim3A : vector<1024x1xf32> to vector<1024x128xf32>
    %sub3A_169 = arith.subf %sub3A_168, %mul3A_167 : vector<1024x128xf32>
    %add3A_170 = vector.broadcast %slice3A_164 : vector<1x128xf32> to vector<1024x128xf32>
    %add3A_171 = arith.addf %sub3A_169, %add3A_170 : vector<1024x128xf32>
    %slice3A_172 = vector.extract_strided_slice %dot_general3A_135 {offsets = [0, 512], sizes = [1024, 128], strides = [1, 1]} : vector<1024x1024xf32> to vector<1024x128xf32>
    %slice3A_173 = vector.extract_strided_slice %reshape3A_133 {offsets = [0, 512], sizes = [1, 128], strides = [1, 1]} : vector<1x1024xf32> to vector<1x128xf32>
    %mul3A_174 = arith.constant 2.000000e+00 : f32
    %mul3A_175 = vector.broadcast %mul3A_174 : f32 to vector<1024x128xf32>
    %mul3A_176 = arith.mulf %mul3A_175, %slice3A_172 : vector<1024x128xf32>
    %sub3A_177 = vector.broadcast %broadcast_in_dim3A : vector<1024x1xf32> to vector<1024x128xf32>
    %sub3A_178 = arith.subf %sub3A_177, %mul3A_176 : vector<1024x128xf32>
    %add3A_179 = vector.broadcast %slice3A_173 : vector<1x128xf32> to vector<1024x128xf32>
    %add3A_180 = arith.addf %sub3A_178, %add3A_179 : vector<1024x128xf32>
    %slice3A_181 = vector.extract_strided_slice %dot_general3A_135 {offsets = [0, 640], sizes = [1024, 128], strides = [1, 1]} : vector<1024x1024xf32> to vector<1024x128xf32>
    %slice3A_182 = vector.extract_strided_slice %reshape3A_133 {offsets = [0, 640], sizes = [1, 128], strides = [1, 1]} : vector<1x1024xf32> to vector<1x128xf32>
    %mul3A_183 = arith.constant 2.000000e+00 : f32
    %mul3A_184 = vector.broadcast %mul3A_183 : f32 to vector<1024x128xf32>
    %mul3A_185 = arith.mulf %mul3A_184, %slice3A_181 : vector<1024x128xf32>
    %sub3A_186 = vector.broadcast %broadcast_in_dim3A : vector<1024x1xf32> to vector<1024x128xf32>
    %sub3A_187 = arith.subf %sub3A_186, %mul3A_185 : vector<1024x128xf32>
    %add3A_188 = vector.broadcast %slice3A_182 : vector<1x128xf32> to vector<1024x128xf32>
    %add3A_189 = arith.addf %sub3A_187, %add3A_188 : vector<1024x128xf32>
    %slice3A_190 = vector.extract_strided_slice %dot_general3A_135 {offsets = [0, 768], sizes = [1024, 128], strides = [1, 1]} : vector<1024x1024xf32> to vector<1024x128xf32>
    %slice3A_191 = vector.extract_strided_slice %reshape3A_133 {offsets = [0, 768], sizes = [1, 128], strides = [1, 1]} : vector<1x1024xf32> to vector<1x128xf32>
    %mul3A_192 = arith.constant 2.000000e+00 : f32
    %mul3A_193 = vector.broadcast %mul3A_192 : f32 to vector<1024x128xf32>
    %mul3A_194 = arith.mulf %mul3A_193, %slice3A_190 : vector<1024x128xf32>
    %sub3A_195 = vector.broadcast %broadcast_in_dim3A : vector<1024x1xf32> to vector<1024x128xf32>
    %sub3A_196 = arith.subf %sub3A_195, %mul3A_194 : vector<1024x128xf32>
    %add3A_197 = vector.broadcast %slice3A_191 : vector<1x128xf32> to vector<1024x128xf32>
    %add3A_198 = arith.addf %sub3A_196, %add3A_197 : vector<1024x128xf32>
    %slice3A_199 = vector.extract_strided_slice %dot_general3A_135 {offsets = [0, 896], sizes = [1024, 128], strides = [1, 1]} : vector<1024x1024xf32> to vector<1024x128xf32>
    %slice3A_200 = vector.extract_strided_slice %reshape3A_133 {offsets = [0, 896], sizes = [1, 128], strides = [1, 1]} : vector<1x1024xf32> to vector<1x128xf32>
    %mul3A_201 = arith.constant 2.000000e+00 : f32
    %mul3A_202 = vector.broadcast %mul3A_201 : f32 to vector<1024x128xf32>
    %mul3A_203 = arith.mulf %mul3A_202, %slice3A_199 : vector<1024x128xf32>
    %sub3A_204 = vector.broadcast %broadcast_in_dim3A : vector<1024x1xf32> to vector<1024x128xf32>
    %sub3A_205 = arith.subf %sub3A_204, %mul3A_203 : vector<1024x128xf32>
    %add3A_206 = vector.broadcast %slice3A_200 : vector<1x128xf32> to vector<1024x128xf32>
    %add3A_207 = arith.addf %sub3A_205, %add3A_206 : vector<1024x128xf32>
    %lt3A_208 = arith.cmpf olt, %add3A_153, %add3A_144 : vector<1024x128xf32>
    %select_n3A_209 = arith.select %lt3A_208, %add3A_153, %add3A_144 : vector<1024x128xi1>, vector<1024x128xf32>
    %jit3A_210 = arith.constant 1.000000e+00 : f32
    %jit3A_211 = arith.constant 0.000000e+00 : f32
    %broadcast_in_dim3A_212 = vector.broadcast %jit3A_210 : f32 to vector<1024x128xf32>
    %broadcast_in_dim3A_213 = vector.broadcast %jit3A_211 : f32 to vector<1024x128xf32>
    %select_n3A_214 = arith.select %lt3A_208, %broadcast_in_dim3A_212, %broadcast_in_dim3A_213 : vector<1024x128xi1>, vector<1024x128xf32>
    %lt3A_215 = arith.cmpf olt, %add3A_171, %add3A_162 : vector<1024x128xf32>
    %select_n3A_216 = arith.select %lt3A_215, %add3A_171, %add3A_162 : vector<1024x128xi1>, vector<1024x128xf32>
    %jit3A_217 = arith.constant 3.000000e+00 : f32
    %jit3A_218 = arith.constant 2.000000e+00 : f32
    %broadcast_in_dim3A_219 = vector.broadcast %jit3A_217 : f32 to vector<1024x128xf32>
    %broadcast_in_dim3A_220 = vector.broadcast %jit3A_218 : f32 to vector<1024x128xf32>
    %select_n3A_221 = arith.select %lt3A_215, %broadcast_in_dim3A_219, %broadcast_in_dim3A_220 : vector<1024x128xi1>, vector<1024x128xf32>
    %lt3A_222 = arith.cmpf olt, %add3A_189, %add3A_180 : vector<1024x128xf32>
    %select_n3A_223 = arith.select %lt3A_222, %add3A_189, %add3A_180 : vector<1024x128xi1>, vector<1024x128xf32>
    %jit3A_224 = arith.constant 5.000000e+00 : f32
    %jit3A_225 = arith.constant 4.000000e+00 : f32
    %broadcast_in_dim3A_226 = vector.broadcast %jit3A_224 : f32 to vector<1024x128xf32>
    %broadcast_in_dim3A_227 = vector.broadcast %jit3A_225 : f32 to vector<1024x128xf32>
    %select_n3A_228 = arith.select %lt3A_222, %broadcast_in_dim3A_226, %broadcast_in_dim3A_227 : vector<1024x128xi1>, vector<1024x128xf32>
    %lt3A_229 = arith.cmpf olt, %add3A_207, %add3A_198 : vector<1024x128xf32>
    %select_n3A_230 = arith.select %lt3A_229, %add3A_207, %add3A_198 : vector<1024x128xi1>, vector<1024x128xf32>
    %jit3A_231 = arith.constant 7.000000e+00 : f32
    %jit3A_232 = arith.constant 6.000000e+00 : f32
    %broadcast_in_dim3A_233 = vector.broadcast %jit3A_231 : f32 to vector<1024x128xf32>
    %broadcast_in_dim3A_234 = vector.broadcast %jit3A_232 : f32 to vector<1024x128xf32>
    %select_n3A_235 = arith.select %lt3A_229, %broadcast_in_dim3A_233, %broadcast_in_dim3A_234 : vector<1024x128xi1>, vector<1024x128xf32>
    %lt3A_236 = arith.cmpf olt, %select_n3A_216, %select_n3A_209 : vector<1024x128xf32>
    %select_n3A_237 = arith.select %lt3A_236, %select_n3A_216, %select_n3A_209 : vector<1024x128xi1>, vector<1024x128xf32>
    %select_n3A_238 = arith.select %lt3A_236, %select_n3A_221, %select_n3A_214 : vector<1024x128xi1>, vector<1024x128xf32>
    %lt3A_239 = arith.cmpf olt, %select_n3A_230, %select_n3A_223 : vector<1024x128xf32>
    %select_n3A_240 = arith.select %lt3A_239, %select_n3A_230, %select_n3A_223 : vector<1024x128xi1>, vector<1024x128xf32>
    %select_n3A_241 = arith.select %lt3A_239, %select_n3A_235, %select_n3A_228 : vector<1024x128xi1>, vector<1024x128xf32>
    %lt3A_242 = arith.cmpf olt, %select_n3A_240, %select_n3A_237 : vector<1024x128xf32>
    %select_n3A_243 = arith.select %lt3A_242, %select_n3A_240, %select_n3A_237 : vector<1024x128xi1>, vector<1024x128xf32>
    %select_n3A_244 = arith.select %lt3A_242, %select_n3A_241, %select_n3A_238 : vector<1024x128xi1>, vector<1024x128xf32>
    %lt3A_245 = arith.cmpf olt, %select_n3A_243, %select_n3A_121 : vector<1024x128xf32>
    %select_n3A_246 = arith.select %lt3A_245, %select_n3A_243, %select_n3A_121 : vector<1024x128xi1>, vector<1024x128xf32>
    %add3A_247 = arith.constant 8.000000e+00 : f32
    %add3A_248 = vector.broadcast %add3A_247 : f32 to vector<1024x128xf32>
    %add3A_249 = arith.addf %select_n3A_244, %add3A_248 : vector<1024x128xf32>
    %select_n3A_250 = arith.select %lt3A_245, %add3A_249, %select_n3A_125 : vector<1024x128xi1>, vector<1024x128xf32>
    %get3A_251 = arith.constant 2048 : index
    %get3A_252 = arith.constant 0 : index
    %get3A_253 = vector.load %arg2[%get3A_251, %get3A_252] : memref<8192x256xf32, #tpu.memory_space<vmem>>, vector<1024x256xf32>
    %get3A_254 = arith.constant 0 : index
    %get3A_255 = arith.constant 2048 : index
    %get3A_256 = vector.load %arg4[%get3A_254, %get3A_255] : memref<1x8192xf32, #tpu.memory_space<vmem>>, vector<1x1024xf32>
    %get3A_257 = vector.shape_cast %get3A_256 : vector<1x1024xf32> to vector<1024xf32>
    %reshape3A_258 = vector.shape_cast %get3A_257 : vector<1024xf32> to vector<1x1024xf32>
    %dot_general3A_259 = arith.constant dense<0.000000e+00> : vector<1024x1024xf32>
    %dot_general3A_260 = tpu.matmul %get3A_3, %get3A_253, %dot_general3A_259 {dimension_numbers = #tpu.dot_dimension_numbers<[1], [1], [0], [0], [0, 0, 1, 0], [], []>, transpose_lhs_hint = false} : vector<1024x256xf32>, vector<1024x256xf32>, vector<1024x1024xf32> -> vector<1024x1024xf32>
    %slice3A_261 = vector.extract_strided_slice %dot_general3A_260 {offsets = [0, 0], sizes = [1024, 128], strides = [1, 1]} : vector<1024x1024xf32> to vector<1024x128xf32>
    %slice3A_262 = vector.extract_strided_slice %reshape3A_258 {offsets = [0, 0], sizes = [1, 128], strides = [1, 1]} : vector<1x1024xf32> to vector<1x128xf32>
    %mul3A_263 = arith.constant 2.000000e+00 : f32
    %mul3A_264 = vector.broadcast %mul3A_263 : f32 to vector<1024x128xf32>
    %mul3A_265 = arith.mulf %mul3A_264, %slice3A_261 : vector<1024x128xf32>
    %sub3A_266 = vector.broadcast %broadcast_in_dim3A : vector<1024x1xf32> to vector<1024x128xf32>
    %sub3A_267 = arith.subf %sub3A_266, %mul3A_265 : vector<1024x128xf32>
    %add3A_268 = vector.broadcast %slice3A_262 : vector<1x128xf32> to vector<1024x128xf32>
    %add3A_269 = arith.addf %sub3A_267, %add3A_268 : vector<1024x128xf32>
    %slice3A_270 = vector.extract_strided_slice %dot_general3A_260 {offsets = [0, 128], sizes = [1024, 128], strides = [1, 1]} : vector<1024x1024xf32> to vector<1024x128xf32>
    %slice3A_271 = vector.extract_strided_slice %reshape3A_258 {offsets = [0, 128], sizes = [1, 128], strides = [1, 1]} : vector<1x1024xf32> to vector<1x128xf32>
    %mul3A_272 = arith.constant 2.000000e+00 : f32
    %mul3A_273 = vector.broadcast %mul3A_272 : f32 to vector<1024x128xf32>
    %mul3A_274 = arith.mulf %mul3A_273, %slice3A_270 : vector<1024x128xf32>
    %sub3A_275 = vector.broadcast %broadcast_in_dim3A : vector<1024x1xf32> to vector<1024x128xf32>
    %sub3A_276 = arith.subf %sub3A_275, %mul3A_274 : vector<1024x128xf32>
    %add3A_277 = vector.broadcast %slice3A_271 : vector<1x128xf32> to vector<1024x128xf32>
    %add3A_278 = arith.addf %sub3A_276, %add3A_277 : vector<1024x128xf32>
    %slice3A_279 = vector.extract_strided_slice %dot_general3A_260 {offsets = [0, 256], sizes = [1024, 128], strides = [1, 1]} : vector<1024x1024xf32> to vector<1024x128xf32>
    %slice3A_280 = vector.extract_strided_slice %reshape3A_258 {offsets = [0, 256], sizes = [1, 128], strides = [1, 1]} : vector<1x1024xf32> to vector<1x128xf32>
    %mul3A_281 = arith.constant 2.000000e+00 : f32
    %mul3A_282 = vector.broadcast %mul3A_281 : f32 to vector<1024x128xf32>
    %mul3A_283 = arith.mulf %mul3A_282, %slice3A_279 : vector<1024x128xf32>
    %sub3A_284 = vector.broadcast %broadcast_in_dim3A : vector<1024x1xf32> to vector<1024x128xf32>
    %sub3A_285 = arith.subf %sub3A_284, %mul3A_283 : vector<1024x128xf32>
    %add3A_286 = vector.broadcast %slice3A_280 : vector<1x128xf32> to vector<1024x128xf32>
    %add3A_287 = arith.addf %sub3A_285, %add3A_286 : vector<1024x128xf32>
    %slice3A_288 = vector.extract_strided_slice %dot_general3A_260 {offsets = [0, 384], sizes = [1024, 128], strides = [1, 1]} : vector<1024x1024xf32> to vector<1024x128xf32>
    %slice3A_289 = vector.extract_strided_slice %reshape3A_258 {offsets = [0, 384], sizes = [1, 128], strides = [1, 1]} : vector<1x1024xf32> to vector<1x128xf32>
    %mul3A_290 = arith.constant 2.000000e+00 : f32
    %mul3A_291 = vector.broadcast %mul3A_290 : f32 to vector<1024x128xf32>
    %mul3A_292 = arith.mulf %mul3A_291, %slice3A_288 : vector<1024x128xf32>
    %sub3A_293 = vector.broadcast %broadcast_in_dim3A : vector<1024x1xf32> to vector<1024x128xf32>
    %sub3A_294 = arith.subf %sub3A_293, %mul3A_292 : vector<1024x128xf32>
    %add3A_295 = vector.broadcast %slice3A_289 : vector<1x128xf32> to vector<1024x128xf32>
    %add3A_296 = arith.addf %sub3A_294, %add3A_295 : vector<1024x128xf32>
    %slice3A_297 = vector.extract_strided_slice %dot_general3A_260 {offsets = [0, 512], sizes = [1024, 128], strides = [1, 1]} : vector<1024x1024xf32> to vector<1024x128xf32>
    %slice3A_298 = vector.extract_strided_slice %reshape3A_258 {offsets = [0, 512], sizes = [1, 128], strides = [1, 1]} : vector<1x1024xf32> to vector<1x128xf32>
    %mul3A_299 = arith.constant 2.000000e+00 : f32
    %mul3A_300 = vector.broadcast %mul3A_299 : f32 to vector<1024x128xf32>
    %mul3A_301 = arith.mulf %mul3A_300, %slice3A_297 : vector<1024x128xf32>
    %sub3A_302 = vector.broadcast %broadcast_in_dim3A : vector<1024x1xf32> to vector<1024x128xf32>
    %sub3A_303 = arith.subf %sub3A_302, %mul3A_301 : vector<1024x128xf32>
    %add3A_304 = vector.broadcast %slice3A_298 : vector<1x128xf32> to vector<1024x128xf32>
    %add3A_305 = arith.addf %sub3A_303, %add3A_304 : vector<1024x128xf32>
    %slice3A_306 = vector.extract_strided_slice %dot_general3A_260 {offsets = [0, 640], sizes = [1024, 128], strides = [1, 1]} : vector<1024x1024xf32> to vector<1024x128xf32>
    %slice3A_307 = vector.extract_strided_slice %reshape3A_258 {offsets = [0, 640], sizes = [1, 128], strides = [1, 1]} : vector<1x1024xf32> to vector<1x128xf32>
    %mul3A_308 = arith.constant 2.000000e+00 : f32
    %mul3A_309 = vector.broadcast %mul3A_308 : f32 to vector<1024x128xf32>
    %mul3A_310 = arith.mulf %mul3A_309, %slice3A_306 : vector<1024x128xf32>
    %sub3A_311 = vector.broadcast %broadcast_in_dim3A : vector<1024x1xf32> to vector<1024x128xf32>
    %sub3A_312 = arith.subf %sub3A_311, %mul3A_310 : vector<1024x128xf32>
    %add3A_313 = vector.broadcast %slice3A_307 : vector<1x128xf32> to vector<1024x128xf32>
    %add3A_314 = arith.addf %sub3A_312, %add3A_313 : vector<1024x128xf32>
    %slice3A_315 = vector.extract_strided_slice %dot_general3A_260 {offsets = [0, 768], sizes = [1024, 128], strides = [1, 1]} : vector<1024x1024xf32> to vector<1024x128xf32>
    %slice3A_316 = vector.extract_strided_slice %reshape3A_258 {offsets = [0, 768], sizes = [1, 128], strides = [1, 1]} : vector<1x1024xf32> to vector<1x128xf32>
    %mul3A_317 = arith.constant 2.000000e+00 : f32
    %mul3A_318 = vector.broadcast %mul3A_317 : f32 to vector<1024x128xf32>
    %mul3A_319 = arith.mulf %mul3A_318, %slice3A_315 : vector<1024x128xf32>
    %sub3A_320 = vector.broadcast %broadcast_in_dim3A : vector<1024x1xf32> to vector<1024x128xf32>
    %sub3A_321 = arith.subf %sub3A_320, %mul3A_319 : vector<1024x128xf32>
    %add3A_322 = vector.broadcast %slice3A_316 : vector<1x128xf32> to vector<1024x128xf32>
    %add3A_323 = arith.addf %sub3A_321, %add3A_322 : vector<1024x128xf32>
    %slice3A_324 = vector.extract_strided_slice %dot_general3A_260 {offsets = [0, 896], sizes = [1024, 128], strides = [1, 1]} : vector<1024x1024xf32> to vector<1024x128xf32>
    %slice3A_325 = vector.extract_strided_slice %reshape3A_258 {offsets = [0, 896], sizes = [1, 128], strides = [1, 1]} : vector<1x1024xf32> to vector<1x128xf32>
    %mul3A_326 = arith.constant 2.000000e+00 : f32
    %mul3A_327 = vector.broadcast %mul3A_326 : f32 to vector<1024x128xf32>
    %mul3A_328 = arith.mulf %mul3A_327, %slice3A_324 : vector<1024x128xf32>
    %sub3A_329 = vector.broadcast %broadcast_in_dim3A : vector<1024x1xf32> to vector<1024x128xf32>
    %sub3A_330 = arith.subf %sub3A_329, %mul3A_328 : vector<1024x128xf32>
    %add3A_331 = vector.broadcast %slice3A_325 : vector<1x128xf32> to vector<1024x128xf32>
    %add3A_332 = arith.addf %sub3A_330, %add3A_331 : vector<1024x128xf32>
    %lt3A_333 = arith.cmpf olt, %add3A_278, %add3A_269 : vector<1024x128xf32>
    %select_n3A_334 = arith.select %lt3A_333, %add3A_278, %add3A_269 : vector<1024x128xi1>, vector<1024x128xf32>
    %jit3A_335 = arith.constant 1.000000e+00 : f32
    %jit3A_336 = arith.constant 0.000000e+00 : f32
    %broadcast_in_dim3A_337 = vector.broadcast %jit3A_335 : f32 to vector<1024x128xf32>
    %broadcast_in_dim3A_338 = vector.broadcast %jit3A_336 : f32 to vector<1024x128xf32>
    %select_n3A_339 = arith.select %lt3A_333, %broadcast_in_dim3A_337, %broadcast_in_dim3A_338 : vector<1024x128xi1>, vector<1024x128xf32>
    %lt3A_340 = arith.cmpf olt, %add3A_296, %add3A_287 : vector<1024x128xf32>
    %select_n3A_341 = arith.select %lt3A_340, %add3A_296, %add3A_287 : vector<1024x128xi1>, vector<1024x128xf32>
    %jit3A_342 = arith.constant 3.000000e+00 : f32
    %jit3A_343 = arith.constant 2.000000e+00 : f32
    %broadcast_in_dim3A_344 = vector.broadcast %jit3A_342 : f32 to vector<1024x128xf32>
    %broadcast_in_dim3A_345 = vector.broadcast %jit3A_343 : f32 to vector<1024x128xf32>
    %select_n3A_346 = arith.select %lt3A_340, %broadcast_in_dim3A_344, %broadcast_in_dim3A_345 : vector<1024x128xi1>, vector<1024x128xf32>
    %lt3A_347 = arith.cmpf olt, %add3A_314, %add3A_305 : vector<1024x128xf32>
    %select_n3A_348 = arith.select %lt3A_347, %add3A_314, %add3A_305 : vector<1024x128xi1>, vector<1024x128xf32>
    %jit3A_349 = arith.constant 5.000000e+00 : f32
    %jit3A_350 = arith.constant 4.000000e+00 : f32
    %broadcast_in_dim3A_351 = vector.broadcast %jit3A_349 : f32 to vector<1024x128xf32>
    %broadcast_in_dim3A_352 = vector.broadcast %jit3A_350 : f32 to vector<1024x128xf32>
    %select_n3A_353 = arith.select %lt3A_347, %broadcast_in_dim3A_351, %broadcast_in_dim3A_352 : vector<1024x128xi1>, vector<1024x128xf32>
    %lt3A_354 = arith.cmpf olt, %add3A_332, %add3A_323 : vector<1024x128xf32>
    %select_n3A_355 = arith.select %lt3A_354, %add3A_332, %add3A_323 : vector<1024x128xi1>, vector<1024x128xf32>
    %jit3A_356 = arith.constant 7.000000e+00 : f32
    %jit3A_357 = arith.constant 6.000000e+00 : f32
    %broadcast_in_dim3A_358 = vector.broadcast %jit3A_356 : f32 to vector<1024x128xf32>
    %broadcast_in_dim3A_359 = vector.broadcast %jit3A_357 : f32 to vector<1024x128xf32>
    %select_n3A_360 = arith.select %lt3A_354, %broadcast_in_dim3A_358, %broadcast_in_dim3A_359 : vector<1024x128xi1>, vector<1024x128xf32>
    %lt3A_361 = arith.cmpf olt, %select_n3A_341, %select_n3A_334 : vector<1024x128xf32>
    %select_n3A_362 = arith.select %lt3A_361, %select_n3A_341, %select_n3A_334 : vector<1024x128xi1>, vector<1024x128xf32>
    %select_n3A_363 = arith.select %lt3A_361, %select_n3A_346, %select_n3A_339 : vector<1024x128xi1>, vector<1024x128xf32>
    %lt3A_364 = arith.cmpf olt, %select_n3A_355, %select_n3A_348 : vector<1024x128xf32>
    %select_n3A_365 = arith.select %lt3A_364, %select_n3A_355, %select_n3A_348 : vector<1024x128xi1>, vector<1024x128xf32>
    %select_n3A_366 = arith.select %lt3A_364, %select_n3A_360, %select_n3A_353 : vector<1024x128xi1>, vector<1024x128xf32>
    %lt3A_367 = arith.cmpf olt, %select_n3A_365, %select_n3A_362 : vector<1024x128xf32>
    %select_n3A_368 = arith.select %lt3A_367, %select_n3A_365, %select_n3A_362 : vector<1024x128xi1>, vector<1024x128xf32>
    %select_n3A_369 = arith.select %lt3A_367, %select_n3A_366, %select_n3A_363 : vector<1024x128xi1>, vector<1024x128xf32>
    %lt3A_370 = arith.cmpf olt, %select_n3A_368, %select_n3A_246 : vector<1024x128xf32>
    %select_n3A_371 = arith.select %lt3A_370, %select_n3A_368, %select_n3A_246 : vector<1024x128xi1>, vector<1024x128xf32>
    %add3A_372 = arith.constant 1.600000e+01 : f32
    %add3A_373 = vector.broadcast %add3A_372 : f32 to vector<1024x128xf32>
    %add3A_374 = arith.addf %select_n3A_369, %add3A_373 : vector<1024x128xf32>
    %select_n3A_375 = arith.select %lt3A_370, %add3A_374, %select_n3A_250 : vector<1024x128xi1>, vector<1024x128xf32>
    %get3A_376 = arith.constant 3072 : index
    %get3A_377 = arith.constant 0 : index
    %get3A_378 = vector.load %arg2[%get3A_376, %get3A_377] : memref<8192x256xf32, #tpu.memory_space<vmem>>, vector<1024x256xf32>
    %get3A_379 = arith.constant 0 : index
    %get3A_380 = arith.constant 3072 : index
    %get3A_381 = vector.load %arg4[%get3A_379, %get3A_380] : memref<1x8192xf32, #tpu.memory_space<vmem>>, vector<1x1024xf32>
    %get3A_382 = vector.shape_cast %get3A_381 : vector<1x1024xf32> to vector<1024xf32>
    %reshape3A_383 = vector.shape_cast %get3A_382 : vector<1024xf32> to vector<1x1024xf32>
    %dot_general3A_384 = arith.constant dense<0.000000e+00> : vector<1024x1024xf32>
    %dot_general3A_385 = tpu.matmul %get3A_3, %get3A_378, %dot_general3A_384 {dimension_numbers = #tpu.dot_dimension_numbers<[1], [1], [0], [0], [0, 0, 1, 0], [], []>, transpose_lhs_hint = false} : vector<1024x256xf32>, vector<1024x256xf32>, vector<1024x1024xf32> -> vector<1024x1024xf32>
    %slice3A_386 = vector.extract_strided_slice %dot_general3A_385 {offsets = [0, 0], sizes = [1024, 128], strides = [1, 1]} : vector<1024x1024xf32> to vector<1024x128xf32>
    %slice3A_387 = vector.extract_strided_slice %reshape3A_383 {offsets = [0, 0], sizes = [1, 128], strides = [1, 1]} : vector<1x1024xf32> to vector<1x128xf32>
    %mul3A_388 = arith.constant 2.000000e+00 : f32
    %mul3A_389 = vector.broadcast %mul3A_388 : f32 to vector<1024x128xf32>
    %mul3A_390 = arith.mulf %mul3A_389, %slice3A_386 : vector<1024x128xf32>
    %sub3A_391 = vector.broadcast %broadcast_in_dim3A : vector<1024x1xf32> to vector<1024x128xf32>
    %sub3A_392 = arith.subf %sub3A_391, %mul3A_390 : vector<1024x128xf32>
    %add3A_393 = vector.broadcast %slice3A_387 : vector<1x128xf32> to vector<1024x128xf32>
    %add3A_394 = arith.addf %sub3A_392, %add3A_393 : vector<1024x128xf32>
    %slice3A_395 = vector.extract_strided_slice %dot_general3A_385 {offsets = [0, 128], sizes = [1024, 128], strides = [1, 1]} : vector<1024x1024xf32> to vector<1024x128xf32>
    %slice3A_396 = vector.extract_strided_slice %reshape3A_383 {offsets = [0, 128], sizes = [1, 128], strides = [1, 1]} : vector<1x1024xf32> to vector<1x128xf32>
    %mul3A_397 = arith.constant 2.000000e+00 : f32
    %mul3A_398 = vector.broadcast %mul3A_397 : f32 to vector<1024x128xf32>
    %mul3A_399 = arith.mulf %mul3A_398, %slice3A_395 : vector<1024x128xf32>
    %sub3A_400 = vector.broadcast %broadcast_in_dim3A : vector<1024x1xf32> to vector<1024x128xf32>
    %sub3A_401 = arith.subf %sub3A_400, %mul3A_399 : vector<1024x128xf32>
    %add3A_402 = vector.broadcast %slice3A_396 : vector<1x128xf32> to vector<1024x128xf32>
    %add3A_403 = arith.addf %sub3A_401, %add3A_402 : vector<1024x128xf32>
    %slice3A_404 = vector.extract_strided_slice %dot_general3A_385 {offsets = [0, 256], sizes = [1024, 128], strides = [1, 1]} : vector<1024x1024xf32> to vector<1024x128xf32>
    %slice3A_405 = vector.extract_strided_slice %reshape3A_383 {offsets = [0, 256], sizes = [1, 128], strides = [1, 1]} : vector<1x1024xf32> to vector<1x128xf32>
    %mul3A_406 = arith.constant 2.000000e+00 : f32
    %mul3A_407 = vector.broadcast %mul3A_406 : f32 to vector<1024x128xf32>
    %mul3A_408 = arith.mulf %mul3A_407, %slice3A_404 : vector<1024x128xf32>
    %sub3A_409 = vector.broadcast %broadcast_in_dim3A : vector<1024x1xf32> to vector<1024x128xf32>
    %sub3A_410 = arith.subf %sub3A_409, %mul3A_408 : vector<1024x128xf32>
    %add3A_411 = vector.broadcast %slice3A_405 : vector<1x128xf32> to vector<1024x128xf32>
    %add3A_412 = arith.addf %sub3A_410, %add3A_411 : vector<1024x128xf32>
    %slice3A_413 = vector.extract_strided_slice %dot_general3A_385 {offsets = [0, 384], sizes = [1024, 128], strides = [1, 1]} : vector<1024x1024xf32> to vector<1024x128xf32>
    %slice3A_414 = vector.extract_strided_slice %reshape3A_383 {offsets = [0, 384], sizes = [1, 128], strides = [1, 1]} : vector<1x1024xf32> to vector<1x128xf32>
    %mul3A_415 = arith.constant 2.000000e+00 : f32
    %mul3A_416 = vector.broadcast %mul3A_415 : f32 to vector<1024x128xf32>
    %mul3A_417 = arith.mulf %mul3A_416, %slice3A_413 : vector<1024x128xf32>
    %sub3A_418 = vector.broadcast %broadcast_in_dim3A : vector<1024x1xf32> to vector<1024x128xf32>
    %sub3A_419 = arith.subf %sub3A_418, %mul3A_417 : vector<1024x128xf32>
    %add3A_420 = vector.broadcast %slice3A_414 : vector<1x128xf32> to vector<1024x128xf32>
    %add3A_421 = arith.addf %sub3A_419, %add3A_420 : vector<1024x128xf32>
    %slice3A_422 = vector.extract_strided_slice %dot_general3A_385 {offsets = [0, 512], sizes = [1024, 128], strides = [1, 1]} : vector<1024x1024xf32> to vector<1024x128xf32>
    %slice3A_423 = vector.extract_strided_slice %reshape3A_383 {offsets = [0, 512], sizes = [1, 128], strides = [1, 1]} : vector<1x1024xf32> to vector<1x128xf32>
    %mul3A_424 = arith.constant 2.000000e+00 : f32
    %mul3A_425 = vector.broadcast %mul3A_424 : f32 to vector<1024x128xf32>
    %mul3A_426 = arith.mulf %mul3A_425, %slice3A_422 : vector<1024x128xf32>
    %sub3A_427 = vector.broadcast %broadcast_in_dim3A : vector<1024x1xf32> to vector<1024x128xf32>
    %sub3A_428 = arith.subf %sub3A_427, %mul3A_426 : vector<1024x128xf32>
    %add3A_429 = vector.broadcast %slice3A_423 : vector<1x128xf32> to vector<1024x128xf32>
    %add3A_430 = arith.addf %sub3A_428, %add3A_429 : vector<1024x128xf32>
    %slice3A_431 = vector.extract_strided_slice %dot_general3A_385 {offsets = [0, 640], sizes = [1024, 128], strides = [1, 1]} : vector<1024x1024xf32> to vector<1024x128xf32>
    %slice3A_432 = vector.extract_strided_slice %reshape3A_383 {offsets = [0, 640], sizes = [1, 128], strides = [1, 1]} : vector<1x1024xf32> to vector<1x128xf32>
    %mul3A_433 = arith.constant 2.000000e+00 : f32
    %mul3A_434 = vector.broadcast %mul3A_433 : f32 to vector<1024x128xf32>
    %mul3A_435 = arith.mulf %mul3A_434, %slice3A_431 : vector<1024x128xf32>
    %sub3A_436 = vector.broadcast %broadcast_in_dim3A : vector<1024x1xf32> to vector<1024x128xf32>
    %sub3A_437 = arith.subf %sub3A_436, %mul3A_435 : vector<1024x128xf32>
    %add3A_438 = vector.broadcast %slice3A_432 : vector<1x128xf32> to vector<1024x128xf32>
    %add3A_439 = arith.addf %sub3A_437, %add3A_438 : vector<1024x128xf32>
    %slice3A_440 = vector.extract_strided_slice %dot_general3A_385 {offsets = [0, 768], sizes = [1024, 128], strides = [1, 1]} : vector<1024x1024xf32> to vector<1024x128xf32>
    %slice3A_441 = vector.extract_strided_slice %reshape3A_383 {offsets = [0, 768], sizes = [1, 128], strides = [1, 1]} : vector<1x1024xf32> to vector<1x128xf32>
    %mul3A_442 = arith.constant 2.000000e+00 : f32
    %mul3A_443 = vector.broadcast %mul3A_442 : f32 to vector<1024x128xf32>
    %mul3A_444 = arith.mulf %mul3A_443, %slice3A_440 : vector<1024x128xf32>
    %sub3A_445 = vector.broadcast %broadcast_in_dim3A : vector<1024x1xf32> to vector<1024x128xf32>
    %sub3A_446 = arith.subf %sub3A_445, %mul3A_444 : vector<1024x128xf32>
    %add3A_447 = vector.broadcast %slice3A_441 : vector<1x128xf32> to vector<1024x128xf32>
    %add3A_448 = arith.addf %sub3A_446, %add3A_447 : vector<1024x128xf32>
    %slice3A_449 = vector.extract_strided_slice %dot_general3A_385 {offsets = [0, 896], sizes = [1024, 128], strides = [1, 1]} : vector<1024x1024xf32> to vector<1024x128xf32>
    %slice3A_450 = vector.extract_strided_slice %reshape3A_383 {offsets = [0, 896], sizes = [1, 128], strides = [1, 1]} : vector<1x1024xf32> to vector<1x128xf32>
    %mul3A_451 = arith.constant 2.000000e+00 : f32
    %mul3A_452 = vector.broadcast %mul3A_451 : f32 to vector<1024x128xf32>
    %mul3A_453 = arith.mulf %mul3A_452, %slice3A_449 : vector<1024x128xf32>
    %sub3A_454 = vector.broadcast %broadcast_in_dim3A : vector<1024x1xf32> to vector<1024x128xf32>
    %sub3A_455 = arith.subf %sub3A_454, %mul3A_453 : vector<1024x128xf32>
    %add3A_456 = vector.broadcast %slice3A_450 : vector<1x128xf32> to vector<1024x128xf32>
    %add3A_457 = arith.addf %sub3A_455, %add3A_456 : vector<1024x128xf32>
    %lt3A_458 = arith.cmpf olt, %add3A_403, %add3A_394 : vector<1024x128xf32>
    %select_n3A_459 = arith.select %lt3A_458, %add3A_403, %add3A_394 : vector<1024x128xi1>, vector<1024x128xf32>
    %jit3A_460 = arith.constant 1.000000e+00 : f32
    %jit3A_461 = arith.constant 0.000000e+00 : f32
    %broadcast_in_dim3A_462 = vector.broadcast %jit3A_460 : f32 to vector<1024x128xf32>
    %broadcast_in_dim3A_463 = vector.broadcast %jit3A_461 : f32 to vector<1024x128xf32>
    %select_n3A_464 = arith.select %lt3A_458, %broadcast_in_dim3A_462, %broadcast_in_dim3A_463 : vector<1024x128xi1>, vector<1024x128xf32>
    %lt3A_465 = arith.cmpf olt, %add3A_421, %add3A_412 : vector<1024x128xf32>
    %select_n3A_466 = arith.select %lt3A_465, %add3A_421, %add3A_412 : vector<1024x128xi1>, vector<1024x128xf32>
    %jit3A_467 = arith.constant 3.000000e+00 : f32
    %jit3A_468 = arith.constant 2.000000e+00 : f32
    %broadcast_in_dim3A_469 = vector.broadcast %jit3A_467 : f32 to vector<1024x128xf32>
    %broadcast_in_dim3A_470 = vector.broadcast %jit3A_468 : f32 to vector<1024x128xf32>
    %select_n3A_471 = arith.select %lt3A_465, %broadcast_in_dim3A_469, %broadcast_in_dim3A_470 : vector<1024x128xi1>, vector<1024x128xf32>
    %lt3A_472 = arith.cmpf olt, %add3A_439, %add3A_430 : vector<1024x128xf32>
    %select_n3A_473 = arith.select %lt3A_472, %add3A_439, %add3A_430 : vector<1024x128xi1>, vector<1024x128xf32>
    %jit3A_474 = arith.constant 5.000000e+00 : f32
    %jit3A_475 = arith.constant 4.000000e+00 : f32
    %broadcast_in_dim3A_476 = vector.broadcast %jit3A_474 : f32 to vector<1024x128xf32>
    %broadcast_in_dim3A_477 = vector.broadcast %jit3A_475 : f32 to vector<1024x128xf32>
    %select_n3A_478 = arith.select %lt3A_472, %broadcast_in_dim3A_476, %broadcast_in_dim3A_477 : vector<1024x128xi1>, vector<1024x128xf32>
    %lt3A_479 = arith.cmpf olt, %add3A_457, %add3A_448 : vector<1024x128xf32>
    %select_n3A_480 = arith.select %lt3A_479, %add3A_457, %add3A_448 : vector<1024x128xi1>, vector<1024x128xf32>
    %jit3A_481 = arith.constant 7.000000e+00 : f32
    %jit3A_482 = arith.constant 6.000000e+00 : f32
    %broadcast_in_dim3A_483 = vector.broadcast %jit3A_481 : f32 to vector<1024x128xf32>
    %broadcast_in_dim3A_484 = vector.broadcast %jit3A_482 : f32 to vector<1024x128xf32>
    %select_n3A_485 = arith.select %lt3A_479, %broadcast_in_dim3A_483, %broadcast_in_dim3A_484 : vector<1024x128xi1>, vector<1024x128xf32>
    %lt3A_486 = arith.cmpf olt, %select_n3A_466, %select_n3A_459 : vector<1024x128xf32>
    %select_n3A_487 = arith.select %lt3A_486, %select_n3A_466, %select_n3A_459 : vector<1024x128xi1>, vector<1024x128xf32>
    %select_n3A_488 = arith.select %lt3A_486, %select_n3A_471, %select_n3A_464 : vector<1024x128xi1>, vector<1024x128xf32>
    %lt3A_489 = arith.cmpf olt, %select_n3A_480, %select_n3A_473 : vector<1024x128xf32>
    %select_n3A_490 = arith.select %lt3A_489, %select_n3A_480, %select_n3A_473 : vector<1024x128xi1>, vector<1024x128xf32>
    %select_n3A_491 = arith.select %lt3A_489, %select_n3A_485, %select_n3A_478 : vector<1024x128xi1>, vector<1024x128xf32>
    %lt3A_492 = arith.cmpf olt, %select_n3A_490, %select_n3A_487 : vector<1024x128xf32>
    %select_n3A_493 = arith.select %lt3A_492, %select_n3A_490, %select_n3A_487 : vector<1024x128xi1>, vector<1024x128xf32>
    %select_n3A_494 = arith.select %lt3A_492, %select_n3A_491, %select_n3A_488 : vector<1024x128xi1>, vector<1024x128xf32>
    %lt3A_495 = arith.cmpf olt, %select_n3A_493, %select_n3A_371 : vector<1024x128xf32>
    %select_n3A_496 = arith.select %lt3A_495, %select_n3A_493, %select_n3A_371 : vector<1024x128xi1>, vector<1024x128xf32>
    %add3A_497 = arith.constant 2.400000e+01 : f32
    %add3A_498 = vector.broadcast %add3A_497 : f32 to vector<1024x128xf32>
    %add3A_499 = arith.addf %select_n3A_494, %add3A_498 : vector<1024x128xf32>
    %select_n3A_500 = arith.select %lt3A_495, %add3A_499, %select_n3A_375 : vector<1024x128xi1>, vector<1024x128xf32>
    %get3A_501 = arith.constant 4096 : index
    %get3A_502 = arith.constant 0 : index
    %get3A_503 = vector.load %arg2[%get3A_501, %get3A_502] : memref<8192x256xf32, #tpu.memory_space<vmem>>, vector<1024x256xf32>
    %get3A_504 = arith.constant 0 : index
    %get3A_505 = arith.constant 4096 : index
    %get3A_506 = vector.load %arg4[%get3A_504, %get3A_505] : memref<1x8192xf32, #tpu.memory_space<vmem>>, vector<1x1024xf32>
    %get3A_507 = vector.shape_cast %get3A_506 : vector<1x1024xf32> to vector<1024xf32>
    %reshape3A_508 = vector.shape_cast %get3A_507 : vector<1024xf32> to vector<1x1024xf32>
    %dot_general3A_509 = arith.constant dense<0.000000e+00> : vector<1024x1024xf32>
    %dot_general3A_510 = tpu.matmul %get3A_3, %get3A_503, %dot_general3A_509 {dimension_numbers = #tpu.dot_dimension_numbers<[1], [1], [0], [0], [0, 0, 1, 0], [], []>, transpose_lhs_hint = false} : vector<1024x256xf32>, vector<1024x256xf32>, vector<1024x1024xf32> -> vector<1024x1024xf32>
    %slice3A_511 = vector.extract_strided_slice %dot_general3A_510 {offsets = [0, 0], sizes = [1024, 128], strides = [1, 1]} : vector<1024x1024xf32> to vector<1024x128xf32>
    %slice3A_512 = vector.extract_strided_slice %reshape3A_508 {offsets = [0, 0], sizes = [1, 128], strides = [1, 1]} : vector<1x1024xf32> to vector<1x128xf32>
    %mul3A_513 = arith.constant 2.000000e+00 : f32
    %mul3A_514 = vector.broadcast %mul3A_513 : f32 to vector<1024x128xf32>
    %mul3A_515 = arith.mulf %mul3A_514, %slice3A_511 : vector<1024x128xf32>
    %sub3A_516 = vector.broadcast %broadcast_in_dim3A : vector<1024x1xf32> to vector<1024x128xf32>
    %sub3A_517 = arith.subf %sub3A_516, %mul3A_515 : vector<1024x128xf32>
    %add3A_518 = vector.broadcast %slice3A_512 : vector<1x128xf32> to vector<1024x128xf32>
    %add3A_519 = arith.addf %sub3A_517, %add3A_518 : vector<1024x128xf32>
    %slice3A_520 = vector.extract_strided_slice %dot_general3A_510 {offsets = [0, 128], sizes = [1024, 128], strides = [1, 1]} : vector<1024x1024xf32> to vector<1024x128xf32>
    %slice3A_521 = vector.extract_strided_slice %reshape3A_508 {offsets = [0, 128], sizes = [1, 128], strides = [1, 1]} : vector<1x1024xf32> to vector<1x128xf32>
    %mul3A_522 = arith.constant 2.000000e+00 : f32
    %mul3A_523 = vector.broadcast %mul3A_522 : f32 to vector<1024x128xf32>
    %mul3A_524 = arith.mulf %mul3A_523, %slice3A_520 : vector<1024x128xf32>
    %sub3A_525 = vector.broadcast %broadcast_in_dim3A : vector<1024x1xf32> to vector<1024x128xf32>
    %sub3A_526 = arith.subf %sub3A_525, %mul3A_524 : vector<1024x128xf32>
    %add3A_527 = vector.broadcast %slice3A_521 : vector<1x128xf32> to vector<1024x128xf32>
    %add3A_528 = arith.addf %sub3A_526, %add3A_527 : vector<1024x128xf32>
    %slice3A_529 = vector.extract_strided_slice %dot_general3A_510 {offsets = [0, 256], sizes = [1024, 128], strides = [1, 1]} : vector<1024x1024xf32> to vector<1024x128xf32>
    %slice3A_530 = vector.extract_strided_slice %reshape3A_508 {offsets = [0, 256], sizes = [1, 128], strides = [1, 1]} : vector<1x1024xf32> to vector<1x128xf32>
    %mul3A_531 = arith.constant 2.000000e+00 : f32
    %mul3A_532 = vector.broadcast %mul3A_531 : f32 to vector<1024x128xf32>
    %mul3A_533 = arith.mulf %mul3A_532, %slice3A_529 : vector<1024x128xf32>
    %sub3A_534 = vector.broadcast %broadcast_in_dim3A : vector<1024x1xf32> to vector<1024x128xf32>
    %sub3A_535 = arith.subf %sub3A_534, %mul3A_533 : vector<1024x128xf32>
    %add3A_536 = vector.broadcast %slice3A_530 : vector<1x128xf32> to vector<1024x128xf32>
    %add3A_537 = arith.addf %sub3A_535, %add3A_536 : vector<1024x128xf32>
    %slice3A_538 = vector.extract_strided_slice %dot_general3A_510 {offsets = [0, 384], sizes = [1024, 128], strides = [1, 1]} : vector<1024x1024xf32> to vector<1024x128xf32>
    %slice3A_539 = vector.extract_strided_slice %reshape3A_508 {offsets = [0, 384], sizes = [1, 128], strides = [1, 1]} : vector<1x1024xf32> to vector<1x128xf32>
    %mul3A_540 = arith.constant 2.000000e+00 : f32
    %mul3A_541 = vector.broadcast %mul3A_540 : f32 to vector<1024x128xf32>
    %mul3A_542 = arith.mulf %mul3A_541, %slice3A_538 : vector<1024x128xf32>
    %sub3A_543 = vector.broadcast %broadcast_in_dim3A : vector<1024x1xf32> to vector<1024x128xf32>
    %sub3A_544 = arith.subf %sub3A_543, %mul3A_542 : vector<1024x128xf32>
    %add3A_545 = vector.broadcast %slice3A_539 : vector<1x128xf32> to vector<1024x128xf32>
    %add3A_546 = arith.addf %sub3A_544, %add3A_545 : vector<1024x128xf32>
    %slice3A_547 = vector.extract_strided_slice %dot_general3A_510 {offsets = [0, 512], sizes = [1024, 128], strides = [1, 1]} : vector<1024x1024xf32> to vector<1024x128xf32>
    %slice3A_548 = vector.extract_strided_slice %reshape3A_508 {offsets = [0, 512], sizes = [1, 128], strides = [1, 1]} : vector<1x1024xf32> to vector<1x128xf32>
    %mul3A_549 = arith.constant 2.000000e+00 : f32
    %mul3A_550 = vector.broadcast %mul3A_549 : f32 to vector<1024x128xf32>
    %mul3A_551 = arith.mulf %mul3A_550, %slice3A_547 : vector<1024x128xf32>
    %sub3A_552 = vector.broadcast %broadcast_in_dim3A : vector<1024x1xf32> to vector<1024x128xf32>
    %sub3A_553 = arith.subf %sub3A_552, %mul3A_551 : vector<1024x128xf32>
    %add3A_554 = vector.broadcast %slice3A_548 : vector<1x128xf32> to vector<1024x128xf32>
    %add3A_555 = arith.addf %sub3A_553, %add3A_554 : vector<1024x128xf32>
    %slice3A_556 = vector.extract_strided_slice %dot_general3A_510 {offsets = [0, 640], sizes = [1024, 128], strides = [1, 1]} : vector<1024x1024xf32> to vector<1024x128xf32>
    %slice3A_557 = vector.extract_strided_slice %reshape3A_508 {offsets = [0, 640], sizes = [1, 128], strides = [1, 1]} : vector<1x1024xf32> to vector<1x128xf32>
    %mul3A_558 = arith.constant 2.000000e+00 : f32
    %mul3A_559 = vector.broadcast %mul3A_558 : f32 to vector<1024x128xf32>
    %mul3A_560 = arith.mulf %mul3A_559, %slice3A_556 : vector<1024x128xf32>
    %sub3A_561 = vector.broadcast %broadcast_in_dim3A : vector<1024x1xf32> to vector<1024x128xf32>
    %sub3A_562 = arith.subf %sub3A_561, %mul3A_560 : vector<1024x128xf32>
    %add3A_563 = vector.broadcast %slice3A_557 : vector<1x128xf32> to vector<1024x128xf32>
    %add3A_564 = arith.addf %sub3A_562, %add3A_563 : vector<1024x128xf32>
    %slice3A_565 = vector.extract_strided_slice %dot_general3A_510 {offsets = [0, 768], sizes = [1024, 128], strides = [1, 1]} : vector<1024x1024xf32> to vector<1024x128xf32>
    %slice3A_566 = vector.extract_strided_slice %reshape3A_508 {offsets = [0, 768], sizes = [1, 128], strides = [1, 1]} : vector<1x1024xf32> to vector<1x128xf32>
    %mul3A_567 = arith.constant 2.000000e+00 : f32
    %mul3A_568 = vector.broadcast %mul3A_567 : f32 to vector<1024x128xf32>
    %mul3A_569 = arith.mulf %mul3A_568, %slice3A_565 : vector<1024x128xf32>
    %sub3A_570 = vector.broadcast %broadcast_in_dim3A : vector<1024x1xf32> to vector<1024x128xf32>
    %sub3A_571 = arith.subf %sub3A_570, %mul3A_569 : vector<1024x128xf32>
    %add3A_572 = vector.broadcast %slice3A_566 : vector<1x128xf32> to vector<1024x128xf32>
    %add3A_573 = arith.addf %sub3A_571, %add3A_572 : vector<1024x128xf32>
    %slice3A_574 = vector.extract_strided_slice %dot_general3A_510 {offsets = [0, 896], sizes = [1024, 128], strides = [1, 1]} : vector<1024x1024xf32> to vector<1024x128xf32>
    %slice3A_575 = vector.extract_strided_slice %reshape3A_508 {offsets = [0, 896], sizes = [1, 128], strides = [1, 1]} : vector<1x1024xf32> to vector<1x128xf32>
    %mul3A_576 = arith.constant 2.000000e+00 : f32
    %mul3A_577 = vector.broadcast %mul3A_576 : f32 to vector<1024x128xf32>
    %mul3A_578 = arith.mulf %mul3A_577, %slice3A_574 : vector<1024x128xf32>
    %sub3A_579 = vector.broadcast %broadcast_in_dim3A : vector<1024x1xf32> to vector<1024x128xf32>
    %sub3A_580 = arith.subf %sub3A_579, %mul3A_578 : vector<1024x128xf32>
    %add3A_581 = vector.broadcast %slice3A_575 : vector<1x128xf32> to vector<1024x128xf32>
    %add3A_582 = arith.addf %sub3A_580, %add3A_581 : vector<1024x128xf32>
    %lt3A_583 = arith.cmpf olt, %add3A_528, %add3A_519 : vector<1024x128xf32>
    %select_n3A_584 = arith.select %lt3A_583, %add3A_528, %add3A_519 : vector<1024x128xi1>, vector<1024x128xf32>
    %jit3A_585 = arith.constant 1.000000e+00 : f32
    %jit3A_586 = arith.constant 0.000000e+00 : f32
    %broadcast_in_dim3A_587 = vector.broadcast %jit3A_585 : f32 to vector<1024x128xf32>
    %broadcast_in_dim3A_588 = vector.broadcast %jit3A_586 : f32 to vector<1024x128xf32>
    %select_n3A_589 = arith.select %lt3A_583, %broadcast_in_dim3A_587, %broadcast_in_dim3A_588 : vector<1024x128xi1>, vector<1024x128xf32>
    %lt3A_590 = arith.cmpf olt, %add3A_546, %add3A_537 : vector<1024x128xf32>
    %select_n3A_591 = arith.select %lt3A_590, %add3A_546, %add3A_537 : vector<1024x128xi1>, vector<1024x128xf32>
    %jit3A_592 = arith.constant 3.000000e+00 : f32
    %jit3A_593 = arith.constant 2.000000e+00 : f32
    %broadcast_in_dim3A_594 = vector.broadcast %jit3A_592 : f32 to vector<1024x128xf32>
    %broadcast_in_dim3A_595 = vector.broadcast %jit3A_593 : f32 to vector<1024x128xf32>
    %select_n3A_596 = arith.select %lt3A_590, %broadcast_in_dim3A_594, %broadcast_in_dim3A_595 : vector<1024x128xi1>, vector<1024x128xf32>
    %lt3A_597 = arith.cmpf olt, %add3A_564, %add3A_555 : vector<1024x128xf32>
    %select_n3A_598 = arith.select %lt3A_597, %add3A_564, %add3A_555 : vector<1024x128xi1>, vector<1024x128xf32>
    %jit3A_599 = arith.constant 5.000000e+00 : f32
    %jit3A_600 = arith.constant 4.000000e+00 : f32
    %broadcast_in_dim3A_601 = vector.broadcast %jit3A_599 : f32 to vector<1024x128xf32>
    %broadcast_in_dim3A_602 = vector.broadcast %jit3A_600 : f32 to vector<1024x128xf32>
    %select_n3A_603 = arith.select %lt3A_597, %broadcast_in_dim3A_601, %broadcast_in_dim3A_602 : vector<1024x128xi1>, vector<1024x128xf32>
    %lt3A_604 = arith.cmpf olt, %add3A_582, %add3A_573 : vector<1024x128xf32>
    %select_n3A_605 = arith.select %lt3A_604, %add3A_582, %add3A_573 : vector<1024x128xi1>, vector<1024x128xf32>
    %jit3A_606 = arith.constant 7.000000e+00 : f32
    %jit3A_607 = arith.constant 6.000000e+00 : f32
    %broadcast_in_dim3A_608 = vector.broadcast %jit3A_606 : f32 to vector<1024x128xf32>
    %broadcast_in_dim3A_609 = vector.broadcast %jit3A_607 : f32 to vector<1024x128xf32>
    %select_n3A_610 = arith.select %lt3A_604, %broadcast_in_dim3A_608, %broadcast_in_dim3A_609 : vector<1024x128xi1>, vector<1024x128xf32>
    %lt3A_611 = arith.cmpf olt, %select_n3A_591, %select_n3A_584 : vector<1024x128xf32>
    %select_n3A_612 = arith.select %lt3A_611, %select_n3A_591, %select_n3A_584 : vector<1024x128xi1>, vector<1024x128xf32>
    %select_n3A_613 = arith.select %lt3A_611, %select_n3A_596, %select_n3A_589 : vector<1024x128xi1>, vector<1024x128xf32>
    %lt3A_614 = arith.cmpf olt, %select_n3A_605, %select_n3A_598 : vector<1024x128xf32>
    %select_n3A_615 = arith.select %lt3A_614, %select_n3A_605, %select_n3A_598 : vector<1024x128xi1>, vector<1024x128xf32>
    %select_n3A_616 = arith.select %lt3A_614, %select_n3A_610, %select_n3A_603 : vector<1024x128xi1>, vector<1024x128xf32>
    %lt3A_617 = arith.cmpf olt, %select_n3A_615, %select_n3A_612 : vector<1024x128xf32>
    %select_n3A_618 = arith.select %lt3A_617, %select_n3A_615, %select_n3A_612 : vector<1024x128xi1>, vector<1024x128xf32>
    %select_n3A_619 = arith.select %lt3A_617, %select_n3A_616, %select_n3A_613 : vector<1024x128xi1>, vector<1024x128xf32>
    %lt3A_620 = arith.cmpf olt, %select_n3A_618, %select_n3A_496 : vector<1024x128xf32>
    %select_n3A_621 = arith.select %lt3A_620, %select_n3A_618, %select_n3A_496 : vector<1024x128xi1>, vector<1024x128xf32>
    %add3A_622 = arith.constant 3.200000e+01 : f32
    %add3A_623 = vector.broadcast %add3A_622 : f32 to vector<1024x128xf32>
    %add3A_624 = arith.addf %select_n3A_619, %add3A_623 : vector<1024x128xf32>
    %select_n3A_625 = arith.select %lt3A_620, %add3A_624, %select_n3A_500 : vector<1024x128xi1>, vector<1024x128xf32>
    %get3A_626 = arith.constant 5120 : index
    %get3A_627 = arith.constant 0 : index
    %get3A_628 = vector.load %arg2[%get3A_626, %get3A_627] : memref<8192x256xf32, #tpu.memory_space<vmem>>, vector<1024x256xf32>
    %get3A_629 = arith.constant 0 : index
    %get3A_630 = arith.constant 5120 : index
    %get3A_631 = vector.load %arg4[%get3A_629, %get3A_630] : memref<1x8192xf32, #tpu.memory_space<vmem>>, vector<1x1024xf32>
    %get3A_632 = vector.shape_cast %get3A_631 : vector<1x1024xf32> to vector<1024xf32>
    %reshape3A_633 = vector.shape_cast %get3A_632 : vector<1024xf32> to vector<1x1024xf32>
    %dot_general3A_634 = arith.constant dense<0.000000e+00> : vector<1024x1024xf32>
    %dot_general3A_635 = tpu.matmul %get3A_3, %get3A_628, %dot_general3A_634 {dimension_numbers = #tpu.dot_dimension_numbers<[1], [1], [0], [0], [0, 0, 1, 0], [], []>, transpose_lhs_hint = false} : vector<1024x256xf32>, vector<1024x256xf32>, vector<1024x1024xf32> -> vector<1024x1024xf32>
    %slice3A_636 = vector.extract_strided_slice %dot_general3A_635 {offsets = [0, 0], sizes = [1024, 128], strides = [1, 1]} : vector<1024x1024xf32> to vector<1024x128xf32>
    %slice3A_637 = vector.extract_strided_slice %reshape3A_633 {offsets = [0, 0], sizes = [1, 128], strides = [1, 1]} : vector<1x1024xf32> to vector<1x128xf32>
    %mul3A_638 = arith.constant 2.000000e+00 : f32
    %mul3A_639 = vector.broadcast %mul3A_638 : f32 to vector<1024x128xf32>
    %mul3A_640 = arith.mulf %mul3A_639, %slice3A_636 : vector<1024x128xf32>
    %sub3A_641 = vector.broadcast %broadcast_in_dim3A : vector<1024x1xf32> to vector<1024x128xf32>
    %sub3A_642 = arith.subf %sub3A_641, %mul3A_640 : vector<1024x128xf32>
    %add3A_643 = vector.broadcast %slice3A_637 : vector<1x128xf32> to vector<1024x128xf32>
    %add3A_644 = arith.addf %sub3A_642, %add3A_643 : vector<1024x128xf32>
    %slice3A_645 = vector.extract_strided_slice %dot_general3A_635 {offsets = [0, 128], sizes = [1024, 128], strides = [1, 1]} : vector<1024x1024xf32> to vector<1024x128xf32>
    %slice3A_646 = vector.extract_strided_slice %reshape3A_633 {offsets = [0, 128], sizes = [1, 128], strides = [1, 1]} : vector<1x1024xf32> to vector<1x128xf32>
    %mul3A_647 = arith.constant 2.000000e+00 : f32
    %mul3A_648 = vector.broadcast %mul3A_647 : f32 to vector<1024x128xf32>
    %mul3A_649 = arith.mulf %mul3A_648, %slice3A_645 : vector<1024x128xf32>
    %sub3A_650 = vector.broadcast %broadcast_in_dim3A : vector<1024x1xf32> to vector<1024x128xf32>
    %sub3A_651 = arith.subf %sub3A_650, %mul3A_649 : vector<1024x128xf32>
    %add3A_652 = vector.broadcast %slice3A_646 : vector<1x128xf32> to vector<1024x128xf32>
    %add3A_653 = arith.addf %sub3A_651, %add3A_652 : vector<1024x128xf32>
    %slice3A_654 = vector.extract_strided_slice %dot_general3A_635 {offsets = [0, 256], sizes = [1024, 128], strides = [1, 1]} : vector<1024x1024xf32> to vector<1024x128xf32>
    %slice3A_655 = vector.extract_strided_slice %reshape3A_633 {offsets = [0, 256], sizes = [1, 128], strides = [1, 1]} : vector<1x1024xf32> to vector<1x128xf32>
    %mul3A_656 = arith.constant 2.000000e+00 : f32
    %mul3A_657 = vector.broadcast %mul3A_656 : f32 to vector<1024x128xf32>
    %mul3A_658 = arith.mulf %mul3A_657, %slice3A_654 : vector<1024x128xf32>
    %sub3A_659 = vector.broadcast %broadcast_in_dim3A : vector<1024x1xf32> to vector<1024x128xf32>
    %sub3A_660 = arith.subf %sub3A_659, %mul3A_658 : vector<1024x128xf32>
    %add3A_661 = vector.broadcast %slice3A_655 : vector<1x128xf32> to vector<1024x128xf32>
    %add3A_662 = arith.addf %sub3A_660, %add3A_661 : vector<1024x128xf32>
    %slice3A_663 = vector.extract_strided_slice %dot_general3A_635 {offsets = [0, 384], sizes = [1024, 128], strides = [1, 1]} : vector<1024x1024xf32> to vector<1024x128xf32>
    %slice3A_664 = vector.extract_strided_slice %reshape3A_633 {offsets = [0, 384], sizes = [1, 128], strides = [1, 1]} : vector<1x1024xf32> to vector<1x128xf32>
    %mul3A_665 = arith.constant 2.000000e+00 : f32
    %mul3A_666 = vector.broadcast %mul3A_665 : f32 to vector<1024x128xf32>
    %mul3A_667 = arith.mulf %mul3A_666, %slice3A_663 : vector<1024x128xf32>
    %sub3A_668 = vector.broadcast %broadcast_in_dim3A : vector<1024x1xf32> to vector<1024x128xf32>
    %sub3A_669 = arith.subf %sub3A_668, %mul3A_667 : vector<1024x128xf32>
    %add3A_670 = vector.broadcast %slice3A_664 : vector<1x128xf32> to vector<1024x128xf32>
    %add3A_671 = arith.addf %sub3A_669, %add3A_670 : vector<1024x128xf32>
    %slice3A_672 = vector.extract_strided_slice %dot_general3A_635 {offsets = [0, 512], sizes = [1024, 128], strides = [1, 1]} : vector<1024x1024xf32> to vector<1024x128xf32>
    %slice3A_673 = vector.extract_strided_slice %reshape3A_633 {offsets = [0, 512], sizes = [1, 128], strides = [1, 1]} : vector<1x1024xf32> to vector<1x128xf32>
    %mul3A_674 = arith.constant 2.000000e+00 : f32
    %mul3A_675 = vector.broadcast %mul3A_674 : f32 to vector<1024x128xf32>
    %mul3A_676 = arith.mulf %mul3A_675, %slice3A_672 : vector<1024x128xf32>
    %sub3A_677 = vector.broadcast %broadcast_in_dim3A : vector<1024x1xf32> to vector<1024x128xf32>
    %sub3A_678 = arith.subf %sub3A_677, %mul3A_676 : vector<1024x128xf32>
    %add3A_679 = vector.broadcast %slice3A_673 : vector<1x128xf32> to vector<1024x128xf32>
    %add3A_680 = arith.addf %sub3A_678, %add3A_679 : vector<1024x128xf32>
    %slice3A_681 = vector.extract_strided_slice %dot_general3A_635 {offsets = [0, 640], sizes = [1024, 128], strides = [1, 1]} : vector<1024x1024xf32> to vector<1024x128xf32>
    %slice3A_682 = vector.extract_strided_slice %reshape3A_633 {offsets = [0, 640], sizes = [1, 128], strides = [1, 1]} : vector<1x1024xf32> to vector<1x128xf32>
    %mul3A_683 = arith.constant 2.000000e+00 : f32
    %mul3A_684 = vector.broadcast %mul3A_683 : f32 to vector<1024x128xf32>
    %mul3A_685 = arith.mulf %mul3A_684, %slice3A_681 : vector<1024x128xf32>
    %sub3A_686 = vector.broadcast %broadcast_in_dim3A : vector<1024x1xf32> to vector<1024x128xf32>
    %sub3A_687 = arith.subf %sub3A_686, %mul3A_685 : vector<1024x128xf32>
    %add3A_688 = vector.broadcast %slice3A_682 : vector<1x128xf32> to vector<1024x128xf32>
    %add3A_689 = arith.addf %sub3A_687, %add3A_688 : vector<1024x128xf32>
    %slice3A_690 = vector.extract_strided_slice %dot_general3A_635 {offsets = [0, 768], sizes = [1024, 128], strides = [1, 1]} : vector<1024x1024xf32> to vector<1024x128xf32>
    %slice3A_691 = vector.extract_strided_slice %reshape3A_633 {offsets = [0, 768], sizes = [1, 128], strides = [1, 1]} : vector<1x1024xf32> to vector<1x128xf32>
    %mul3A_692 = arith.constant 2.000000e+00 : f32
    %mul3A_693 = vector.broadcast %mul3A_692 : f32 to vector<1024x128xf32>
    %mul3A_694 = arith.mulf %mul3A_693, %slice3A_690 : vector<1024x128xf32>
    %sub3A_695 = vector.broadcast %broadcast_in_dim3A : vector<1024x1xf32> to vector<1024x128xf32>
    %sub3A_696 = arith.subf %sub3A_695, %mul3A_694 : vector<1024x128xf32>
    %add3A_697 = vector.broadcast %slice3A_691 : vector<1x128xf32> to vector<1024x128xf32>
    %add3A_698 = arith.addf %sub3A_696, %add3A_697 : vector<1024x128xf32>
    %slice3A_699 = vector.extract_strided_slice %dot_general3A_635 {offsets = [0, 896], sizes = [1024, 128], strides = [1, 1]} : vector<1024x1024xf32> to vector<1024x128xf32>
    %slice3A_700 = vector.extract_strided_slice %reshape3A_633 {offsets = [0, 896], sizes = [1, 128], strides = [1, 1]} : vector<1x1024xf32> to vector<1x128xf32>
    %mul3A_701 = arith.constant 2.000000e+00 : f32
    %mul3A_702 = vector.broadcast %mul3A_701 : f32 to vector<1024x128xf32>
    %mul3A_703 = arith.mulf %mul3A_702, %slice3A_699 : vector<1024x128xf32>
    %sub3A_704 = vector.broadcast %broadcast_in_dim3A : vector<1024x1xf32> to vector<1024x128xf32>
    %sub3A_705 = arith.subf %sub3A_704, %mul3A_703 : vector<1024x128xf32>
    %add3A_706 = vector.broadcast %slice3A_700 : vector<1x128xf32> to vector<1024x128xf32>
    %add3A_707 = arith.addf %sub3A_705, %add3A_706 : vector<1024x128xf32>
    %lt3A_708 = arith.cmpf olt, %add3A_653, %add3A_644 : vector<1024x128xf32>
    %select_n3A_709 = arith.select %lt3A_708, %add3A_653, %add3A_644 : vector<1024x128xi1>, vector<1024x128xf32>
    %jit3A_710 = arith.constant 1.000000e+00 : f32
    %jit3A_711 = arith.constant 0.000000e+00 : f32
    %broadcast_in_dim3A_712 = vector.broadcast %jit3A_710 : f32 to vector<1024x128xf32>
    %broadcast_in_dim3A_713 = vector.broadcast %jit3A_711 : f32 to vector<1024x128xf32>
    %select_n3A_714 = arith.select %lt3A_708, %broadcast_in_dim3A_712, %broadcast_in_dim3A_713 : vector<1024x128xi1>, vector<1024x128xf32>
    %lt3A_715 = arith.cmpf olt, %add3A_671, %add3A_662 : vector<1024x128xf32>
    %select_n3A_716 = arith.select %lt3A_715, %add3A_671, %add3A_662 : vector<1024x128xi1>, vector<1024x128xf32>
    %jit3A_717 = arith.constant 3.000000e+00 : f32
    %jit3A_718 = arith.constant 2.000000e+00 : f32
    %broadcast_in_dim3A_719 = vector.broadcast %jit3A_717 : f32 to vector<1024x128xf32>
    %broadcast_in_dim3A_720 = vector.broadcast %jit3A_718 : f32 to vector<1024x128xf32>
    %select_n3A_721 = arith.select %lt3A_715, %broadcast_in_dim3A_719, %broadcast_in_dim3A_720 : vector<1024x128xi1>, vector<1024x128xf32>
    %lt3A_722 = arith.cmpf olt, %add3A_689, %add3A_680 : vector<1024x128xf32>
    %select_n3A_723 = arith.select %lt3A_722, %add3A_689, %add3A_680 : vector<1024x128xi1>, vector<1024x128xf32>
    %jit3A_724 = arith.constant 5.000000e+00 : f32
    %jit3A_725 = arith.constant 4.000000e+00 : f32
    %broadcast_in_dim3A_726 = vector.broadcast %jit3A_724 : f32 to vector<1024x128xf32>
    %broadcast_in_dim3A_727 = vector.broadcast %jit3A_725 : f32 to vector<1024x128xf32>
    %select_n3A_728 = arith.select %lt3A_722, %broadcast_in_dim3A_726, %broadcast_in_dim3A_727 : vector<1024x128xi1>, vector<1024x128xf32>
    %lt3A_729 = arith.cmpf olt, %add3A_707, %add3A_698 : vector<1024x128xf32>
    %select_n3A_730 = arith.select %lt3A_729, %add3A_707, %add3A_698 : vector<1024x128xi1>, vector<1024x128xf32>
    %jit3A_731 = arith.constant 7.000000e+00 : f32
    %jit3A_732 = arith.constant 6.000000e+00 : f32
    %broadcast_in_dim3A_733 = vector.broadcast %jit3A_731 : f32 to vector<1024x128xf32>
    %broadcast_in_dim3A_734 = vector.broadcast %jit3A_732 : f32 to vector<1024x128xf32>
    %select_n3A_735 = arith.select %lt3A_729, %broadcast_in_dim3A_733, %broadcast_in_dim3A_734 : vector<1024x128xi1>, vector<1024x128xf32>
    %lt3A_736 = arith.cmpf olt, %select_n3A_716, %select_n3A_709 : vector<1024x128xf32>
    %select_n3A_737 = arith.select %lt3A_736, %select_n3A_716, %select_n3A_709 : vector<1024x128xi1>, vector<1024x128xf32>
    %select_n3A_738 = arith.select %lt3A_736, %select_n3A_721, %select_n3A_714 : vector<1024x128xi1>, vector<1024x128xf32>
    %lt3A_739 = arith.cmpf olt, %select_n3A_730, %select_n3A_723 : vector<1024x128xf32>
    %select_n3A_740 = arith.select %lt3A_739, %select_n3A_730, %select_n3A_723 : vector<1024x128xi1>, vector<1024x128xf32>
    %select_n3A_741 = arith.select %lt3A_739, %select_n3A_735, %select_n3A_728 : vector<1024x128xi1>, vector<1024x128xf32>
    %lt3A_742 = arith.cmpf olt, %select_n3A_740, %select_n3A_737 : vector<1024x128xf32>
    %select_n3A_743 = arith.select %lt3A_742, %select_n3A_740, %select_n3A_737 : vector<1024x128xi1>, vector<1024x128xf32>
    %select_n3A_744 = arith.select %lt3A_742, %select_n3A_741, %select_n3A_738 : vector<1024x128xi1>, vector<1024x128xf32>
    %lt3A_745 = arith.cmpf olt, %select_n3A_743, %select_n3A_621 : vector<1024x128xf32>
    %select_n3A_746 = arith.select %lt3A_745, %select_n3A_743, %select_n3A_621 : vector<1024x128xi1>, vector<1024x128xf32>
    %add3A_747 = arith.constant 4.000000e+01 : f32
    %add3A_748 = vector.broadcast %add3A_747 : f32 to vector<1024x128xf32>
    %add3A_749 = arith.addf %select_n3A_744, %add3A_748 : vector<1024x128xf32>
    %select_n3A_750 = arith.select %lt3A_745, %add3A_749, %select_n3A_625 : vector<1024x128xi1>, vector<1024x128xf32>
    %get3A_751 = arith.constant 6144 : index
    %get3A_752 = arith.constant 0 : index
    %get3A_753 = vector.load %arg2[%get3A_751, %get3A_752] : memref<8192x256xf32, #tpu.memory_space<vmem>>, vector<1024x256xf32>
    %get3A_754 = arith.constant 0 : index
    %get3A_755 = arith.constant 6144 : index
    %get3A_756 = vector.load %arg4[%get3A_754, %get3A_755] : memref<1x8192xf32, #tpu.memory_space<vmem>>, vector<1x1024xf32>
    %get3A_757 = vector.shape_cast %get3A_756 : vector<1x1024xf32> to vector<1024xf32>
    %reshape3A_758 = vector.shape_cast %get3A_757 : vector<1024xf32> to vector<1x1024xf32>
    %dot_general3A_759 = arith.constant dense<0.000000e+00> : vector<1024x1024xf32>
    %dot_general3A_760 = tpu.matmul %get3A_3, %get3A_753, %dot_general3A_759 {dimension_numbers = #tpu.dot_dimension_numbers<[1], [1], [0], [0], [0, 0, 1, 0], [], []>, transpose_lhs_hint = false} : vector<1024x256xf32>, vector<1024x256xf32>, vector<1024x1024xf32> -> vector<1024x1024xf32>
    %slice3A_761 = vector.extract_strided_slice %dot_general3A_760 {offsets = [0, 0], sizes = [1024, 128], strides = [1, 1]} : vector<1024x1024xf32> to vector<1024x128xf32>
    %slice3A_762 = vector.extract_strided_slice %reshape3A_758 {offsets = [0, 0], sizes = [1, 128], strides = [1, 1]} : vector<1x1024xf32> to vector<1x128xf32>
    %mul3A_763 = arith.constant 2.000000e+00 : f32
    %mul3A_764 = vector.broadcast %mul3A_763 : f32 to vector<1024x128xf32>
    %mul3A_765 = arith.mulf %mul3A_764, %slice3A_761 : vector<1024x128xf32>
    %sub3A_766 = vector.broadcast %broadcast_in_dim3A : vector<1024x1xf32> to vector<1024x128xf32>
    %sub3A_767 = arith.subf %sub3A_766, %mul3A_765 : vector<1024x128xf32>
    %add3A_768 = vector.broadcast %slice3A_762 : vector<1x128xf32> to vector<1024x128xf32>
    %add3A_769 = arith.addf %sub3A_767, %add3A_768 : vector<1024x128xf32>
    %slice3A_770 = vector.extract_strided_slice %dot_general3A_760 {offsets = [0, 128], sizes = [1024, 128], strides = [1, 1]} : vector<1024x1024xf32> to vector<1024x128xf32>
    %slice3A_771 = vector.extract_strided_slice %reshape3A_758 {offsets = [0, 128], sizes = [1, 128], strides = [1, 1]} : vector<1x1024xf32> to vector<1x128xf32>
    %mul3A_772 = arith.constant 2.000000e+00 : f32
    %mul3A_773 = vector.broadcast %mul3A_772 : f32 to vector<1024x128xf32>
    %mul3A_774 = arith.mulf %mul3A_773, %slice3A_770 : vector<1024x128xf32>
    %sub3A_775 = vector.broadcast %broadcast_in_dim3A : vector<1024x1xf32> to vector<1024x128xf32>
    %sub3A_776 = arith.subf %sub3A_775, %mul3A_774 : vector<1024x128xf32>
    %add3A_777 = vector.broadcast %slice3A_771 : vector<1x128xf32> to vector<1024x128xf32>
    %add3A_778 = arith.addf %sub3A_776, %add3A_777 : vector<1024x128xf32>
    %slice3A_779 = vector.extract_strided_slice %dot_general3A_760 {offsets = [0, 256], sizes = [1024, 128], strides = [1, 1]} : vector<1024x1024xf32> to vector<1024x128xf32>
    %slice3A_780 = vector.extract_strided_slice %reshape3A_758 {offsets = [0, 256], sizes = [1, 128], strides = [1, 1]} : vector<1x1024xf32> to vector<1x128xf32>
    %mul3A_781 = arith.constant 2.000000e+00 : f32
    %mul3A_782 = vector.broadcast %mul3A_781 : f32 to vector<1024x128xf32>
    %mul3A_783 = arith.mulf %mul3A_782, %slice3A_779 : vector<1024x128xf32>
    %sub3A_784 = vector.broadcast %broadcast_in_dim3A : vector<1024x1xf32> to vector<1024x128xf32>
    %sub3A_785 = arith.subf %sub3A_784, %mul3A_783 : vector<1024x128xf32>
    %add3A_786 = vector.broadcast %slice3A_780 : vector<1x128xf32> to vector<1024x128xf32>
    %add3A_787 = arith.addf %sub3A_785, %add3A_786 : vector<1024x128xf32>
    %slice3A_788 = vector.extract_strided_slice %dot_general3A_760 {offsets = [0, 384], sizes = [1024, 128], strides = [1, 1]} : vector<1024x1024xf32> to vector<1024x128xf32>
    %slice3A_789 = vector.extract_strided_slice %reshape3A_758 {offsets = [0, 384], sizes = [1, 128], strides = [1, 1]} : vector<1x1024xf32> to vector<1x128xf32>
    %mul3A_790 = arith.constant 2.000000e+00 : f32
    %mul3A_791 = vector.broadcast %mul3A_790 : f32 to vector<1024x128xf32>
    %mul3A_792 = arith.mulf %mul3A_791, %slice3A_788 : vector<1024x128xf32>
    %sub3A_793 = vector.broadcast %broadcast_in_dim3A : vector<1024x1xf32> to vector<1024x128xf32>
    %sub3A_794 = arith.subf %sub3A_793, %mul3A_792 : vector<1024x128xf32>
    %add3A_795 = vector.broadcast %slice3A_789 : vector<1x128xf32> to vector<1024x128xf32>
    %add3A_796 = arith.addf %sub3A_794, %add3A_795 : vector<1024x128xf32>
    %slice3A_797 = vector.extract_strided_slice %dot_general3A_760 {offsets = [0, 512], sizes = [1024, 128], strides = [1, 1]} : vector<1024x1024xf32> to vector<1024x128xf32>
    %slice3A_798 = vector.extract_strided_slice %reshape3A_758 {offsets = [0, 512], sizes = [1, 128], strides = [1, 1]} : vector<1x1024xf32> to vector<1x128xf32>
    %mul3A_799 = arith.constant 2.000000e+00 : f32
    %mul3A_800 = vector.broadcast %mul3A_799 : f32 to vector<1024x128xf32>
    %mul3A_801 = arith.mulf %mul3A_800, %slice3A_797 : vector<1024x128xf32>
    %sub3A_802 = vector.broadcast %broadcast_in_dim3A : vector<1024x1xf32> to vector<1024x128xf32>
    %sub3A_803 = arith.subf %sub3A_802, %mul3A_801 : vector<1024x128xf32>
    %add3A_804 = vector.broadcast %slice3A_798 : vector<1x128xf32> to vector<1024x128xf32>
    %add3A_805 = arith.addf %sub3A_803, %add3A_804 : vector<1024x128xf32>
    %slice3A_806 = vector.extract_strided_slice %dot_general3A_760 {offsets = [0, 640], sizes = [1024, 128], strides = [1, 1]} : vector<1024x1024xf32> to vector<1024x128xf32>
    %slice3A_807 = vector.extract_strided_slice %reshape3A_758 {offsets = [0, 640], sizes = [1, 128], strides = [1, 1]} : vector<1x1024xf32> to vector<1x128xf32>
    %mul3A_808 = arith.constant 2.000000e+00 : f32
    %mul3A_809 = vector.broadcast %mul3A_808 : f32 to vector<1024x128xf32>
    %mul3A_810 = arith.mulf %mul3A_809, %slice3A_806 : vector<1024x128xf32>
    %sub3A_811 = vector.broadcast %broadcast_in_dim3A : vector<1024x1xf32> to vector<1024x128xf32>
    %sub3A_812 = arith.subf %sub3A_811, %mul3A_810 : vector<1024x128xf32>
    %add3A_813 = vector.broadcast %slice3A_807 : vector<1x128xf32> to vector<1024x128xf32>
    %add3A_814 = arith.addf %sub3A_812, %add3A_813 : vector<1024x128xf32>
    %slice3A_815 = vector.extract_strided_slice %dot_general3A_760 {offsets = [0, 768], sizes = [1024, 128], strides = [1, 1]} : vector<1024x1024xf32> to vector<1024x128xf32>
    %slice3A_816 = vector.extract_strided_slice %reshape3A_758 {offsets = [0, 768], sizes = [1, 128], strides = [1, 1]} : vector<1x1024xf32> to vector<1x128xf32>
    %mul3A_817 = arith.constant 2.000000e+00 : f32
    %mul3A_818 = vector.broadcast %mul3A_817 : f32 to vector<1024x128xf32>
    %mul3A_819 = arith.mulf %mul3A_818, %slice3A_815 : vector<1024x128xf32>
    %sub3A_820 = vector.broadcast %broadcast_in_dim3A : vector<1024x1xf32> to vector<1024x128xf32>
    %sub3A_821 = arith.subf %sub3A_820, %mul3A_819 : vector<1024x128xf32>
    %add3A_822 = vector.broadcast %slice3A_816 : vector<1x128xf32> to vector<1024x128xf32>
    %add3A_823 = arith.addf %sub3A_821, %add3A_822 : vector<1024x128xf32>
    %slice3A_824 = vector.extract_strided_slice %dot_general3A_760 {offsets = [0, 896], sizes = [1024, 128], strides = [1, 1]} : vector<1024x1024xf32> to vector<1024x128xf32>
    %slice3A_825 = vector.extract_strided_slice %reshape3A_758 {offsets = [0, 896], sizes = [1, 128], strides = [1, 1]} : vector<1x1024xf32> to vector<1x128xf32>
    %mul3A_826 = arith.constant 2.000000e+00 : f32
    %mul3A_827 = vector.broadcast %mul3A_826 : f32 to vector<1024x128xf32>
    %mul3A_828 = arith.mulf %mul3A_827, %slice3A_824 : vector<1024x128xf32>
    %sub3A_829 = vector.broadcast %broadcast_in_dim3A : vector<1024x1xf32> to vector<1024x128xf32>
    %sub3A_830 = arith.subf %sub3A_829, %mul3A_828 : vector<1024x128xf32>
    %add3A_831 = vector.broadcast %slice3A_825 : vector<1x128xf32> to vector<1024x128xf32>
    %add3A_832 = arith.addf %sub3A_830, %add3A_831 : vector<1024x128xf32>
    %lt3A_833 = arith.cmpf olt, %add3A_778, %add3A_769 : vector<1024x128xf32>
    %select_n3A_834 = arith.select %lt3A_833, %add3A_778, %add3A_769 : vector<1024x128xi1>, vector<1024x128xf32>
    %jit3A_835 = arith.constant 1.000000e+00 : f32
    %jit3A_836 = arith.constant 0.000000e+00 : f32
    %broadcast_in_dim3A_837 = vector.broadcast %jit3A_835 : f32 to vector<1024x128xf32>
    %broadcast_in_dim3A_838 = vector.broadcast %jit3A_836 : f32 to vector<1024x128xf32>
    %select_n3A_839 = arith.select %lt3A_833, %broadcast_in_dim3A_837, %broadcast_in_dim3A_838 : vector<1024x128xi1>, vector<1024x128xf32>
    %lt3A_840 = arith.cmpf olt, %add3A_796, %add3A_787 : vector<1024x128xf32>
    %select_n3A_841 = arith.select %lt3A_840, %add3A_796, %add3A_787 : vector<1024x128xi1>, vector<1024x128xf32>
    %jit3A_842 = arith.constant 3.000000e+00 : f32
    %jit3A_843 = arith.constant 2.000000e+00 : f32
    %broadcast_in_dim3A_844 = vector.broadcast %jit3A_842 : f32 to vector<1024x128xf32>
    %broadcast_in_dim3A_845 = vector.broadcast %jit3A_843 : f32 to vector<1024x128xf32>
    %select_n3A_846 = arith.select %lt3A_840, %broadcast_in_dim3A_844, %broadcast_in_dim3A_845 : vector<1024x128xi1>, vector<1024x128xf32>
    %lt3A_847 = arith.cmpf olt, %add3A_814, %add3A_805 : vector<1024x128xf32>
    %select_n3A_848 = arith.select %lt3A_847, %add3A_814, %add3A_805 : vector<1024x128xi1>, vector<1024x128xf32>
    %jit3A_849 = arith.constant 5.000000e+00 : f32
    %jit3A_850 = arith.constant 4.000000e+00 : f32
    %broadcast_in_dim3A_851 = vector.broadcast %jit3A_849 : f32 to vector<1024x128xf32>
    %broadcast_in_dim3A_852 = vector.broadcast %jit3A_850 : f32 to vector<1024x128xf32>
    %select_n3A_853 = arith.select %lt3A_847, %broadcast_in_dim3A_851, %broadcast_in_dim3A_852 : vector<1024x128xi1>, vector<1024x128xf32>
    %lt3A_854 = arith.cmpf olt, %add3A_832, %add3A_823 : vector<1024x128xf32>
    %select_n3A_855 = arith.select %lt3A_854, %add3A_832, %add3A_823 : vector<1024x128xi1>, vector<1024x128xf32>
    %jit3A_856 = arith.constant 7.000000e+00 : f32
    %jit3A_857 = arith.constant 6.000000e+00 : f32
    %broadcast_in_dim3A_858 = vector.broadcast %jit3A_856 : f32 to vector<1024x128xf32>
    %broadcast_in_dim3A_859 = vector.broadcast %jit3A_857 : f32 to vector<1024x128xf32>
    %select_n3A_860 = arith.select %lt3A_854, %broadcast_in_dim3A_858, %broadcast_in_dim3A_859 : vector<1024x128xi1>, vector<1024x128xf32>
    %lt3A_861 = arith.cmpf olt, %select_n3A_841, %select_n3A_834 : vector<1024x128xf32>
    %select_n3A_862 = arith.select %lt3A_861, %select_n3A_841, %select_n3A_834 : vector<1024x128xi1>, vector<1024x128xf32>
    %select_n3A_863 = arith.select %lt3A_861, %select_n3A_846, %select_n3A_839 : vector<1024x128xi1>, vector<1024x128xf32>
    %lt3A_864 = arith.cmpf olt, %select_n3A_855, %select_n3A_848 : vector<1024x128xf32>
    %select_n3A_865 = arith.select %lt3A_864, %select_n3A_855, %select_n3A_848 : vector<1024x128xi1>, vector<1024x128xf32>
    %select_n3A_866 = arith.select %lt3A_864, %select_n3A_860, %select_n3A_853 : vector<1024x128xi1>, vector<1024x128xf32>
    %lt3A_867 = arith.cmpf olt, %select_n3A_865, %select_n3A_862 : vector<1024x128xf32>
    %select_n3A_868 = arith.select %lt3A_867, %select_n3A_865, %select_n3A_862 : vector<1024x128xi1>, vector<1024x128xf32>
    %select_n3A_869 = arith.select %lt3A_867, %select_n3A_866, %select_n3A_863 : vector<1024x128xi1>, vector<1024x128xf32>
    %lt3A_870 = arith.cmpf olt, %select_n3A_868, %select_n3A_746 : vector<1024x128xf32>
    %select_n3A_871 = arith.select %lt3A_870, %select_n3A_868, %select_n3A_746 : vector<1024x128xi1>, vector<1024x128xf32>
    %add3A_872 = arith.constant 4.800000e+01 : f32
    %add3A_873 = vector.broadcast %add3A_872 : f32 to vector<1024x128xf32>
    %add3A_874 = arith.addf %select_n3A_869, %add3A_873 : vector<1024x128xf32>
    %select_n3A_875 = arith.select %lt3A_870, %add3A_874, %select_n3A_750 : vector<1024x128xi1>, vector<1024x128xf32>
    %get3A_876 = arith.constant 7168 : index
    %get3A_877 = arith.constant 0 : index
    %get3A_878 = vector.load %arg2[%get3A_876, %get3A_877] : memref<8192x256xf32, #tpu.memory_space<vmem>>, vector<1024x256xf32>
    %get3A_879 = arith.constant 0 : index
    %get3A_880 = arith.constant 7168 : index
    %get3A_881 = vector.load %arg4[%get3A_879, %get3A_880] : memref<1x8192xf32, #tpu.memory_space<vmem>>, vector<1x1024xf32>
    %get3A_882 = vector.shape_cast %get3A_881 : vector<1x1024xf32> to vector<1024xf32>
    %reshape3A_883 = vector.shape_cast %get3A_882 : vector<1024xf32> to vector<1x1024xf32>
    %dot_general3A_884 = arith.constant dense<0.000000e+00> : vector<1024x1024xf32>
    %dot_general3A_885 = tpu.matmul %get3A_3, %get3A_878, %dot_general3A_884 {dimension_numbers = #tpu.dot_dimension_numbers<[1], [1], [0], [0], [0, 0, 1, 0], [], []>, transpose_lhs_hint = false} : vector<1024x256xf32>, vector<1024x256xf32>, vector<1024x1024xf32> -> vector<1024x1024xf32>
    %slice3A_886 = vector.extract_strided_slice %dot_general3A_885 {offsets = [0, 0], sizes = [1024, 128], strides = [1, 1]} : vector<1024x1024xf32> to vector<1024x128xf32>
    %slice3A_887 = vector.extract_strided_slice %reshape3A_883 {offsets = [0, 0], sizes = [1, 128], strides = [1, 1]} : vector<1x1024xf32> to vector<1x128xf32>
    %mul3A_888 = arith.constant 2.000000e+00 : f32
    %mul3A_889 = vector.broadcast %mul3A_888 : f32 to vector<1024x128xf32>
    %mul3A_890 = arith.mulf %mul3A_889, %slice3A_886 : vector<1024x128xf32>
    %sub3A_891 = vector.broadcast %broadcast_in_dim3A : vector<1024x1xf32> to vector<1024x128xf32>
    %sub3A_892 = arith.subf %sub3A_891, %mul3A_890 : vector<1024x128xf32>
    %add3A_893 = vector.broadcast %slice3A_887 : vector<1x128xf32> to vector<1024x128xf32>
    %add3A_894 = arith.addf %sub3A_892, %add3A_893 : vector<1024x128xf32>
    %slice3A_895 = vector.extract_strided_slice %dot_general3A_885 {offsets = [0, 128], sizes = [1024, 128], strides = [1, 1]} : vector<1024x1024xf32> to vector<1024x128xf32>
    %slice3A_896 = vector.extract_strided_slice %reshape3A_883 {offsets = [0, 128], sizes = [1, 128], strides = [1, 1]} : vector<1x1024xf32> to vector<1x128xf32>
    %mul3A_897 = arith.constant 2.000000e+00 : f32
    %mul3A_898 = vector.broadcast %mul3A_897 : f32 to vector<1024x128xf32>
    %mul3A_899 = arith.mulf %mul3A_898, %slice3A_895 : vector<1024x128xf32>
    %sub3A_900 = vector.broadcast %broadcast_in_dim3A : vector<1024x1xf32> to vector<1024x128xf32>
    %sub3A_901 = arith.subf %sub3A_900, %mul3A_899 : vector<1024x128xf32>
    %add3A_902 = vector.broadcast %slice3A_896 : vector<1x128xf32> to vector<1024x128xf32>
    %add3A_903 = arith.addf %sub3A_901, %add3A_902 : vector<1024x128xf32>
    %slice3A_904 = vector.extract_strided_slice %dot_general3A_885 {offsets = [0, 256], sizes = [1024, 128], strides = [1, 1]} : vector<1024x1024xf32> to vector<1024x128xf32>
    %slice3A_905 = vector.extract_strided_slice %reshape3A_883 {offsets = [0, 256], sizes = [1, 128], strides = [1, 1]} : vector<1x1024xf32> to vector<1x128xf32>
    %mul3A_906 = arith.constant 2.000000e+00 : f32
    %mul3A_907 = vector.broadcast %mul3A_906 : f32 to vector<1024x128xf32>
    %mul3A_908 = arith.mulf %mul3A_907, %slice3A_904 : vector<1024x128xf32>
    %sub3A_909 = vector.broadcast %broadcast_in_dim3A : vector<1024x1xf32> to vector<1024x128xf32>
    %sub3A_910 = arith.subf %sub3A_909, %mul3A_908 : vector<1024x128xf32>
    %add3A_911 = vector.broadcast %slice3A_905 : vector<1x128xf32> to vector<1024x128xf32>
    %add3A_912 = arith.addf %sub3A_910, %add3A_911 : vector<1024x128xf32>
    %slice3A_913 = vector.extract_strided_slice %dot_general3A_885 {offsets = [0, 384], sizes = [1024, 128], strides = [1, 1]} : vector<1024x1024xf32> to vector<1024x128xf32>
    %slice3A_914 = vector.extract_strided_slice %reshape3A_883 {offsets = [0, 384], sizes = [1, 128], strides = [1, 1]} : vector<1x1024xf32> to vector<1x128xf32>
    %mul3A_915 = arith.constant 2.000000e+00 : f32
    %mul3A_916 = vector.broadcast %mul3A_915 : f32 to vector<1024x128xf32>
    %mul3A_917 = arith.mulf %mul3A_916, %slice3A_913 : vector<1024x128xf32>
    %sub3A_918 = vector.broadcast %broadcast_in_dim3A : vector<1024x1xf32> to vector<1024x128xf32>
    %sub3A_919 = arith.subf %sub3A_918, %mul3A_917 : vector<1024x128xf32>
    %add3A_920 = vector.broadcast %slice3A_914 : vector<1x128xf32> to vector<1024x128xf32>
    %add3A_921 = arith.addf %sub3A_919, %add3A_920 : vector<1024x128xf32>
    %slice3A_922 = vector.extract_strided_slice %dot_general3A_885 {offsets = [0, 512], sizes = [1024, 128], strides = [1, 1]} : vector<1024x1024xf32> to vector<1024x128xf32>
    %slice3A_923 = vector.extract_strided_slice %reshape3A_883 {offsets = [0, 512], sizes = [1, 128], strides = [1, 1]} : vector<1x1024xf32> to vector<1x128xf32>
    %mul3A_924 = arith.constant 2.000000e+00 : f32
    %mul3A_925 = vector.broadcast %mul3A_924 : f32 to vector<1024x128xf32>
    %mul3A_926 = arith.mulf %mul3A_925, %slice3A_922 : vector<1024x128xf32>
    %sub3A_927 = vector.broadcast %broadcast_in_dim3A : vector<1024x1xf32> to vector<1024x128xf32>
    %sub3A_928 = arith.subf %sub3A_927, %mul3A_926 : vector<1024x128xf32>
    %add3A_929 = vector.broadcast %slice3A_923 : vector<1x128xf32> to vector<1024x128xf32>
    %add3A_930 = arith.addf %sub3A_928, %add3A_929 : vector<1024x128xf32>
    %slice3A_931 = vector.extract_strided_slice %dot_general3A_885 {offsets = [0, 640], sizes = [1024, 128], strides = [1, 1]} : vector<1024x1024xf32> to vector<1024x128xf32>
    %slice3A_932 = vector.extract_strided_slice %reshape3A_883 {offsets = [0, 640], sizes = [1, 128], strides = [1, 1]} : vector<1x1024xf32> to vector<1x128xf32>
    %mul3A_933 = arith.constant 2.000000e+00 : f32
    %mul3A_934 = vector.broadcast %mul3A_933 : f32 to vector<1024x128xf32>
    %mul3A_935 = arith.mulf %mul3A_934, %slice3A_931 : vector<1024x128xf32>
    %sub3A_936 = vector.broadcast %broadcast_in_dim3A : vector<1024x1xf32> to vector<1024x128xf32>
    %sub3A_937 = arith.subf %sub3A_936, %mul3A_935 : vector<1024x128xf32>
    %add3A_938 = vector.broadcast %slice3A_932 : vector<1x128xf32> to vector<1024x128xf32>
    %add3A_939 = arith.addf %sub3A_937, %add3A_938 : vector<1024x128xf32>
    %slice3A_940 = vector.extract_strided_slice %dot_general3A_885 {offsets = [0, 768], sizes = [1024, 128], strides = [1, 1]} : vector<1024x1024xf32> to vector<1024x128xf32>
    %slice3A_941 = vector.extract_strided_slice %reshape3A_883 {offsets = [0, 768], sizes = [1, 128], strides = [1, 1]} : vector<1x1024xf32> to vector<1x128xf32>
    %mul3A_942 = arith.constant 2.000000e+00 : f32
    %mul3A_943 = vector.broadcast %mul3A_942 : f32 to vector<1024x128xf32>
    %mul3A_944 = arith.mulf %mul3A_943, %slice3A_940 : vector<1024x128xf32>
    %sub3A_945 = vector.broadcast %broadcast_in_dim3A : vector<1024x1xf32> to vector<1024x128xf32>
    %sub3A_946 = arith.subf %sub3A_945, %mul3A_944 : vector<1024x128xf32>
    %add3A_947 = vector.broadcast %slice3A_941 : vector<1x128xf32> to vector<1024x128xf32>
    %add3A_948 = arith.addf %sub3A_946, %add3A_947 : vector<1024x128xf32>
    %slice3A_949 = vector.extract_strided_slice %dot_general3A_885 {offsets = [0, 896], sizes = [1024, 128], strides = [1, 1]} : vector<1024x1024xf32> to vector<1024x128xf32>
    %slice3A_950 = vector.extract_strided_slice %reshape3A_883 {offsets = [0, 896], sizes = [1, 128], strides = [1, 1]} : vector<1x1024xf32> to vector<1x128xf32>
    %mul3A_951 = arith.constant 2.000000e+00 : f32
    %mul3A_952 = vector.broadcast %mul3A_951 : f32 to vector<1024x128xf32>
    %mul3A_953 = arith.mulf %mul3A_952, %slice3A_949 : vector<1024x128xf32>
    %sub3A_954 = vector.broadcast %broadcast_in_dim3A : vector<1024x1xf32> to vector<1024x128xf32>
    %sub3A_955 = arith.subf %sub3A_954, %mul3A_953 : vector<1024x128xf32>
    %add3A_956 = vector.broadcast %slice3A_950 : vector<1x128xf32> to vector<1024x128xf32>
    %add3A_957 = arith.addf %sub3A_955, %add3A_956 : vector<1024x128xf32>
    %lt3A_958 = arith.cmpf olt, %add3A_903, %add3A_894 : vector<1024x128xf32>
    %select_n3A_959 = arith.select %lt3A_958, %add3A_903, %add3A_894 : vector<1024x128xi1>, vector<1024x128xf32>
    %jit3A_960 = arith.constant 1.000000e+00 : f32
    %jit3A_961 = arith.constant 0.000000e+00 : f32
    %broadcast_in_dim3A_962 = vector.broadcast %jit3A_960 : f32 to vector<1024x128xf32>
    %broadcast_in_dim3A_963 = vector.broadcast %jit3A_961 : f32 to vector<1024x128xf32>
    %select_n3A_964 = arith.select %lt3A_958, %broadcast_in_dim3A_962, %broadcast_in_dim3A_963 : vector<1024x128xi1>, vector<1024x128xf32>
    %lt3A_965 = arith.cmpf olt, %add3A_921, %add3A_912 : vector<1024x128xf32>
    %select_n3A_966 = arith.select %lt3A_965, %add3A_921, %add3A_912 : vector<1024x128xi1>, vector<1024x128xf32>
    %jit3A_967 = arith.constant 3.000000e+00 : f32
    %jit3A_968 = arith.constant 2.000000e+00 : f32
    %broadcast_in_dim3A_969 = vector.broadcast %jit3A_967 : f32 to vector<1024x128xf32>
    %broadcast_in_dim3A_970 = vector.broadcast %jit3A_968 : f32 to vector<1024x128xf32>
    %select_n3A_971 = arith.select %lt3A_965, %broadcast_in_dim3A_969, %broadcast_in_dim3A_970 : vector<1024x128xi1>, vector<1024x128xf32>
    %lt3A_972 = arith.cmpf olt, %add3A_939, %add3A_930 : vector<1024x128xf32>
    %select_n3A_973 = arith.select %lt3A_972, %add3A_939, %add3A_930 : vector<1024x128xi1>, vector<1024x128xf32>
    %jit3A_974 = arith.constant 5.000000e+00 : f32
    %jit3A_975 = arith.constant 4.000000e+00 : f32
    %broadcast_in_dim3A_976 = vector.broadcast %jit3A_974 : f32 to vector<1024x128xf32>
    %broadcast_in_dim3A_977 = vector.broadcast %jit3A_975 : f32 to vector<1024x128xf32>
    %select_n3A_978 = arith.select %lt3A_972, %broadcast_in_dim3A_976, %broadcast_in_dim3A_977 : vector<1024x128xi1>, vector<1024x128xf32>
    %lt3A_979 = arith.cmpf olt, %add3A_957, %add3A_948 : vector<1024x128xf32>
    %select_n3A_980 = arith.select %lt3A_979, %add3A_957, %add3A_948 : vector<1024x128xi1>, vector<1024x128xf32>
    %jit3A_981 = arith.constant 7.000000e+00 : f32
    %jit3A_982 = arith.constant 6.000000e+00 : f32
    %broadcast_in_dim3A_983 = vector.broadcast %jit3A_981 : f32 to vector<1024x128xf32>
    %broadcast_in_dim3A_984 = vector.broadcast %jit3A_982 : f32 to vector<1024x128xf32>
    %select_n3A_985 = arith.select %lt3A_979, %broadcast_in_dim3A_983, %broadcast_in_dim3A_984 : vector<1024x128xi1>, vector<1024x128xf32>
    %lt3A_986 = arith.cmpf olt, %select_n3A_966, %select_n3A_959 : vector<1024x128xf32>
    %select_n3A_987 = arith.select %lt3A_986, %select_n3A_966, %select_n3A_959 : vector<1024x128xi1>, vector<1024x128xf32>
    %select_n3A_988 = arith.select %lt3A_986, %select_n3A_971, %select_n3A_964 : vector<1024x128xi1>, vector<1024x128xf32>
    %lt3A_989 = arith.cmpf olt, %select_n3A_980, %select_n3A_973 : vector<1024x128xf32>
    %select_n3A_990 = arith.select %lt3A_989, %select_n3A_980, %select_n3A_973 : vector<1024x128xi1>, vector<1024x128xf32>
    %select_n3A_991 = arith.select %lt3A_989, %select_n3A_985, %select_n3A_978 : vector<1024x128xi1>, vector<1024x128xf32>
    %lt3A_992 = arith.cmpf olt, %select_n3A_990, %select_n3A_987 : vector<1024x128xf32>
    %select_n3A_993 = arith.select %lt3A_992, %select_n3A_990, %select_n3A_987 : vector<1024x128xi1>, vector<1024x128xf32>
    %select_n3A_994 = arith.select %lt3A_992, %select_n3A_991, %select_n3A_988 : vector<1024x128xi1>, vector<1024x128xf32>
    %lt3A_995 = arith.cmpf olt, %select_n3A_993, %select_n3A_871 : vector<1024x128xf32>
    %select_n3A_996 = arith.select %lt3A_995, %select_n3A_993, %select_n3A_871 : vector<1024x128xi1>, vector<1024x128xf32>
    %add3A_997 = arith.constant 5.600000e+01 : f32
    %add3A_998 = vector.broadcast %add3A_997 : f32 to vector<1024x128xf32>
    %add3A_999 = arith.addf %select_n3A_994, %add3A_998 : vector<1024x128xf32>
    %select_n3A_1000 = arith.select %lt3A_995, %add3A_999, %select_n3A_875 : vector<1024x128xi1>, vector<1024x128xf32>
    %iota3A = tpu.iota {dimensions = array<i32: 1>} : vector<1024x128xi32>
    %convert_element_type3A_1001 = arith.sitofp %iota3A : vector<1024x128xi32> to vector<1024x128xf32>
    %mul3A_1002 = arith.constant 1.280000e+02 : f32
    %mul3A_1003 = vector.broadcast %mul3A_1002 : f32 to vector<1024x128xf32>
    %mul3A_1004 = arith.mulf %select_n3A_1000, %mul3A_1003 : vector<1024x128xf32>
    %add3A_1005 = arith.addf %mul3A_1004, %convert_element_type3A_1001 : vector<1024x128xf32>
    %reduce_min3A = arith.constant dense<0x7F800000> : vector<1024xf32>
    %reduce_min3A_1006 = vector.multi_reduction <minimumf>, %select_n3A_996, %reduce_min3A [1] : vector<1024x128xf32> to vector<1024xf32>
    %broadcast_in_dim3A_1007 = vector.shape_cast %reduce_min3A_1006 : vector<1024xf32> to vector<1024x1xf32>
    %eq3A_1008 = vector.broadcast %broadcast_in_dim3A_1007 : vector<1024x1xf32> to vector<1024x128xf32>
    %eq3A_1009 = arith.cmpf oeq, %select_n3A_996, %eq3A_1008 : vector<1024x128xf32>
    %jit3A_1010 = arith.constant 8.192000e+03 : f32
    %broadcast_in_dim3A_1011 = vector.broadcast %jit3A_1010 : f32 to vector<1024x128xf32>
    %select_n3A_1012 = arith.select %eq3A_1009, %add3A_1005, %broadcast_in_dim3A_1011 : vector<1024x128xi1>, vector<1024x128xf32>
    %reduce_min3A_1013 = arith.constant dense<0x7F800000> : vector<1024xf32>
    %reduce_min3A_1014 = vector.multi_reduction <minimumf>, %select_n3A_1012, %reduce_min3A_1013 [1] : vector<1024x128xf32> to vector<1024xf32>
    %convert_element_type3A_1015 = arith.fptosi %reduce_min3A_1014 : vector<1024xf32> to vector<1024xi32>
    %swap3A = arith.constant 0 : index
    %swap3A_1016 = arith.constant 0 : index
    %swap3A_1017 = arith.constant 0 : index
    %swap3A_1018 = vector.load %arg3[%swap3A, %swap3A_1016, %swap3A_1017] : memref<1x1x1024xi32, #tpu.memory_space<vmem>>, vector<1x1x1024xi32>
    %swap3A_1019 = vector.shape_cast %swap3A_1018 : vector<1x1x1024xi32> to vector<1024xi32>
    %swap3A_1020 = vector.shape_cast %convert_element_type3A_1015 : vector<1024xi32> to vector<1x1x1024xi32>
    tpu.vector_store %arg3[%swap3A, %swap3A_1016, %swap3A_1017], %swap3A_1020 {strides = array<i32>} : memref<1x1x1024xi32, #tpu.memory_space<vmem>>, vector<1x1x1024xi32>,
    return
  }
  func.func @transform_0(%arg0: i32) -> (i32, i32) {
    %c0_i32 = arith.constant 0 : i32
    %c0_i32_0 = arith.constant 0 : i32
    return %arg0, %c0_i32 : i32, i32
  }
  func.func @transform_1(%arg0: i32) -> (i32, i32) {
    %c0_i32 = arith.constant 0 : i32
    %c0_i32_0 = arith.constant 0 : i32
    %c0_i32_1 = arith.constant 0 : i32
    return %c0_i32, %c0_i32_0 : i32, i32
  }
  func.func @transform_2(%arg0: i32) -> (i32, i32, i32) {
    %c0_i32 = arith.constant 0 : i32
    %c0_i32_0 = arith.constant 0 : i32
    %c0_i32_1 = arith.constant 0 : i32
    return %arg0, %c0_i32, %c0_i32_0 : i32, i32, i32
  }
}

</mosaic_0001>

<sc_bundles>
// kernel: kernel.4.cloned.1.call-start
scs
__scs_entry_jumppad:
0x0: {  	(pc) =	sbr.rel $0x88, $3  }
0x1: {  	(tag) =	ssettag $0x0;
	lr =	simm.s32 $0x1  }
0x2: {  	[smem:$0x3F9F] =	sst lr;
	_ =	strace $0xD0000000  }
0x3: {  	_ = 	snop  }
0x4: {  	_ = 	snop  }
0x5: {  	_ = 	snop  }
0x6: {  	_ = 	snop  }
0x7: {  	_ = 	snop  }
__scs_overlays_trampoline_lowered:
0x8: {  	[smem:$0x3FAE] =	sst s0  }
0x9: {  	[smem:$0x3FAF] =	sst s1  }
0xa: {  	[smem:$0x3FB0] =	sst s2  }
0xb: {  	[smem:$0x3FB1] =	sst s3  }
0xc: {  	[smem:$0x3FB2] =	sst s4  }
0xd: {  	[smem:$0x3FB3] =	sst s5  }
0xe: {  	[smem:$0x3FB4] =	sst s6  }
0xf: {  	[smem:$0x3FB5] =	sst s7  }
0x10: {  	[smem:$0x3FB6] =	sst s8  }
0x11: {  	[smem:$0x3FB7] =	sst s9;
	s0 =	simm.s32 @!p0 $0x0  }
0x12: {  	s1 =	sld [smem:$0x3F9D];
	s0 =	simm.s32 @p0 $0x1  }
0x13: {  	[smem:$0x3FB8] =	sst s0;
	s0 =	simm.s32 @!p1 $0x0  }
0x14: {  	s2 =	sld [smem:$0x3F9C];
	s0 =	simm.s32 @p1 $0x1  }
0x15: {  	[smem:$0x3FB9] =	sst s0;
	s0 =	simm.s32 @!p2 $0x0  }
0x16: {  	s3 =	sld [smem:$0x3FDB];
	s0 =	simm.s32 @p2 $0x1  }
0x17: {  	s4 =	simm.s32 $0x1BF5;
	[smem:$0x3FBB] =	sst s0  }
0x18: {  	s0 =	sld [smem:$0x3F9E];
	_ =	swait.ge [sflag:s4], $0x0  }
0x19: {  	s7 =	sld [smem:$0x3F9F]  }
0x1a: {  	s8 =	sadd.s32 $0xFFFFE003, lr  }
0x1b: {  	s9 =	sadd.s32 $0xFFFFFEF7, lr;
	s5 =	simm.s32 $0xFFFFFFFF;
	p2 =	slt.u32 s8, $0xFFFFF086  }
0x1c: {  	p1 =	slt.u32 s9, $0xF7A;
	s5 =	simm.s32 @!p2 $0x0  }
0x1d: {  	s5 =	simm.s32 @p1 $0x1;
	p0 =	seq.s32 s7, s2  }
0x1e: {  	s7 =	smul.u32 @!p0 $0xF7A, s2;
	p2 =	seq.s32 @!p0 s5, $0x0  }
0x1f: {  	s9 =	smul.u32 $0xF7A, s1;
	s8 =	simm.s32 @!p0 $0x1BF5;
	p2 =	por !p2, p0  }
0x20: {  	[sflag:s8] =	ssyncset.s32 @!p0 $0xFFFFF086;
	s6 =	sadd.s32 @!p0 s3, s7;
	s7 =	simm.s32 @!p0 $0x108  }
0x21: {  	s3 =	sadd.s32 s3, s9;
	s6 =	sadd.s32 @!p0 $0x88, s6;
	s7 =	simm.s32 @p2 $0x1082  }
0x22: {  	[simem:s7], [sflag:s8] =	dma.local @!p0 [hbm:s6], $0xF7A  }
0x23: {  	s9 =	sor.u32 $0xD0000000, s2;
	s6 =	simm.s32 $0x108;
	_ =	swait.ge @!p0 [sflag:s8], $0x0  }
0x24: {  	s3 =	sadd.s32 $0x88, s3;
	s6 =	simm.s32 @!p1 $0x1082;
	[sflag:s4] =	ssyncset.s32 $0xFFFFF086  }
0x25: {  	[simem:s6], [sflag:s4] =	dma.local [hbm:s3], $0xF7A  }
0x26: {  	[smem:$0x3F9F] =	sst s1;
	(tag) =	ssettag s2;
	_ =	strace s9  }
0x27: {  	s1 =	sld [smem:$0x3FAF]  }
0x28: {  	s2 =	sld [smem:$0x3FB0]  }
0x29: {  	s4 =	sld [smem:$0x3FB2]  }
0x2a: {  	p0 =	seq.s32 s5, $0x0;
	s5 =	sld [smem:$0x3FB3]  }
0x2b: {  	s6 =	sld [smem:$0x3FB4]  }
0x2c: {  	s7 =	sld [smem:$0x3FB5]  }
0x2d: {  	s3 =	simm.s32 $0x108;
	s8 =	sld [smem:$0x3FB6]  }
0x2e: {  	s3 =	simm.s32 @!p0 $0x1082;
	s9 =	sld [smem:$0x3FB7]  }
0x2f: {  	lr =	sadd.s32 s0, s3;
	s0 =	sld [smem:$0x3FAE]  }
0x30: {  	s3 =	sld [smem:$0x3FB1]  }
0x31: {  	[smem:$0x3FBA] =	sst s10  }
0x32: {  	s10 =	sld [smem:$0x3FB8];
	_ =	sdelay $0x3  }
0x33: {  	p0 =	seq.s32 s10, $0x1;
	s10 =	sld [smem:$0x3FBA];
	_ =	sdelay $0x3  }
0x34: {  	[smem:$0x3FBA] =	sst s10  }
0x35: {  	s10 =	sld [smem:$0x3FB9];
	_ =	sdelay $0x3  }
0x36: {  	p1 =	seq.s32 s10, $0x1;
	s10 =	sld [smem:$0x3FBA];
	_ =	sdelay $0x3  }
0x37: {  	[smem:$0x3FBA] =	sst s10  }
0x38: {  	s10 =	sld [smem:$0x3FBB]  }
0x39: {  	_ = 	snop;
	(pc) =	sbr.ind lr, $3  }
0x3a: {  	_ = 	snop  }
0x3b: {  	_ = 	snop  }
0x3c: {  	p2 =	seq.s32 s10, $0x1;
	s10 =	sld [smem:$0x3FBA]  }
0x3d: {  	_ =	shalt  }
0x3e: {  	_ =	shalt  }
0x3f: {  	_ =	shalt  }
0x40: {  	_ =	shalt  }
0x41: {  	_ =	shalt  }
0x42: {  	_ =	shalt  }
0x43: {  	_ =	shalt  }
0x44: {  	_ =	shalt  }
0x45: {  	_ =	shalt  }
0x46: {  	_ =	shalt  }
0x47: {  	_ =	shalt  }
0x48: {  	_ =	shalt  }
0x49: {  	_ =	shalt  }
0x4a: {  	_ =	shalt  }
0x4b: {  	_ =	shalt  }
0x4c: {  	_ =	shalt  }
0x4d: {  	_ =	shalt  }
0x4e: {  	_ =	shalt  }
0x4f: {  	_ =	shalt  }
0x50: {  	_ =	shalt  }
0x51: {  	_ =	shalt  }
0x52: {  	_ =	shalt  }
0x53: {  	_ =	shalt  }
0x54: {  	_ =	shalt  }
0x55: {  	_ =	shalt  }
0x56: {  	_ =	shalt  }
0x57: {  	_ =	shalt  }
0x58: {  	_ =	shalt  }
0x59: {  	_ =	shalt  }
0x5a: {  	_ =	shalt  }
0x5b: {  	_ =	shalt  }
0x5c: {  	_ =	shalt  }
0x5d: {  	_ =	shalt  }
0x5e: {  	_ =	shalt  }
0x5f: {  	_ =	shalt  }
0x60: {  	_ =	shalt  }
0x61: {  	_ =	shalt  }
0x62: {  	_ =	shalt  }
0x63: {  	_ =	shalt  }
0x64: {  	_ =	shalt  }
0x65: {  	_ =	shalt  }
0x66: {  	_ =	shalt  }
0x67: {  	_ =	shalt  }
0x68: {  	_ =	shalt  }
0x69: {  	_ =	shalt  }
0x6a: {  	_ =	shalt  }
0x6b: {  	_ =	shalt  }
0x6c: {  	_ =	shalt  }
0x6d: {  	_ =	shalt  }
0x6e: {  	_ =	shalt  }
0x6f: {  	_ =	shalt  }
0x70: {  	_ =	shalt  }
0x71: {  	_ =	shalt  }
0x72: {  	_ =	shalt  }
0x73: {  	_ =	shalt  }
0x74: {  	_ =	shalt  }
0x75: {  	_ =	shalt  }
0x76: {  	_ =	shalt  }
0x77: {  	_ =	shalt  }
0x78: {  	_ =	shalt  }
0x79: {  	_ =	shalt  }
0x7a: {  	_ =	shalt  }
0x7b: {  	_ =	shalt  }
0x7c: {  	_ =	shalt  }
0x7d: {  	_ =	shalt  }
0x7e: {  	_ =	shalt  }
0x7f: {  	_ =	shalt  }
0x80: {  	_ =	shalt  }
0x81: {  	_ =	shalt  }
0x82: {  	_ =	shalt  }
0x83: {  	_ =	shalt  }
0x84: {  	_ =	shalt  }
0x85: {  	_ =	shalt  }
0x86: {  	_ =	shalt  }
0x87: {  	_ =	shalt  }
.Lfunc_end0:
.L_simem_size_0:
called_computation_lowered:
.L_overlay_start_0:
0x88: {  	s2 =	sld [smem:$0x3FD9]  }
0x89: {  	s3 =	sld [smem:$0x3FFE];
	_ =	sdelay $0x1  }
0x8a: {  	s1 =	srdreg.scid  }
0x8b: {  	s0 =	sand.u32 $0x1, s1  }
0x8c: {  	s14 =	sshll.u32 s0, $0xA;
	s2 =	sadd.s32 s3, s2  }
0x8d: {  	s2 =	sadd.s32 s2, s14  }
0x8e: {  	[smem:$0x3FC6] =	sst s2  }
0x8f: {  	_ = 	snop  }
0x90: {  	s2 =	sld [smem:$0x3FD0];
	_ =	sdelay $0x1  }
0x91: {  	s15 =	sld [smem:$0x3FC9]  }
0x92: {  	s5 =	simm.s32 $0xA;
	s6 =	simm.s32 $0x10;
	s4 =	sld [smem:$0x3FC8]  }
0x93: {  	[smem:s6], [sflag:s5] =	dma.local [hbm:s2], $0x1  }
0x94: {  	_ =	swait.eq [sflag:s5], $0x1  }
0x95: {  	[sflag:s5] =	ssyncset.done $0x0  }
0x96: {  	s16 =	sld [smem:$0x10];
	[sflag:s5] =	ssyncadd.s32 $0xFFFFFFFF  }
0x97: {  	s17 =	sld [smem:$0x11];
	(tm) =	ssettm $0x1  }
0x98: {  	s18 =	sld [smem:$0x3FFB];
	_ =	sdelay $0x3  }
0x99: {  	_ =	strace s18  }
0x9a: {  	s6 =	sld [smem:$0x3FFC];
	_ =	sdelay $0x3  }
0x9b: {  	_ =	strace s6  }
0x9c: {  	s6 =	sld [smem:$0x3FFD];
	_ =	sdelay $0x3  }
0x9d: {  	_ =	strace s6  }
0x9e: {  	_ =	strace $0x8FFFFFFF  }
0x9f: {  	s19 =	sld [smem:$0x3FDB];
	_ =	sdelay $0x1  }
0xa0: {  	s7 =	simm.s32 $_scs_section_size  }
0xa1: {  	s8 =	simm.s32 $_size__tile_overlayer_lowered;
	s9 =	simm.s32 $_tile_overlayer_lowered  }
0xa2: {  	s22 =	simm.s32 $0x1BFF;
	s21 =	sshll.u32 s9, $0x1;
	s6 =	sadd.s32 s7, s19  }
0xa3: {  	s10 =	simm.s32 $0x0;
	s20 =	sshll.u32 s8, $0x1;
	s8 =	sadd.s32 s21, s6  }
0xa4: {  	[timem:s10], [sflag:s22] =	dma.local [hbm:s8], s20  }
0xa5: {  	_ =	swait.ge [sflag:s22], s20  }
0xa6: {  	s7 =	ssub.s32 $0x0, s20;
	[sflag:s22] =	ssyncset.done $0x0  }
0xa7: {  	[sflag:s22] =	ssyncadd.s32 s7;
	_ =	sdelay $0x1  }
0xa8: {  	s23 =	simm.s32 $0x1B8B  }
0xa9: {  	_ =	swait.ge [sflag:s23], $0x1  }
0xaa: {  	[sflag:s23] =	ssyncset.done $0x0  }
0xab: {  	s25 =	simm.s32 $0x1B8E;
	s24 =	sld [smem:$0x3FFE];
	[sflag:s23] =	ssyncadd.s32 $0xFFFFFFFF  }
0xac: {  	s26 =	simm.s32 $execute0_lowered;
	[smem:$0x3FD2] =	sst s25  }
0xad: {  	s8 =	sshll.u32 s26, $0x1;
	_ =	strace $0x80000046;
	[dreg:$0x1] =	wrdreg $0xFFFFFFFF  }
0xae: {  	s28 =	simm.s32 $_size_execute0_lowered;
	s6 =	sadd.s32 s6, s8;
	[dreg:$0x0] =	wrdreg $0x0  }
0xaf: {  	s8 =	sshll.u32 s28, $0x1;
	[dreg:$0x2] =	wrdreg s6  }
0xb0: {  	[dreg:$0x3] =	wrdreg s8  }
0xb1: {  	[dreg:$0x4] =	wrdreg $0xC0  }
0xb2: {  	_ =	task [dreg:s10], $0x5FFFF  }
0xb3: {  	[dreg:$0x1] =	wrdreg $0xFFFFFFFF  }
0xb4: {  	[dreg:$0x0] =	wrdreg $0x60  }
0xb5: {  	[dreg:$0x2] =	wrdreg s4  }
0xb6: {  	[dreg:$0x3] =	wrdreg s16  }
0xb7: {  	[dreg:$0x4] =	wrdreg s15  }
0xb8: {  	[dreg:$0x5] =	wrdreg s17  }
0xb9: {  	[dreg:$0x6] =	wrdreg s24  }
0xba: {  	[dreg:$0x7] =	wrdreg $0x9  }
0xbb: {  	_ =	task.clear_ibuf [dreg:s10], $0x8FFFF;
	_ =	strace $0x90000046  }
0xbc: {  	s29 =	simm.s32 $0x9;
	_ =	strace $0x80000048  }
0xbd: {  	_ =	swait.ge [sflag:s29], $0x1  }
0xbe: {  	[sflag:s29] =	ssyncadd.s32 $0xFFFFFFFF  }
0xbf: {  	_ =	strace $0x90000048  }
0xc0: {  	_ =	sfence  }
0xc1: {  	s30 =	sld [smem:$0x0];
	_ =	sdelay $0x2  }
0xc2: {  	s31 =	sshll.u32 s1, $0xD;
	s1 =	sshrl.u32 s1, $0x2  }
0xc3: {  	s3 =	sand.u32 $0x4000, s31;
	s1 =	sadd.s32 s1, s30  }
0xc4: {  	s0 =	sor.u32 s3, s0;
	s1 =	sshll.u32 s1, $0x11  }
0xc5: {  	s0 =	sor.u32 s1, s0  }
0xc6: {  	s0 =	sadd.s32 $0x8F2B, s0  }
0xc7: {  	[sflag:s0] =	ssyncadd.remote.s32 $0x1  }
0xc8: {  	_ =	sfence.sel $0xFFFF  }
0xc9: {  	[dreg:$0x0] =	wrdreg $0xFFFFFFFF;
	(pc) =	sbr.abs _section_cstart, $3  }
0xca: {  	[dreg:$0x1] =	wrdreg $0xFFFFFFFF  }
0xcb: {  	_ =	task.clear_ibuf [dreg:s10], $0x2FFFF;
	_ =	strace $0x9FFFFFFF  }
0xcc: {  	(tm) =	ssettm $0x7FFFFFFF  }
0xcd: {  	_ =	shalt  }
tec
execute0_lowered:
.L_overlay_start_1:
0x0: {  	(tag) =	ssettag $0x1  }
0x1: {  	s1 =	rddreg [dreg:$0x0]  }
0x2: {  	s0 =	rddreg [dreg:$0x1]  }
0x3: {  	s2 =	rddreg [dreg:$0x2]  }
0x4: {  	s4 =	rddreg [dreg:$0x3]  }
0x5: {  	s5 =	rddreg [dreg:$0x4]  }
0x6: {  	s6 =	srdreg.scid;
	s7 =	stileid.u32;
	s3 =	simm.s32 $0x0  }
0x7: {  	s15 =	simm.s32 $0x3;
	s16 =	simm.s32 $0x200;
	s19 =	simm.s32 $0x9A00  }
0x8: {  	s28 =	simm.s32 $0xEA00;
	s29 =	simm.s32 $0xFA00;
	s30 =	simm.s32 $0x10200  }
0x9: {  	s31 =	simm.s32 $0x2;
	s6 =	sand.u32 $0x1, s6;
	s7 =	sshll.u32 s7, $0x1  }
0xa: {  	[smem:$0x7FF] =	sst s3;
	s7 =	sor.u32 s6, s7;
	s6 =	ssub.s32 $0x2, s6  }
0xb: {  	_ =	strace $0x80000047;
	s8 =	sshll.u32 s7, $0x4;
	s20 =	sshrl.u32 s6, $0x1  }
0xc: {  	s9 =	sshll.u32 s7, $0x6;
	s21 =	sshll.u32 s7, $0xE;
	s5 =	sadd.s32 s8, s5  }
0xd: {  	s6 =	ssub.s32 s6, s20;
	s0 =	sadd.s32 s0, s9;
	s7 =	sadd.s32 s2, s21  }
0xe: {  	s22 =	sadd.s32 s4, s21;
	s23 =	sor.u32 $0x1000, s21;
	[dreg:$0x6] =	wrdreg s0  }
0xf: {  	s25 =	sor.u32 $0x2000, s21;
	s20 =	simm.s32 $0xA200;
	[dreg:$0x7] =	wrdreg s7  }
0x10: {  	s8 =	simm.s32 $0x0;
	[dreg:$0x8] =	wrdreg s22;
	s24 =	sadd.s32 s2, s23  }
0x11: {  	s7 =	sadd.s32 s4, s23;
	s26 =	sadd.s32 s2, s25;
	s0 =	sor.u32 $0x3000, s21  }
0x12: {  	s13 =	sadd.s32 $0x600, s5;
	s14 =	smax.u32 s6, $0x1;
	s21 =	simm.s32 $0xAA00  }
0x13: {  	s22 =	simm.s32 $0xB200;
	s23 =	simm.s32 $0xBA00;
	[dreg:$0x9] =	wrdreg s24  }
0x14: {  	s5 =	simm.s32 $0xE200;
	s6 =	simm.s32 $0xF200;
	[dreg:$0xa] =	wrdreg s7  }
0x15: {  	[dreg:$0xb] =	wrdreg s26;
	s7 =	sadd.s32 s4, s25;
	s2 =	sadd.s32 s2, s0  }
0x16: {  	v2 =	vlaneseq.u32;
	s12 =	sadd.s32 s4, s0;
	s24 =	simm.s32 $0xC200;
	s4 =	simm.s32 $0xCA00  }
0x17: {  	vm0 =	vmmov $0xffff;
	v1 =	vshrl.u32 v2, $0x3;
	s25 =	simm.s32 $0xD200;
	s26 =	simm.s32 $0xDA00;
	[dreg:$0xc] =	wrdreg s7  }
0x18: {  	v0 =	vand.u32 $0x7, v2;
	v2 =	vor.u32 $0x8, v2;
	v1 =	vmul.u32 $0x8, v1;
	[dreg:$0xd] =	wrdreg s2;
	s2 =	simm.s32 $0x8200;
	s7 =	simm.s32 $0x1  }
.LBB2_1:
0x19: {  	s0 =	rddreg [dreg:$0x6]  }
0x1a: {  	[tilespmem:s3], [sflag:$0x3] =	stream.linear.gather [hbm4b:s0+s3], $0x200, $0x38;
	[tilespmem:$0x18280] =	vst v63  }
0x1b: {  	_ =	swait.ge [sflag:s15], $0x200  }
0x1c: {  	[sflag:s15] =	ssyncset.done $0x0  }
0x1d: {  	[sflag:s15] =	ssyncadd.s32 $0xFFFFFE00  }
0x1e: {  	v3 =	vld [tilespmem:$0x0];
	_ =	sdelay $0x4  }
0x1f: {  	v4 =	vshll.u32 v3, $0x1  }
0x20: {  	v3 =	vand.u32 $0x7, v3;
	v4 =	vand.u32 $0xFFFFFFF0, v4  }
0x21: {  	v3 =	vor.u32 v3, v4  }
0x22: {  	v4 =	vperm.xlane v3, v0;
	_ =	sdelay $0x1  }
0x23: {  	v3 =	vperm.xlane v3, v2;
	v4 =	vadd.s32 v1, v4;
	_ =	sdelay $0x1  }
0x24: {  	v3 =	vadd.s32 v1, v3;
	_ =	sdelay $0x2  }
0x25: {  	[tilespmem:s16], [sflag:$0x1] =	stream.indirect_vreg.gather [hbm4b:s1+s3], $0x80, v4, vm0, $0xb8;
	[tilespmem:$0x18280] =	vst v63  }
0x26: {  	s10 =	simm.s32 $0xA00  }
0x27: {  	[tilespmem:s10], [sflag:$0x1] =	stream.indirect_vreg.gather [hbm4b:s1+s3], $0x80, v3, vm0, $0xb8;
	[tilespmem:$0x18280] =	vst v63  }
0x28: {  	v3 =	vld [tilespmem:$0x10];
	_ =	sdelay $0x4  }
0x29: {  	v4 =	vshll.u32 v3, $0x1  }
0x2a: {  	v3 =	vand.u32 $0x7, v3;
	v4 =	vand.u32 $0xFFFFFFF0, v4  }
0x2b: {  	v3 =	vor.u32 v3, v4  }
0x2c: {  	v4 =	vperm.xlane v3, v0;
	_ =	sdelay $0x1  }
0x2d: {  	v3 =	vperm.xlane v3, v2;
	v4 =	vadd.s32 v1, v4;
	_ =	sdelay $0x1  }
0x2e: {  	v3 =	vadd.s32 v1, v3;
	_ =	sdelay $0x1  }
0x2f: {  	s11 =	simm.s32 $0x1200  }
0x30: {  	[tilespmem:s11], [sflag:$0x1] =	stream.indirect_vreg.gather [hbm4b:s1+s3], $0x80, v4, vm0, $0xb8;
	[tilespmem:$0x18280] =	vst v63  }
0x31: {  	s17 =	simm.s32 $0x1A00  }
0x32: {  	[tilespmem:s17], [sflag:$0x1] =	stream.indirect_vreg.gather [hbm4b:s1+s3], $0x80, v3, vm0, $0xb8;
	[tilespmem:$0x18280] =	vst v63  }
0x33: {  	v3 =	vld [tilespmem:$0x20];
	_ =	sdelay $0x4  }
0x34: {  	v4 =	vshll.u32 v3, $0x1  }
0x35: {  	v3 =	vand.u32 $0x7, v3;
	v4 =	vand.u32 $0xFFFFFFF0, v4  }
0x36: {  	v3 =	vor.u32 v3, v4  }
0x37: {  	v4 =	vperm.xlane v3, v0;
	_ =	sdelay $0x1  }
0x38: {  	v3 =	vperm.xlane v3, v2;
	v4 =	vadd.s32 v1, v4;
	_ =	sdelay $0x1  }
0x39: {  	v3 =	vadd.s32 v1, v3;
	_ =	sdelay $0x1  }
0x3a: {  	s18 =	simm.s32 $0x2200  }
0x3b: {  	[tilespmem:s18], [sflag:$0x1] =	stream.indirect_vreg.gather [hbm4b:s1+s3], $0x80, v4, vm0, $0xb8;
	[tilespmem:$0x18280] =	vst v63  }
0x3c: {  	s9 =	simm.s32 $0x2A00  }
0x3d: {  	[tilespmem:s9], [sflag:$0x1] =	stream.indirect_vreg.gather [hbm4b:s1+s3], $0x80, v3, vm0, $0xb8;
	[tilespmem:$0x18280] =	vst v63  }
0x3e: {  	v3 =	vld [tilespmem:$0x30];
	_ =	sdelay $0x4  }
0x3f: {  	v4 =	vshll.u32 v3, $0x1  }
0x40: {  	v3 =	vand.u32 $0x7, v3;
	v4 =	vand.u32 $0xFFFFFFF0, v4  }
0x41: {  	v3 =	vor.u32 v3, v4  }
0x42: {  	v4 =	vperm.xlane v3, v0;
	_ =	sdelay $0x1  }
0x43: {  	v3 =	vperm.xlane v3, v2;
	v4 =	vadd.s32 v1, v4;
	_ =	sdelay $0x1  }
0x44: {  	v3 =	vadd.s32 v1, v3;
	_ =	sdelay $0x1  }
0x45: {  	s10 =	simm.s32 $0x3200  }
0x46: {  	[tilespmem:s10], [sflag:$0x1] =	stream.indirect_vreg.gather [hbm4b:s1+s3], $0x80, v4, vm0, $0xb8;
	[tilespmem:$0x18280] =	vst v63  }
0x47: {  	s11 =	simm.s32 $0x3A00  }
0x48: {  	[tilespmem:s11], [sflag:$0x1] =	stream.indirect_vreg.gather [hbm4b:s1+s3], $0x80, v3, vm0, $0xb8;
	[tilespmem:$0x18280] =	vst v63  }
0x49: {  	v3 =	vld [tilespmem:$0x40];
	_ =	sdelay $0x4  }
0x4a: {  	v4 =	vshll.u32 v3, $0x1  }
0x4b: {  	v3 =	vand.u32 $0x7, v3;
	v4 =	vand.u32 $0xFFFFFFF0, v4  }
0x4c: {  	v3 =	vor.u32 v3, v4  }
0x4d: {  	v4 =	vperm.xlane v3, v0;
	_ =	sdelay $0x1  }
0x4e: {  	v3 =	vperm.xlane v3, v2;
	v4 =	vadd.s32 v1, v4;
	_ =	sdelay $0x1  }
0x4f: {  	v3 =	vadd.s32 v1, v3;
	_ =	sdelay $0x1  }
0x50: {  	s17 =	simm.s32 $0x4200  }
0x51: {  	[tilespmem:s17], [sflag:$0x1] =	stream.indirect_vreg.gather [hbm4b:s1+s3], $0x80, v4, vm0, $0xb8;
	[tilespmem:$0x18280] =	vst v63  }
0x52: {  	s18 =	simm.s32 $0x4A00  }
0x53: {  	[tilespmem:s18], [sflag:$0x1] =	stream.indirect_vreg.gather [hbm4b:s1+s3], $0x80, v3, vm0, $0xb8;
	[tilespmem:$0x18280] =	vst v63  }
0x54: {  	v3 =	vld [tilespmem:$0x50];
	_ =	sdelay $0x4  }
0x55: {  	v4 =	vshll.u32 v3, $0x1  }
0x56: {  	v3 =	vand.u32 $0x7, v3;
	v4 =	vand.u32 $0xFFFFFFF0, v4  }
0x57: {  	v3 =	vor.u32 v3, v4  }
0x58: {  	v4 =	vperm.xlane v3, v0;
	_ =	sdelay $0x1  }
0x59: {  	v3 =	vperm.xlane v3, v2;
	v4 =	vadd.s32 v1, v4;
	_ =	sdelay $0x1  }
0x5a: {  	v3 =	vadd.s32 v1, v3;
	_ =	sdelay $0x1  }
0x5b: {  	s9 =	simm.s32 $0x5200  }
0x5c: {  	[tilespmem:s9], [sflag:$0x1] =	stream.indirect_vreg.gather [hbm4b:s1+s3], $0x80, v4, vm0, $0xb8;
	[tilespmem:$0x18280] =	vst v63  }
0x5d: {  	s10 =	simm.s32 $0x5A00  }
0x5e: {  	[tilespmem:s10], [sflag:$0x1] =	stream.indirect_vreg.gather [hbm4b:s1+s3], $0x80, v3, vm0, $0xb8;
	[tilespmem:$0x18280] =	vst v63  }
0x5f: {  	v3 =	vld [tilespmem:$0x60];
	_ =	sdelay $0x4  }
0x60: {  	v4 =	vshll.u32 v3, $0x1  }
0x61: {  	v3 =	vand.u32 $0x7, v3;
	v4 =	vand.u32 $0xFFFFFFF0, v4  }
0x62: {  	v3 =	vor.u32 v3, v4  }
0x63: {  	v4 =	vperm.xlane v3, v0;
	_ =	sdelay $0x1  }
0x64: {  	v3 =	vperm.xlane v3, v2;
	v4 =	vadd.s32 v1, v4;
	_ =	sdelay $0x1  }
0x65: {  	v3 =	vadd.s32 v1, v3;
	_ =	sdelay $0x1  }
0x66: {  	s11 =	simm.s32 $0x6200  }
0x67: {  	[tilespmem:s11], [sflag:$0x1] =	stream.indirect_vreg.gather [hbm4b:s1+s3], $0x80, v4, vm0, $0xb8;
	[tilespmem:$0x18280] =	vst v63  }
0x68: {  	s17 =	simm.s32 $0x6A00  }
0x69: {  	[tilespmem:s17], [sflag:$0x1] =	stream.indirect_vreg.gather [hbm4b:s1+s3], $0x80, v3, vm0, $0xb8;
	[tilespmem:$0x18280] =	vst v63  }
0x6a: {  	v3 =	vld [tilespmem:$0x70];
	_ =	sdelay $0x4  }
0x6b: {  	v4 =	vshll.u32 v3, $0x1  }
0x6c: {  	v3 =	vand.u32 $0x7, v3;
	v4 =	vand.u32 $0xFFFFFFF0, v4  }
0x6d: {  	v3 =	vor.u32 v3, v4  }
0x6e: {  	v4 =	vperm.xlane v3, v0;
	_ =	sdelay $0x1  }
0x6f: {  	v3 =	vperm.xlane v3, v2;
	v4 =	vadd.s32 v1, v4;
	_ =	sdelay $0x1  }
0x70: {  	v3 =	vadd.s32 v1, v3;
	_ =	sdelay $0x1  }
0x71: {  	s18 =	simm.s32 $0x7200  }
0x72: {  	[tilespmem:s18], [sflag:$0x1] =	stream.indirect_vreg.gather [hbm4b:s1+s3], $0x80, v4, vm0, $0xb8;
	[tilespmem:$0x18280] =	vst v63  }
0x73: {  	s9 =	simm.s32 $0x7A00  }
0x74: {  	[tilespmem:s9], [sflag:$0x1] =	stream.indirect_vreg.gather [hbm4b:s1+s3], $0x80, v3, vm0, $0xb8;
	[tilespmem:$0x18280] =	vst v63  }
0x75: {  	v3 =	vld [tilespmem:$0x80];
	_ =	sdelay $0x4  }
0x76: {  	v4 =	vshll.u32 v3, $0x1  }
0x77: {  	v3 =	vand.u32 $0x7, v3;
	v4 =	vand.u32 $0xFFFFFFF0, v4  }
0x78: {  	v3 =	vor.u32 v3, v4  }
0x79: {  	v4 =	vperm.xlane v3, v0;
	_ =	sdelay $0x1  }
0x7a: {  	v3 =	vperm.xlane v3, v2;
	v4 =	vadd.s32 v1, v4;
	_ =	sdelay $0x1  }
0x7b: {  	v3 =	vadd.s32 v1, v3;
	_ =	sdelay $0x2  }
0x7c: {  	[tilespmem:s2], [sflag:$0x2] =	stream.indirect_vreg.gather [hbm4b:s1+s3], $0x80, v4, vm0, $0xb8;
	[tilespmem:$0x18280] =	vst v63  }
0x7d: {  	s10 =	simm.s32 $0x8A00  }
0x7e: {  	[tilespmem:s10], [sflag:$0x2] =	stream.indirect_vreg.gather [hbm4b:s1+s3], $0x80, v3, vm0, $0xb8;
	[tilespmem:$0x18280] =	vst v63  }
0x7f: {  	v3 =	vld [tilespmem:$0x90];
	_ =	sdelay $0x4  }
0x80: {  	v4 =	vshll.u32 v3, $0x1  }
0x81: {  	v3 =	vand.u32 $0x7, v3;
	v4 =	vand.u32 $0xFFFFFFF0, v4  }
0x82: {  	v3 =	vor.u32 v3, v4  }
0x83: {  	v4 =	vperm.xlane v3, v0;
	_ =	sdelay $0x1  }
0x84: {  	v3 =	vperm.xlane v3, v2;
	v4 =	vadd.s32 v1, v4;
	_ =	sdelay $0x1  }
0x85: {  	v3 =	vadd.s32 v1, v3;
	_ =	sdelay $0x1  }
0x86: {  	s11 =	simm.s32 $0x9200  }
0x87: {  	[tilespmem:s11], [sflag:$0x2] =	stream.indirect_vreg.gather [hbm4b:s1+s3], $0x80, v4, vm0, $0xb8;
	[tilespmem:$0x18280] =	vst v63  }
0x88: {  	_ = 	snop  }
0x89: {  	[tilespmem:s19], [sflag:$0x2] =	stream.indirect_vreg.gather [hbm4b:s1+s3], $0x80, v3, vm0, $0xb8;
	[tilespmem:$0x18280] =	vst v63  }
0x8a: {  	v3 =	vld [tilespmem:$0xA0];
	_ =	sdelay $0x4  }
0x8b: {  	v4 =	vshll.u32 v3, $0x1  }
0x8c: {  	v3 =	vand.u32 $0x7, v3;
	v4 =	vand.u32 $0xFFFFFFF0, v4  }
0x8d: {  	v3 =	vor.u32 v3, v4  }
0x8e: {  	v4 =	vperm.xlane v3, v0;
	_ =	sdelay $0x1  }
0x8f: {  	v3 =	vperm.xlane v3, v2;
	v4 =	vadd.s32 v1, v4;
	_ =	sdelay $0x1  }
0x90: {  	v3 =	vadd.s32 v1, v3;
	_ =	sdelay $0x2  }
0x91: {  	[tilespmem:s20], [sflag:$0x2] =	stream.indirect_vreg.gather [hbm4b:s1+s3], $0x80, v4, vm0, $0xb8;
	[tilespmem:$0x18280] =	vst v63  }
0x92: {  	_ = 	snop  }
0x93: {  	[tilespmem:s21], [sflag:$0x2] =	stream.indirect_vreg.gather [hbm4b:s1+s3], $0x80, v3, vm0, $0xb8;
	[tilespmem:$0x18280] =	vst v63  }
0x94: {  	v3 =	vld [tilespmem:$0xB0];
	_ =	sdelay $0x4  }
0x95: {  	v4 =	vshll.u32 v3, $0x1  }
0x96: {  	v3 =	vand.u32 $0x7, v3;
	v4 =	vand.u32 $0xFFFFFFF0, v4  }
0x97: {  	v3 =	vor.u32 v3, v4  }
0x98: {  	v4 =	vperm.xlane v3, v0;
	_ =	sdelay $0x1  }
0x99: {  	v3 =	vperm.xlane v3, v2;
	v4 =	vadd.s32 v1, v4;
	_ =	sdelay $0x1  }
0x9a: {  	v3 =	vadd.s32 v1, v3;
	_ =	sdelay $0x2  }
0x9b: {  	[tilespmem:s22], [sflag:$0x2] =	stream.indirect_vreg.gather [hbm4b:s1+s3], $0x80, v4, vm0, $0xb8;
	[tilespmem:$0x18280] =	vst v63  }
0x9c: {  	_ = 	snop  }
0x9d: {  	[tilespmem:s23], [sflag:$0x2] =	stream.indirect_vreg.gather [hbm4b:s1+s3], $0x80, v3, vm0, $0xb8;
	[tilespmem:$0x18280] =	vst v63  }
0x9e: {  	v3 =	vld [tilespmem:$0xC0];
	_ =	sdelay $0x4  }
0x9f: {  	v4 =	vshll.u32 v3, $0x1  }
0xa0: {  	v3 =	vand.u32 $0x7, v3;
	v4 =	vand.u32 $0xFFFFFFF0, v4  }
0xa1: {  	v3 =	vor.u32 v3, v4  }
0xa2: {  	v4 =	vperm.xlane v3, v0;
	_ =	sdelay $0x1  }
0xa3: {  	v3 =	vperm.xlane v3, v2;
	v4 =	vadd.s32 v1, v4;
	_ =	sdelay $0x1  }
0xa4: {  	v3 =	vadd.s32 v1, v3;
	_ =	sdelay $0x2  }
0xa5: {  	[tilespmem:s24], [sflag:$0x2] =	stream.indirect_vreg.gather [hbm4b:s1+s3], $0x80, v4, vm0, $0xb8;
	[tilespmem:$0x18280] =	vst v63  }
0xa6: {  	_ = 	snop  }
0xa7: {  	[tilespmem:s4], [sflag:$0x2] =	stream.indirect_vreg.gather [hbm4b:s1+s3], $0x80, v3, vm0, $0xb8;
	[tilespmem:$0x18280] =	vst v63  }
0xa8: {  	v3 =	vld [tilespmem:$0xD0];
	_ =	sdelay $0x4  }
0xa9: {  	v4 =	vshll.u32 v3, $0x1  }
0xaa: {  	v3 =	vand.u32 $0x7, v3;
	v4 =	vand.u32 $0xFFFFFFF0, v4  }
0xab: {  	v3 =	vor.u32 v3, v4  }
0xac: {  	v4 =	vperm.xlane v3, v0;
	_ =	sdelay $0x1  }
0xad: {  	v3 =	vperm.xlane v3, v2;
	v4 =	vadd.s32 v1, v4;
	_ =	sdelay $0x1  }
0xae: {  	v3 =	vadd.s32 v1, v3;
	_ =	sdelay $0x2  }
0xaf: {  	[tilespmem:s25], [sflag:$0x2] =	stream.indirect_vreg.gather [hbm4b:s1+s3], $0x80, v4, vm0, $0xb8;
	[tilespmem:$0x18280] =	vst v63  }
0xb0: {  	_ = 	snop  }
0xb1: {  	[tilespmem:s26], [sflag:$0x2] =	stream.indirect_vreg.gather [hbm4b:s1+s3], $0x80, v3, vm0, $0xb8;
	[tilespmem:$0x18280] =	vst v63  }
0xb2: {  	v3 =	vld [tilespmem:$0xE0];
	_ =	sdelay $0x4  }
0xb3: {  	v4 =	vshll.u32 v3, $0x1  }
0xb4: {  	v3 =	vand.u32 $0x7, v3;
	v4 =	vand.u32 $0xFFFFFFF0, v4  }
0xb5: {  	v3 =	vor.u32 v3, v4  }
0xb6: {  	v4 =	vperm.xlane v3, v0;
	_ =	sdelay $0x1  }
0xb7: {  	v3 =	vperm.xlane v3, v2;
	v4 =	vadd.s32 v1, v4;
	_ =	sdelay $0x1  }
0xb8: {  	v3 =	vadd.s32 v1, v3;
	_ =	sdelay $0x2  }
0xb9: {  	[tilespmem:s5], [sflag:$0x2] =	stream.indirect_vreg.gather [hbm4b:s1+s3], $0x80, v4, vm0, $0xb8;
	[tilespmem:$0x18280] =	vst v63  }
0xba: {  	_ = 	snop  }
0xbb: {  	[tilespmem:s28], [sflag:$0x2] =	stream.indirect_vreg.gather [hbm4b:s1+s3], $0x80, v3, vm0, $0xb8;
	[tilespmem:$0x18280] =	vst v63  }
0xbc: {  	v3 =	vld [tilespmem:$0xF0];
	_ =	sdelay $0x4  }
0xbd: {  	v4 =	vshll.u32 v3, $0x1  }
0xbe: {  	v3 =	vand.u32 $0x7, v3;
	v4 =	vand.u32 $0xFFFFFFF0, v4  }
0xbf: {  	v3 =	vor.u32 v3, v4  }
0xc0: {  	v4 =	vperm.xlane v3, v0;
	_ =	sdelay $0x1  }
0xc1: {  	v3 =	vperm.xlane v3, v2;
	v4 =	vadd.s32 v1, v4;
	_ =	sdelay $0x1  }
0xc2: {  	v3 =	vadd.s32 v1, v3;
	_ =	sdelay $0x2  }
0xc3: {  	[tilespmem:s6], [sflag:$0x2] =	stream.indirect_vreg.gather [hbm4b:s1+s3], $0x80, v4, vm0, $0xb8;
	[tilespmem:$0x18280] =	vst v63  }
0xc4: {  	_ = 	snop  }
0xc5: {  	[tilespmem:s29], [sflag:$0x2] =	stream.indirect_vreg.gather [hbm4b:s1+s3], $0x80, v3, vm0, $0xb8;
	[tilespmem:$0x18280] =	vst v63  }
0xc6: {  	s17 =	rddreg [dreg:$0x7]  }
0xc7: {  	[tilespmem:s30], [sflag:$0x3] =	stream.linear.gather [hbm4b:s17+s3], $0x8000, $0x38;
	[tilespmem:$0x18280] =	vst v63  }
0xc8: {  	_ =	swait.ge [sflag:s15], $0x8000  }
0xc9: {  	[sflag:s15] =	ssyncset.done $0x0  }
0xca: {  	[sflag:s15] =	ssyncadd.s32 $0xFFFF8000  }
0xcb: {  	_ =	swait.ge [sflag:s7], $0x8000  }
0xcc: {  	s18 =	sand.u32 $0x7800, s3;
	s9 =	sand.u32 $0x380, s3;
	[sflag:s7] =	ssyncset.done $0x0  }
0xcd: {  	s0 =	sor.u32 s9, s18;
	[sflag:s7] =	ssyncadd.s32 $0xFFFF8000  }
0xce: {  	v3 =	vld [tilespmem:s0+$0x200]  }
0xcf: {  	v4 =	vld [tilespmem:s0+$0x10200]  }
0xd0: {  	v5 =	vld [tilespmem:s0+$0x210]  }
0xd1: {  	v6 =	vld [tilespmem:s0+$0x10210]  }
0xd2: {  	v7 =	vld [tilespmem:s0+$0x220]  }
0xd3: {  	v8 =	vld [tilespmem:s0+$0x10220]  }
0xd4: {  	v9 =	vld [tilespmem:s0+$0x230];
	v3 =	vsub.f32 v3, v4  }
0xd5: {  	v10 =	vld [tilespmem:s0+$0x10230]  }
0xd6: {  	v11 =	vld [tilespmem:s0+$0x240];
	v5 =	vsub.f32 v5, v6;
	v4 =	vadd.f32 v3, v4  }
0xd7: {  	v12 =	vld [tilespmem:s0+$0x10240];
	v3 =	vmul.f32 v3, v3  }
0xd8: {  	v13 =	vimm.f32 $0.0e+00;
	[tilespmem:s0+$0x200] =	vst v4;
	v4 =	vadd.f32 v5, v6;
	v6 =	vld [tilespmem:s0+$0x250]  }
0xd9: {  	v7 =	vsub.f32 v7, v8;
	v5 =	vmul.f32 v5, v5;
	v3 =	vadd.f32 v3, v13;
	v13 =	vld [tilespmem:s0+$0x10250]  }
0xda: {  	[tilespmem:s0+$0x210] =	vst v4;
	v4 =	vsub.f32 v9, v10;
	v9 =	vld [tilespmem:s0+$0x260]  }
0xdb: {  	v8 =	vadd.f32 v7, v8;
	v3 =	vadd.f32 v5, v3;
	v5 =	vmul.f32 v7, v7;
	v7 =	vld [tilespmem:s0+$0x10260]  }
0xdc: {  	v14 =	vld [tilespmem:s0+$0x270];
	v11 =	vsub.f32 v11, v12  }
0xdd: {  	v10 =	vadd.f32 v4, v10;
	v4 =	vmul.f32 v4, v4;
	v3 =	vadd.f32 v5, v3;
	v5 =	vld [tilespmem:s0+$0x10270]  }
0xde: {  	[tilespmem:s0+$0x220] =	vst v8;
	v8 =	vadd.f32 v11, v12;
	v12 =	vld [tilespmem:s0+$0x10600];
	v6 =	vsub.f32 v6, v13  }
0xdf: {  	v11 =	vmul.f32 v11, v11;
	[tilespmem:s0+$0x230] =	vst v10;
	v10 =	vld [tilespmem:s0+$0x600];
	v3 =	vadd.f32 v4, v3  }
0xe0: {  	[tilespmem:s0+$0x240] =	vst v8;
	v4 =	vadd.f32 v6, v13;
	v8 =	vsub.f32 v9, v7;
	v9 =	vld [tilespmem:s0+$0x610]  }
0xe1: {  	v6 =	vmul.f32 v6, v6;
	v3 =	vadd.f32 v11, v3;
	v11 =	vld [tilespmem:s0+$0x10610]  }
0xe2: {  	v15 =	vld [tilespmem:s0+$0x630];
	[tilespmem:s0+$0x250] =	vst v4;
	v4 =	vadd.f32 v8, v7;
	v7 =	vsub.f32 v14, v5  }
0xe3: {  	v13 =	vld [tilespmem:s0+$0x620];
	v8 =	vmul.f32 v8, v8;
	v3 =	vadd.f32 v6, v3  }
0xe4: {  	v6 =	vld [tilespmem:s0+$0x10620];
	v5 =	vadd.f32 v7, v5;
	v14 =	vsub.f32 v10, v12  }
0xe5: {  	[tilespmem:s0+$0x260] =	vst v4;
	v7 =	vmul.f32 v7, v7;
	v4 =	vld [tilespmem:s0+$0x10630];
	v3 =	vadd.f32 v8, v3  }
0xe6: {  	v10 =	vld [tilespmem:s0+$0x640];
	[tilespmem:s0+$0x270] =	vst v5;
	v5 =	vadd.f32 v14, v12;
	v9 =	vsub.f32 v9, v11  }
0xe7: {  	v8 =	vld [tilespmem:s0+$0x10640];
	v12 =	vmul.f32 v14, v14;
	v3 =	vadd.f32 v7, v3  }
0xe8: {  	[tilespmem:s0+$0x600] =	vst v5;
	v5 =	vadd.f32 v9, v11;
	v11 =	vld [tilespmem:s0+$0x650]  }
0xe9: {  	v14 =	vsub.f32 v13, v6;
	v16 =	vmul.f32 v9, v9;
	v9 =	vld [tilespmem:s0+$0x10650];
	v12 =	vadd.f32 v12, v3  }
0xea: {  	v13 =	vld [tilespmem:s0+$0x660];
	v3 =	vsub.f32 v15, v4  }
0xeb: {  	s9 =	simm.s32 $0x80;
	s17 =	simm.s32 $0x100;
	[tilespmem:s0+$0x610] =	vst v5;
	v7 =	vadd.f32 v14, v6;
	v5 =	vmul.f32 v14, v14;
	v6 =	vadd.f32 v16, v12;
	v12 =	vld [tilespmem:s0+$0x10660]  }
.LBB2_2:
0xec: {  	s18 =	smov.u32 s17  }
0xed: {  	s10 =	sand.u32 $0x7800, s17;
	s11 =	sand.u32 $0x380, s9;
	v14 =	vmul.f32 v3, v3;
	v10 =	vsub.f32 v10, v8;
	v15 =	vld [tilespmem:s0+$0x670];
	s18 =	sadd.s32 $0x100, s17  }
0xee: {  	p0 =	sne.s32 s17, $0x7F00;
	s10 =	sor.u32 s11, s10;
	v5 =	vadd.f32 v5, v6;
	v6 =	vld [tilespmem:s0+$0x10670]  }
0xef: {  	v17 =	vmul.f32 v10, v10;
	v8 =	vadd.f32 v10, v8;
	v10 =	vsub.f32 v11, v9;
	v16 =	vld [tilespmem:s10+$0x200]  }
0xf0: {  	v5 =	vadd.f32 v14, v5;
	v11 =	vld [tilespmem:s10+$0x10200]  }
0xf1: {  	v9 =	vadd.f32 v10, v9;
	v14 =	vld [tilespmem:s10+$0x210];
	[tilespmem:s0+$0x640] =	vst v8;
	v8 =	vmul.f32 v10, v10;
	v10 =	vsub.f32 v13, v12  }
0xf2: {  	v5 =	vadd.f32 v17, v5;
	v13 =	vld [tilespmem:s10+$0x10210]  }
0xf3: {  	v17 =	vld [tilespmem:s10+$0x220];
	[tilespmem:s0+$0x650] =	vst v9;
	v9 =	vmul.f32 v10, v10;
	v10 =	vadd.f32 v10, v12;
	v12 =	vsub.f32 v15, v6  }
0xf4: {  	v5 =	vadd.f32 v8, v5;
	v15 =	vld [tilespmem:s10+$0x10220]  }
0xf5: {  	v8 =	vsub.f32 v16, v11;
	v16 =	vld [tilespmem:s10+$0x230];
	[tilespmem:s0+$0x660] =	vst v10;
	v10 =	vmul.f32 v12, v12;
	v6 =	vadd.f32 v12, v6  }
0xf6: {  	v5 =	vadd.f32 v9, v5;
	v12 =	vld [tilespmem:s10+$0x10230]  }
0xf7: {  	v9 =	vmul.f32 v8, v8;
	v8 =	vadd.f32 v8, v11;
	v11 =	vsub.f32 v14, v13;
	v14 =	vld [tilespmem:s10+$0x240];
	[tilespmem:s0+$0x670] =	vst v6  }
0xf8: {  	v5 =	vadd.f32 v10, v5;
	v6 =	vld [tilespmem:s10+$0x10240]  }
0xf9: {  	[tilespmem:s10+$0x200] =	vst v8;
	v8 =	vmul.f32 v11, v11;
	v10 =	vadd.f32 v11, v13;
	v11 =	vld [tilespmem:s10+$0x250]  }
0xfa: {  	v5 =	vadd.f32 v9, v5;
	v9 =	vsub.f32 v17, v15;
	v13 =	vld [tilespmem:s10+$0x10250]  }
0xfb: {  	[tilespmem:s10+$0x210] =	vst v10;
	v10 =	vsub.f32 v16, v12;
	v16 =	vld [tilespmem:s10+$0x260]  }
0xfc: {  	v5 =	vadd.f32 v8, v5;
	v8 =	vmul.f32 v9, v9;
	v9 =	vadd.f32 v9, v15;
	v15 =	vld [tilespmem:s10+$0x10260]  }
0xfd: {  	v17 =	vmul.f32 v10, v10;
	v10 =	vadd.f32 v10, v12;
	v12 =	vsub.f32 v14, v6;
	v14 =	vld [tilespmem:s10+$0x270]  }
0xfe: {  	v5 =	vadd.f32 v8, v5;
	[tilespmem:s10+$0x220] =	vst v9;
	v8 =	vld [tilespmem:s10+$0x10270]  }
0xff: {  	[tilespmem:s10+$0x230] =	vst v10;
	v9 =	vmul.f32 v12, v12;
	v6 =	vadd.f32 v12, v6;
	v10 =	vsub.f32 v11, v13;
	v11 =	vld [tilespmem:s10+$0x600]  }
0x100: {  	v5 =	vadd.f32 v17, v5;
	v12 =	vld [tilespmem:s10+$0x10600]  }
0x101: {  	[tilespmem:s10+$0x240] =	vst v6;
	v6 =	vmul.f32 v10, v10;
	v10 =	vadd.f32 v10, v13;
	v13 =	vsub.f32 v16, v15;
	v16 =	vld [tilespmem:s10+$0x610]  }
0x102: {  	v3 =	vadd.f32 v3, v4;
	v5 =	vadd.f32 v9, v5;
	v9 =	vld [tilespmem:s10+$0x10610];
	[tilespmem:s0+$0x620] =	vst v7  }
0x103: {  	[tilespmem:s10+$0x250] =	vst v10;
	v4 =	vmul.f32 v13, v13;
	v7 =	vadd.f32 v13, v15;
	v10 =	vsub.f32 v14, v8;
	v13 =	vld [tilespmem:s10+$0x620]  }
0x104: {  	v5 =	vadd.f32 v6, v5;
	v6 =	vld [tilespmem:s10+$0x10620];
	[tilespmem:s0+$0x630] =	vst v3;
	s0 =	smov.u32 s10  }
0x105: {  	[tilespmem:s0+$0x260] =	vst v7;
	v3 =	vmul.f32 v10, v10;
	v7 =	vadd.f32 v10, v8;
	v8 =	vsub.f32 v11, v12;
	v14 =	vld [tilespmem:s0+$0x630]  }
0x106: {  	v5 =	vadd.f32 v4, v5;
	v4 =	vld [tilespmem:s0+$0x10630]  }
0x107: {  	[tilespmem:s0+$0x270] =	vst v7;
	v7 =	vmul.f32 v8, v8;
	v11 =	vadd.f32 v8, v12;
	v12 =	vsub.f32 v16, v9;
	v10 =	vld [tilespmem:s0+$0x640]  }
.Ltmp0:
0x108: {  	v3 =	vadd.f32 v3, v5;
	v8 =	vld [tilespmem:s0+$0x10640];
	(pc) =	sbr.rel @p0 .LBB2_2-.Ltmp0, $4  }
0x109: {  	[tilespmem:s0+$0x600] =	vst v11;
	v15 =	vmul.f32 v12, v12;
	v5 =	vadd.f32 v12, v9;
	v12 =	vsub.f32 v13, v6;
	v11 =	vld [tilespmem:s0+$0x650]  }
0x10a: {  	v16 =	vadd.f32 v7, v3;
	v9 =	vld [tilespmem:s0+$0x10650]  }
0x10b: {  	[tilespmem:s0+$0x610] =	vst v5;
	v5 =	vmul.f32 v12, v12;
	v7 =	vadd.f32 v12, v6;
	v3 =	vsub.f32 v14, v4;
	v13 =	vld [tilespmem:s0+$0x660]  }
0x10c: {  	s9 =	sadd.s32 $0x80, s9;
	s17 =	smov.u32 s18;
	v6 =	vadd.f32 v15, v16;
	v12 =	vld [tilespmem:s0+$0x10660]  }
0x10d: {  	v14 =	vld [tilespmem:s0+$0x670]  }
0x10e: {  	v15 =	vld [tilespmem:s0+$0x10670];
	_ =	sdelay $0x1  }
0x10f: {  	v10 =	vsub.f32 v10, v8  }
0x110: {  	v4 =	vadd.f32 v3, v4;
	v11 =	vsub.f32 v11, v9  }
0x111: {  	[tilespmem:s0+$0x620] =	vst v7;
	v16 =	vadd.f32 v10, v8;
	v13 =	vsub.f32 v13, v12  }
0x112: {  	[tilespmem:s0+$0x630] =	vst v4;
	v9 =	vadd.f32 v11, v9;
	v8 =	vsub.f32 v14, v15  }
0x113: {  	[tilespmem:s0+$0x640] =	vst v16;
	v12 =	vadd.f32 v13, v12  }
0x114: {  	[tilespmem:s0+$0x650] =	vst v9;
	v9 =	vadd.f32 v8, v15  }
0x115: {  	[tilespmem:s0+$0x660] =	vst v12  }
0x116: {  	s9 =	rddreg [dreg:$0x8];
	[tilespmem:s0+$0x670] =	vst v9;
	s0 =	simm.s32 $0x0  }
0x117: {  	[hbm4b:s9+s0] =	stream.linear.scatter [tilespmem:s16], [sflag:$0x3], $0x8000, $0x38;
	[tilespmem:$0x18280] =	vst v63  }
0x118: {  	_ =	swait.ge [sflag:s15], $0x8000  }
0x119: {  	[sflag:s15] =	ssyncset.done $0x0  }
0x11a: {  	[sflag:s15] =	ssyncadd.s32 $0xFFFF8000  }
0x11b: {  	v4 =	vld [tilespmem:$0x100];
	_ =	sdelay $0x4  }
0x11c: {  	v7 =	vshll.u32 v4, $0x1  }
0x11d: {  	v4 =	vand.u32 $0x7, v4;
	v7 =	vand.u32 $0xFFFFFFF0, v7  }
0x11e: {  	v4 =	vor.u32 v4, v7  }
0x11f: {  	v7 =	vperm.xlane v4, v0;
	_ =	sdelay $0x1  }
0x120: {  	v4 =	vperm.xlane v4, v2;
	v7 =	vadd.s32 v1, v7;
	_ =	sdelay $0x1  }
0x121: {  	v4 =	vadd.s32 v1, v4;
	_ =	sdelay $0x2  }
0x122: {  	[tilespmem:s16], [sflag:$0x1] =	stream.indirect_vreg.gather [hbm4b:s1+s0], $0x80, v7, vm0, $0xb8;
	[tilespmem:$0x18280] =	vst v63  }
0x123: {  	s18 =	simm.s32 $0xA00  }
0x124: {  	[tilespmem:s18], [sflag:$0x1] =	stream.indirect_vreg.gather [hbm4b:s1+s0], $0x80, v4, vm0, $0xb8;
	[tilespmem:$0x18280] =	vst v63  }
0x125: {  	v4 =	vld [tilespmem:$0x110];
	_ =	sdelay $0x4  }
0x126: {  	v7 =	vshll.u32 v4, $0x1  }
0x127: {  	v4 =	vand.u32 $0x7, v4;
	v7 =	vand.u32 $0xFFFFFFF0, v7  }
0x128: {  	v4 =	vor.u32 v4, v7  }
0x129: {  	v7 =	vperm.xlane v4, v0;
	_ =	sdelay $0x1  }
0x12a: {  	v4 =	vperm.xlane v4, v2;
	v7 =	vadd.s32 v1, v7;
	_ =	sdelay $0x1  }
0x12b: {  	v4 =	vadd.s32 v1, v4;
	_ =	sdelay $0x1  }
0x12c: {  	s10 =	simm.s32 $0x1200  }
0x12d: {  	[tilespmem:s10], [sflag:$0x1] =	stream.indirect_vreg.gather [hbm4b:s1+s0], $0x80, v7, vm0, $0xb8;
	[tilespmem:$0x18280] =	vst v63  }
0x12e: {  	s11 =	simm.s32 $0x1A00  }
0x12f: {  	[tilespmem:s11], [sflag:$0x1] =	stream.indirect_vreg.gather [hbm4b:s1+s0], $0x80, v4, vm0, $0xb8;
	[tilespmem:$0x18280] =	vst v63  }
0x130: {  	v4 =	vld [tilespmem:$0x120];
	_ =	sdelay $0x4  }
0x131: {  	v7 =	vshll.u32 v4, $0x1  }
0x132: {  	v4 =	vand.u32 $0x7, v4;
	v7 =	vand.u32 $0xFFFFFFF0, v7  }
0x133: {  	v4 =	vor.u32 v4, v7  }
0x134: {  	v7 =	vperm.xlane v4, v0;
	_ =	sdelay $0x1  }
0x135: {  	v4 =	vperm.xlane v4, v2;
	v7 =	vadd.s32 v1, v7;
	_ =	sdelay $0x1  }
0x136: {  	v4 =	vadd.s32 v1, v4;
	_ =	sdelay $0x1  }
0x137: {  	s17 =	simm.s32 $0x2200  }
0x138: {  	[tilespmem:s17], [sflag:$0x1] =	stream.indirect_vreg.gather [hbm4b:s1+s0], $0x80, v7, vm0, $0xb8;
	[tilespmem:$0x18280] =	vst v63  }
0x139: {  	s18 =	simm.s32 $0x2A00  }
0x13a: {  	[tilespmem:s18], [sflag:$0x1] =	stream.indirect_vreg.gather [hbm4b:s1+s0], $0x80, v4, vm0, $0xb8;
	[tilespmem:$0x18280] =	vst v63  }
0x13b: {  	v4 =	vld [tilespmem:$0x130];
	_ =	sdelay $0x4  }
0x13c: {  	v7 =	vshll.u32 v4, $0x1  }
0x13d: {  	v4 =	vand.u32 $0x7, v4;
	v7 =	vand.u32 $0xFFFFFFF0, v7  }
0x13e: {  	v4 =	vor.u32 v4, v7  }
0x13f: {  	v7 =	vperm.xlane v4, v0;
	_ =	sdelay $0x1  }
0x140: {  	v4 =	vperm.xlane v4, v2;
	v7 =	vadd.s32 v1, v7;
	_ =	sdelay $0x1  }
0x141: {  	v4 =	vadd.s32 v1, v4;
	_ =	sdelay $0x1  }
0x142: {  	s10 =	simm.s32 $0x3200  }
0x143: {  	[tilespmem:s10], [sflag:$0x1] =	stream.indirect_vreg.gather [hbm4b:s1+s0], $0x80, v7, vm0, $0xb8;
	[tilespmem:$0x18280] =	vst v63  }
0x144: {  	s11 =	simm.s32 $0x3A00  }
0x145: {  	[tilespmem:s11], [sflag:$0x1] =	stream.indirect_vreg.gather [hbm4b:s1+s0], $0x80, v4, vm0, $0xb8;
	[tilespmem:$0x18280] =	vst v63  }
0x146: {  	v4 =	vld [tilespmem:$0x140];
	_ =	sdelay $0x4  }
0x147: {  	v7 =	vshll.u32 v4, $0x1  }
0x148: {  	v4 =	vand.u32 $0x7, v4;
	v7 =	vand.u32 $0xFFFFFFF0, v7  }
0x149: {  	v4 =	vor.u32 v4, v7  }
0x14a: {  	v7 =	vperm.xlane v4, v0;
	_ =	sdelay $0x1  }
0x14b: {  	v4 =	vperm.xlane v4, v2;
	v7 =	vadd.s32 v1, v7;
	_ =	sdelay $0x1  }
0x14c: {  	v4 =	vadd.s32 v1, v4;
	_ =	sdelay $0x1  }
0x14d: {  	s17 =	simm.s32 $0x4200  }
0x14e: {  	[tilespmem:s17], [sflag:$0x1] =	stream.indirect_vreg.gather [hbm4b:s1+s0], $0x80, v7, vm0, $0xb8;
	[tilespmem:$0x18280] =	vst v63  }
0x14f: {  	s18 =	simm.s32 $0x4A00  }
0x150: {  	[tilespmem:s18], [sflag:$0x1] =	stream.indirect_vreg.gather [hbm4b:s1+s0], $0x80, v4, vm0, $0xb8;
	[tilespmem:$0x18280] =	vst v63  }
0x151: {  	v4 =	vld [tilespmem:$0x150];
	_ =	sdelay $0x4  }
0x152: {  	v7 =	vshll.u32 v4, $0x1  }
0x153: {  	v4 =	vand.u32 $0x7, v4;
	v7 =	vand.u32 $0xFFFFFFF0, v7  }
0x154: {  	v4 =	vor.u32 v4, v7  }
0x155: {  	v7 =	vperm.xlane v4, v0;
	_ =	sdelay $0x1  }
0x156: {  	v4 =	vperm.xlane v4, v2;
	v7 =	vadd.s32 v1, v7;
	_ =	sdelay $0x1  }
0x157: {  	v4 =	vadd.s32 v1, v4;
	_ =	sdelay $0x1  }
0x158: {  	s10 =	simm.s32 $0x5200  }
0x159: {  	[tilespmem:s10], [sflag:$0x1] =	stream.indirect_vreg.gather [hbm4b:s1+s0], $0x80, v7, vm0, $0xb8;
	[tilespmem:$0x18280] =	vst v63  }
0x15a: {  	s11 =	simm.s32 $0x5A00  }
0x15b: {  	[tilespmem:s11], [sflag:$0x1] =	stream.indirect_vreg.gather [hbm4b:s1+s0], $0x80, v4, vm0, $0xb8;
	[tilespmem:$0x18280] =	vst v63  }
0x15c: {  	v4 =	vld [tilespmem:$0x160];
	_ =	sdelay $0x4  }
0x15d: {  	v7 =	vshll.u32 v4, $0x1  }
0x15e: {  	v4 =	vand.u32 $0x7, v4;
	v7 =	vand.u32 $0xFFFFFFF0, v7  }
0x15f: {  	v4 =	vor.u32 v4, v7  }
0x160: {  	v7 =	vperm.xlane v4, v0;
	_ =	sdelay $0x1  }
0x161: {  	v4 =	vperm.xlane v4, v2;
	v7 =	vadd.s32 v1, v7;
	_ =	sdelay $0x1  }
0x162: {  	v4 =	vadd.s32 v1, v4;
	_ =	sdelay $0x1  }
0x163: {  	s17 =	simm.s32 $0x6200  }
0x164: {  	[tilespmem:s17], [sflag:$0x1] =	stream.indirect_vreg.gather [hbm4b:s1+s0], $0x80, v7, vm0, $0xb8;
	[tilespmem:$0x18280] =	vst v63  }
0x165: {  	s18 =	simm.s32 $0x6A00  }
0x166: {  	[tilespmem:s18], [sflag:$0x1] =	stream.indirect_vreg.gather [hbm4b:s1+s0], $0x80, v4, vm0, $0xb8;
	[tilespmem:$0x18280] =	vst v63  }
0x167: {  	v4 =	vld [tilespmem:$0x170];
	_ =	sdelay $0x4  }
0x168: {  	v7 =	vshll.u32 v4, $0x1  }
0x169: {  	v4 =	vand.u32 $0x7, v4;
	v7 =	vand.u32 $0xFFFFFFF0, v7  }
0x16a: {  	v4 =	vor.u32 v4, v7  }
0x16b: {  	v7 =	vperm.xlane v4, v0;
	_ =	sdelay $0x1  }
0x16c: {  	v4 =	vperm.xlane v4, v2;
	v7 =	vadd.s32 v1, v7;
	_ =	sdelay $0x1  }
0x16d: {  	v4 =	vadd.s32 v1, v4;
	_ =	sdelay $0x1  }
0x16e: {  	s10 =	simm.s32 $0x7200  }
0x16f: {  	[tilespmem:s10], [sflag:$0x1] =	stream.indirect_vreg.gather [hbm4b:s1+s0], $0x80, v7, vm0, $0xb8;
	[tilespmem:$0x18280] =	vst v63  }
0x170: {  	s11 =	simm.s32 $0x7A00  }
0x171: {  	[tilespmem:s11], [sflag:$0x1] =	stream.indirect_vreg.gather [hbm4b:s1+s0], $0x80, v4, vm0, $0xb8;
	[tilespmem:$0x18280] =	vst v63  }
0x172: {  	s17 =	rddreg [dreg:$0x9]  }
0x173: {  	[tilespmem:s30], [sflag:$0x3] =	stream.linear.gather [hbm4b:s17+s0], $0x8000, $0x38;
	[tilespmem:$0x18280] =	vst v63  }
0x174: {  	_ =	swait.ge [sflag:s15], $0x8000  }
0x175: {  	[sflag:s15] =	ssyncset.done $0x0  }
0x176: {  	[sflag:s15] =	ssyncadd.s32 $0xFFFF8000  }
0x177: {  	_ =	swait.ge [sflag:s31], $0x8000  }
0x178: {  	s18 =	sand.u32 $0x7800, s0;
	s0 =	sand.u32 $0x380, s0;
	[sflag:s31] =	ssyncset.done $0x0  }
0x179: {  	v3 =	vmul.f32 v3, v3;
	v4 =	vadd.f32 v5, v6;
	s0 =	sor.u32 s0, s18;
	[sflag:s31] =	ssyncadd.s32 $0xFFFF8000  }
0x17a: {  	v5 =	vld [tilespmem:s0+$0x8200]  }
0x17b: {  	v6 =	vmul.f32 v10, v10;
	v3 =	vadd.f32 v3, v4;
	v4 =	vld [tilespmem:s0+$0x10200]  }
0x17c: {  	v7 =	vld [tilespmem:s0+$0x8210]  }
0x17d: {  	v9 =	vmul.f32 v11, v11;
	v3 =	vadd.f32 v6, v3;
	v6 =	vld [tilespmem:s0+$0x10210]  }
0x17e: {  	v10 =	vld [tilespmem:s0+$0x8220]  }
0x17f: {  	v11 =	vmul.f32 v13, v13;
	v3 =	vadd.f32 v9, v3;
	v9 =	vld [tilespmem:s0+$0x10220]  }
0x180: {  	v12 =	vld [tilespmem:s0+$0x8230];
	v5 =	vsub.f32 v5, v4  }
0x181: {  	v8 =	vmul.f32 v8, v8;
	v3 =	vadd.f32 v11, v3;
	v11 =	vld [tilespmem:s0+$0x10230]  }
0x182: {  	v13 =	vld [tilespmem:s0+$0x8240];
	v7 =	vsub.f32 v7, v6;
	v4 =	vadd.f32 v5, v4  }
0x183: {  	v3 =	vadd.f32 v8, v3;
	v8 =	vld [tilespmem:s0+$0x10240];
	v5 =	vmul.f32 v5, v5  }
0x184: {  	[tilespmem:s0+$0x8200] =	vst v4;
	v4 =	vadd.f32 v7, v6;
	v6 =	vld [tilespmem:s0+$0x8250]  }
0x185: {  	v10 =	vsub.f32 v10, v9;
	v7 =	vmul.f32 v7, v7;
	v3 =	vadd.f32 v5, v3;
	v5 =	vld [tilespmem:s0+$0x10250]  }
0x186: {  	[tilespmem:s0+$0x8210] =	vst v4;
	v4 =	vsub.f32 v12, v11;
	v12 =	vld [tilespmem:s0+$0x8260]  }
0x187: {  	v9 =	vadd.f32 v10, v9;
	v3 =	vadd.f32 v7, v3;
	v7 =	vmul.f32 v10, v10;
	v10 =	vld [tilespmem:s0+$0x10260]  }
0x188: {  	v14 =	vld [tilespmem:s0+$0x8270];
	v13 =	vsub.f32 v13, v8  }
0x189: {  	v11 =	vadd.f32 v4, v11;
	v4 =	vmul.f32 v4, v4;
	v3 =	vadd.f32 v7, v3;
	v7 =	vld [tilespmem:s0+$0x10270]  }
0x18a: {  	v8 =	vadd.f32 v13, v8;
	[tilespmem:s0+$0x8220] =	vst v9;
	v9 =	vld [tilespmem:s0+$0x8600];
	v6 =	vsub.f32 v6, v5  }
0x18b: {  	[tilespmem:s0+$0x8230] =	vst v11;
	v11 =	vmul.f32 v13, v13;
	v3 =	vadd.f32 v4, v3;
	v13 =	vld [tilespmem:s0+$0x10600]  }
0x18c: {  	[tilespmem:s0+$0x8240] =	vst v8;
	v8 =	vld [tilespmem:s0+$0x8610];
	v4 =	vadd.f32 v6, v5;
	v5 =	vsub.f32 v12, v10  }
0x18d: {  	v6 =	vmul.f32 v6, v6;
	v3 =	vadd.f32 v11, v3;
	v11 =	vld [tilespmem:s0+$0x10610]  }
0x18e: {  	v12 =	vld [tilespmem:s0+$0x8620];
	[tilespmem:s0+$0x8250] =	vst v4;
	v4 =	vadd.f32 v5, v10;
	v10 =	vsub.f32 v14, v7  }
0x18f: {  	v5 =	vmul.f32 v5, v5;
	v14 =	vld [tilespmem:s0+$0x8630];
	v3 =	vadd.f32 v6, v3  }
0x190: {  	v6 =	vld [tilespmem:s0+$0x10620];
	v7 =	vadd.f32 v10, v7;
	v9 =	vsub.f32 v9, v13  }
0x191: {  	[tilespmem:s0+$0x8260] =	vst v4;
	v15 =	vmul.f32 v10, v10;
	v4 =	vld [tilespmem:s0+$0x10630];
	v3 =	vadd.f32 v5, v3  }
0x192: {  	v10 =	vld [tilespmem:s0+$0x8640];
	[tilespmem:s0+$0x8270] =	vst v7;
	v5 =	vadd.f32 v9, v13;
	v7 =	vsub.f32 v8, v11  }
0x193: {  	v9 =	vmul.f32 v9, v9;
	v8 =	vld [tilespmem:s0+$0x10640];
	v3 =	vadd.f32 v15, v3  }
0x194: {  	v13 =	vld [tilespmem:s0+$0x8660];
	[tilespmem:s0+$0x8600] =	vst v5;
	v5 =	vadd.f32 v7, v11  }
0x195: {  	v12 =	vsub.f32 v12, v6;
	v11 =	vld [tilespmem:s0+$0x8650];
	v15 =	vmul.f32 v7, v7;
	v63 =	vadd.f32 v9, v3  }
0x196: {  	v9 =	vld [tilespmem:s0+$0x10650];
	v3 =	vsub.f32 v14, v4  }
0x197: {  	s9 =	simm.s32 $0x80;
	s18 =	simm.s32 $0x100;
	[tilespmem:s0+$0x8610] =	vst v5;
	v7 =	vadd.f32 v12, v6;
	v5 =	vmul.f32 v12, v12;
	v12 =	vld [tilespmem:s0+$0x10660];
	v6 =	vadd.f32 v15, v63  }
.LBB2_4:
0x198: {  	s17 =	smov.u32 s18  }
0x199: {  	s10 =	sand.u32 $0x7800, s18;
	s11 =	sand.u32 $0x380, s9;
	v14 =	vmul.f32 v3, v3;
	v10 =	vsub.f32 v10, v8;
	v15 =	vld [tilespmem:s0+$0x8670];
	s17 =	sadd.s32 $0x100, s18  }
0x19a: {  	p0 =	sne.s32 s18, $0x7F00;
	s10 =	sor.u32 s11, s10;
	v5 =	vadd.f32 v5, v6;
	v6 =	vld [tilespmem:s0+$0x10670]  }
0x19b: {  	v17 =	vmul.f32 v10, v10;
	v8 =	vadd.f32 v10, v8;
	v10 =	vsub.f32 v11, v9;
	v16 =	vld [tilespmem:s10+$0x8200]  }
0x19c: {  	v5 =	vadd.f32 v14, v5;
	v11 =	vld [tilespmem:s10+$0x10200]  }
0x19d: {  	v9 =	vadd.f32 v10, v9;
	v14 =	vld [tilespmem:s10+$0x8210];
	[tilespmem:s0+$0x8640] =	vst v8;
	v8 =	vmul.f32 v10, v10;
	v10 =	vsub.f32 v13, v12  }
0x19e: {  	v5 =	vadd.f32 v17, v5;
	v13 =	vld [tilespmem:s10+$0x10210]  }
0x19f: {  	v17 =	vld [tilespmem:s10+$0x8220];
	[tilespmem:s0+$0x8650] =	vst v9;
	v9 =	vmul.f32 v10, v10;
	v10 =	vadd.f32 v10, v12;
	v12 =	vsub.f32 v15, v6  }
0x1a0: {  	v5 =	vadd.f32 v8, v5;
	v15 =	vld [tilespmem:s10+$0x10220]  }
0x1a1: {  	v8 =	vsub.f32 v16, v11;
	v16 =	vld [tilespmem:s10+$0x8230];
	[tilespmem:s0+$0x8660] =	vst v10;
	v10 =	vmul.f32 v12, v12;
	v6 =	vadd.f32 v12, v6  }
0x1a2: {  	v5 =	vadd.f32 v9, v5;
	v12 =	vld [tilespmem:s10+$0x10230]  }
0x1a3: {  	v9 =	vmul.f32 v8, v8;
	v8 =	vadd.f32 v8, v11;
	v11 =	vsub.f32 v14, v13;
	v14 =	vld [tilespmem:s10+$0x8240];
	[tilespmem:s0+$0x8670] =	vst v6  }
0x1a4: {  	v5 =	vadd.f32 v10, v5;
	v6 =	vld [tilespmem:s10+$0x10240]  }
0x1a5: {  	[tilespmem:s10+$0x8200] =	vst v8;
	v8 =	vmul.f32 v11, v11;
	v10 =	vadd.f32 v11, v13;
	v11 =	vld [tilespmem:s10+$0x8250]  }
0x1a6: {  	v5 =	vadd.f32 v9, v5;
	v9 =	vsub.f32 v17, v15;
	v13 =	vld [tilespmem:s10+$0x10250]  }
0x1a7: {  	[tilespmem:s10+$0x8210] =	vst v10;
	v10 =	vsub.f32 v16, v12;
	v16 =	vld [tilespmem:s10+$0x8260]  }
0x1a8: {  	v5 =	vadd.f32 v8, v5;
	v8 =	vmul.f32 v9, v9;
	v9 =	vadd.f32 v9, v15;
	v15 =	vld [tilespmem:s10+$0x10260]  }
0x1a9: {  	v17 =	vmul.f32 v10, v10;
	v10 =	vadd.f32 v10, v12;
	v12 =	vsub.f32 v14, v6;
	v14 =	vld [tilespmem:s10+$0x8270]  }
0x1aa: {  	v5 =	vadd.f32 v8, v5;
	[tilespmem:s10+$0x8220] =	vst v9;
	v8 =	vld [tilespmem:s10+$0x10270]  }
0x1ab: {  	[tilespmem:s10+$0x8230] =	vst v10;
	v9 =	vmul.f32 v12, v12;
	v6 =	vadd.f32 v12, v6;
	v10 =	vsub.f32 v11, v13;
	v11 =	vld [tilespmem:s10+$0x8600]  }
0x1ac: {  	v5 =	vadd.f32 v17, v5;
	v12 =	vld [tilespmem:s10+$0x10600]  }
0x1ad: {  	[tilespmem:s10+$0x8240] =	vst v6;
	v6 =	vmul.f32 v10, v10;
	v10 =	vadd.f32 v10, v13;
	v13 =	vsub.f32 v16, v15;
	v16 =	vld [tilespmem:s10+$0x8610]  }
0x1ae: {  	v3 =	vadd.f32 v3, v4;
	v5 =	vadd.f32 v9, v5;
	v9 =	vld [tilespmem:s10+$0x10610];
	[tilespmem:s0+$0x8620] =	vst v7  }
0x1af: {  	[tilespmem:s10+$0x8250] =	vst v10;
	v4 =	vmul.f32 v13, v13;
	v7 =	vadd.f32 v13, v15;
	v10 =	vsub.f32 v14, v8;
	v13 =	vld [tilespmem:s10+$0x8620]  }
0x1b0: {  	v5 =	vadd.f32 v6, v5;
	v6 =	vld [tilespmem:s10+$0x10620];
	[tilespmem:s0+$0x8630] =	vst v3;
	s0 =	smov.u32 s10  }
0x1b1: {  	[tilespmem:s0+$0x8260] =	vst v7;
	v3 =	vmul.f32 v10, v10;
	v7 =	vadd.f32 v10, v8;
	v8 =	vsub.f32 v11, v12;
	v14 =	vld [tilespmem:s0+$0x8630]  }
0x1b2: {  	v5 =	vadd.f32 v4, v5;
	v4 =	vld [tilespmem:s0+$0x10630]  }
0x1b3: {  	[tilespmem:s0+$0x8270] =	vst v7;
	v7 =	vmul.f32 v8, v8;
	v11 =	vadd.f32 v8, v12;
	v12 =	vsub.f32 v16, v9;
	v10 =	vld [tilespmem:s0+$0x8640]  }
.Ltmp1:
0x1b4: {  	v3 =	vadd.f32 v3, v5;
	v8 =	vld [tilespmem:s0+$0x10640];
	(pc) =	sbr.rel @p0 .LBB2_4-.Ltmp1, $4  }
0x1b5: {  	[tilespmem:s0+$0x8600] =	vst v11;
	v15 =	vmul.f32 v12, v12;
	v5 =	vadd.f32 v12, v9;
	v12 =	vsub.f32 v13, v6;
	v11 =	vld [tilespmem:s0+$0x8650]  }
0x1b6: {  	v16 =	vadd.f32 v7, v3;
	v9 =	vld [tilespmem:s0+$0x10650]  }
0x1b7: {  	[tilespmem:s0+$0x8610] =	vst v5;
	v5 =	vmul.f32 v12, v12;
	v7 =	vadd.f32 v12, v6;
	v3 =	vsub.f32 v14, v4;
	v13 =	vld [tilespmem:s0+$0x8660]  }
0x1b8: {  	s9 =	sadd.s32 $0x80, s9;
	s18 =	smov.u32 s17;
	v6 =	vadd.f32 v15, v16;
	v12 =	vld [tilespmem:s0+$0x10660]  }
0x1b9: {  	v14 =	vld [tilespmem:s0+$0x8670]  }
0x1ba: {  	v15 =	vld [tilespmem:s0+$0x10670];
	_ =	sdelay $0x1  }
0x1bb: {  	v10 =	vsub.f32 v10, v8  }
0x1bc: {  	v4 =	vadd.f32 v3, v4;
	v11 =	vsub.f32 v11, v9  }
0x1bd: {  	[tilespmem:s0+$0x8620] =	vst v7;
	v16 =	vadd.f32 v10, v8;
	v13 =	vsub.f32 v13, v12  }
0x1be: {  	[tilespmem:s0+$0x8630] =	vst v4;
	v9 =	vadd.f32 v11, v9;
	v8 =	vsub.f32 v14, v15  }
0x1bf: {  	[tilespmem:s0+$0x8640] =	vst v16;
	v12 =	vadd.f32 v13, v12  }
0x1c0: {  	[tilespmem:s0+$0x8650] =	vst v9;
	v9 =	vadd.f32 v8, v15  }
0x1c1: {  	[tilespmem:s0+$0x8660] =	vst v12  }
0x1c2: {  	s9 =	rddreg [dreg:$0xa];
	[tilespmem:s0+$0x8670] =	vst v9;
	s0 =	simm.s32 $0x0  }
0x1c3: {  	[hbm4b:s9+s0] =	stream.linear.scatter [tilespmem:s2], [sflag:$0x3], $0x8000, $0x38;
	[tilespmem:$0x18280] =	vst v63  }
0x1c4: {  	_ =	swait.ge [sflag:s15], $0x8000  }
0x1c5: {  	[sflag:s15] =	ssyncset.done $0x0  }
0x1c6: {  	[sflag:s15] =	ssyncadd.s32 $0xFFFF8000  }
0x1c7: {  	v4 =	vld [tilespmem:$0x180];
	_ =	sdelay $0x4  }
0x1c8: {  	v7 =	vshll.u32 v4, $0x1  }
0x1c9: {  	v4 =	vand.u32 $0x7, v4;
	v7 =	vand.u32 $0xFFFFFFF0, v7  }
0x1ca: {  	v4 =	vor.u32 v4, v7  }
0x1cb: {  	v7 =	vperm.xlane v4, v0;
	_ =	sdelay $0x1  }
0x1cc: {  	v4 =	vperm.xlane v4, v2;
	v7 =	vadd.s32 v1, v7;
	_ =	sdelay $0x1  }
0x1cd: {  	v4 =	vadd.s32 v1, v4;
	_ =	sdelay $0x2  }
0x1ce: {  	[tilespmem:s2], [sflag:$0x2] =	stream.indirect_vreg.gather [hbm4b:s1+s0], $0x80, v7, vm0, $0xb8;
	[tilespmem:$0x18280] =	vst v63  }
0x1cf: {  	s10 =	simm.s32 $0x8A00  }
0x1d0: {  	[tilespmem:s10], [sflag:$0x2] =	stream.indirect_vreg.gather [hbm4b:s1+s0], $0x80, v4, vm0, $0xb8;
	[tilespmem:$0x18280] =	vst v63  }
0x1d1: {  	v4 =	vld [tilespmem:$0x190];
	_ =	sdelay $0x4  }
0x1d2: {  	v7 =	vshll.u32 v4, $0x1  }
0x1d3: {  	v4 =	vand.u32 $0x7, v4;
	v7 =	vand.u32 $0xFFFFFFF0, v7  }
0x1d4: {  	v4 =	vor.u32 v4, v7  }
0x1d5: {  	v7 =	vperm.xlane v4, v0;
	_ =	sdelay $0x1  }
0x1d6: {  	v4 =	vperm.xlane v4, v2;
	v7 =	vadd.s32 v1, v7;
	_ =	sdelay $0x1  }
0x1d7: {  	v4 =	vadd.s32 v1, v4;
	_ =	sdelay $0x1  }
0x1d8: {  	s11 =	simm.s32 $0x9200  }
0x1d9: {  	[tilespmem:s11], [sflag:$0x2] =	stream.indirect_vreg.gather [hbm4b:s1+s0], $0x80, v7, vm0, $0xb8;
	[tilespmem:$0x18280] =	vst v63  }
0x1da: {  	_ = 	snop  }
0x1db: {  	[tilespmem:s19], [sflag:$0x2] =	stream.indirect_vreg.gather [hbm4b:s1+s0], $0x80, v4, vm0, $0xb8;
	[tilespmem:$0x18280] =	vst v63  }
0x1dc: {  	v4 =	vld [tilespmem:$0x1A0];
	_ =	sdelay $0x4  }
0x1dd: {  	v7 =	vshll.u32 v4, $0x1  }
0x1de: {  	v4 =	vand.u32 $0x7, v4;
	v7 =	vand.u32 $0xFFFFFFF0, v7  }
0x1df: {  	v4 =	vor.u32 v4, v7  }
0x1e0: {  	v7 =	vperm.xlane v4, v0;
	_ =	sdelay $0x1  }
0x1e1: {  	v4 =	vperm.xlane v4, v2;
	v7 =	vadd.s32 v1, v7;
	_ =	sdelay $0x1  }
0x1e2: {  	v4 =	vadd.s32 v1, v4;
	_ =	sdelay $0x2  }
0x1e3: {  	[tilespmem:s20], [sflag:$0x2] =	stream.indirect_vreg.gather [hbm4b:s1+s0], $0x80, v7, vm0, $0xb8;
	[tilespmem:$0x18280] =	vst v63  }
0x1e4: {  	_ = 	snop  }
0x1e5: {  	[tilespmem:s21], [sflag:$0x2] =	stream.indirect_vreg.gather [hbm4b:s1+s0], $0x80, v4, vm0, $0xb8;
	[tilespmem:$0x18280] =	vst v63  }
0x1e6: {  	v4 =	vld [tilespmem:$0x1B0];
	_ =	sdelay $0x4  }
0x1e7: {  	v7 =	vshll.u32 v4, $0x1  }
0x1e8: {  	v4 =	vand.u32 $0x7, v4;
	v7 =	vand.u32 $0xFFFFFFF0, v7  }
0x1e9: {  	v4 =	vor.u32 v4, v7  }
0x1ea: {  	v7 =	vperm.xlane v4, v0;
	_ =	sdelay $0x1  }
0x1eb: {  	v4 =	vperm.xlane v4, v2;
	v7 =	vadd.s32 v1, v7;
	_ =	sdelay $0x1  }
0x1ec: {  	v4 =	vadd.s32 v1, v4;
	_ =	sdelay $0x2  }
0x1ed: {  	[tilespmem:s22], [sflag:$0x2] =	stream.indirect_vreg.gather [hbm4b:s1+s0], $0x80, v7, vm0, $0xb8;
	[tilespmem:$0x18280] =	vst v63  }
0x1ee: {  	_ = 	snop  }
0x1ef: {  	[tilespmem:s23], [sflag:$0x2] =	stream.indirect_vreg.gather [hbm4b:s1+s0], $0x80, v4, vm0, $0xb8;
	[tilespmem:$0x18280] =	vst v63  }
0x1f0: {  	v4 =	vld [tilespmem:$0x1C0];
	_ =	sdelay $0x4  }
0x1f1: {  	v7 =	vshll.u32 v4, $0x1  }
0x1f2: {  	v4 =	vand.u32 $0x7, v4;
	v7 =	vand.u32 $0xFFFFFFF0, v7  }
0x1f3: {  	v4 =	vor.u32 v4, v7  }
0x1f4: {  	v7 =	vperm.xlane v4, v0;
	_ =	sdelay $0x1  }
0x1f5: {  	v4 =	vperm.xlane v4, v2;
	v7 =	vadd.s32 v1, v7;
	_ =	sdelay $0x1  }
0x1f6: {  	v4 =	vadd.s32 v1, v4;
	_ =	sdelay $0x2  }
0x1f7: {  	[tilespmem:s24], [sflag:$0x2] =	stream.indirect_vreg.gather [hbm4b:s1+s0], $0x80, v7, vm0, $0xb8;
	[tilespmem:$0x18280] =	vst v63  }
0x1f8: {  	_ = 	snop  }
0x1f9: {  	[tilespmem:s4], [sflag:$0x2] =	stream.indirect_vreg.gather [hbm4b:s1+s0], $0x80, v4, vm0, $0xb8;
	[tilespmem:$0x18280] =	vst v63  }
0x1fa: {  	v4 =	vld [tilespmem:$0x1D0];
	_ =	sdelay $0x4  }
0x1fb: {  	v7 =	vshll.u32 v4, $0x1  }
0x1fc: {  	v4 =	vand.u32 $0x7, v4;
	v7 =	vand.u32 $0xFFFFFFF0, v7  }
0x1fd: {  	v4 =	vor.u32 v4, v7  }
0x1fe: {  	v7 =	vperm.xlane v4, v0;
	_ =	sdelay $0x1  }
0x1ff: {  	v4 =	vperm.xlane v4, v2;
	v7 =	vadd.s32 v1, v7;
	_ =	sdelay $0x1  }
0x200: {  	v4 =	vadd.s32 v1, v4;
	_ =	sdelay $0x2  }
0x201: {  	[tilespmem:s25], [sflag:$0x2] =	stream.indirect_vreg.gather [hbm4b:s1+s0], $0x80, v7, vm0, $0xb8;
	[tilespmem:$0x18280] =	vst v63  }
0x202: {  	_ = 	snop  }
0x203: {  	[tilespmem:s26], [sflag:$0x2] =	stream.indirect_vreg.gather [hbm4b:s1+s0], $0x80, v4, vm0, $0xb8;
	[tilespmem:$0x18280] =	vst v63  }
0x204: {  	v4 =	vld [tilespmem:$0x1E0];
	_ =	sdelay $0x4  }
0x205: {  	v7 =	vshll.u32 v4, $0x1  }
0x206: {  	v4 =	vand.u32 $0x7, v4;
	v7 =	vand.u32 $0xFFFFFFF0, v7  }
0x207: {  	v4 =	vor.u32 v4, v7  }
0x208: {  	v7 =	vperm.xlane v4, v0;
	_ =	sdelay $0x1  }
0x209: {  	v4 =	vperm.xlane v4, v2;
	v7 =	vadd.s32 v1, v7;
	_ =	sdelay $0x1  }
0x20a: {  	v4 =	vadd.s32 v1, v4;
	_ =	sdelay $0x2  }
0x20b: {  	[tilespmem:s5], [sflag:$0x2] =	stream.indirect_vreg.gather [hbm4b:s1+s0], $0x80, v7, vm0, $0xb8;
	[tilespmem:$0x18280] =	vst v63  }
0x20c: {  	_ = 	snop  }
0x20d: {  	[tilespmem:s28], [sflag:$0x2] =	stream.indirect_vreg.gather [hbm4b:s1+s0], $0x80, v4, vm0, $0xb8;
	[tilespmem:$0x18280] =	vst v63  }
0x20e: {  	v4 =	vld [tilespmem:$0x1F0];
	_ =	sdelay $0x4  }
0x20f: {  	v7 =	vshll.u32 v4, $0x1  }
0x210: {  	v4 =	vand.u32 $0x7, v4;
	v7 =	vand.u32 $0xFFFFFFF0, v7  }
0x211: {  	v4 =	vor.u32 v4, v7  }
0x212: {  	v7 =	vperm.xlane v4, v0;
	_ =	sdelay $0x1  }
0x213: {  	v4 =	vperm.xlane v4, v2;
	v7 =	vadd.s32 v1, v7;
	_ =	sdelay $0x1  }
0x214: {  	v4 =	vadd.s32 v1, v4;
	_ =	sdelay $0x2  }
0x215: {  	[tilespmem:s6], [sflag:$0x2] =	stream.indirect_vreg.gather [hbm4b:s1+s0], $0x80, v7, vm0, $0xb8;
	[tilespmem:$0x18280] =	vst v63  }
0x216: {  	_ = 	snop  }
0x217: {  	[tilespmem:s29], [sflag:$0x2] =	stream.indirect_vreg.gather [hbm4b:s1+s0], $0x80, v4, vm0, $0xb8;
	[tilespmem:$0x18280] =	vst v63  }
0x218: {  	s17 =	rddreg [dreg:$0xb]  }
0x219: {  	[tilespmem:s30], [sflag:$0x3] =	stream.linear.gather [hbm4b:s17+s0], $0x8000, $0x38;
	[tilespmem:$0x18280] =	vst v63  }
0x21a: {  	_ =	swait.ge [sflag:s15], $0x8000  }
0x21b: {  	[sflag:s15] =	ssyncset.done $0x0  }
0x21c: {  	[sflag:s15] =	ssyncadd.s32 $0xFFFF8000  }
0x21d: {  	_ =	swait.ge [sflag:s7], $0x8000  }
0x21e: {  	s18 =	sand.u32 $0x7800, s0;
	s0 =	sand.u32 $0x380, s0;
	[sflag:s7] =	ssyncset.done $0x0  }
0x21f: {  	v3 =	vmul.f32 v3, v3;
	v4 =	vadd.f32 v5, v6;
	s0 =	sor.u32 s0, s18;
	[sflag:s7] =	ssyncadd.s32 $0xFFFF8000  }
0x220: {  	v5 =	vld [tilespmem:s0+$0x200]  }
0x221: {  	v6 =	vmul.f32 v10, v10;
	v3 =	vadd.f32 v3, v4;
	v4 =	vld [tilespmem:s0+$0x10200]  }
0x222: {  	v7 =	vld [tilespmem:s0+$0x210]  }
0x223: {  	v9 =	vmul.f32 v11, v11;
	v3 =	vadd.f32 v6, v3;
	v6 =	vld [tilespmem:s0+$0x10210]  }
0x224: {  	v10 =	vld [tilespmem:s0+$0x220]  }
0x225: {  	v11 =	vmul.f32 v13, v13;
	v3 =	vadd.f32 v9, v3;
	v9 =	vld [tilespmem:s0+$0x10220]  }
0x226: {  	v12 =	vld [tilespmem:s0+$0x230];
	v5 =	vsub.f32 v5, v4  }
0x227: {  	v8 =	vmul.f32 v8, v8;
	v3 =	vadd.f32 v11, v3;
	v11 =	vld [tilespmem:s0+$0x10230]  }
0x228: {  	v13 =	vld [tilespmem:s0+$0x240];
	v7 =	vsub.f32 v7, v6;
	v4 =	vadd.f32 v5, v4  }
0x229: {  	v3 =	vadd.f32 v8, v3;
	v8 =	vld [tilespmem:s0+$0x10240];
	v5 =	vmul.f32 v5, v5  }
0x22a: {  	[tilespmem:s0+$0x200] =	vst v4;
	v4 =	vadd.f32 v7, v6;
	v6 =	vld [tilespmem:s0+$0x250]  }
0x22b: {  	v10 =	vsub.f32 v10, v9;
	v7 =	vmul.f32 v7, v7;
	v3 =	vadd.f32 v5, v3;
	v5 =	vld [tilespmem:s0+$0x10250]  }
0x22c: {  	[tilespmem:s0+$0x210] =	vst v4;
	v4 =	vsub.f32 v12, v11;
	v12 =	vld [tilespmem:s0+$0x260]  }
0x22d: {  	v9 =	vadd.f32 v10, v9;
	v3 =	vadd.f32 v7, v3;
	v7 =	vmul.f32 v10, v10;
	v10 =	vld [tilespmem:s0+$0x10260]  }
0x22e: {  	v14 =	vld [tilespmem:s0+$0x270];
	v13 =	vsub.f32 v13, v8  }
0x22f: {  	[tilespmem:s0+$0x220] =	vst v9;
	v9 =	vld [tilespmem:s0+$0x600];
	v11 =	vadd.f32 v4, v11;
	v4 =	vmul.f32 v4, v4;
	v3 =	vadd.f32 v7, v3  }
0x230: {  	v8 =	vadd.f32 v13, v8;
	v7 =	vld [tilespmem:s0+$0x10270];
	v6 =	vsub.f32 v6, v5  }
0x231: {  	[tilespmem:s0+$0x230] =	vst v11;
	v11 =	vmul.f32 v13, v13;
	v3 =	vadd.f32 v4, v3;
	v4 =	vld [tilespmem:s0+$0x10600]  }
0x232: {  	[tilespmem:s0+$0x240] =	vst v8;
	v13 =	vld [tilespmem:s0+$0x620];
	v5 =	vadd.f32 v6, v5;
	v8 =	vsub.f32 v12, v10  }
0x233: {  	v12 =	vld [tilespmem:s0+$0x610];
	v6 =	vmul.f32 v6, v6;
	v3 =	vadd.f32 v11, v3  }
0x234: {  	v11 =	vld [tilespmem:s0+$0x10610];
	[tilespmem:s0+$0x250] =	vst v5;
	v5 =	vadd.f32 v8, v10  }
0x235: {  	v10 =	vsub.f32 v14, v7;
	v8 =	vmul.f32 v8, v8;
	v14 =	vld [tilespmem:s0+$0x10620];
	v3 =	vadd.f32 v6, v3  }
0x236: {  	v15 =	vld [tilespmem:s0+$0x630];
	v6 =	vsub.f32 v9, v4  }
0x237: {  	[tilespmem:s0+$0x260] =	vst v5;
	v5 =	vadd.f32 v10, v7;
	v7 =	vmul.f32 v10, v10;
	v9 =	vld [tilespmem:s0+$0x640];
	v8 =	vadd.f32 v8, v3  }
0x238: {  	v3 =	vld [tilespmem:s0+$0x10630];
	v4 =	vadd.f32 v6, v4  }
0x239: {  	[tilespmem:s0+$0x270] =	vst v5;
	v5 =	vsub.f32 v12, v11;
	v10 =	vmul.f32 v6, v6;
	v6 =	vld [tilespmem:s0+$0x10640];
	v7 =	vadd.f32 v7, v8  }
0x23a: {  	v12 =	vsub.f32 v13, v14;
	v8 =	vld [tilespmem:s0+$0x10650]  }
0x23b: {  	v13 =	vld [tilespmem:s0+$0x660];
	[tilespmem:s0+$0x600] =	vst v4;
	v4 =	vadd.f32 v5, v11;
	v63 =	vmul.f32 v5, v5;
	v10 =	vadd.f32 v10, v7  }
0x23c: {  	v11 =	vld [tilespmem:s0+$0x650];
	v5 =	vadd.f32 v12, v14  }
0x23d: {  	s9 =	simm.s32 $0x80;
	s18 =	simm.s32 $0x100;
	v7 =	vmul.f32 v12, v12;
	v12 =	vld [tilespmem:s0+$0x10660];
	[tilespmem:s0+$0x610] =	vst v4;
	v4 =	vsub.f32 v15, v3;
	v10 =	vadd.f32 v63, v10  }
.LBB2_6:
0x23e: {  	s17 =	smov.u32 s18  }
0x23f: {  	s10 =	sand.u32 $0x7800, s18;
	s11 =	sand.u32 $0x380, s9;
	v14 =	vmul.f32 v4, v4;
	v9 =	vsub.f32 v9, v6;
	v15 =	vld [tilespmem:s0+$0x670];
	s17 =	sadd.s32 $0x100, s18  }
0x240: {  	p0 =	sne.s32 s18, $0x7F00;
	s10 =	sor.u32 s11, s10;
	v7 =	vadd.f32 v7, v10;
	v10 =	vld [tilespmem:s0+$0x10670]  }
0x241: {  	v17 =	vmul.f32 v9, v9;
	v6 =	vadd.f32 v9, v6;
	v9 =	vsub.f32 v11, v8;
	v16 =	vld [tilespmem:s10+$0x200]  }
0x242: {  	v7 =	vadd.f32 v14, v7;
	v11 =	vld [tilespmem:s10+$0x10200]  }
0x243: {  	v8 =	vadd.f32 v9, v8;
	v14 =	vld [tilespmem:s10+$0x210];
	[tilespmem:s0+$0x640] =	vst v6;
	v6 =	vmul.f32 v9, v9;
	v9 =	vsub.f32 v13, v12  }
0x244: {  	v7 =	vadd.f32 v17, v7;
	v13 =	vld [tilespmem:s10+$0x10210]  }
0x245: {  	v17 =	vld [tilespmem:s10+$0x220];
	[tilespmem:s0+$0x650] =	vst v8;
	v8 =	vmul.f32 v9, v9;
	v9 =	vadd.f32 v9, v12;
	v12 =	vsub.f32 v15, v10  }
0x246: {  	v6 =	vadd.f32 v6, v7;
	v15 =	vld [tilespmem:s10+$0x10220]  }
0x247: {  	v7 =	vsub.f32 v16, v11;
	v16 =	vld [tilespmem:s10+$0x230];
	[tilespmem:s0+$0x660] =	vst v9;
	v9 =	vmul.f32 v12, v12;
	v10 =	vadd.f32 v12, v10  }
0x248: {  	v6 =	vadd.f32 v8, v6;
	v12 =	vld [tilespmem:s10+$0x10230]  }
0x249: {  	v8 =	vmul.f32 v7, v7;
	v7 =	vadd.f32 v7, v11;
	v11 =	vsub.f32 v14, v13;
	v14 =	vld [tilespmem:s10+$0x240];
	[tilespmem:s0+$0x670] =	vst v10  }
0x24a: {  	v6 =	vadd.f32 v9, v6;
	v10 =	vld [tilespmem:s10+$0x10240]  }
0x24b: {  	[tilespmem:s10+$0x200] =	vst v7;
	v7 =	vmul.f32 v11, v11;
	v9 =	vadd.f32 v11, v13;
	v11 =	vld [tilespmem:s10+$0x250]  }
0x24c: {  	v6 =	vadd.f32 v8, v6;
	v8 =	vsub.f32 v17, v15;
	v13 =	vld [tilespmem:s10+$0x10250]  }
0x24d: {  	[tilespmem:s10+$0x210] =	vst v9;
	v9 =	vsub.f32 v16, v12;
	v16 =	vld [tilespmem:s10+$0x260]  }
0x24e: {  	v6 =	vadd.f32 v7, v6;
	v7 =	vmul.f32 v8, v8;
	v8 =	vadd.f32 v8, v15;
	v15 =	vld [tilespmem:s10+$0x10260]  }
0x24f: {  	v17 =	vmul.f32 v9, v9;
	v9 =	vadd.f32 v9, v12;
	v12 =	vsub.f32 v14, v10;
	v14 =	vld [tilespmem:s10+$0x270]  }
0x250: {  	v6 =	vadd.f32 v7, v6;
	[tilespmem:s10+$0x220] =	vst v8;
	v7 =	vld [tilespmem:s10+$0x10270]  }
0x251: {  	[tilespmem:s10+$0x230] =	vst v9;
	v8 =	vmul.f32 v12, v12;
	v9 =	vadd.f32 v12, v10;
	v10 =	vsub.f32 v11, v13;
	v11 =	vld [tilespmem:s10+$0x600]  }
0x252: {  	v6 =	vadd.f32 v17, v6;
	v12 =	vld [tilespmem:s10+$0x10600]  }
0x253: {  	[tilespmem:s10+$0x240] =	vst v9;
	v9 =	vmul.f32 v10, v10;
	v10 =	vadd.f32 v10, v13;
	v13 =	vsub.f32 v16, v15;
	v16 =	vld [tilespmem:s10+$0x610]  }
0x254: {  	v3 =	vadd.f32 v4, v3;
	v6 =	vadd.f32 v8, v6;
	v8 =	vld [tilespmem:s10+$0x10610];
	[tilespmem:s0+$0x620] =	vst v5  }
0x255: {  	[tilespmem:s10+$0x250] =	vst v10;
	v4 =	vmul.f32 v13, v13;
	v5 =	vadd.f32 v13, v15;
	v10 =	vsub.f32 v14, v7;
	v13 =	vld [tilespmem:s10+$0x620]  }
0x256: {  	v6 =	vadd.f32 v9, v6;
	v14 =	vld [tilespmem:s10+$0x10620];
	[tilespmem:s0+$0x630] =	vst v3;
	s0 =	smov.u32 s10  }
0x257: {  	[tilespmem:s0+$0x260] =	vst v5;
	v5 =	vmul.f32 v10, v10;
	v7 =	vadd.f32 v10, v7;
	v9 =	vsub.f32 v11, v12;
	v10 =	vld [tilespmem:s0+$0x630]  }
0x258: {  	v4 =	vadd.f32 v4, v6;
	v3 =	vld [tilespmem:s0+$0x10630]  }
0x259: {  	[tilespmem:s0+$0x270] =	vst v7;
	v7 =	vmul.f32 v9, v9;
	v11 =	vadd.f32 v9, v12;
	v12 =	vsub.f32 v16, v8;
	v9 =	vld [tilespmem:s0+$0x640]  }
.Ltmp2:
0x25a: {  	v4 =	vadd.f32 v5, v4;
	v6 =	vld [tilespmem:s0+$0x10640];
	(pc) =	sbr.rel @p0 .LBB2_6-.Ltmp2, $4  }
0x25b: {  	[tilespmem:s0+$0x600] =	vst v11;
	v15 =	vmul.f32 v12, v12;
	v5 =	vadd.f32 v12, v8;
	v12 =	vsub.f32 v13, v14;
	v11 =	vld [tilespmem:s0+$0x650]  }
0x25c: {  	v16 =	vadd.f32 v7, v4;
	v8 =	vld [tilespmem:s0+$0x10650]  }
0x25d: {  	[tilespmem:s0+$0x610] =	vst v5;
	v7 =	vmul.f32 v12, v12;
	v5 =	vadd.f32 v12, v14;
	v4 =	vsub.f32 v10, v3;
	v13 =	vld [tilespmem:s0+$0x660]  }
0x25e: {  	s9 =	sadd.s32 $0x80, s9;
	s18 =	smov.u32 s17;
	v10 =	vadd.f32 v15, v16;
	v12 =	vld [tilespmem:s0+$0x10660]  }
0x25f: {  	v14 =	vld [tilespmem:s0+$0x670]  }
0x260: {  	v15 =	vld [tilespmem:s0+$0x10670];
	_ =	sdelay $0x1  }
0x261: {  	v9 =	vsub.f32 v9, v6  }
0x262: {  	v3 =	vadd.f32 v4, v3;
	v11 =	vsub.f32 v11, v8  }
0x263: {  	[tilespmem:s0+$0x620] =	vst v5;
	v6 =	vadd.f32 v9, v6;
	v13 =	vsub.f32 v13, v12  }
0x264: {  	[tilespmem:s0+$0x630] =	vst v3;
	v8 =	vadd.f32 v11, v8;
	v14 =	vsub.f32 v14, v15  }
0x265: {  	[tilespmem:s0+$0x640] =	vst v6;
	v6 =	vadd.f32 v13, v12  }
0x266: {  	[tilespmem:s0+$0x650] =	vst v8;
	v8 =	vadd.f32 v14, v15  }
0x267: {  	[tilespmem:s0+$0x660] =	vst v6  }
0x268: {  	s11 =	simm.s32 $0x0;
	s9 =	rddreg [dreg:$0xc];
	[tilespmem:s0+$0x670] =	vst v8  }
0x269: {  	[hbm4b:s9+s11] =	stream.linear.scatter [tilespmem:s16], [sflag:$0x3], $0x8000, $0x38;
	[tilespmem:$0x18280] =	vst v63  }
0x26a: {  	_ =	swait.ge [sflag:s15], $0x8000  }
0x26b: {  	[sflag:s15] =	ssyncset.done $0x0  }
0x26c: {  	s17 =	rddreg [dreg:$0xd];
	[sflag:s15] =	ssyncadd.s32 $0xFFFF8000  }
0x26d: {  	[tilespmem:s30], [sflag:$0x3] =	stream.linear.gather [hbm4b:s17+s11], $0x8000, $0x38;
	[tilespmem:$0x18280] =	vst v63  }
0x26e: {  	_ =	swait.ge [sflag:s15], $0x8000  }
0x26f: {  	[sflag:s15] =	ssyncset.done $0x0  }
0x270: {  	[sflag:s15] =	ssyncadd.s32 $0xFFFF8000  }
0x271: {  	_ =	swait.ge [sflag:s31], $0x8000  }
0x272: {  	s18 =	sand.u32 $0x7800, s11;
	s0 =	sand.u32 $0x380, s11;
	[sflag:s31] =	ssyncset.done $0x0  }
0x273: {  	v3 =	vmul.f32 v4, v4;
	v4 =	vadd.f32 v7, v10;
	s0 =	sor.u32 s0, s18;
	[sflag:s31] =	ssyncadd.s32 $0xFFFF8000  }
0x274: {  	v5 =	vld [tilespmem:s0+$0x8200]  }
0x275: {  	v3 =	vadd.f32 v3, v4;
	v6 =	vmul.f32 v9, v9;
	v4 =	vld [tilespmem:s0+$0x10200]  }
0x276: {  	v7 =	vld [tilespmem:s0+$0x8210]  }
0x277: {  	v8 =	vmul.f32 v11, v11;
	v3 =	vadd.f32 v6, v3;
	v6 =	vld [tilespmem:s0+$0x10210]  }
0x278: {  	v9 =	vld [tilespmem:s0+$0x8220]  }
0x279: {  	v10 =	vmul.f32 v13, v13;
	v3 =	vadd.f32 v8, v3;
	v8 =	vld [tilespmem:s0+$0x10220]  }
0x27a: {  	v11 =	vld [tilespmem:s0+$0x8230];
	v5 =	vsub.f32 v5, v4  }
0x27b: {  	v12 =	vmul.f32 v14, v14;
	v3 =	vadd.f32 v10, v3;
	v10 =	vld [tilespmem:s0+$0x10230]  }
0x27c: {  	v13 =	vld [tilespmem:s0+$0x8240];
	v7 =	vsub.f32 v7, v6;
	v4 =	vadd.f32 v5, v4  }
0x27d: {  	v3 =	vadd.f32 v12, v3;
	v12 =	vld [tilespmem:s0+$0x10240];
	v5 =	vmul.f32 v5, v5  }
0x27e: {  	[tilespmem:s0+$0x8200] =	vst v4;
	v4 =	vadd.f32 v7, v6;
	v6 =	vld [tilespmem:s0+$0x8250]  }
0x27f: {  	v9 =	vsub.f32 v9, v8;
	v7 =	vmul.f32 v7, v7;
	v3 =	vadd.f32 v5, v3;
	v5 =	vld [tilespmem:s0+$0x10250]  }
0x280: {  	[tilespmem:s0+$0x8210] =	vst v4;
	v4 =	vsub.f32 v11, v10;
	v11 =	vld [tilespmem:s0+$0x8260]  }
0x281: {  	v8 =	vadd.f32 v9, v8;
	v3 =	vadd.f32 v7, v3;
	v7 =	vmul.f32 v9, v9;
	v9 =	vld [tilespmem:s0+$0x10260]  }
0x282: {  	v14 =	vld [tilespmem:s0+$0x8270];
	v13 =	vsub.f32 v13, v12;
	v10 =	vadd.f32 v4, v10  }
0x283: {  	[tilespmem:s0+$0x8220] =	vst v8;
	v4 =	vmul.f32 v4, v4;
	v3 =	vadd.f32 v7, v3;
	v7 =	vld [tilespmem:s0+$0x10270]  }
0x284: {  	v8 =	vadd.f32 v13, v12;
	v6 =	vsub.f32 v6, v5;
	[tilespmem:s0+$0x8230] =	vst v10;
	v10 =	vld [tilespmem:s0+$0x8600]  }
0x285: {  	v12 =	vmul.f32 v13, v13;
	v3 =	vadd.f32 v4, v3;
	v4 =	vld [tilespmem:s0+$0x10600]  }
0x286: {  	[tilespmem:s0+$0x8240] =	vst v8;
	v5 =	vadd.f32 v6, v5;
	v8 =	vsub.f32 v11, v9;
	v11 =	vld [tilespmem:s0+$0x8610]  }
0x287: {  	v6 =	vmul.f32 v6, v6;
	v3 =	vadd.f32 v12, v3;
	v12 =	vld [tilespmem:s0+$0x10610]  }
0x288: {  	v13 =	vld [tilespmem:s0+$0x8620];
	[tilespmem:s0+$0x8250] =	vst v5;
	v5 =	vadd.f32 v8, v9;
	v9 =	vsub.f32 v14, v7  }
0x289: {  	v8 =	vmul.f32 v8, v8;
	v14 =	vld [tilespmem:s0+$0x10620];
	v3 =	vadd.f32 v6, v3  }
0x28a: {  	v15 =	vld [tilespmem:s0+$0x8630];
	[tilespmem:s0+$0x8260] =	vst v5;
	v5 =	vadd.f32 v9, v7;
	v6 =	vsub.f32 v10, v4  }
0x28b: {  	v7 =	vmul.f32 v9, v9;
	v9 =	vld [tilespmem:s0+$0x8640];
	v8 =	vadd.f32 v8, v3  }
0x28c: {  	v3 =	vld [tilespmem:s0+$0x10630];
	[tilespmem:s0+$0x8270] =	vst v5;
	v4 =	vadd.f32 v6, v4;
	v5 =	vsub.f32 v11, v12  }
0x28d: {  	v10 =	vld [tilespmem:s0+$0x8650];
	v11 =	vmul.f32 v6, v6;
	v7 =	vadd.f32 v7, v8  }
0x28e: {  	v6 =	vld [tilespmem:s0+$0x10640];
	v8 =	vsub.f32 v13, v14;
	[tilespmem:s0+$0x8600] =	vst v4;
	v4 =	vadd.f32 v5, v12  }
0x28f: {  	v13 =	vmul.f32 v5, v5;
	v16 =	vadd.f32 v11, v7;
	v7 =	vld [tilespmem:s0+$0x10650]  }
0x290: {  	v11 =	vld [tilespmem:s0+$0x8660];
	[tilespmem:s0+$0x8610] =	vst v4;
	v4 =	vadd.f32 v8, v14  }
0x291: {  	s18 =	simm.s32 $0x100;
	s9 =	simm.s32 $0x80;
	v12 =	vmul.f32 v8, v8;
	v5 =	vsub.f32 v15, v3;
	v8 =	vld [tilespmem:s0+$0x10660];
	v13 =	vadd.f32 v13, v16  }
.LBB2_8:
0x292: {  	s17 =	smov.u32 s18  }
0x293: {  	s10 =	sand.u32 $0x7800, s18;
	s11 =	sand.u32 $0x380, s9;
	v14 =	vmul.f32 v5, v5;
	v9 =	vsub.f32 v9, v6;
	v15 =	vld [tilespmem:s0+$0x8670];
	s17 =	sadd.s32 $0x100, s18  }
0x294: {  	p0 =	sne.s32 s18, $0x7F00;
	s10 =	sor.u32 s11, s10;
	v12 =	vadd.f32 v12, v13;
	v13 =	vld [tilespmem:s0+$0x10670]  }
0x295: {  	v17 =	vmul.f32 v9, v9;
	v6 =	vadd.f32 v9, v6;
	v9 =	vsub.f32 v10, v7;
	v16 =	vld [tilespmem:s10+$0x8200]  }
0x296: {  	v12 =	vadd.f32 v14, v12;
	v10 =	vld [tilespmem:s10+$0x10200]  }
0x297: {  	v7 =	vadd.f32 v9, v7;
	v14 =	vld [tilespmem:s10+$0x8210];
	[tilespmem:s0+$0x8640] =	vst v6;
	v6 =	vmul.f32 v9, v9;
	v9 =	vsub.f32 v11, v8  }
0x298: {  	v12 =	vadd.f32 v17, v12;
	v11 =	vld [tilespmem:s10+$0x10210]  }
0x299: {  	v17 =	vld [tilespmem:s10+$0x8220];
	[tilespmem:s0+$0x8650] =	vst v7;
	v7 =	vmul.f32 v9, v9;
	v8 =	vadd.f32 v9, v8;
	v9 =	vsub.f32 v15, v13  }
0x29a: {  	v6 =	vadd.f32 v6, v12;
	v15 =	vld [tilespmem:s10+$0x10220]  }
0x29b: {  	v12 =	vsub.f32 v16, v10;
	v16 =	vld [tilespmem:s10+$0x8230];
	[tilespmem:s0+$0x8660] =	vst v8;
	v8 =	vmul.f32 v9, v9;
	v9 =	vadd.f32 v9, v13  }
0x29c: {  	v6 =	vadd.f32 v7, v6;
	v13 =	vld [tilespmem:s10+$0x10230]  }
0x29d: {  	v7 =	vmul.f32 v12, v12;
	v10 =	vadd.f32 v12, v10;
	v12 =	vsub.f32 v14, v11;
	v14 =	vld [tilespmem:s10+$0x8240];
	[tilespmem:s0+$0x8670] =	vst v9  }
0x29e: {  	v6 =	vadd.f32 v8, v6;
	v9 =	vld [tilespmem:s10+$0x10240]  }
0x29f: {  	[tilespmem:s10+$0x8200] =	vst v10;
	v8 =	vmul.f32 v12, v12;
	v10 =	vadd.f32 v12, v11;
	v11 =	vld [tilespmem:s10+$0x8250]  }
0x2a0: {  	v6 =	vadd.f32 v7, v6;
	v7 =	vsub.f32 v17, v15;
	v12 =	vld [tilespmem:s10+$0x10250]  }
0x2a1: {  	[tilespmem:s10+$0x8210] =	vst v10;
	v10 =	vsub.f32 v16, v13;
	v16 =	vld [tilespmem:s10+$0x8260]  }
0x2a2: {  	v6 =	vadd.f32 v8, v6;
	v8 =	vmul.f32 v7, v7;
	v7 =	vadd.f32 v7, v15;
	v15 =	vld [tilespmem:s10+$0x10260]  }
0x2a3: {  	v17 =	vmul.f32 v10, v10;
	v10 =	vadd.f32 v10, v13;
	v13 =	vsub.f32 v14, v9;
	v14 =	vld [tilespmem:s10+$0x8270]  }
0x2a4: {  	v6 =	vadd.f32 v8, v6;
	[tilespmem:s10+$0x8220] =	vst v7;
	v7 =	vld [tilespmem:s10+$0x10270]  }
0x2a5: {  	[tilespmem:s10+$0x8230] =	vst v10;
	v8 =	vmul.f32 v13, v13;
	v9 =	vadd.f32 v13, v9;
	v10 =	vsub.f32 v11, v12;
	v11 =	vld [tilespmem:s10+$0x8600]  }
0x2a6: {  	v6 =	vadd.f32 v17, v6;
	v13 =	vld [tilespmem:s10+$0x10600]  }
0x2a7: {  	[tilespmem:s10+$0x8240] =	vst v9;
	v9 =	vmul.f32 v10, v10;
	v10 =	vadd.f32 v10, v12;
	v12 =	vsub.f32 v16, v15;
	v16 =	vld [tilespmem:s10+$0x8610]  }
0x2a8: {  	v3 =	vadd.f32 v5, v3;
	v6 =	vadd.f32 v8, v6;
	v8 =	vld [tilespmem:s10+$0x10610];
	[tilespmem:s0+$0x8620] =	vst v4  }
0x2a9: {  	[tilespmem:s10+$0x8250] =	vst v10;
	v4 =	vmul.f32 v12, v12;
	v5 =	vadd.f32 v12, v15;
	v10 =	vsub.f32 v14, v7;
	v12 =	vld [tilespmem:s10+$0x8620]  }
0x2aa: {  	v6 =	vadd.f32 v9, v6;
	v14 =	vld [tilespmem:s10+$0x10620];
	[tilespmem:s0+$0x8630] =	vst v3;
	s0 =	smov.u32 s10  }
0x2ab: {  	[tilespmem:s0+$0x8260] =	vst v5;
	v5 =	vmul.f32 v10, v10;
	v7 =	vadd.f32 v10, v7;
	v9 =	vsub.f32 v11, v13;
	v11 =	vld [tilespmem:s0+$0x8630]  }
0x2ac: {  	v4 =	vadd.f32 v4, v6;
	v3 =	vld [tilespmem:s0+$0x10630]  }
0x2ad: {  	[tilespmem:s0+$0x8270] =	vst v7;
	v7 =	vmul.f32 v9, v9;
	v10 =	vadd.f32 v9, v13;
	v13 =	vsub.f32 v16, v8;
	v9 =	vld [tilespmem:s0+$0x8640]  }
.Ltmp3:
0x2ae: {  	v4 =	vadd.f32 v5, v4;
	v6 =	vld [tilespmem:s0+$0x10640];
	(pc) =	sbr.rel @p0 .LBB2_8-.Ltmp3, $4  }
0x2af: {  	[tilespmem:s0+$0x8600] =	vst v10;
	v15 =	vmul.f32 v13, v13;
	v5 =	vadd.f32 v13, v8;
	v8 =	vsub.f32 v12, v14;
	v10 =	vld [tilespmem:s0+$0x8650]  }
0x2b0: {  	v13 =	vadd.f32 v7, v4;
	v7 =	vld [tilespmem:s0+$0x10650]  }
0x2b1: {  	[tilespmem:s0+$0x8610] =	vst v5;
	v12 =	vmul.f32 v8, v8;
	v4 =	vadd.f32 v8, v14;
	v5 =	vsub.f32 v11, v3;
	v11 =	vld [tilespmem:s0+$0x8660]  }
0x2b2: {  	s9 =	sadd.s32 $0x80, s9;
	s18 =	smov.u32 s17;
	v13 =	vadd.f32 v15, v13;
	v8 =	vld [tilespmem:s0+$0x10660]  }
0x2b3: {  	v14 =	vld [tilespmem:s0+$0x8670]  }
0x2b4: {  	v15 =	vld [tilespmem:s0+$0x10670]  }
0x2b5: {  	v9 =	vsub.f32 v9, v6  }
0x2b6: {  	v57 =	vmul.f32 v5, v5;
	v3 =	vadd.f32 v5, v3;
	v12 =	vadd.f32 v12, v13  }
0x2b7: {  	v10 =	vsub.f32 v10, v7;
	v6 =	vadd.f32 v9, v6  }
0x2b8: {  	[tilespmem:s0+$0x8620] =	vst v4;
	v9 =	vmul.f32 v9, v9;
	v12 =	vadd.f32 v57, v12;
	v11 =	vsub.f32 v11, v8  }
0x2b9: {  	[tilespmem:s0+$0x8630] =	vst v3;
	v7 =	vadd.f32 v10, v7;
	v14 =	vsub.f32 v14, v15  }
0x2ba: {  	[tilespmem:s0+$0x8640] =	vst v6;
	v60 =	vmul.f32 v10, v10;
	v9 =	vadd.f32 v9, v12;
	v58 =	vadd.f32 v11, v8  }
0x2bb: {  	[tilespmem:s0+$0x8650] =	vst v7;
	v59 =	vadd.f32 v14, v15  }
0x2bc: {  	v61 =	vmul.f32 v11, v11;
	v62 =	vadd.f32 v60, v9;
	[tilespmem:s0+$0x8660] =	vst v58  }
0x2bd: {  	[tilespmem:s0+$0x8670] =	vst v59  }
0x2be: {  	v3 =	vmul.f32 v14, v14;
	v63 =	vadd.f32 v61, v62;
	[hbm4b:s12+s3] =	stream.linear.scatter [tilespmem:s2], [sflag:$0x3], $0x8000, $0x38;
	[tilespmem:$0x18280] =	vst v63  }
0x2bf: {  	_ =	swait.ge [sflag:s15], $0x8000  }
0x2c0: {  	s8 =	sadd.s32 $0x1, s8;
	v3 =	vadd.f32 v3, v63;
	[sflag:s15] =	ssyncset.done $0x0  }
0x2c1: {  	p0 =	sne.s32 s8, s14;
	[sflag:s15] =	ssyncadd.s32 $0xFFFF8000  }
.Ltmp4:
0x2c2: {  	s18 =	simm.s32 $0x18200;
	[tilespmem:$0x18200] =	vst v3;
	(pc) =	sbr.rel @p0 .LBB2_1-.Ltmp4, $4  }
0x2c3: {  	[hbm4b:s13+s3] =	stream.linear.scatter [tilespmem:s18], [sflag:$0x3], $0x80, $0x38;
	[tilespmem:$0x18280] =	vst v63  }
0x2c4: {  	_ =	swait.ge [sflag:s15], $0x80  }
0x2c5: {  	[sflag:s15] =	ssyncset.done $0x0  }
0x2c6: {  	[sflag:s15] =	ssyncadd.s32 $0xFFFFFF80  }
0x2c7: {  	_ =	sfence.sel $0x180000  }
0x2c8: {  	[bflag:$0x0] =	sbarrier.arrive $0xFFFF  }
0x2c9: {  	_ =	strace $0x90000047  }
0x2ca: {  	s0 =	stileid.u32;
	[bflag:$0x2] =	sbarrier.arrive $0xFFFF  }
0x2cb: {  	p0 =	sne.s32 s0, $0x0;
	s0 =	rddreg [dreg:$0x5]  }
0x2cc: {  	s0 =	sadd.s32 @!p0 $0x100000, s0  }
0x2cd: {  	[sflag:s0] =	ssyncadd.tile.s32 @!p0 $0x1;
	_ =	shalt  }
.Lfunc_end2:
_tile_overlayer_lowered:
.L_overlay_start_2:
0x2ce: {  	(tag) =	ssettag $0x2  }
0x2cf: {  	s0 =	rddreg [dreg:$0x0];
	s2 =	stileid.u32  }
0x2d0: {  	s1 =	rddreg [dreg:$0x1];
	p0 =	sne.s32 s2, $0x0  }
0x2d1: {  	s3 =	rddreg [dreg:$0x2];
	[bflag:$0x3] =	sbarrier.arrive $0xFFFF;
	s2 =	simm.s32 @!p0 $0x1C03  }
0x2d2: {  	[timem:s3], [sflag:s2] =	dma.local @!p0 [hbm:s0], s1  }
0x2d3: {  	s0 =	simm.s32 @!p0 $0x3  }
0x2d4: {  	_ =	swait.ge @!p0 [sflag:s0], s1  }
0x2d5: {  	s1 =	ssub.s32 @!p0 $0x0, s1;
	[sflag:s0] =	ssyncset.done @!p0 $0x0  }
0x2d6: {  	[sflag:s0] =	ssyncadd.s32 @!p0 s1  }
0x2d7: {  	[bflag:$0x3] =	sbarrier.arrive $0xFFFF  }
0x2d8: {  	_ =	shalt  }

</sc_bundles>
